<compile_context>
chip_gen: v7x
topology: tpu7x:2x2x1
jax: 0.10.2.dev20260603
libtpu: 0.0.44.dev20260713+nightly
codegen_flags: <defaults>
</compile_context>

<pallas_src>
import functools

import jax
import jax.numpy as jnp
from jax import lax
from jax.experimental import pallas as pl
from jax.experimental.pallas import tpu as pltpu
from jax.experimental.pallas import tpu_sc as plsc

N_NODES = 10000
N_EDGES = 320000
D_NODE = 128
D_EDGE = 16

NC = 2
NS = 16
NW = NC * NS
CH = 128
E_PAD = 327680
EPW = E_PAD // NW
NCHW = EPW // CH
N_PAD = 10240
RPS = N_PAD // NS


def _agg_nm_build():
    mesh = plsc.VectorSubcoreMesh(core_axis_name="c", subcore_axis_name="s")

    SDH = NCHW // 2

    @functools.partial(
        pl.kernel,
        mesh=mesh,
        out_type=jax.ShapeDtypeStruct((NC, N_PAD, D_NODE), jnp.float32),
        scratch_types=[
            pltpu.VMEM((SDH, 2, CH), jnp.int32),
            pltpu.VMEM((CH, D_NODE), jnp.float32),
            pltpu.VMEM((CH, D_NODE), jnp.float32),
            pltpu.VMEM_SHARED((N_PAD, D_NODE), jnp.float32),
            pltpu.SemaphoreType.DMA,
            pltpu.SemaphoreType.DMA,
            pltpu.SemaphoreType.DMA,
            pltpu.SemaphoreType.DMA,
        ],
    )
    def agg(sd_hbm, nm_hbm, zn_hbm, outn_hbm,
            sd_all, rows0, rows1, acc_n, g0, g1, t0, t1):
        c = lax.axis_index("c")
        s = lax.axis_index("s")
        w = c * NS + s

        pltpu.sync_copy(zn_hbm, acc_n.at[pl.ds(s * RPS, RPS)])
        plsc.subcore_barrier()

        for h in range(2):
            pltpu.sync_copy(sd_hbm.at[w, pl.ds(h * SDH, SDH)], sd_all)
            pltpu.async_copy(nm_hbm.at[sd_all.at[0, 0]], rows0, g0)

            def pair(jj, carry):
                a = 2 * jj

                @pl.when(jj > 0)
                def _drain_t1():
                    pltpu.make_async_copy(
                        rows1, acc_n.at[sd_all.at[0, 1]], t1).wait()

                pltpu.async_copy(nm_hbm.at[sd_all.at[a + 1, 0]], rows1, g1)
                pltpu.make_async_copy(
                    nm_hbm.at[sd_all.at[a, 0]], rows0, g0).wait()
                pltpu.async_copy(rows0, acc_n.at[sd_all.at[a, 1]], t0, add=True)

                @pl.when(jj < SDH // 2 - 1)
                def _prefetch_even():
                    pltpu.make_async_copy(
                        rows0, acc_n.at[sd_all.at[0, 1]], t0).wait()
                    pltpu.async_copy(nm_hbm.at[sd_all.at[a + 2, 0]], rows0, g0)

                pltpu.make_async_copy(
                    nm_hbm.at[sd_all.at[a + 1, 0]], rows1, g1).wait()
                pltpu.async_copy(rows1, acc_n.at[sd_all.at[a + 1, 1]], t1,
                                 add=True)
                return carry

            lax.fori_loop(0, SDH // 2, pair, 0)
            pltpu.make_async_copy(rows0, acc_n.at[sd_all.at[0, 1]], t0).wait()
            pltpu.make_async_copy(rows1, acc_n.at[sd_all.at[0, 1]], t1).wait()

        plsc.subcore_barrier()

        pltpu.sync_copy(acc_n.at[pl.ds(s * RPS, RPS)],
                        outn_hbm.at[c, pl.ds(s * RPS, RPS)])

    return agg


def _agg_em_build():
    mesh = plsc.VectorSubcoreMesh(core_axis_name="c", subcore_axis_name="s")

    @functools.partial(
        pl.kernel,
        mesh=mesh,
        out_type=jax.ShapeDtypeStruct((NC, N_PAD, D_NODE), jnp.float32),
        scratch_types=[
            pltpu.VMEM((2, CH), jnp.int32),
            pltpu.VMEM((2, CH), jnp.int32),
            pltpu.VMEM((D_EDGE, CH), jnp.float32),
            pltpu.VMEM((D_EDGE, CH), jnp.float32),
            pltpu.VMEM((CH, D_NODE), jnp.float32),
            pltpu.VMEM((CH, D_NODE), jnp.float32),
            pltpu.VMEM_SHARED((N_PAD, D_NODE), jnp.float32),
            pltpu.SemaphoreType.DMA,
            pltpu.SemaphoreType.DMA,
        ],
    )
    def agg(sd_hbm, em_hbm, zn_hbm, oute_hbm,
            sd0, sd1, em0, em1, wide0, wide1, acc_e, t0, t1):
        c = lax.axis_index("c")
        s = lax.axis_index("s")
        w = c * NS + s

        pltpu.sync_copy(zn_hbm, acc_e.at[pl.ds(s * RPS, RPS)])

        zvec = jnp.zeros((16,), jnp.float32)

        def zw_body(i, carry):
            wide0[i // 8, pl.ds((i % 8) * 16, 16)] = zvec
            wide1[i // 8, pl.ds((i % 8) * 16, 16)] = zvec
            return carry

        lax.fori_loop(0, CH * 8, zw_body, 0)
        plsc.subcore_barrier()

        def spread(em16, wide):
            for r in range(D_EDGE):
                for q in range(CH // 16):
                    wide[r * (CH // 16) + q, pl.ds(0, 16)] = (
                        em16[r, pl.ds(q * 16, 16)])

        def pair(jj, carry):
            j = 2 * jj
            @pl.when(jj > 0)
            def _drain_t0():
                pltpu.make_async_copy(wide0, acc_e.at[sd0.at[1]], t0).wait()

            pltpu.sync_copy(sd_hbm.at[w, j], sd0)
            pltpu.sync_copy(em_hbm.at[w, j], em0)
            spread(em0, wide0)
            pltpu.async_copy(wide0, acc_e.at[sd0.at[1]], t0, add=True)

            @pl.when(jj > 0)
            def _drain_t1():
                pltpu.make_async_copy(wide1, acc_e.at[sd1.at[1]], t1).wait()

            pltpu.sync_copy(sd_hbm.at[w, j + 1], sd1)
            pltpu.sync_copy(em_hbm.at[w, j + 1], em1)
            spread(em1, wide1)
            pltpu.async_copy(wide1, acc_e.at[sd1.at[1]], t1, add=True)
            return carry

        lax.fori_loop(0, NCHW // 2, pair, 0)
        pltpu.make_async_copy(wide0, acc_e.at[sd0.at[1]], t0).wait()
        pltpu.make_async_copy(wide1, acc_e.at[sd1.at[1]], t1).wait()
        plsc.subcore_barrier()

        pltpu.sync_copy(acc_e.at[pl.ds(s * RPS, RPS)],
                        oute_hbm.at[c, pl.ds(s * RPS, RPS)])

    return agg


_agg_nm = _agg_nm_build()
_agg_em = _agg_em_build()

BT = 1000


def _node_update_body(sn_ref, se_ref, af_ref, wnT_ref, weT_ref, b_ref, o_ref):
    sn = sn_ref[0] + sn_ref[1]
    se = se_ref[0] + se_ref[1]
    y = jnp.dot(sn, wnT_ref[...], preferred_element_type=jnp.float32)
    y = y + jnp.dot(se, weT_ref[...], preferred_element_type=jnp.float32)
    y = y + af_ref[...] + b_ref[...]
    o_ref[...] = jnp.where(y >= 0, y, 0.1 * y)


def _node_update(sn, se, af, wnT, weT, b2):
    return pl.pallas_call(
        _node_update_body,
        grid=(N_NODES // BT,),
        in_specs=[
            pl.BlockSpec((NC, BT, D_NODE), lambda i: (0, i, 0)),
            pl.BlockSpec((NC, BT, D_NODE), lambda i: (0, i, 0)),
            pl.BlockSpec((BT, D_NODE), lambda i: (i, 0)),
            pl.BlockSpec((D_NODE, D_NODE), lambda i: (0, 0)),
            pl.BlockSpec((D_NODE, D_NODE), lambda i: (0, 0)),
            pl.BlockSpec((1, D_NODE), lambda i: (0, 0)),
        ],
        out_specs=pl.BlockSpec((BT, D_NODE), lambda i: (i, 0)),
        out_shape=jax.ShapeDtypeStruct((N_NODES, D_NODE), jnp.float32),
    )(sn, se, af, wnT, weT, b2)


def kernel(nm, em, af, edge_index, W, b):
    ei = edge_index.astype(jnp.int32)
    pad = E_PAD - N_EDGES
    src_p = jnp.concatenate([ei[0], jnp.zeros((pad,), jnp.int32)])
    dst_p = jnp.concatenate([ei[1], jnp.full((pad,), N_NODES, jnp.int32)])
    sd = jnp.stack([src_p.reshape(NW, NCHW, CH),
                    dst_p.reshape(NW, NCHW, CH)], axis=2)
    em_p = jnp.concatenate([em, jnp.zeros((pad, D_EDGE), jnp.float32)])
    em4 = em_p.reshape(NW, NCHW, D_EDGE, CH)
    zn = jnp.zeros((RPS, D_NODE), jnp.float32)
    sn = _agg_nm(sd, nm, zn)
    se = _agg_em(sd, em4, zn)
    wnT = W[:, :D_NODE].T
    weT = jnp.zeros((D_NODE, D_NODE), jnp.float32).at[:D_EDGE].set(W[:, D_NODE:].T)
    b2 = b.reshape(1, D_NODE)
    return _node_update(sn, se, af, wnT, weT, b2)

# --- scband reference (transcript-rebuilt; emitter-appended) ---
"""Pipeline reference for scband-self-write-mpnnlayer-29661044146423 (READ-ONLY COPY).

The authoritative reference and input builder live on the scoring server;
editing this copy changes nothing except your own understanding.
"""

import jax, jax.numpy as jnp
import numpy as np

N_NODES = 10000
N_EDGES = 320000
D_NODE = 128
D_EDGE = 16
D_MSG = D_NODE + D_EDGE  # 144, input dim of node_decoder W_o


def setup_inputs(seed: int = 0) -> dict:
    key = jax.random.key(seed)
    k1, k2, k3, k4, k5 = jax.random.split(key, 5)
    nm = jax.random.normal(k1, (N_NODES, D_NODE), dtype=jnp.float32)
    em = jax.random.normal(k2, (N_EDGES, D_EDGE), dtype=jnp.float32)
    af = jax.random.normal(k3, (N_NODES, D_NODE), dtype=jnp.float32)
    edge_index = jax.random.randint(k4, (2, N_EDGES), 0, N_NODES)
    # node_decoder W_o: Linear(144 -> 128)
    W = jax.random.normal(k5, (D_NODE, D_MSG), dtype=jnp.float32) * (1.0 / np.sqrt(D_MSG))
    b = jnp.zeros((D_NODE,), dtype=jnp.float32)
    return {"nm": nm, "em": em, "af": af, "edge_index": edge_index, "W": W, "b": b}


def reference(nm, em, af, edge_index, W, b):
    # edge_update: edge_message = cat([src node message, edge message], dim=1)
    src = edge_index[0]
    dst = edge_index[1]
    sender_nm = jnp.take(nm, src, axis=0)               # gather [E, D_NODE]
    edge_message = jnp.concatenate([sender_nm, em], axis=1)  # [E, D_MSG]
    # pull: copy_e + sum reduce over destination nodes -> agg_em [N, D_MSG]
    agg_em = jax.ops.segment_sum(edge_message, dst, num_segments=N_NODES)
    # node_update: nm' = W_o(agg_em); uh = LeakyReLU(nm' + nf, 0.1)
    nm_out = agg_em @ W.T + b                            # [N, D_NODE]
    updated_nf = jax.nn.leaky_relu(nm_out + af, negative_slope=0.1)
    # dropout_layer is defined but not applied in forward (eval semantics)
    return updated_nf

if __name__ == "__main__":
    import jax
    _d = setup_inputs()
    print(jax.jit(kernel)(*tuple(_d.values())))

</pallas_src>

<mosaic_0001>
#map = affine_map<(d0, d1) -> (0, 0, 0, 0)>
#map1 = affine_map<(d0, d1) -> (0, 0)>
#map2 = affine_map<(d0, d1) -> (0, 0, 0)>
module attributes {stable_mosaic.version = 14 : i64} {
  func.func @agg(%arg0: i32, %arg1: i32, %arg2: memref<32x80x2x128xi32, #tpu.memory_space<hbm>>, %arg3: memref<10000x128xf32, #tpu.memory_space<hbm>>, %arg4: memref<640x128xf32, #tpu.memory_space<hbm>>, %arg5: memref<2x10240x128xf32, #tpu.memory_space<hbm>>, %arg6: memref<40x2x128xi32, #tpu.memory_space<vmem>>, %arg7: memref<128x128xf32, #tpu.memory_space<vmem>>, %arg8: memref<128x128xf32, #tpu.memory_space<vmem>>, %arg9: memref<10240x128xf32, #tpu.memory_space<vmem_shared>>, %arg10: memref<!tpu.dma_semaphore, #tpu.memory_space<semaphore_mem>>, %arg11: memref<!tpu.dma_semaphore, #tpu.memory_space<semaphore_mem>>, %arg12: memref<!tpu.dma_semaphore, #tpu.memory_space<semaphore_mem>>, %arg13: memref<!tpu.dma_semaphore, #tpu.memory_space<semaphore_mem>>) attributes {dimension_semantics = [#tpu.dimension_semantics<core_parallel>, #tpu.dimension_semantics<subcore_parallel>], iteration_bounds = array<i64: 2, 16>, scalar_prefetch = 0 : i64, scratch_operands = 8 : i64, tpu.core_type = #tpu.core_type<sc_vector_subcore>, window_params = [{transform_indices = #map}, {transform_indices = #map1}, {transform_indices = #map1}, {transform_indices = #map2}]} {
    %mul3A = arith.constant 16 : i32
    %mul3A_0 = arith.muli %arg0, %mul3A : i32
    %add3A = arith.addi %mul3A_0, %arg1 : i32
    %mul3A_1 = arith.constant 640 : i32
    %mul3A_2 = arith.muli %arg1, %mul3A_1 : i32
    "tpu.region"() ({
      %run_scoped3A = tpu.sem_alloc : memref<!tpu.dma_semaphore, #tpu.memory_space<semaphore_mem>>
      %dma_start3A_65 = arith.constant 0 : i32
      %dma_start3A_66 = tpu.memref_slice %arg9[%mul3A_2, %dma_start3A_65] : memref<10240x128xf32, #tpu.memory_space<vmem_shared>> -> memref<640x128xf32, #tpu.memory_space<vmem_shared>>
      tpu.enqueue_dma source(%arg4 : memref<640x128xf32, #tpu.memory_space<hbm>>) target(%dma_start3A_66 : memref<640x128xf32, #tpu.memory_space<vmem_shared>>) target_semaphore(%run_scoped3A : memref<!tpu.dma_semaphore, #tpu.memory_space<semaphore_mem>>)
      %dma_wait3A_67 = arith.constant 0 : i32
      %dma_wait3A_68 = tpu.memref_slice %arg9[%mul3A_2, %dma_wait3A_67] : memref<10240x128xf32, #tpu.memory_space<vmem_shared>> -> memref<640x128xf32, #tpu.memory_space<vmem_shared>>
      tpu.wait_dma2 semaphore(%run_scoped3A : memref<!tpu.dma_semaphore, #tpu.memory_space<semaphore_mem>>) src(%arg4 : memref<640x128xf32, #tpu.memory_space<hbm>>) dst(%dma_wait3A_68 : memref<640x128xf32, #tpu.memory_space<vmem_shared>>)
      tpu.yield
    }) : () -> ()
    %barrier3A = arith.constant 0 : index
    tpu.barrier barrier_id(%barrier3A)
    "tpu.region"() ({
      %run_scoped3A = tpu.sem_alloc : memref<!tpu.dma_semaphore, #tpu.memory_space<semaphore_mem>>
      %dma_start3A_65 = arith.constant 0 : i32
      %dma_start3A_66 = arith.constant 0 : i32
      %dma_start3A_67 = arith.constant 0 : i32
      %dma_start3A_68 = tpu.memref_slice %arg2[%add3A, %dma_start3A_65, %dma_start3A_66, %dma_start3A_67] : memref<32x80x2x128xi32, #tpu.memory_space<hbm>> -> memref<1x40x2x128xi32, #tpu.memory_space<hbm>>
      %dma_start3A_69 = tpu.memref_squeeze %dma_start3A_68 : memref<1x40x2x128xi32, #tpu.memory_space<hbm>> -> memref<40x2x128xi32, #tpu.memory_space<hbm>>
      %dma_start3A_70 = arith.constant 0 : i32
      %dma_start3A_71 = arith.constant 0 : i32
      %dma_start3A_72 = arith.constant 0 : i32
      %dma_start3A_73 = tpu.memref_slice %arg2[%add3A, %dma_start3A_70, %dma_start3A_71, %dma_start3A_72] : memref<32x80x2x128xi32, #tpu.memory_space<hbm>> -> memref<1x40x2x128xi32, #tpu.memory_space<hbm>>
      %dma_start3A_74 = tpu.memref_squeeze %dma_start3A_73 : memref<1x40x2x128xi32, #tpu.memory_space<hbm>> -> memref<40x2x128xi32, #tpu.memory_space<hbm>>
      tpu.enqueue_dma source(%dma_start3A_74 : memref<40x2x128xi32, #tpu.memory_space<hbm>>) target(%arg6 : memref<40x2x128xi32, #tpu.memory_space<vmem>>) target_semaphore(%run_scoped3A : memref<!tpu.dma_semaphore, #tpu.memory_space<semaphore_mem>>)
      %dma_wait3A_75 = arith.constant 0 : i32
      %dma_wait3A_76 = arith.constant 0 : i32
      %dma_wait3A_77 = arith.constant 0 : i32
      %dma_wait3A_78 = tpu.memref_slice %arg2[%add3A, %dma_wait3A_75, %dma_wait3A_76, %dma_wait3A_77] : memref<32x80x2x128xi32, #tpu.memory_space<hbm>> -> memref<1x40x2x128xi32, #tpu.memory_space<hbm>>
      %dma_wait3A_79 = tpu.memref_squeeze %dma_wait3A_78 : memref<1x40x2x128xi32, #tpu.memory_space<hbm>> -> memref<40x2x128xi32, #tpu.memory_space<hbm>>
      %dma_wait3A_80 = arith.constant 0 : i32
      %dma_wait3A_81 = arith.constant 0 : i32
      %dma_wait3A_82 = arith.constant 0 : i32
      %dma_wait3A_83 = tpu.memref_slice %arg2[%add3A, %dma_wait3A_80, %dma_wait3A_81, %dma_wait3A_82] : memref<32x80x2x128xi32, #tpu.memory_space<hbm>> -> memref<1x40x2x128xi32, #tpu.memory_space<hbm>>
      %dma_wait3A_84 = tpu.memref_squeeze %dma_wait3A_83 : memref<1x40x2x128xi32, #tpu.memory_space<hbm>> -> memref<40x2x128xi32, #tpu.memory_space<hbm>>
      tpu.wait_dma2 semaphore(%run_scoped3A : memref<!tpu.dma_semaphore, #tpu.memory_space<semaphore_mem>>) src(%dma_wait3A_84 : memref<40x2x128xi32, #tpu.memory_space<hbm>>) dst(%arg6 : memref<40x2x128xi32, #tpu.memory_space<vmem>>)
      tpu.yield
    }) : () -> ()
    %dma_start3A = arith.constant 0 : i32
    %dma_start3A_3 = arith.constant 0 : i32
    %dma_start3A_4 = arith.constant 0 : i32
    %dma_start3A_5 = tpu.memref_slice %arg6[%dma_start3A, %dma_start3A_3, %dma_start3A_4] : memref<40x2x128xi32, #tpu.memory_space<vmem>> -> memref<1x1x128xi32, #tpu.memory_space<vmem>>
    %dma_start3A_6 = tpu.memref_squeeze %dma_start3A_5 : memref<1x1x128xi32, #tpu.memory_space<vmem>> -> memref<128xi32, #tpu.memory_space<vmem>>
    %dma_start3A_7 = arith.constant 0 : i32
    %dma_start3A_8 = arith.constant 0 : i32
    %dma_start3A_9 = tpu.memref_slice %arg3[%dma_start3A_7, %dma_start3A_8] : memref<10000x128xf32, #tpu.memory_space<hbm>> -> memref<10000x128xf32, #tpu.memory_space<hbm>>
    tpu.enqueue_indirect_dma source(%dma_start3A_9 : memref<10000x128xf32, #tpu.memory_space<hbm>>) target(%arg7 : memref<128x128xf32, #tpu.memory_space<vmem>>) offsets(%dma_start3A_6 : memref<128xi32, #tpu.memory_space<vmem>>) semaphore(%arg10 : memref<!tpu.dma_semaphore, #tpu.memory_space<semaphore_mem>>)
    %scan3A = arith.constant 0 : i32
    %scan3A_10 = arith.constant 0 : i32
    %scan3A_11 = arith.constant 20 : i32
    %scan3A_12 = arith.addi %scan3A_10, %scan3A_11 : i32
    %scan3A_13 = arith.constant 1 : i32
    scf.for %scan3A_65 = %scan3A_10 to %scan3A_12 step %scan3A_13  : i32 {
      %mul3A_66 = arith.constant 2 : i32
      %mul3A_67 = arith.muli %mul3A_66, %scan3A_65 : i32
      %gt3A = arith.constant 0 : i32
      %gt3A_68 = arith.cmpi sgt, %scan3A_65, %gt3A : i32
      %convert_element_type3A = arith.extui %gt3A_68 : i1 to i32
      %cond3A = arith.constant 0 : i32
      %cond3A_69 = arith.cmpi ne, %convert_element_type3A, %cond3A : i32
      scf.if %cond3A_69 {
        %dma_wait3A_115 = arith.constant 0 : i32
        %dma_wait3A_116 = arith.constant 1 : i32
        %dma_wait3A_117 = arith.constant 0 : i32
        %dma_wait3A_118 = tpu.memref_slice %arg6[%dma_wait3A_115, %dma_wait3A_116, %dma_wait3A_117] : memref<40x2x128xi32, #tpu.memory_space<vmem>> -> memref<1x1x128xi32, #tpu.memory_space<vmem>>
        %dma_wait3A_119 = tpu.memref_squeeze %dma_wait3A_118 : memref<1x1x128xi32, #tpu.memory_space<vmem>> -> memref<128xi32, #tpu.memory_space<vmem>>
        %dma_wait3A_120 = arith.constant 0 : i32
        %dma_wait3A_121 = arith.constant 0 : i32
        %dma_wait3A_122 = tpu.memref_slice %arg9[%dma_wait3A_120, %dma_wait3A_121] : memref<10240x128xf32, #tpu.memory_space<vmem_shared>> -> memref<10240x128xf32, #tpu.memory_space<vmem_shared>>
        tpu.wait_indirect_dma semaphore(%arg13 : memref<!tpu.dma_semaphore, #tpu.memory_space<semaphore_mem>>) src(%arg8 : memref<128x128xf32, #tpu.memory_space<vmem>>) dst(%dma_wait3A_122 : memref<10240x128xf32, #tpu.memory_space<vmem_shared>>)
      } else {
      }
      %add3A_70 = arith.constant 1 : i32
      %add3A_71 = arith.addi %mul3A_67, %add3A_70 : i32
      %dma_start3A_72 = arith.constant 0 : i32
      %dma_start3A_73 = arith.constant 0 : i32
      %dma_start3A_74 = tpu.memref_slice %arg6[%add3A_71, %dma_start3A_72, %dma_start3A_73] : memref<40x2x128xi32, #tpu.memory_space<vmem>> -> memref<1x1x128xi32, #tpu.memory_space<vmem>>
      %dma_start3A_75 = tpu.memref_squeeze %dma_start3A_74 : memref<1x1x128xi32, #tpu.memory_space<vmem>> -> memref<128xi32, #tpu.memory_space<vmem>>
      %dma_start3A_76 = arith.constant 0 : i32
      %dma_start3A_77 = arith.constant 0 : i32
      %dma_start3A_78 = tpu.memref_slice %arg3[%dma_start3A_76, %dma_start3A_77] : memref<10000x128xf32, #tpu.memory_space<hbm>> -> memref<10000x128xf32, #tpu.memory_space<hbm>>
      tpu.enqueue_indirect_dma source(%dma_start3A_78 : memref<10000x128xf32, #tpu.memory_space<hbm>>) target(%arg8 : memref<128x128xf32, #tpu.memory_space<vmem>>) offsets(%dma_start3A_75 : memref<128xi32, #tpu.memory_space<vmem>>) semaphore(%arg11 : memref<!tpu.dma_semaphore, #tpu.memory_space<semaphore_mem>>)
      %dma_wait3A_79 = arith.constant 0 : i32
      %dma_wait3A_80 = arith.constant 0 : i32
      %dma_wait3A_81 = tpu.memref_slice %arg6[%mul3A_67, %dma_wait3A_79, %dma_wait3A_80] : memref<40x2x128xi32, #tpu.memory_space<vmem>> -> memref<1x1x128xi32, #tpu.memory_space<vmem>>
      %dma_wait3A_82 = tpu.memref_squeeze %dma_wait3A_81 : memref<1x1x128xi32, #tpu.memory_space<vmem>> -> memref<128xi32, #tpu.memory_space<vmem>>
      %dma_wait3A_83 = arith.constant 0 : i32
      %dma_wait3A_84 = arith.constant 0 : i32
      %dma_wait3A_85 = tpu.memref_slice %arg3[%dma_wait3A_83, %dma_wait3A_84] : memref<10000x128xf32, #tpu.memory_space<hbm>> -> memref<10000x128xf32, #tpu.memory_space<hbm>>
      tpu.wait_indirect_dma semaphore(%arg10 : memref<!tpu.dma_semaphore, #tpu.memory_space<semaphore_mem>>) src(%dma_wait3A_85 : memref<10000x128xf32, #tpu.memory_space<hbm>>) dst(%arg7 : memref<128x128xf32, #tpu.memory_space<vmem>>)
      %dma_start3A_86 = arith.constant 1 : i32
      %dma_start3A_87 = arith.constant 0 : i32
      %dma_start3A_88 = tpu.memref_slice %arg6[%mul3A_67, %dma_start3A_86, %dma_start3A_87] : memref<40x2x128xi32, #tpu.memory_space<vmem>> -> memref<1x1x128xi32, #tpu.memory_space<vmem>>
      %dma_start3A_89 = tpu.memref_squeeze %dma_start3A_88 : memref<1x1x128xi32, #tpu.memory_space<vmem>> -> memref<128xi32, #tpu.memory_space<vmem>>
      %dma_start3A_90 = arith.constant 0 : i32
      %dma_start3A_91 = arith.constant 0 : i32
      %dma_start3A_92 = tpu.memref_slice %arg9[%dma_start3A_90, %dma_start3A_91] : memref<10240x128xf32, #tpu.memory_space<vmem_shared>> -> memref<10240x128xf32, #tpu.memory_space<vmem_shared>>
      tpu.enqueue_indirect_dma source(%arg7 : memref<128x128xf32, #tpu.memory_space<vmem>>) target(%dma_start3A_92 : memref<10240x128xf32, #tpu.memory_space<vmem_shared>>) offsets(%dma_start3A_89 : memref<128xi32, #tpu.memory_space<vmem>>) semaphore(%arg12 : memref<!tpu.dma_semaphore, #tpu.memory_space<semaphore_mem>>) {add = true}
      %lt3A = arith.constant 19 : i32
      %lt3A_93 = arith.cmpi slt, %scan3A_65, %lt3A : i32
      %convert_element_type3A_94 = arith.extui %lt3A_93 : i1 to i32
      %cond3A_95 = arith.constant 0 : i32
      %cond3A_96 = arith.cmpi ne, %convert_element_type3A_94, %cond3A_95 : i32
      scf.if %cond3A_96 {
        %dma_wait3A_115 = arith.constant 0 : i32
        %dma_wait3A_116 = arith.constant 1 : i32
        %dma_wait3A_117 = arith.constant 0 : i32
        %dma_wait3A_118 = tpu.memref_slice %arg6[%dma_wait3A_115, %dma_wait3A_116, %dma_wait3A_117] : memref<40x2x128xi32, #tpu.memory_space<vmem>> -> memref<1x1x128xi32, #tpu.memory_space<vmem>>
        %dma_wait3A_119 = tpu.memref_squeeze %dma_wait3A_118 : memref<1x1x128xi32, #tpu.memory_space<vmem>> -> memref<128xi32, #tpu.memory_space<vmem>>
        %dma_wait3A_120 = arith.constant 0 : i32
        %dma_wait3A_121 = arith.constant 0 : i32
        %dma_wait3A_122 = tpu.memref_slice %arg9[%dma_wait3A_120, %dma_wait3A_121] : memref<10240x128xf32, #tpu.memory_space<vmem_shared>> -> memref<10240x128xf32, #tpu.memory_space<vmem_shared>>
        tpu.wait_indirect_dma semaphore(%arg12 : memref<!tpu.dma_semaphore, #tpu.memory_space<semaphore_mem>>) src(%arg7 : memref<128x128xf32, #tpu.memory_space<vmem>>) dst(%dma_wait3A_122 : memref<10240x128xf32, #tpu.memory_space<vmem_shared>>)
        %add3A_123 = arith.constant 2 : i32
        %add3A_124 = arith.addi %mul3A_67, %add3A_123 : i32
        %dma_start3A_125 = arith.constant 0 : i32
        %dma_start3A_126 = arith.constant 0 : i32
        %dma_start3A_127 = tpu.memref_slice %arg6[%add3A_124, %dma_start3A_125, %dma_start3A_126] : memref<40x2x128xi32, #tpu.memory_space<vmem>> -> memref<1x1x128xi32, #tpu.memory_space<vmem>>
        %dma_start3A_128 = tpu.memref_squeeze %dma_start3A_127 : memref<1x1x128xi32, #tpu.memory_space<vmem>> -> memref<128xi32, #tpu.memory_space<vmem>>
        %dma_start3A_129 = arith.constant 0 : i32
        %dma_start3A_130 = arith.constant 0 : i32
        %dma_start3A_131 = tpu.memref_slice %arg3[%dma_start3A_129, %dma_start3A_130] : memref<10000x128xf32, #tpu.memory_space<hbm>> -> memref<10000x128xf32, #tpu.memory_space<hbm>>
        tpu.enqueue_indirect_dma source(%dma_start3A_131 : memref<10000x128xf32, #tpu.memory_space<hbm>>) target(%arg7 : memref<128x128xf32, #tpu.memory_space<vmem>>) offsets(%dma_start3A_128 : memref<128xi32, #tpu.memory_space<vmem>>) semaphore(%arg10 : memref<!tpu.dma_semaphore, #tpu.memory_space<semaphore_mem>>)
      } else {
      }
      %add3A_97 = arith.constant 1 : i32
      %add3A_98 = arith.addi %mul3A_67, %add3A_97 : i32
      %dma_wait3A_99 = arith.constant 0 : i32
      %dma_wait3A_100 = arith.constant 0 : i32
      %dma_wait3A_101 = tpu.memref_slice %arg6[%add3A_98, %dma_wait3A_99, %dma_wait3A_100] : memref<40x2x128xi32, #tpu.memory_space<vmem>> -> memref<1x1x128xi32, #tpu.memory_space<vmem>>
      %dma_wait3A_102 = tpu.memref_squeeze %dma_wait3A_101 : memref<1x1x128xi32, #tpu.memory_space<vmem>> -> memref<128xi32, #tpu.memory_space<vmem>>
      %dma_wait3A_103 = arith.constant 0 : i32
      %dma_wait3A_104 = arith.constant 0 : i32
      %dma_wait3A_105 = tpu.memref_slice %arg3[%dma_wait3A_103, %dma_wait3A_104] : memref<10000x128xf32, #tpu.memory_space<hbm>> -> memref<10000x128xf32, #tpu.memory_space<hbm>>
      tpu.wait_indirect_dma semaphore(%arg11 : memref<!tpu.dma_semaphore, #tpu.memory_space<semaphore_mem>>) src(%dma_wait3A_105 : memref<10000x128xf32, #tpu.memory_space<hbm>>) dst(%arg8 : memref<128x128xf32, #tpu.memory_space<vmem>>)
      %add3A_106 = arith.constant 1 : i32
      %add3A_107 = arith.addi %mul3A_67, %add3A_106 : i32
      %dma_start3A_108 = arith.constant 1 : i32
      %dma_start3A_109 = arith.constant 0 : i32
      %dma_start3A_110 = tpu.memref_slice %arg6[%add3A_107, %dma_start3A_108, %dma_start3A_109] : memref<40x2x128xi32, #tpu.memory_space<vmem>> -> memref<1x1x128xi32, #tpu.memory_space<vmem>>
      %dma_start3A_111 = tpu.memref_squeeze %dma_start3A_110 : memref<1x1x128xi32, #tpu.memory_space<vmem>> -> memref<128xi32, #tpu.memory_space<vmem>>
      %dma_start3A_112 = arith.constant 0 : i32
      %dma_start3A_113 = arith.constant 0 : i32
      %dma_start3A_114 = tpu.memref_slice %arg9[%dma_start3A_112, %dma_start3A_113] : memref<10240x128xf32, #tpu.memory_space<vmem_shared>> -> memref<10240x128xf32, #tpu.memory_space<vmem_shared>>
      tpu.enqueue_indirect_dma source(%arg8 : memref<128x128xf32, #tpu.memory_space<vmem>>) target(%dma_start3A_114 : memref<10240x128xf32, #tpu.memory_space<vmem_shared>>) offsets(%dma_start3A_111 : memref<128xi32, #tpu.memory_space<vmem>>) semaphore(%arg13 : memref<!tpu.dma_semaphore, #tpu.memory_space<semaphore_mem>>) {add = true}
    }
    %scan3A_14 = arith.constant 20 : i32
    %dma_wait3A = arith.constant 0 : i32
    %dma_wait3A_15 = arith.constant 1 : i32
    %dma_wait3A_16 = arith.constant 0 : i32
    %dma_wait3A_17 = tpu.memref_slice %arg6[%dma_wait3A, %dma_wait3A_15, %dma_wait3A_16] : memref<40x2x128xi32, #tpu.memory_space<vmem>> -> memref<1x1x128xi32, #tpu.memory_space<vmem>>
    %dma_wait3A_18 = tpu.memref_squeeze %dma_wait3A_17 : memref<1x1x128xi32, #tpu.memory_space<vmem>> -> memref<128xi32, #tpu.memory_space<vmem>>
    %dma_wait3A_19 = arith.constant 0 : i32
    %dma_wait3A_20 = arith.constant 0 : i32
    %dma_wait3A_21 = tpu.memref_slice %arg9[%dma_wait3A_19, %dma_wait3A_20] : memref<10240x128xf32, #tpu.memory_space<vmem_shared>> -> memref<10240x128xf32, #tpu.memory_space<vmem_shared>>
    tpu.wait_indirect_dma semaphore(%arg12 : memref<!tpu.dma_semaphore, #tpu.memory_space<semaphore_mem>>) src(%arg7 : memref<128x128xf32, #tpu.memory_space<vmem>>) dst(%dma_wait3A_21 : memref<10240x128xf32, #tpu.memory_space<vmem_shared>>)
    %dma_wait3A_22 = arith.constant 0 : i32
    %dma_wait3A_23 = arith.constant 1 : i32
    %dma_wait3A_24 = arith.constant 0 : i32
    %dma_wait3A_25 = tpu.memref_slice %arg6[%dma_wait3A_22, %dma_wait3A_23, %dma_wait3A_24] : memref<40x2x128xi32, #tpu.memory_space<vmem>> -> memref<1x1x128xi32, #tpu.memory_space<vmem>>
    %dma_wait3A_26 = tpu.memref_squeeze %dma_wait3A_25 : memref<1x1x128xi32, #tpu.memory_space<vmem>> -> memref<128xi32, #tpu.memory_space<vmem>>
    %dma_wait3A_27 = arith.constant 0 : i32
    %dma_wait3A_28 = arith.constant 0 : i32
    %dma_wait3A_29 = tpu.memref_slice %arg9[%dma_wait3A_27, %dma_wait3A_28] : memref<10240x128xf32, #tpu.memory_space<vmem_shared>> -> memref<10240x128xf32, #tpu.memory_space<vmem_shared>>
    tpu.wait_indirect_dma semaphore(%arg13 : memref<!tpu.dma_semaphore, #tpu.memory_space<semaphore_mem>>) src(%arg8 : memref<128x128xf32, #tpu.memory_space<vmem>>) dst(%dma_wait3A_29 : memref<10240x128xf32, #tpu.memory_space<vmem_shared>>)
    "tpu.region"() ({
      %run_scoped3A = tpu.sem_alloc : memref<!tpu.dma_semaphore, #tpu.memory_space<semaphore_mem>>
      %dma_start3A_65 = arith.constant 40 : i32
      %dma_start3A_66 = arith.constant 0 : i32
      %dma_start3A_67 = arith.constant 0 : i32
      %dma_start3A_68 = tpu.memref_slice %arg2[%add3A, %dma_start3A_65, %dma_start3A_66, %dma_start3A_67] : memref<32x80x2x128xi32, #tpu.memory_space<hbm>> -> memref<1x40x2x128xi32, #tpu.memory_space<hbm>>
      %dma_start3A_69 = tpu.memref_squeeze %dma_start3A_68 : memref<1x40x2x128xi32, #tpu.memory_space<hbm>> -> memref<40x2x128xi32, #tpu.memory_space<hbm>>
      %dma_start3A_70 = arith.constant 40 : i32
      %dma_start3A_71 = arith.constant 0 : i32
      %dma_start3A_72 = arith.constant 0 : i32
      %dma_start3A_73 = tpu.memref_slice %arg2[%add3A, %dma_start3A_70, %dma_start3A_71, %dma_start3A_72] : memref<32x80x2x128xi32, #tpu.memory_space<hbm>> -> memref<1x40x2x128xi32, #tpu.memory_space<hbm>>
      %dma_start3A_74 = tpu.memref_squeeze %dma_start3A_73 : memref<1x40x2x128xi32, #tpu.memory_space<hbm>> -> memref<40x2x128xi32, #tpu.memory_space<hbm>>
      tpu.enqueue_dma source(%dma_start3A_74 : memref<40x2x128xi32, #tpu.memory_space<hbm>>) target(%arg6 : memref<40x2x128xi32, #tpu.memory_space<vmem>>) target_semaphore(%run_scoped3A : memref<!tpu.dma_semaphore, #tpu.memory_space<semaphore_mem>>)
      %dma_wait3A_75 = arith.constant 40 : i32
      %dma_wait3A_76 = arith.constant 0 : i32
      %dma_wait3A_77 = arith.constant 0 : i32
      %dma_wait3A_78 = tpu.memref_slice %arg2[%add3A, %dma_wait3A_75, %dma_wait3A_76, %dma_wait3A_77] : memref<32x80x2x128xi32, #tpu.memory_space<hbm>> -> memref<1x40x2x128xi32, #tpu.memory_space<hbm>>
      %dma_wait3A_79 = tpu.memref_squeeze %dma_wait3A_78 : memref<1x40x2x128xi32, #tpu.memory_space<hbm>> -> memref<40x2x128xi32, #tpu.memory_space<hbm>>
      %dma_wait3A_80 = arith.constant 40 : i32
      %dma_wait3A_81 = arith.constant 0 : i32
      %dma_wait3A_82 = arith.constant 0 : i32
      %dma_wait3A_83 = tpu.memref_slice %arg2[%add3A, %dma_wait3A_80, %dma_wait3A_81, %dma_wait3A_82] : memref<32x80x2x128xi32, #tpu.memory_space<hbm>> -> memref<1x40x2x128xi32, #tpu.memory_space<hbm>>
      %dma_wait3A_84 = tpu.memref_squeeze %dma_wait3A_83 : memref<1x40x2x128xi32, #tpu.memory_space<hbm>> -> memref<40x2x128xi32, #tpu.memory_space<hbm>>
      tpu.wait_dma2 semaphore(%run_scoped3A : memref<!tpu.dma_semaphore, #tpu.memory_space<semaphore_mem>>) src(%dma_wait3A_84 : memref<40x2x128xi32, #tpu.memory_space<hbm>>) dst(%arg6 : memref<40x2x128xi32, #tpu.memory_space<vmem>>)
      tpu.yield
    }) : () -> ()
    %dma_start3A_30 = arith.constant 0 : i32
    %dma_start3A_31 = arith.constant 0 : i32
    %dma_start3A_32 = arith.constant 0 : i32
    %dma_start3A_33 = tpu.memref_slice %arg6[%dma_start3A_30, %dma_start3A_31, %dma_start3A_32] : memref<40x2x128xi32, #tpu.memory_space<vmem>> -> memref<1x1x128xi32, #tpu.memory_space<vmem>>
    %dma_start3A_34 = tpu.memref_squeeze %dma_start3A_33 : memref<1x1x128xi32, #tpu.memory_space<vmem>> -> memref<128xi32, #tpu.memory_space<vmem>>
    %dma_start3A_35 = arith.constant 0 : i32
    %dma_start3A_36 = arith.constant 0 : i32
    %dma_start3A_37 = tpu.memref_slice %arg3[%dma_start3A_35, %dma_start3A_36] : memref<10000x128xf32, #tpu.memory_space<hbm>> -> memref<10000x128xf32, #tpu.memory_space<hbm>>
    tpu.enqueue_indirect_dma source(%dma_start3A_37 : memref<10000x128xf32, #tpu.memory_space<hbm>>) target(%arg7 : memref<128x128xf32, #tpu.memory_space<vmem>>) offsets(%dma_start3A_34 : memref<128xi32, #tpu.memory_space<vmem>>) semaphore(%arg10 : memref<!tpu.dma_semaphore, #tpu.memory_space<semaphore_mem>>)
    %scan3A_38 = arith.constant 0 : i32
    %scan3A_39 = arith.constant 0 : i32
    %scan3A_40 = arith.constant 20 : i32
    %scan3A_41 = arith.addi %scan3A_39, %scan3A_40 : i32
    %scan3A_42 = arith.constant 1 : i32
    scf.for %scan3A_65 = %scan3A_39 to %scan3A_41 step %scan3A_42  : i32 {
      %mul3A_66 = arith.constant 2 : i32
      %mul3A_67 = arith.muli %mul3A_66, %scan3A_65 : i32
      %gt3A = arith.constant 0 : i32
      %gt3A_68 = arith.cmpi sgt, %scan3A_65, %gt3A : i32
      %convert_element_type3A = arith.extui %gt3A_68 : i1 to i32
      %cond3A = arith.constant 0 : i32
      %cond3A_69 = arith.cmpi ne, %convert_element_type3A, %cond3A : i32
      scf.if %cond3A_69 {
        %dma_wait3A_115 = arith.constant 0 : i32
        %dma_wait3A_116 = arith.constant 1 : i32
        %dma_wait3A_117 = arith.constant 0 : i32
        %dma_wait3A_118 = tpu.memref_slice %arg6[%dma_wait3A_115, %dma_wait3A_116, %dma_wait3A_117] : memref<40x2x128xi32, #tpu.memory_space<vmem>> -> memref<1x1x128xi32, #tpu.memory_space<vmem>>
        %dma_wait3A_119 = tpu.memref_squeeze %dma_wait3A_118 : memref<1x1x128xi32, #tpu.memory_space<vmem>> -> memref<128xi32, #tpu.memory_space<vmem>>
        %dma_wait3A_120 = arith.constant 0 : i32
        %dma_wait3A_121 = arith.constant 0 : i32
        %dma_wait3A_122 = tpu.memref_slice %arg9[%dma_wait3A_120, %dma_wait3A_121] : memref<10240x128xf32, #tpu.memory_space<vmem_shared>> -> memref<10240x128xf32, #tpu.memory_space<vmem_shared>>
        tpu.wait_indirect_dma semaphore(%arg13 : memref<!tpu.dma_semaphore, #tpu.memory_space<semaphore_mem>>) src(%arg8 : memref<128x128xf32, #tpu.memory_space<vmem>>) dst(%dma_wait3A_122 : memref<10240x128xf32, #tpu.memory_space<vmem_shared>>)
      } else {
      }
      %add3A_70 = arith.constant 1 : i32
      %add3A_71 = arith.addi %mul3A_67, %add3A_70 : i32
      %dma_start3A_72 = arith.constant 0 : i32
      %dma_start3A_73 = arith.constant 0 : i32
      %dma_start3A_74 = tpu.memref_slice %arg6[%add3A_71, %dma_start3A_72, %dma_start3A_73] : memref<40x2x128xi32, #tpu.memory_space<vmem>> -> memref<1x1x128xi32, #tpu.memory_space<vmem>>
      %dma_start3A_75 = tpu.memref_squeeze %dma_start3A_74 : memref<1x1x128xi32, #tpu.memory_space<vmem>> -> memref<128xi32, #tpu.memory_space<vmem>>
      %dma_start3A_76 = arith.constant 0 : i32
      %dma_start3A_77 = arith.constant 0 : i32
      %dma_start3A_78 = tpu.memref_slice %arg3[%dma_start3A_76, %dma_start3A_77] : memref<10000x128xf32, #tpu.memory_space<hbm>> -> memref<10000x128xf32, #tpu.memory_space<hbm>>
      tpu.enqueue_indirect_dma source(%dma_start3A_78 : memref<10000x128xf32, #tpu.memory_space<hbm>>) target(%arg8 : memref<128x128xf32, #tpu.memory_space<vmem>>) offsets(%dma_start3A_75 : memref<128xi32, #tpu.memory_space<vmem>>) semaphore(%arg11 : memref<!tpu.dma_semaphore, #tpu.memory_space<semaphore_mem>>)
      %dma_wait3A_79 = arith.constant 0 : i32
      %dma_wait3A_80 = arith.constant 0 : i32
      %dma_wait3A_81 = tpu.memref_slice %arg6[%mul3A_67, %dma_wait3A_79, %dma_wait3A_80] : memref<40x2x128xi32, #tpu.memory_space<vmem>> -> memref<1x1x128xi32, #tpu.memory_space<vmem>>
      %dma_wait3A_82 = tpu.memref_squeeze %dma_wait3A_81 : memref<1x1x128xi32, #tpu.memory_space<vmem>> -> memref<128xi32, #tpu.memory_space<vmem>>
      %dma_wait3A_83 = arith.constant 0 : i32
      %dma_wait3A_84 = arith.constant 0 : i32
      %dma_wait3A_85 = tpu.memref_slice %arg3[%dma_wait3A_83, %dma_wait3A_84] : memref<10000x128xf32, #tpu.memory_space<hbm>> -> memref<10000x128xf32, #tpu.memory_space<hbm>>
      tpu.wait_indirect_dma semaphore(%arg10 : memref<!tpu.dma_semaphore, #tpu.memory_space<semaphore_mem>>) src(%dma_wait3A_85 : memref<10000x128xf32, #tpu.memory_space<hbm>>) dst(%arg7 : memref<128x128xf32, #tpu.memory_space<vmem>>)
      %dma_start3A_86 = arith.constant 1 : i32
      %dma_start3A_87 = arith.constant 0 : i32
      %dma_start3A_88 = tpu.memref_slice %arg6[%mul3A_67, %dma_start3A_86, %dma_start3A_87] : memref<40x2x128xi32, #tpu.memory_space<vmem>> -> memref<1x1x128xi32, #tpu.memory_space<vmem>>
      %dma_start3A_89 = tpu.memref_squeeze %dma_start3A_88 : memref<1x1x128xi32, #tpu.memory_space<vmem>> -> memref<128xi32, #tpu.memory_space<vmem>>
      %dma_start3A_90 = arith.constant 0 : i32
      %dma_start3A_91 = arith.constant 0 : i32
      %dma_start3A_92 = tpu.memref_slice %arg9[%dma_start3A_90, %dma_start3A_91] : memref<10240x128xf32, #tpu.memory_space<vmem_shared>> -> memref<10240x128xf32, #tpu.memory_space<vmem_shared>>
      tpu.enqueue_indirect_dma source(%arg7 : memref<128x128xf32, #tpu.memory_space<vmem>>) target(%dma_start3A_92 : memref<10240x128xf32, #tpu.memory_space<vmem_shared>>) offsets(%dma_start3A_89 : memref<128xi32, #tpu.memory_space<vmem>>) semaphore(%arg12 : memref<!tpu.dma_semaphore, #tpu.memory_space<semaphore_mem>>) {add = true}
      %lt3A = arith.constant 19 : i32
      %lt3A_93 = arith.cmpi slt, %scan3A_65, %lt3A : i32
      %convert_element_type3A_94 = arith.extui %lt3A_93 : i1 to i32
      %cond3A_95 = arith.constant 0 : i32
      %cond3A_96 = arith.cmpi ne, %convert_element_type3A_94, %cond3A_95 : i32
      scf.if %cond3A_96 {
        %dma_wait3A_115 = arith.constant 0 : i32
        %dma_wait3A_116 = arith.constant 1 : i32
        %dma_wait3A_117 = arith.constant 0 : i32
        %dma_wait3A_118 = tpu.memref_slice %arg6[%dma_wait3A_115, %dma_wait3A_116, %dma_wait3A_117] : memref<40x2x128xi32, #tpu.memory_space<vmem>> -> memref<1x1x128xi32, #tpu.memory_space<vmem>>
        %dma_wait3A_119 = tpu.memref_squeeze %dma_wait3A_118 : memref<1x1x128xi32, #tpu.memory_space<vmem>> -> memref<128xi32, #tpu.memory_space<vmem>>
        %dma_wait3A_120 = arith.constant 0 : i32
        %dma_wait3A_121 = arith.constant 0 : i32
        %dma_wait3A_122 = tpu.memref_slice %arg9[%dma_wait3A_120, %dma_wait3A_121] : memref<10240x128xf32, #tpu.memory_space<vmem_shared>> -> memref<10240x128xf32, #tpu.memory_space<vmem_shared>>
        tpu.wait_indirect_dma semaphore(%arg12 : memref<!tpu.dma_semaphore, #tpu.memory_space<semaphore_mem>>) src(%arg7 : memref<128x128xf32, #tpu.memory_space<vmem>>) dst(%dma_wait3A_122 : memref<10240x128xf32, #tpu.memory_space<vmem_shared>>)
        %add3A_123 = arith.constant 2 : i32
        %add3A_124 = arith.addi %mul3A_67, %add3A_123 : i32
        %dma_start3A_125 = arith.constant 0 : i32
        %dma_start3A_126 = arith.constant 0 : i32
        %dma_start3A_127 = tpu.memref_slice %arg6[%add3A_124, %dma_start3A_125, %dma_start3A_126] : memref<40x2x128xi32, #tpu.memory_space<vmem>> -> memref<1x1x128xi32, #tpu.memory_space<vmem>>
        %dma_start3A_128 = tpu.memref_squeeze %dma_start3A_127 : memref<1x1x128xi32, #tpu.memory_space<vmem>> -> memref<128xi32, #tpu.memory_space<vmem>>
        %dma_start3A_129 = arith.constant 0 : i32
        %dma_start3A_130 = arith.constant 0 : i32
        %dma_start3A_131 = tpu.memref_slice %arg3[%dma_start3A_129, %dma_start3A_130] : memref<10000x128xf32, #tpu.memory_space<hbm>> -> memref<10000x128xf32, #tpu.memory_space<hbm>>
        tpu.enqueue_indirect_dma source(%dma_start3A_131 : memref<10000x128xf32, #tpu.memory_space<hbm>>) target(%arg7 : memref<128x128xf32, #tpu.memory_space<vmem>>) offsets(%dma_start3A_128 : memref<128xi32, #tpu.memory_space<vmem>>) semaphore(%arg10 : memref<!tpu.dma_semaphore, #tpu.memory_space<semaphore_mem>>)
      } else {
      }
      %add3A_97 = arith.constant 1 : i32
      %add3A_98 = arith.addi %mul3A_67, %add3A_97 : i32
      %dma_wait3A_99 = arith.constant 0 : i32
      %dma_wait3A_100 = arith.constant 0 : i32
      %dma_wait3A_101 = tpu.memref_slice %arg6[%add3A_98, %dma_wait3A_99, %dma_wait3A_100] : memref<40x2x128xi32, #tpu.memory_space<vmem>> -> memref<1x1x128xi32, #tpu.memory_space<vmem>>
      %dma_wait3A_102 = tpu.memref_squeeze %dma_wait3A_101 : memref<1x1x128xi32, #tpu.memory_space<vmem>> -> memref<128xi32, #tpu.memory_space<vmem>>
      %dma_wait3A_103 = arith.constant 0 : i32
      %dma_wait3A_104 = arith.constant 0 : i32
      %dma_wait3A_105 = tpu.memref_slice %arg3[%dma_wait3A_103, %dma_wait3A_104] : memref<10000x128xf32, #tpu.memory_space<hbm>> -> memref<10000x128xf32, #tpu.memory_space<hbm>>
      tpu.wait_indirect_dma semaphore(%arg11 : memref<!tpu.dma_semaphore, #tpu.memory_space<semaphore_mem>>) src(%dma_wait3A_105 : memref<10000x128xf32, #tpu.memory_space<hbm>>) dst(%arg8 : memref<128x128xf32, #tpu.memory_space<vmem>>)
      %add3A_106 = arith.constant 1 : i32
      %add3A_107 = arith.addi %mul3A_67, %add3A_106 : i32
      %dma_start3A_108 = arith.constant 1 : i32
      %dma_start3A_109 = arith.constant 0 : i32
      %dma_start3A_110 = tpu.memref_slice %arg6[%add3A_107, %dma_start3A_108, %dma_start3A_109] : memref<40x2x128xi32, #tpu.memory_space<vmem>> -> memref<1x1x128xi32, #tpu.memory_space<vmem>>
      %dma_start3A_111 = tpu.memref_squeeze %dma_start3A_110 : memref<1x1x128xi32, #tpu.memory_space<vmem>> -> memref<128xi32, #tpu.memory_space<vmem>>
      %dma_start3A_112 = arith.constant 0 : i32
      %dma_start3A_113 = arith.constant 0 : i32
      %dma_start3A_114 = tpu.memref_slice %arg9[%dma_start3A_112, %dma_start3A_113] : memref<10240x128xf32, #tpu.memory_space<vmem_shared>> -> memref<10240x128xf32, #tpu.memory_space<vmem_shared>>
      tpu.enqueue_indirect_dma source(%arg8 : memref<128x128xf32, #tpu.memory_space<vmem>>) target(%dma_start3A_114 : memref<10240x128xf32, #tpu.memory_space<vmem_shared>>) offsets(%dma_start3A_111 : memref<128xi32, #tpu.memory_space<vmem>>) semaphore(%arg13 : memref<!tpu.dma_semaphore, #tpu.memory_space<semaphore_mem>>) {add = true}
    }
    %scan3A_43 = arith.constant 20 : i32
    %dma_wait3A_44 = arith.constant 0 : i32
    %dma_wait3A_45 = arith.constant 1 : i32
    %dma_wait3A_46 = arith.constant 0 : i32
    %dma_wait3A_47 = tpu.memref_slice %arg6[%dma_wait3A_44, %dma_wait3A_45, %dma_wait3A_46] : memref<40x2x128xi32, #tpu.memory_space<vmem>> -> memref<1x1x128xi32, #tpu.memory_space<vmem>>
    %dma_wait3A_48 = tpu.memref_squeeze %dma_wait3A_47 : memref<1x1x128xi32, #tpu.memory_space<vmem>> -> memref<128xi32, #tpu.memory_space<vmem>>
    %dma_wait3A_49 = arith.constant 0 : i32
    %dma_wait3A_50 = arith.constant 0 : i32
    %dma_wait3A_51 = tpu.memref_slice %arg9[%dma_wait3A_49, %dma_wait3A_50] : memref<10240x128xf32, #tpu.memory_space<vmem_shared>> -> memref<10240x128xf32, #tpu.memory_space<vmem_shared>>
    tpu.wait_indirect_dma semaphore(%arg12 : memref<!tpu.dma_semaphore, #tpu.memory_space<semaphore_mem>>) src(%arg7 : memref<128x128xf32, #tpu.memory_space<vmem>>) dst(%dma_wait3A_51 : memref<10240x128xf32, #tpu.memory_space<vmem_shared>>)
    %dma_wait3A_52 = arith.constant 0 : i32
    %dma_wait3A_53 = arith.constant 1 : i32
    %dma_wait3A_54 = arith.constant 0 : i32
    %dma_wait3A_55 = tpu.memref_slice %arg6[%dma_wait3A_52, %dma_wait3A_53, %dma_wait3A_54] : memref<40x2x128xi32, #tpu.memory_space<vmem>> -> memref<1x1x128xi32, #tpu.memory_space<vmem>>
    %dma_wait3A_56 = tpu.memref_squeeze %dma_wait3A_55 : memref<1x1x128xi32, #tpu.memory_space<vmem>> -> memref<128xi32, #tpu.memory_space<vmem>>
    %dma_wait3A_57 = arith.constant 0 : i32
    %dma_wait3A_58 = arith.constant 0 : i32
    %dma_wait3A_59 = tpu.memref_slice %arg9[%dma_wait3A_57, %dma_wait3A_58] : memref<10240x128xf32, #tpu.memory_space<vmem_shared>> -> memref<10240x128xf32, #tpu.memory_space<vmem_shared>>
    tpu.wait_indirect_dma semaphore(%arg13 : memref<!tpu.dma_semaphore, #tpu.memory_space<semaphore_mem>>) src(%arg8 : memref<128x128xf32, #tpu.memory_space<vmem>>) dst(%dma_wait3A_59 : memref<10240x128xf32, #tpu.memory_space<vmem_shared>>)
    %barrier3A_60 = arith.constant 0 : index
    tpu.barrier barrier_id(%barrier3A_60)
    %mul3A_61 = arith.constant 640 : i32
    %mul3A_62 = arith.muli %arg1, %mul3A_61 : i32
    %mul3A_63 = arith.constant 640 : i32
    %mul3A_64 = arith.muli %arg1, %mul3A_63 : i32
    "tpu.region"() ({
      %run_scoped3A = tpu.sem_alloc : memref<!tpu.dma_semaphore, #tpu.memory_space<semaphore_mem>>
      %dma_start3A_65 = arith.constant 0 : i32
      %dma_start3A_66 = tpu.memref_slice %arg5[%arg0, %mul3A_64, %dma_start3A_65] : memref<2x10240x128xf32, #tpu.memory_space<hbm>> -> memref<1x640x128xf32, #tpu.memory_space<hbm>>
      %dma_start3A_67 = tpu.memref_squeeze %dma_start3A_66 : memref<1x640x128xf32, #tpu.memory_space<hbm>> -> memref<640x128xf32, #tpu.memory_space<hbm>>
      %dma_start3A_68 = arith.constant 0 : i32
      %dma_start3A_69 = tpu.memref_slice %arg9[%mul3A_62, %dma_start3A_68] : memref<10240x128xf32, #tpu.memory_space<vmem_shared>> -> memref<640x128xf32, #tpu.memory_space<vmem_shared>>
      tpu.enqueue_dma source(%dma_start3A_69 : memref<640x128xf32, #tpu.memory_space<vmem_shared>>) target(%dma_start3A_67 : memref<640x128xf32, #tpu.memory_space<hbm>>) target_semaphore(%run_scoped3A : memref<!tpu.dma_semaphore, #tpu.memory_space<semaphore_mem>>)
      %dma_wait3A_70 = arith.constant 0 : i32
      %dma_wait3A_71 = tpu.memref_slice %arg5[%arg0, %mul3A_64, %dma_wait3A_70] : memref<2x10240x128xf32, #tpu.memory_space<hbm>> -> memref<1x640x128xf32, #tpu.memory_space<hbm>>
      %dma_wait3A_72 = tpu.memref_squeeze %dma_wait3A_71 : memref<1x640x128xf32, #tpu.memory_space<hbm>> -> memref<640x128xf32, #tpu.memory_space<hbm>>
      %dma_wait3A_73 = arith.constant 0 : i32
      %dma_wait3A_74 = tpu.memref_slice %arg9[%mul3A_62, %dma_wait3A_73] : memref<10240x128xf32, #tpu.memory_space<vmem_shared>> -> memref<640x128xf32, #tpu.memory_space<vmem_shared>>
      tpu.wait_dma2 semaphore(%run_scoped3A : memref<!tpu.dma_semaphore, #tpu.memory_space<semaphore_mem>>) src(%dma_wait3A_74 : memref<640x128xf32, #tpu.memory_space<vmem_shared>>) dst(%dma_wait3A_72 : memref<640x128xf32, #tpu.memory_space<hbm>>)
      tpu.yield
    }) : () -> ()
    return
  }
}

#map = affine_map<(d0, d1) -> (0, 0, 0, 0)>
#map1 = affine_map<(d0, d1) -> (0, 0)>
#map2 = affine_map<(d0, d1) -> (0, 0, 0)>
module attributes {stable_mosaic.version = 14 : i64} {
  func.func @agg(%arg0: i32, %arg1: i32, %arg2: memref<32x80x2x128xi32, #tpu.memory_space<hbm>>, %arg3: memref<32x80x16x128xf32, #tpu.memory_space<hbm>>, %arg4: memref<640x128xf32, #tpu.memory_space<hbm>>, %arg5: memref<2x10240x128xf32, #tpu.memory_space<hbm>>, %arg6: memref<2x128xi32, #tpu.memory_space<vmem>>, %arg7: memref<2x128xi32, #tpu.memory_space<vmem>>, %arg8: memref<16x128xf32, #tpu.memory_space<vmem>>, %arg9: memref<16x128xf32, #tpu.memory_space<vmem>>, %arg10: memref<128x128xf32, #tpu.memory_space<vmem>>, %arg11: memref<128x128xf32, #tpu.memory_space<vmem>>, %arg12: memref<10240x128xf32, #tpu.memory_space<vmem_shared>>, %arg13: memref<!tpu.dma_semaphore, #tpu.memory_space<semaphore_mem>>, %arg14: memref<!tpu.dma_semaphore, #tpu.memory_space<semaphore_mem>>) attributes {dimension_semantics = [#tpu.dimension_semantics<core_parallel>, #tpu.dimension_semantics<subcore_parallel>], iteration_bounds = array<i64: 2, 16>, scalar_prefetch = 0 : i64, scratch_operands = 9 : i64, tpu.core_type = #tpu.core_type<sc_vector_subcore>, window_params = [{transform_indices = #map}, {transform_indices = #map}, {transform_indices = #map1}, {transform_indices = #map2}]} {
    %mul3A = arith.constant 16 : i32
    %mul3A_0 = arith.muli %arg0, %mul3A : i32
    %add3A = arith.addi %mul3A_0, %arg1 : i32
    %mul3A_1 = arith.constant 640 : i32
    %mul3A_2 = arith.muli %arg1, %mul3A_1 : i32
    "tpu.region"() ({
      %run_scoped3A = tpu.sem_alloc : memref<!tpu.dma_semaphore, #tpu.memory_space<semaphore_mem>>
      %dma_start3A = arith.constant 0 : i32
      %dma_start3A_33 = tpu.memref_slice %arg12[%mul3A_2, %dma_start3A] : memref<10240x128xf32, #tpu.memory_space<vmem_shared>> -> memref<640x128xf32, #tpu.memory_space<vmem_shared>>
      tpu.enqueue_dma source(%arg4 : memref<640x128xf32, #tpu.memory_space<hbm>>) target(%dma_start3A_33 : memref<640x128xf32, #tpu.memory_space<vmem_shared>>) target_semaphore(%run_scoped3A : memref<!tpu.dma_semaphore, #tpu.memory_space<semaphore_mem>>)
      %dma_wait3A_34 = arith.constant 0 : i32
      %dma_wait3A_35 = tpu.memref_slice %arg12[%mul3A_2, %dma_wait3A_34] : memref<10240x128xf32, #tpu.memory_space<vmem_shared>> -> memref<640x128xf32, #tpu.memory_space<vmem_shared>>
      tpu.wait_dma2 semaphore(%run_scoped3A : memref<!tpu.dma_semaphore, #tpu.memory_space<semaphore_mem>>) src(%arg4 : memref<640x128xf32, #tpu.memory_space<hbm>>) dst(%dma_wait3A_35 : memref<640x128xf32, #tpu.memory_space<vmem_shared>>)
      tpu.yield
    }) : () -> ()
    %broadcast_in_dim3A = arith.constant 0.000000e+00 : f32
    %broadcast_in_dim3A_3 = vector.broadcast %broadcast_in_dim3A : f32 to vector<16xf32>
    %scan3A = arith.constant 0 : i32
    %scan3A_4 = arith.constant 0 : i32
    %scan3A_5 = arith.constant 1024 : i32
    %scan3A_6 = arith.addi %scan3A_4, %scan3A_5 : i32
    %scan3A_7 = arith.constant 1 : i32
    scf.for %scan3A_33 = %scan3A_4 to %scan3A_6 step %scan3A_7  : i32 {
      %jit3A = arith.constant 8 : i32
      %div3A = arith.divsi %scan3A_33, %jit3A : i32
      %sign3A = arith.constant 0 : i32
      %sign3A_34 = arith.cmpi sgt, %scan3A_33, %sign3A : i32
      %sign3A_35 = arith.extui %sign3A_34 : i1 to i32
      %sign3A_36 = arith.constant 0 : i32
      %sign3A_37 = arith.cmpi slt, %scan3A_33, %sign3A_36 : i32
      %sign3A_38 = arith.extui %sign3A_37 : i1 to i32
      %sign3A_39 = arith.subi %sign3A_35, %sign3A_38 : i32
      %sign3A_40 = arith.constant 0 : i32
      %sign3A_41 = arith.cmpi sgt, %jit3A, %sign3A_40 : i32
      %sign3A_42 = arith.extui %sign3A_41 : i1 to i32
      %sign3A_43 = arith.constant 0 : i32
      %sign3A_44 = arith.cmpi slt, %jit3A, %sign3A_43 : i32
      %sign3A_45 = arith.extui %sign3A_44 : i1 to i32
      %sign3A_46 = arith.subi %sign3A_42, %sign3A_45 : i32
      %ne3A = arith.cmpi ne, %sign3A_39, %sign3A_46 : i32
      %rem3A = arith.remsi %scan3A_33, %jit3A : i32
      %ne3A_47 = arith.constant 0 : i32
      %ne3A_48 = arith.cmpi ne, %rem3A, %ne3A_47 : i32
      %and3A = arith.andi %ne3A, %ne3A_48 : i1
      %sub3A = arith.constant 1 : i32
      %sub3A_49 = arith.subi %div3A, %sub3A : i32
      %select_n3A = arith.select %and3A, %sub3A_49, %div3A : i32
      %jit3A_50 = arith.constant 8 : i32
      %eq3A = arith.constant 0 : i32
      %eq3A_51 = arith.cmpi eq, %jit3A_50, %eq3A : i32
      %jit3A_52 = arith.constant 1 : i32
      %select_n3A_53 = arith.select %eq3A_51, %jit3A_52, %jit3A_50 : i32
      %rem3A_54 = arith.remsi %scan3A_33, %select_n3A_53 : i32
      %ne3A_55 = arith.constant 0 : i32
      %ne3A_56 = arith.cmpi ne, %rem3A_54, %ne3A_55 : i32
      %lt3A = arith.constant 0 : i32
      %lt3A_57 = arith.cmpi slt, %rem3A_54, %lt3A : i32
      %lt3A_58 = arith.constant 0 : i32
      %lt3A_59 = arith.cmpi slt, %select_n3A_53, %lt3A_58 : i32
      %ne3A_60 = arith.xori %lt3A_57, %lt3A_59 : i1
      %and3A_61 = arith.andi %ne3A_60, %ne3A_56 : i1
      %add3A_62 = arith.addi %rem3A_54, %select_n3A_53 : i32
      %select_n3A_63 = arith.select %and3A_61, %add3A_62, %rem3A_54 : i32
      %mul3A_64 = arith.constant 16 : i32
      %mul3A_65 = arith.muli %select_n3A_63, %mul3A_64 : i32
      %swap3A = arith.index_cast %select_n3A : i32 to index
      %swap3A_66 = arith.index_cast %mul3A_65 : i32 to index
      %swap3A_67 = tpu.vector_load %arg10[%swap3A, %swap3A_66] {strides = array<i32>} : memref<128x128xf32, #tpu.memory_space<vmem>>, vector<1x16xf32>,
      %swap3A_68 = vector.shape_cast %swap3A_67 : vector<1x16xf32> to vector<16xf32>
      %swap3A_69 = vector.shape_cast %broadcast_in_dim3A_3 : vector<16xf32> to vector<1x16xf32>
      tpu.vector_store %arg10[%swap3A, %swap3A_66], %swap3A_69 {strides = array<i32>} : memref<128x128xf32, #tpu.memory_space<vmem>>, vector<1x16xf32>,
      %jit3A_70 = arith.constant 8 : i32
      %div3A_71 = arith.divsi %scan3A_33, %jit3A_70 : i32
      %sign3A_72 = arith.constant 0 : i32
      %sign3A_73 = arith.cmpi sgt, %scan3A_33, %sign3A_72 : i32
      %sign3A_74 = arith.extui %sign3A_73 : i1 to i32
      %sign3A_75 = arith.constant 0 : i32
      %sign3A_76 = arith.cmpi slt, %scan3A_33, %sign3A_75 : i32
      %sign3A_77 = arith.extui %sign3A_76 : i1 to i32
      %sign3A_78 = arith.subi %sign3A_74, %sign3A_77 : i32
      %sign3A_79 = arith.constant 0 : i32
      %sign3A_80 = arith.cmpi sgt, %jit3A_70, %sign3A_79 : i32
      %sign3A_81 = arith.extui %sign3A_80 : i1 to i32
      %sign3A_82 = arith.constant 0 : i32
      %sign3A_83 = arith.cmpi slt, %jit3A_70, %sign3A_82 : i32
      %sign3A_84 = arith.extui %sign3A_83 : i1 to i32
      %sign3A_85 = arith.subi %sign3A_81, %sign3A_84 : i32
      %ne3A_86 = arith.cmpi ne, %sign3A_78, %sign3A_85 : i32
      %rem3A_87 = arith.remsi %scan3A_33, %jit3A_70 : i32
      %ne3A_88 = arith.constant 0 : i32
      %ne3A_89 = arith.cmpi ne, %rem3A_87, %ne3A_88 : i32
      %and3A_90 = arith.andi %ne3A_86, %ne3A_89 : i1
      %sub3A_91 = arith.constant 1 : i32
      %sub3A_92 = arith.subi %div3A_71, %sub3A_91 : i32
      %select_n3A_93 = arith.select %and3A_90, %sub3A_92, %div3A_71 : i32
      %jit3A_94 = arith.constant 8 : i32
      %eq3A_95 = arith.constant 0 : i32
      %eq3A_96 = arith.cmpi eq, %jit3A_94, %eq3A_95 : i32
      %jit3A_97 = arith.constant 1 : i32
      %select_n3A_98 = arith.select %eq3A_96, %jit3A_97, %jit3A_94 : i32
      %rem3A_99 = arith.remsi %scan3A_33, %select_n3A_98 : i32
      %ne3A_100 = arith.constant 0 : i32
      %ne3A_101 = arith.cmpi ne, %rem3A_99, %ne3A_100 : i32
      %lt3A_102 = arith.constant 0 : i32
      %lt3A_103 = arith.cmpi slt, %rem3A_99, %lt3A_102 : i32
      %lt3A_104 = arith.constant 0 : i32
      %lt3A_105 = arith.cmpi slt, %select_n3A_98, %lt3A_104 : i32
      %ne3A_106 = arith.xori %lt3A_103, %lt3A_105 : i1
      %and3A_107 = arith.andi %ne3A_106, %ne3A_101 : i1
      %add3A_108 = arith.addi %rem3A_99, %select_n3A_98 : i32
      %select_n3A_109 = arith.select %and3A_107, %add3A_108, %rem3A_99 : i32
      %mul3A_110 = arith.constant 16 : i32
      %mul3A_111 = arith.muli %select_n3A_109, %mul3A_110 : i32
      %swap3A_112 = arith.index_cast %select_n3A_93 : i32 to index
      %swap3A_113 = arith.index_cast %mul3A_111 : i32 to index
      %swap3A_114 = tpu.vector_load %arg11[%swap3A_112, %swap3A_113] {strides = array<i32>} : memref<128x128xf32, #tpu.memory_space<vmem>>, vector<1x16xf32>,
      %swap3A_115 = vector.shape_cast %swap3A_114 : vector<1x16xf32> to vector<16xf32>
      %swap3A_116 = vector.shape_cast %broadcast_in_dim3A_3 : vector<16xf32> to vector<1x16xf32>
      tpu.vector_store %arg11[%swap3A_112, %swap3A_113], %swap3A_116 {strides = array<i32>} : memref<128x128xf32, #tpu.memory_space<vmem>>, vector<1x16xf32>,
    }
    %scan3A_8 = arith.constant 1024 : i32
    %barrier3A = arith.constant 0 : index
    tpu.barrier barrier_id(%barrier3A)
    %scan3A_9 = arith.constant 0 : i32
    %scan3A_10 = arith.constant 0 : i32
    %scan3A_11 = arith.constant 40 : i32
    %scan3A_12 = arith.addi %scan3A_10, %scan3A_11 : i32
    %scan3A_13 = arith.constant 1 : i32
    scf.for %scan3A_33 = %scan3A_10 to %scan3A_12 step %scan3A_13  : i32 {
      %mul3A_34 = arith.constant 2 : i32
      %mul3A_35 = arith.muli %mul3A_34, %scan3A_33 : i32
      %gt3A = arith.constant 0 : i32
      %gt3A_36 = arith.cmpi sgt, %scan3A_33, %gt3A : i32
      %convert_element_type3A = arith.extui %gt3A_36 : i1 to i32
      %cond3A = arith.constant 0 : i32
      %cond3A_37 = arith.cmpi ne, %convert_element_type3A, %cond3A : i32
      scf.if %cond3A_37 {
        %dma_wait3A_2874 = arith.constant 1 : i32
        %dma_wait3A_2875 = arith.constant 0 : i32
        %dma_wait3A_2876 = tpu.memref_slice %arg6[%dma_wait3A_2874, %dma_wait3A_2875] : memref<2x128xi32, #tpu.memory_space<vmem>> -> memref<1x128xi32, #tpu.memory_space<vmem>>
        %dma_wait3A_2877 = tpu.memref_squeeze %dma_wait3A_2876 : memref<1x128xi32, #tpu.memory_space<vmem>> -> memref<128xi32, #tpu.memory_space<vmem>>
        %dma_wait3A_2878 = arith.constant 0 : i32
        %dma_wait3A_2879 = arith.constant 0 : i32
        %dma_wait3A_2880 = tpu.memref_slice %arg12[%dma_wait3A_2878, %dma_wait3A_2879] : memref<10240x128xf32, #tpu.memory_space<vmem_shared>> -> memref<10240x128xf32, #tpu.memory_space<vmem_shared>>
        tpu.wait_indirect_dma semaphore(%arg13 : memref<!tpu.dma_semaphore, #tpu.memory_space<semaphore_mem>>) src(%arg10 : memref<128x128xf32, #tpu.memory_space<vmem>>) dst(%dma_wait3A_2880 : memref<10240x128xf32, #tpu.memory_space<vmem_shared>>)
      } else {
      }
      "tpu.region"() ({
        %run_scoped3A = tpu.sem_alloc : memref<!tpu.dma_semaphore, #tpu.memory_space<semaphore_mem>>
        %dma_start3A_2874 = arith.constant 0 : i32
        %dma_start3A_2875 = arith.constant 0 : i32
        %dma_start3A_2876 = tpu.memref_slice %arg2[%add3A, %mul3A_35, %dma_start3A_2874, %dma_start3A_2875] : memref<32x80x2x128xi32, #tpu.memory_space<hbm>> -> memref<1x1x2x128xi32, #tpu.memory_space<hbm>>
        %dma_start3A_2877 = tpu.memref_squeeze %dma_start3A_2876 : memref<1x1x2x128xi32, #tpu.memory_space<hbm>> -> memref<2x128xi32, #tpu.memory_space<hbm>>
        %dma_start3A_2878 = arith.constant 0 : i32
        %dma_start3A_2879 = arith.constant 0 : i32
        %dma_start3A_2880 = tpu.memref_slice %arg2[%add3A, %mul3A_35, %dma_start3A_2878, %dma_start3A_2879] : memref<32x80x2x128xi32, #tpu.memory_space<hbm>> -> memref<1x1x2x128xi32, #tpu.memory_space<hbm>>
        %dma_start3A_2881 = tpu.memref_squeeze %dma_start3A_2880 : memref<1x1x2x128xi32, #tpu.memory_space<hbm>> -> memref<2x128xi32, #tpu.memory_space<hbm>>
        tpu.enqueue_dma source(%dma_start3A_2881 : memref<2x128xi32, #tpu.memory_space<hbm>>) target(%arg6 : memref<2x128xi32, #tpu.memory_space<vmem>>) target_semaphore(%run_scoped3A : memref<!tpu.dma_semaphore, #tpu.memory_space<semaphore_mem>>)
        %dma_wait3A_2882 = arith.constant 0 : i32
        %dma_wait3A_2883 = arith.constant 0 : i32
        %dma_wait3A_2884 = tpu.memref_slice %arg2[%add3A, %mul3A_35, %dma_wait3A_2882, %dma_wait3A_2883] : memref<32x80x2x128xi32, #tpu.memory_space<hbm>> -> memref<1x1x2x128xi32, #tpu.memory_space<hbm>>
        %dma_wait3A_2885 = tpu.memref_squeeze %dma_wait3A_2884 : memref<1x1x2x128xi32, #tpu.memory_space<hbm>> -> memref<2x128xi32, #tpu.memory_space<hbm>>
        %dma_wait3A_2886 = arith.constant 0 : i32
        %dma_wait3A_2887 = arith.constant 0 : i32
        %dma_wait3A_2888 = tpu.memref_slice %arg2[%add3A, %mul3A_35, %dma_wait3A_2886, %dma_wait3A_2887] : memref<32x80x2x128xi32, #tpu.memory_space<hbm>> -> memref<1x1x2x128xi32, #tpu.memory_space<hbm>>
        %dma_wait3A_2889 = tpu.memref_squeeze %dma_wait3A_2888 : memref<1x1x2x128xi32, #tpu.memory_space<hbm>> -> memref<2x128xi32, #tpu.memory_space<hbm>>
        tpu.wait_dma2 semaphore(%run_scoped3A : memref<!tpu.dma_semaphore, #tpu.memory_space<semaphore_mem>>) src(%dma_wait3A_2889 : memref<2x128xi32, #tpu.memory_space<hbm>>) dst(%arg6 : memref<2x128xi32, #tpu.memory_space<vmem>>)
        tpu.yield
      }) : () -> ()
      "tpu.region"() ({
        %run_scoped3A = tpu.sem_alloc : memref<!tpu.dma_semaphore, #tpu.memory_space<semaphore_mem>>
        %dma_start3A_2874 = arith.constant 0 : i32
        %dma_start3A_2875 = arith.constant 0 : i32
        %dma_start3A_2876 = tpu.memref_slice %arg3[%add3A, %mul3A_35, %dma_start3A_2874, %dma_start3A_2875] : memref<32x80x16x128xf32, #tpu.memory_space<hbm>> -> memref<1x1x16x128xf32, #tpu.memory_space<hbm>>
        %dma_start3A_2877 = tpu.memref_squeeze %dma_start3A_2876 : memref<1x1x16x128xf32, #tpu.memory_space<hbm>> -> memref<16x128xf32, #tpu.memory_space<hbm>>
        %dma_start3A_2878 = arith.constant 0 : i32
        %dma_start3A_2879 = arith.constant 0 : i32
        %dma_start3A_2880 = tpu.memref_slice %arg3[%add3A, %mul3A_35, %dma_start3A_2878, %dma_start3A_2879] : memref<32x80x16x128xf32, #tpu.memory_space<hbm>> -> memref<1x1x16x128xf32, #tpu.memory_space<hbm>>
        %dma_start3A_2881 = tpu.memref_squeeze %dma_start3A_2880 : memref<1x1x16x128xf32, #tpu.memory_space<hbm>> -> memref<16x128xf32, #tpu.memory_space<hbm>>
        tpu.enqueue_dma source(%dma_start3A_2881 : memref<16x128xf32, #tpu.memory_space<hbm>>) target(%arg8 : memref<16x128xf32, #tpu.memory_space<vmem>>) target_semaphore(%run_scoped3A : memref<!tpu.dma_semaphore, #tpu.memory_space<semaphore_mem>>)
        %dma_wait3A_2882 = arith.constant 0 : i32
        %dma_wait3A_2883 = arith.constant 0 : i32
        %dma_wait3A_2884 = tpu.memref_slice %arg3[%add3A, %mul3A_35, %dma_wait3A_2882, %dma_wait3A_2883] : memref<32x80x16x128xf32, #tpu.memory_space<hbm>> -> memref<1x1x16x128xf32, #tpu.memory_space<hbm>>
        %dma_wait3A_2885 = tpu.memref_squeeze %dma_wait3A_2884 : memref<1x1x16x128xf32, #tpu.memory_space<hbm>> -> memref<16x128xf32, #tpu.memory_space<hbm>>
        %dma_wait3A_2886 = arith.constant 0 : i32
        %dma_wait3A_2887 = arith.constant 0 : i32
        %dma_wait3A_2888 = tpu.memref_slice %arg3[%add3A, %mul3A_35, %dma_wait3A_2886, %dma_wait3A_2887] : memref<32x80x16x128xf32, #tpu.memory_space<hbm>> -> memref<1x1x16x128xf32, #tpu.memory_space<hbm>>
        %dma_wait3A_2889 = tpu.memref_squeeze %dma_wait3A_2888 : memref<1x1x16x128xf32, #tpu.memory_space<hbm>> -> memref<16x128xf32, #tpu.memory_space<hbm>>
        tpu.wait_dma2 semaphore(%run_scoped3A : memref<!tpu.dma_semaphore, #tpu.memory_space<semaphore_mem>>) src(%dma_wait3A_2889 : memref<16x128xf32, #tpu.memory_space<hbm>>) dst(%arg8 : memref<16x128xf32, #tpu.memory_space<vmem>>)
        tpu.yield
      }) : () -> ()
      %get3A = arith.constant 0 : i32
      %get3A_38 = arith.index_cast %get3A : i32 to index
      %get3A_39 = arith.constant 0 : index
      %get3A_40 = tpu.vector_load %arg8[%get3A_38, %get3A_39] {strides = array<i32>} : memref<16x128xf32, #tpu.memory_space<vmem>>, vector<1x16xf32>,
      %get3A_41 = vector.shape_cast %get3A_40 : vector<1x16xf32> to vector<16xf32>
      %swap3A = arith.constant 0 : i32
      %swap3A_42 = arith.index_cast %swap3A : i32 to index
      %swap3A_43 = arith.constant 0 : index
      %swap3A_44 = tpu.vector_load %arg10[%swap3A_42, %swap3A_43] {strides = array<i32>} : memref<128x128xf32, #tpu.memory_space<vmem>>, vector<1x16xf32>,
      %swap3A_45 = vector.shape_cast %swap3A_44 : vector<1x16xf32> to vector<16xf32>
      %swap3A_46 = vector.shape_cast %get3A_41 : vector<16xf32> to vector<1x16xf32>
      tpu.vector_store %arg10[%swap3A_42, %swap3A_43], %swap3A_46 {strides = array<i32>} : memref<128x128xf32, #tpu.memory_space<vmem>>, vector<1x16xf32>,
      %get3A_47 = arith.constant 0 : i32
      %get3A_48 = arith.index_cast %get3A_47 : i32 to index
      %get3A_49 = arith.constant 16 : index
      %get3A_50 = tpu.vector_load %arg8[%get3A_48, %get3A_49] {strides = array<i32>} : memref<16x128xf32, #tpu.memory_space<vmem>>, vector<1x16xf32>,
      %get3A_51 = vector.shape_cast %get3A_50 : vector<1x16xf32> to vector<16xf32>
      %swap3A_52 = arith.constant 1 : i32
      %swap3A_53 = arith.index_cast %swap3A_52 : i32 to index
      %swap3A_54 = arith.constant 0 : index
      %swap3A_55 = tpu.vector_load %arg10[%swap3A_53, %swap3A_54] {strides = array<i32>} : memref<128x128xf32, #tpu.memory_space<vmem>>, vector<1x16xf32>,
      %swap3A_56 = vector.shape_cast %swap3A_55 : vector<1x16xf32> to vector<16xf32>
      %swap3A_57 = vector.shape_cast %get3A_51 : vector<16xf32> to vector<1x16xf32>
      tpu.vector_store %arg10[%swap3A_53, %swap3A_54], %swap3A_57 {strides = array<i32>} : memref<128x128xf32, #tpu.memory_space<vmem>>, vector<1x16xf32>,
      %get3A_58 = arith.constant 0 : i32
      %get3A_59 = arith.index_cast %get3A_58 : i32 to index
      %get3A_60 = arith.constant 32 : index
      %get3A_61 = tpu.vector_load %arg8[%get3A_59, %get3A_60] {strides = array<i32>} : memref<16x128xf32, #tpu.memory_space<vmem>>, vector<1x16xf32>,
      %get3A_62 = vector.shape_cast %get3A_61 : vector<1x16xf32> to vector<16xf32>
      %swap3A_63 = arith.constant 2 : i32
      %swap3A_64 = arith.index_cast %swap3A_63 : i32 to index
      %swap3A_65 = arith.constant 0 : index
      %swap3A_66 = tpu.vector_load %arg10[%swap3A_64, %swap3A_65] {strides = array<i32>} : memref<128x128xf32, #tpu.memory_space<vmem>>, vector<1x16xf32>,
      %swap3A_67 = vector.shape_cast %swap3A_66 : vector<1x16xf32> to vector<16xf32>
      %swap3A_68 = vector.shape_cast %get3A_62 : vector<16xf32> to vector<1x16xf32>
      tpu.vector_store %arg10[%swap3A_64, %swap3A_65], %swap3A_68 {strides = array<i32>} : memref<128x128xf32, #tpu.memory_space<vmem>>, vector<1x16xf32>,
      %get3A_69 = arith.constant 0 : i32
      %get3A_70 = arith.index_cast %get3A_69 : i32 to index
      %get3A_71 = arith.constant 48 : index
      %get3A_72 = tpu.vector_load %arg8[%get3A_70, %get3A_71] {strides = array<i32>} : memref<16x128xf32, #tpu.memory_space<vmem>>, vector<1x16xf32>,
      %get3A_73 = vector.shape_cast %get3A_72 : vector<1x16xf32> to vector<16xf32>
      %swap3A_74 = arith.constant 3 : i32
      %swap3A_75 = arith.index_cast %swap3A_74 : i32 to index
      %swap3A_76 = arith.constant 0 : index
      %swap3A_77 = tpu.vector_load %arg10[%swap3A_75, %swap3A_76] {strides = array<i32>} : memref<128x128xf32, #tpu.memory_space<vmem>>, vector<1x16xf32>,
      %swap3A_78 = vector.shape_cast %swap3A_77 : vector<1x16xf32> to vector<16xf32>
      %swap3A_79 = vector.shape_cast %get3A_73 : vector<16xf32> to vector<1x16xf32>
      tpu.vector_store %arg10[%swap3A_75, %swap3A_76], %swap3A_79 {strides = array<i32>} : memref<128x128xf32, #tpu.memory_space<vmem>>, vector<1x16xf32>,
      %get3A_80 = arith.constant 0 : i32
      %get3A_81 = arith.index_cast %get3A_80 : i32 to index
      %get3A_82 = arith.constant 64 : index
      %get3A_83 = tpu.vector_load %arg8[%get3A_81, %get3A_82] {strides = array<i32>} : memref<16x128xf32, #tpu.memory_space<vmem>>, vector<1x16xf32>,
      %get3A_84 = vector.shape_cast %get3A_83 : vector<1x16xf32> to vector<16xf32>
      %swap3A_85 = arith.constant 4 : i32
      %swap3A_86 = arith.index_cast %swap3A_85 : i32 to index
      %swap3A_87 = arith.constant 0 : index
      %swap3A_88 = tpu.vector_load %arg10[%swap3A_86, %swap3A_87] {strides = array<i32>} : memref<128x128xf32, #tpu.memory_space<vmem>>, vector<1x16xf32>,
      %swap3A_89 = vector.shape_cast %swap3A_88 : vector<1x16xf32> to vector<16xf32>
      %swap3A_90 = vector.shape_cast %get3A_84 : vector<16xf32> to vector<1x16xf32>
      tpu.vector_store %arg10[%swap3A_86, %swap3A_87], %swap3A_90 {strides = array<i32>} : memref<128x128xf32, #tpu.memory_space<vmem>>, vector<1x16xf32>,
      %get3A_91 = arith.constant 0 : i32
      %get3A_92 = arith.index_cast %get3A_91 : i32 to index
      %get3A_93 = arith.constant 80 : index
      %get3A_94 = tpu.vector_load %arg8[%get3A_92, %get3A_93] {strides = array<i32>} : memref<16x128xf32, #tpu.memory_space<vmem>>, vector<1x16xf32>,
      %get3A_95 = vector.shape_cast %get3A_94 : vector<1x16xf32> to vector<16xf32>
      %swap3A_96 = arith.constant 5 : i32
      %swap3A_97 = arith.index_cast %swap3A_96 : i32 to index
      %swap3A_98 = arith.constant 0 : index
      %swap3A_99 = tpu.vector_load %arg10[%swap3A_97, %swap3A_98] {strides = array<i32>} : memref<128x128xf32, #tpu.memory_space<vmem>>, vector<1x16xf32>,
      %swap3A_100 = vector.shape_cast %swap3A_99 : vector<1x16xf32> to vector<16xf32>
      %swap3A_101 = vector.shape_cast %get3A_95 : vector<16xf32> to vector<1x16xf32>
      tpu.vector_store %arg10[%swap3A_97, %swap3A_98], %swap3A_101 {strides = array<i32>} : memref<128x128xf32, #tpu.memory_space<vmem>>, vector<1x16xf32>,
      %get3A_102 = arith.constant 0 : i32
      %get3A_103 = arith.index_cast %get3A_102 : i32 to index
      %get3A_104 = arith.constant 96 : index
      %get3A_105 = tpu.vector_load %arg8[%get3A_103, %get3A_104] {strides = array<i32>} : memref<16x128xf32, #tpu.memory_space<vmem>>, vector<1x16xf32>,
      %get3A_106 = vector.shape_cast %get3A_105 : vector<1x16xf32> to vector<16xf32>
      %swap3A_107 = arith.constant 6 : i32
      %swap3A_108 = arith.index_cast %swap3A_107 : i32 to index
      %swap3A_109 = arith.constant 0 : index
      %swap3A_110 = tpu.vector_load %arg10[%swap3A_108, %swap3A_109] {strides = array<i32>} : memref<128x128xf32, #tpu.memory_space<vmem>>, vector<1x16xf32>,
      %swap3A_111 = vector.shape_cast %swap3A_110 : vector<1x16xf32> to vector<16xf32>
      %swap3A_112 = vector.shape_cast %get3A_106 : vector<16xf32> to vector<1x16xf32>
      tpu.vector_store %arg10[%swap3A_108, %swap3A_109], %swap3A_112 {strides = array<i32>} : memref<128x128xf32, #tpu.memory_space<vmem>>, vector<1x16xf32>,
      %get3A_113 = arith.constant 0 : i32
      %get3A_114 = arith.index_cast %get3A_113 : i32 to index
      %get3A_115 = arith.constant 112 : index
      %get3A_116 = tpu.vector_load %arg8[%get3A_114, %get3A_115] {strides = array<i32>} : memref<16x128xf32, #tpu.memory_space<vmem>>, vector<1x16xf32>,
      %get3A_117 = vector.shape_cast %get3A_116 : vector<1x16xf32> to vector<16xf32>
      %swap3A_118 = arith.constant 7 : i32
      %swap3A_119 = arith.index_cast %swap3A_118 : i32 to index
      %swap3A_120 = arith.constant 0 : index
      %swap3A_121 = tpu.vector_load %arg10[%swap3A_119, %swap3A_120] {strides = array<i32>} : memref<128x128xf32, #tpu.memory_space<vmem>>, vector<1x16xf32>,
      %swap3A_122 = vector.shape_cast %swap3A_121 : vector<1x16xf32> to vector<16xf32>
      %swap3A_123 = vector.shape_cast %get3A_117 : vector<16xf32> to vector<1x16xf32>
      tpu.vector_store %arg10[%swap3A_119, %swap3A_120], %swap3A_123 {strides = array<i32>} : memref<128x128xf32, #tpu.memory_space<vmem>>, vector<1x16xf32>,
      %get3A_124 = arith.constant 1 : i32
      %get3A_125 = arith.index_cast %get3A_124 : i32 to index
      %get3A_126 = arith.constant 0 : index
      %get3A_127 = tpu.vector_load %arg8[%get3A_125, %get3A_126] {strides = array<i32>} : memref<16x128xf32, #tpu.memory_space<vmem>>, vector<1x16xf32>,
      %get3A_128 = vector.shape_cast %get3A_127 : vector<1x16xf32> to vector<16xf32>
      %swap3A_129 = arith.constant 8 : i32
      %swap3A_130 = arith.index_cast %swap3A_129 : i32 to index
      %swap3A_131 = arith.constant 0 : index
      %swap3A_132 = tpu.vector_load %arg10[%swap3A_130, %swap3A_131] {strides = array<i32>} : memref<128x128xf32, #tpu.memory_space<vmem>>, vector<1x16xf32>,
      %swap3A_133 = vector.shape_cast %swap3A_132 : vector<1x16xf32> to vector<16xf32>
      %swap3A_134 = vector.shape_cast %get3A_128 : vector<16xf32> to vector<1x16xf32>
      tpu.vector_store %arg10[%swap3A_130, %swap3A_131], %swap3A_134 {strides = array<i32>} : memref<128x128xf32, #tpu.memory_space<vmem>>, vector<1x16xf32>,
      %get3A_135 = arith.constant 1 : i32
      %get3A_136 = arith.index_cast %get3A_135 : i32 to index
      %get3A_137 = arith.constant 16 : index
      %get3A_138 = tpu.vector_load %arg8[%get3A_136, %get3A_137] {strides = array<i32>} : memref<16x128xf32, #tpu.memory_space<vmem>>, vector<1x16xf32>,
      %get3A_139 = vector.shape_cast %get3A_138 : vector<1x16xf32> to vector<16xf32>
      %swap3A_140 = arith.constant 9 : i32
      %swap3A_141 = arith.index_cast %swap3A_140 : i32 to index
      %swap3A_142 = arith.constant 0 : index
      %swap3A_143 = tpu.vector_load %arg10[%swap3A_141, %swap3A_142] {strides = array<i32>} : memref<128x128xf32, #tpu.memory_space<vmem>>, vector<1x16xf32>,
      %swap3A_144 = vector.shape_cast %swap3A_143 : vector<1x16xf32> to vector<16xf32>
      %swap3A_145 = vector.shape_cast %get3A_139 : vector<16xf32> to vector<1x16xf32>
      tpu.vector_store %arg10[%swap3A_141, %swap3A_142], %swap3A_145 {strides = array<i32>} : memref<128x128xf32, #tpu.memory_space<vmem>>, vector<1x16xf32>,
      %get3A_146 = arith.constant 1 : i32
      %get3A_147 = arith.index_cast %get3A_146 : i32 to index
      %get3A_148 = arith.constant 32 : index
      %get3A_149 = tpu.vector_load %arg8[%get3A_147, %get3A_148] {strides = array<i32>} : memref<16x128xf32, #tpu.memory_space<vmem>>, vector<1x16xf32>,
      %get3A_150 = vector.shape_cast %get3A_149 : vector<1x16xf32> to vector<16xf32>
      %swap3A_151 = arith.constant 10 : i32
      %swap3A_152 = arith.index_cast %swap3A_151 : i32 to index
      %swap3A_153 = arith.constant 0 : index
      %swap3A_154 = tpu.vector_load %arg10[%swap3A_152, %swap3A_153] {strides = array<i32>} : memref<128x128xf32, #tpu.memory_space<vmem>>, vector<1x16xf32>,
      %swap3A_155 = vector.shape_cast %swap3A_154 : vector<1x16xf32> to vector<16xf32>
      %swap3A_156 = vector.shape_cast %get3A_150 : vector<16xf32> to vector<1x16xf32>
      tpu.vector_store %arg10[%swap3A_152, %swap3A_153], %swap3A_156 {strides = array<i32>} : memref<128x128xf32, #tpu.memory_space<vmem>>, vector<1x16xf32>,
      %get3A_157 = arith.constant 1 : i32
      %get3A_158 = arith.index_cast %get3A_157 : i32 to index
      %get3A_159 = arith.constant 48 : index
      %get3A_160 = tpu.vector_load %arg8[%get3A_158, %get3A_159] {strides = array<i32>} : memref<16x128xf32, #tpu.memory_space<vmem>>, vector<1x16xf32>,
      %get3A_161 = vector.shape_cast %get3A_160 : vector<1x16xf32> to vector<16xf32>
      %swap3A_162 = arith.constant 11 : i32
      %swap3A_163 = arith.index_cast %swap3A_162 : i32 to index
      %swap3A_164 = arith.constant 0 : index
      %swap3A_165 = tpu.vector_load %arg10[%swap3A_163, %swap3A_164] {strides = array<i32>} : memref<128x128xf32, #tpu.memory_space<vmem>>, vector<1x16xf32>,
      %swap3A_166 = vector.shape_cast %swap3A_165 : vector<1x16xf32> to vector<16xf32>
      %swap3A_167 = vector.shape_cast %get3A_161 : vector<16xf32> to vector<1x16xf32>
      tpu.vector_store %arg10[%swap3A_163, %swap3A_164], %swap3A_167 {strides = array<i32>} : memref<128x128xf32, #tpu.memory_space<vmem>>, vector<1x16xf32>,
      %get3A_168 = arith.constant 1 : i32
      %get3A_169 = arith.index_cast %get3A_168 : i32 to index
      %get3A_170 = arith.constant 64 : index
      %get3A_171 = tpu.vector_load %arg8[%get3A_169, %get3A_170] {strides = array<i32>} : memref<16x128xf32, #tpu.memory_space<vmem>>, vector<1x16xf32>,
      %get3A_172 = vector.shape_cast %get3A_171 : vector<1x16xf32> to vector<16xf32>
      %swap3A_173 = arith.constant 12 : i32
      %swap3A_174 = arith.index_cast %swap3A_173 : i32 to index
      %swap3A_175 = arith.constant 0 : index
      %swap3A_176 = tpu.vector_load %arg10[%swap3A_174, %swap3A_175] {strides = array<i32>} : memref<128x128xf32, #tpu.memory_space<vmem>>, vector<1x16xf32>,
      %swap3A_177 = vector.shape_cast %swap3A_176 : vector<1x16xf32> to vector<16xf32>
      %swap3A_178 = vector.shape_cast %get3A_172 : vector<16xf32> to vector<1x16xf32>
      tpu.vector_store %arg10[%swap3A_174, %swap3A_175], %swap3A_178 {strides = array<i32>} : memref<128x128xf32, #tpu.memory_space<vmem>>, vector<1x16xf32>,
      %get3A_179 = arith.constant 1 : i32
      %get3A_180 = arith.index_cast %get3A_179 : i32 to index
      %get3A_181 = arith.constant 80 : index
      %get3A_182 = tpu.vector_load %arg8[%get3A_180, %get3A_181] {strides = array<i32>} : memref<16x128xf32, #tpu.memory_space<vmem>>, vector<1x16xf32>,
      %get3A_183 = vector.shape_cast %get3A_182 : vector<1x16xf32> to vector<16xf32>
      %swap3A_184 = arith.constant 13 : i32
      %swap3A_185 = arith.index_cast %swap3A_184 : i32 to index
      %swap3A_186 = arith.constant 0 : index
      %swap3A_187 = tpu.vector_load %arg10[%swap3A_185, %swap3A_186] {strides = array<i32>} : memref<128x128xf32, #tpu.memory_space<vmem>>, vector<1x16xf32>,
      %swap3A_188 = vector.shape_cast %swap3A_187 : vector<1x16xf32> to vector<16xf32>
      %swap3A_189 = vector.shape_cast %get3A_183 : vector<16xf32> to vector<1x16xf32>
      tpu.vector_store %arg10[%swap3A_185, %swap3A_186], %swap3A_189 {strides = array<i32>} : memref<128x128xf32, #tpu.memory_space<vmem>>, vector<1x16xf32>,
      %get3A_190 = arith.constant 1 : i32
      %get3A_191 = arith.index_cast %get3A_190 : i32 to index
      %get3A_192 = arith.constant 96 : index
      %get3A_193 = tpu.vector_load %arg8[%get3A_191, %get3A_192] {strides = array<i32>} : memref<16x128xf32, #tpu.memory_space<vmem>>, vector<1x16xf32>,
      %get3A_194 = vector.shape_cast %get3A_193 : vector<1x16xf32> to vector<16xf32>
      %swap3A_195 = arith.constant 14 : i32
      %swap3A_196 = arith.index_cast %swap3A_195 : i32 to index
      %swap3A_197 = arith.constant 0 : index
      %swap3A_198 = tpu.vector_load %arg10[%swap3A_196, %swap3A_197] {strides = array<i32>} : memref<128x128xf32, #tpu.memory_space<vmem>>, vector<1x16xf32>,
      %swap3A_199 = vector.shape_cast %swap3A_198 : vector<1x16xf32> to vector<16xf32>
      %swap3A_200 = vector.shape_cast %get3A_194 : vector<16xf32> to vector<1x16xf32>
      tpu.vector_store %arg10[%swap3A_196, %swap3A_197], %swap3A_200 {strides = array<i32>} : memref<128x128xf32, #tpu.memory_space<vmem>>, vector<1x16xf32>,
      %get3A_201 = arith.constant 1 : i32
      %get3A_202 = arith.index_cast %get3A_201 : i32 to index
      %get3A_203 = arith.constant 112 : index
      %get3A_204 = tpu.vector_load %arg8[%get3A_202, %get3A_203] {strides = array<i32>} : memref<16x128xf32, #tpu.memory_space<vmem>>, vector<1x16xf32>,
      %get3A_205 = vector.shape_cast %get3A_204 : vector<1x16xf32> to vector<16xf32>
      %swap3A_206 = arith.constant 15 : i32
      %swap3A_207 = arith.index_cast %swap3A_206 : i32 to index
      %swap3A_208 = arith.constant 0 : index
      %swap3A_209 = tpu.vector_load %arg10[%swap3A_207, %swap3A_208] {strides = array<i32>} : memref<128x128xf32, #tpu.memory_space<vmem>>, vector<1x16xf32>,
      %swap3A_210 = vector.shape_cast %swap3A_209 : vector<1x16xf32> to vector<16xf32>
      %swap3A_211 = vector.shape_cast %get3A_205 : vector<16xf32> to vector<1x16xf32>
      tpu.vector_store %arg10[%swap3A_207, %swap3A_208], %swap3A_211 {strides = array<i32>} : memref<128x128xf32, #tpu.memory_space<vmem>>, vector<1x16xf32>,
      %get3A_212 = arith.constant 2 : i32
      %get3A_213 = arith.index_cast %get3A_212 : i32 to index
      %get3A_214 = arith.constant 0 : index
      %get3A_215 = tpu.vector_load %arg8[%get3A_213, %get3A_214] {strides = array<i32>} : memref<16x128xf32, #tpu.memory_space<vmem>>, vector<1x16xf32>,
      %get3A_216 = vector.shape_cast %get3A_215 : vector<1x16xf32> to vector<16xf32>
      %swap3A_217 = arith.constant 16 : i32
      %swap3A_218 = arith.index_cast %swap3A_217 : i32 to index
      %swap3A_219 = arith.constant 0 : index
      %swap3A_220 = tpu.vector_load %arg10[%swap3A_218, %swap3A_219] {strides = array<i32>} : memref<128x128xf32, #tpu.memory_space<vmem>>, vector<1x16xf32>,
      %swap3A_221 = vector.shape_cast %swap3A_220 : vector<1x16xf32> to vector<16xf32>
      %swap3A_222 = vector.shape_cast %get3A_216 : vector<16xf32> to vector<1x16xf32>
      tpu.vector_store %arg10[%swap3A_218, %swap3A_219], %swap3A_222 {strides = array<i32>} : memref<128x128xf32, #tpu.memory_space<vmem>>, vector<1x16xf32>,
      %get3A_223 = arith.constant 2 : i32
      %get3A_224 = arith.index_cast %get3A_223 : i32 to index
      %get3A_225 = arith.constant 16 : index
      %get3A_226 = tpu.vector_load %arg8[%get3A_224, %get3A_225] {strides = array<i32>} : memref<16x128xf32, #tpu.memory_space<vmem>>, vector<1x16xf32>,
      %get3A_227 = vector.shape_cast %get3A_226 : vector<1x16xf32> to vector<16xf32>
      %swap3A_228 = arith.constant 17 : i32
      %swap3A_229 = arith.index_cast %swap3A_228 : i32 to index
      %swap3A_230 = arith.constant 0 : index
      %swap3A_231 = tpu.vector_load %arg10[%swap3A_229, %swap3A_230] {strides = array<i32>} : memref<128x128xf32, #tpu.memory_space<vmem>>, vector<1x16xf32>,
      %swap3A_232 = vector.shape_cast %swap3A_231 : vector<1x16xf32> to vector<16xf32>
      %swap3A_233 = vector.shape_cast %get3A_227 : vector<16xf32> to vector<1x16xf32>
      tpu.vector_store %arg10[%swap3A_229, %swap3A_230], %swap3A_233 {strides = array<i32>} : memref<128x128xf32, #tpu.memory_space<vmem>>, vector<1x16xf32>,
      %get3A_234 = arith.constant 2 : i32
      %get3A_235 = arith.index_cast %get3A_234 : i32 to index
      %get3A_236 = arith.constant 32 : index
      %get3A_237 = tpu.vector_load %arg8[%get3A_235, %get3A_236] {strides = array<i32>} : memref<16x128xf32, #tpu.memory_space<vmem>>, vector<1x16xf32>,
      %get3A_238 = vector.shape_cast %get3A_237 : vector<1x16xf32> to vector<16xf32>
      %swap3A_239 = arith.constant 18 : i32
      %swap3A_240 = arith.index_cast %swap3A_239 : i32 to index
      %swap3A_241 = arith.constant 0 : index
      %swap3A_242 = tpu.vector_load %arg10[%swap3A_240, %swap3A_241] {strides = array<i32>} : memref<128x128xf32, #tpu.memory_space<vmem>>, vector<1x16xf32>,
      %swap3A_243 = vector.shape_cast %swap3A_242 : vector<1x16xf32> to vector<16xf32>
      %swap3A_244 = vector.shape_cast %get3A_238 : vector<16xf32> to vector<1x16xf32>
      tpu.vector_store %arg10[%swap3A_240, %swap3A_241], %swap3A_244 {strides = array<i32>} : memref<128x128xf32, #tpu.memory_space<vmem>>, vector<1x16xf32>,
      %get3A_245 = arith.constant 2 : i32
      %get3A_246 = arith.index_cast %get3A_245 : i32 to index
      %get3A_247 = arith.constant 48 : index
      %get3A_248 = tpu.vector_load %arg8[%get3A_246, %get3A_247] {strides = array<i32>} : memref<16x128xf32, #tpu.memory_space<vmem>>, vector<1x16xf32>,
      %get3A_249 = vector.shape_cast %get3A_248 : vector<1x16xf32> to vector<16xf32>
      %swap3A_250 = arith.constant 19 : i32
      %swap3A_251 = arith.index_cast %swap3A_250 : i32 to index
      %swap3A_252 = arith.constant 0 : index
      %swap3A_253 = tpu.vector_load %arg10[%swap3A_251, %swap3A_252] {strides = array<i32>} : memref<128x128xf32, #tpu.memory_space<vmem>>, vector<1x16xf32>,
      %swap3A_254 = vector.shape_cast %swap3A_253 : vector<1x16xf32> to vector<16xf32>
      %swap3A_255 = vector.shape_cast %get3A_249 : vector<16xf32> to vector<1x16xf32>
      tpu.vector_store %arg10[%swap3A_251, %swap3A_252], %swap3A_255 {strides = array<i32>} : memref<128x128xf32, #tpu.memory_space<vmem>>, vector<1x16xf32>,
      %get3A_256 = arith.constant 2 : i32
      %get3A_257 = arith.index_cast %get3A_256 : i32 to index
      %get3A_258 = arith.constant 64 : index
      %get3A_259 = tpu.vector_load %arg8[%get3A_257, %get3A_258] {strides = array<i32>} : memref<16x128xf32, #tpu.memory_space<vmem>>, vector<1x16xf32>,
      %get3A_260 = vector.shape_cast %get3A_259 : vector<1x16xf32> to vector<16xf32>
      %swap3A_261 = arith.constant 20 : i32
      %swap3A_262 = arith.index_cast %swap3A_261 : i32 to index
      %swap3A_263 = arith.constant 0 : index
      %swap3A_264 = tpu.vector_load %arg10[%swap3A_262, %swap3A_263] {strides = array<i32>} : memref<128x128xf32, #tpu.memory_space<vmem>>, vector<1x16xf32>,
      %swap3A_265 = vector.shape_cast %swap3A_264 : vector<1x16xf32> to vector<16xf32>
      %swap3A_266 = vector.shape_cast %get3A_260 : vector<16xf32> to vector<1x16xf32>
      tpu.vector_store %arg10[%swap3A_262, %swap3A_263], %swap3A_266 {strides = array<i32>} : memref<128x128xf32, #tpu.memory_space<vmem>>, vector<1x16xf32>,
      %get3A_267 = arith.constant 2 : i32
      %get3A_268 = arith.index_cast %get3A_267 : i32 to index
      %get3A_269 = arith.constant 80 : index
      %get3A_270 = tpu.vector_load %arg8[%get3A_268, %get3A_269] {strides = array<i32>} : memref<16x128xf32, #tpu.memory_space<vmem>>, vector<1x16xf32>,
      %get3A_271 = vector.shape_cast %get3A_270 : vector<1x16xf32> to vector<16xf32>
      %swap3A_272 = arith.constant 21 : i32
      %swap3A_273 = arith.index_cast %swap3A_272 : i32 to index
      %swap3A_274 = arith.constant 0 : index
      %swap3A_275 = tpu.vector_load %arg10[%swap3A_273, %swap3A_274] {strides = array<i32>} : memref<128x128xf32, #tpu.memory_space<vmem>>, vector<1x16xf32>,
      %swap3A_276 = vector.shape_cast %swap3A_275 : vector<1x16xf32> to vector<16xf32>
      %swap3A_277 = vector.shape_cast %get3A_271 : vector<16xf32> to vector<1x16xf32>
      tpu.vector_store %arg10[%swap3A_273, %swap3A_274], %swap3A_277 {strides = array<i32>} : memref<128x128xf32, #tpu.memory_space<vmem>>, vector<1x16xf32>,
      %get3A_278 = arith.constant 2 : i32
      %get3A_279 = arith.index_cast %get3A_278 : i32 to index
      %get3A_280 = arith.constant 96 : index
      %get3A_281 = tpu.vector_load %arg8[%get3A_279, %get3A_280] {strides = array<i32>} : memref<16x128xf32, #tpu.memory_space<vmem>>, vector<1x16xf32>,
      %get3A_282 = vector.shape_cast %get3A_281 : vector<1x16xf32> to vector<16xf32>
      %swap3A_283 = arith.constant 22 : i32
      %swap3A_284 = arith.index_cast %swap3A_283 : i32 to index
      %swap3A_285 = arith.constant 0 : index
      %swap3A_286 = tpu.vector_load %arg10[%swap3A_284, %swap3A_285] {strides = array<i32>} : memref<128x128xf32, #tpu.memory_space<vmem>>, vector<1x16xf32>,
      %swap3A_287 = vector.shape_cast %swap3A_286 : vector<1x16xf32> to vector<16xf32>
      %swap3A_288 = vector.shape_cast %get3A_282 : vector<16xf32> to vector<1x16xf32>
      tpu.vector_store %arg10[%swap3A_284, %swap3A_285], %swap3A_288 {strides = array<i32>} : memref<128x128xf32, #tpu.memory_space<vmem>>, vector<1x16xf32>,
      %get3A_289 = arith.constant 2 : i32
      %get3A_290 = arith.index_cast %get3A_289 : i32 to index
      %get3A_291 = arith.constant 112 : index
      %get3A_292 = tpu.vector_load %arg8[%get3A_290, %get3A_291] {strides = array<i32>} : memref<16x128xf32, #tpu.memory_space<vmem>>, vector<1x16xf32>,
      %get3A_293 = vector.shape_cast %get3A_292 : vector<1x16xf32> to vector<16xf32>
      %swap3A_294 = arith.constant 23 : i32
      %swap3A_295 = arith.index_cast %swap3A_294 : i32 to index
      %swap3A_296 = arith.constant 0 : index
      %swap3A_297 = tpu.vector_load %arg10[%swap3A_295, %swap3A_296] {strides = array<i32>} : memref<128x128xf32, #tpu.memory_space<vmem>>, vector<1x16xf32>,
      %swap3A_298 = vector.shape_cast %swap3A_297 : vector<1x16xf32> to vector<16xf32>
      %swap3A_299 = vector.shape_cast %get3A_293 : vector<16xf32> to vector<1x16xf32>
      tpu.vector_store %arg10[%swap3A_295, %swap3A_296], %swap3A_299 {strides = array<i32>} : memref<128x128xf32, #tpu.memory_space<vmem>>, vector<1x16xf32>,
      %get3A_300 = arith.constant 3 : i32
      %get3A_301 = arith.index_cast %get3A_300 : i32 to index
      %get3A_302 = arith.constant 0 : index
      %get3A_303 = tpu.vector_load %arg8[%get3A_301, %get3A_302] {strides = array<i32>} : memref<16x128xf32, #tpu.memory_space<vmem>>, vector<1x16xf32>,
      %get3A_304 = vector.shape_cast %get3A_303 : vector<1x16xf32> to vector<16xf32>
      %swap3A_305 = arith.constant 24 : i32
      %swap3A_306 = arith.index_cast %swap3A_305 : i32 to index
      %swap3A_307 = arith.constant 0 : index
      %swap3A_308 = tpu.vector_load %arg10[%swap3A_306, %swap3A_307] {strides = array<i32>} : memref<128x128xf32, #tpu.memory_space<vmem>>, vector<1x16xf32>,
      %swap3A_309 = vector.shape_cast %swap3A_308 : vector<1x16xf32> to vector<16xf32>
      %swap3A_310 = vector.shape_cast %get3A_304 : vector<16xf32> to vector<1x16xf32>
      tpu.vector_store %arg10[%swap3A_306, %swap3A_307], %swap3A_310 {strides = array<i32>} : memref<128x128xf32, #tpu.memory_space<vmem>>, vector<1x16xf32>,
      %get3A_311 = arith.constant 3 : i32
      %get3A_312 = arith.index_cast %get3A_311 : i32 to index
      %get3A_313 = arith.constant 16 : index
      %get3A_314 = tpu.vector_load %arg8[%get3A_312, %get3A_313] {strides = array<i32>} : memref<16x128xf32, #tpu.memory_space<vmem>>, vector<1x16xf32>,
      %get3A_315 = vector.shape_cast %get3A_314 : vector<1x16xf32> to vector<16xf32>
      %swap3A_316 = arith.constant 25 : i32
      %swap3A_317 = arith.index_cast %swap3A_316 : i32 to index
      %swap3A_318 = arith.constant 0 : index
      %swap3A_319 = tpu.vector_load %arg10[%swap3A_317, %swap3A_318] {strides = array<i32>} : memref<128x128xf32, #tpu.memory_space<vmem>>, vector<1x16xf32>,
      %swap3A_320 = vector.shape_cast %swap3A_319 : vector<1x16xf32> to vector<16xf32>
      %swap3A_321 = vector.shape_cast %get3A_315 : vector<16xf32> to vector<1x16xf32>
      tpu.vector_store %arg10[%swap3A_317, %swap3A_318], %swap3A_321 {strides = array<i32>} : memref<128x128xf32, #tpu.memory_space<vmem>>, vector<1x16xf32>,
      %get3A_322 = arith.constant 3 : i32
      %get3A_323 = arith.index_cast %get3A_322 : i32 to index
      %get3A_324 = arith.constant 32 : index
      %get3A_325 = tpu.vector_load %arg8[%get3A_323, %get3A_324] {strides = array<i32>} : memref<16x128xf32, #tpu.memory_space<vmem>>, vector<1x16xf32>,
      %get3A_326 = vector.shape_cast %get3A_325 : vector<1x16xf32> to vector<16xf32>
      %swap3A_327 = arith.constant 26 : i32
      %swap3A_328 = arith.index_cast %swap3A_327 : i32 to index
      %swap3A_329 = arith.constant 0 : index
      %swap3A_330 = tpu.vector_load %arg10[%swap3A_328, %swap3A_329] {strides = array<i32>} : memref<128x128xf32, #tpu.memory_space<vmem>>, vector<1x16xf32>,
      %swap3A_331 = vector.shape_cast %swap3A_330 : vector<1x16xf32> to vector<16xf32>
      %swap3A_332 = vector.shape_cast %get3A_326 : vector<16xf32> to vector<1x16xf32>
      tpu.vector_store %arg10[%swap3A_328, %swap3A_329], %swap3A_332 {strides = array<i32>} : memref<128x128xf32, #tpu.memory_space<vmem>>, vector<1x16xf32>,
      %get3A_333 = arith.constant 3 : i32
      %get3A_334 = arith.index_cast %get3A_333 : i32 to index
      %get3A_335 = arith.constant 48 : index
      %get3A_336 = tpu.vector_load %arg8[%get3A_334, %get3A_335] {strides = array<i32>} : memref<16x128xf32, #tpu.memory_space<vmem>>, vector<1x16xf32>,
      %get3A_337 = vector.shape_cast %get3A_336 : vector<1x16xf32> to vector<16xf32>
      %swap3A_338 = arith.constant 27 : i32
      %swap3A_339 = arith.index_cast %swap3A_338 : i32 to index
      %swap3A_340 = arith.constant 0 : index
      %swap3A_341 = tpu.vector_load %arg10[%swap3A_339, %swap3A_340] {strides = array<i32>} : memref<128x128xf32, #tpu.memory_space<vmem>>, vector<1x16xf32>,
      %swap3A_342 = vector.shape_cast %swap3A_341 : vector<1x16xf32> to vector<16xf32>
      %swap3A_343 = vector.shape_cast %get3A_337 : vector<16xf32> to vector<1x16xf32>
      tpu.vector_store %arg10[%swap3A_339, %swap3A_340], %swap3A_343 {strides = array<i32>} : memref<128x128xf32, #tpu.memory_space<vmem>>, vector<1x16xf32>,
      %get3A_344 = arith.constant 3 : i32
      %get3A_345 = arith.index_cast %get3A_344 : i32 to index
      %get3A_346 = arith.constant 64 : index
      %get3A_347 = tpu.vector_load %arg8[%get3A_345, %get3A_346] {strides = array<i32>} : memref<16x128xf32, #tpu.memory_space<vmem>>, vector<1x16xf32>,
      %get3A_348 = vector.shape_cast %get3A_347 : vector<1x16xf32> to vector<16xf32>
      %swap3A_349 = arith.constant 28 : i32
      %swap3A_350 = arith.index_cast %swap3A_349 : i32 to index
      %swap3A_351 = arith.constant 0 : index
      %swap3A_352 = tpu.vector_load %arg10[%swap3A_350, %swap3A_351] {strides = array<i32>} : memref<128x128xf32, #tpu.memory_space<vmem>>, vector<1x16xf32>,
      %swap3A_353 = vector.shape_cast %swap3A_352 : vector<1x16xf32> to vector<16xf32>
      %swap3A_354 = vector.shape_cast %get3A_348 : vector<16xf32> to vector<1x16xf32>
      tpu.vector_store %arg10[%swap3A_350, %swap3A_351], %swap3A_354 {strides = array<i32>} : memref<128x128xf32, #tpu.memory_space<vmem>>, vector<1x16xf32>,
      %get3A_355 = arith.constant 3 : i32
      %get3A_356 = arith.index_cast %get3A_355 : i32 to index
      %get3A_357 = arith.constant 80 : index
      %get3A_358 = tpu.vector_load %arg8[%get3A_356, %get3A_357] {strides = array<i32>} : memref<16x128xf32, #tpu.memory_space<vmem>>, vector<1x16xf32>,
      %get3A_359 = vector.shape_cast %get3A_358 : vector<1x16xf32> to vector<16xf32>
      %swap3A_360 = arith.constant 29 : i32
      %swap3A_361 = arith.index_cast %swap3A_360 : i32 to index
      %swap3A_362 = arith.constant 0 : index
      %swap3A_363 = tpu.vector_load %arg10[%swap3A_361, %swap3A_362] {strides = array<i32>} : memref<128x128xf32, #tpu.memory_space<vmem>>, vector<1x16xf32>,
      %swap3A_364 = vector.shape_cast %swap3A_363 : vector<1x16xf32> to vector<16xf32>
      %swap3A_365 = vector.shape_cast %get3A_359 : vector<16xf32> to vector<1x16xf32>
      tpu.vector_store %arg10[%swap3A_361, %swap3A_362], %swap3A_365 {strides = array<i32>} : memref<128x128xf32, #tpu.memory_space<vmem>>, vector<1x16xf32>,
      %get3A_366 = arith.constant 3 : i32
      %get3A_367 = arith.index_cast %get3A_366 : i32 to index
      %get3A_368 = arith.constant 96 : index
      %get3A_369 = tpu.vector_load %arg8[%get3A_367, %get3A_368] {strides = array<i32>} : memref<16x128xf32, #tpu.memory_space<vmem>>, vector<1x16xf32>,
      %get3A_370 = vector.shape_cast %get3A_369 : vector<1x16xf32> to vector<16xf32>
      %swap3A_371 = arith.constant 30 : i32
      %swap3A_372 = arith.index_cast %swap3A_371 : i32 to index
      %swap3A_373 = arith.constant 0 : index
      %swap3A_374 = tpu.vector_load %arg10[%swap3A_372, %swap3A_373] {strides = array<i32>} : memref<128x128xf32, #tpu.memory_space<vmem>>, vector<1x16xf32>,
      %swap3A_375 = vector.shape_cast %swap3A_374 : vector<1x16xf32> to vector<16xf32>
      %swap3A_376 = vector.shape_cast %get3A_370 : vector<16xf32> to vector<1x16xf32>
      tpu.vector_store %arg10[%swap3A_372, %swap3A_373], %swap3A_376 {strides = array<i32>} : memref<128x128xf32, #tpu.memory_space<vmem>>, vector<1x16xf32>,
      %get3A_377 = arith.constant 3 : i32
      %get3A_378 = arith.index_cast %get3A_377 : i32 to index
      %get3A_379 = arith.constant 112 : index
      %get3A_380 = tpu.vector_load %arg8[%get3A_378, %get3A_379] {strides = array<i32>} : memref<16x128xf32, #tpu.memory_space<vmem>>, vector<1x16xf32>,
      %get3A_381 = vector.shape_cast %get3A_380 : vector<1x16xf32> to vector<16xf32>
      %swap3A_382 = arith.constant 31 : i32
      %swap3A_383 = arith.index_cast %swap3A_382 : i32 to index
      %swap3A_384 = arith.constant 0 : index
      %swap3A_385 = tpu.vector_load %arg10[%swap3A_383, %swap3A_384] {strides = array<i32>} : memref<128x128xf32, #tpu.memory_space<vmem>>, vector<1x16xf32>,
      %swap3A_386 = vector.shape_cast %swap3A_385 : vector<1x16xf32> to vector<16xf32>
      %swap3A_387 = vector.shape_cast %get3A_381 : vector<16xf32> to vector<1x16xf32>
      tpu.vector_store %arg10[%swap3A_383, %swap3A_384], %swap3A_387 {strides = array<i32>} : memref<128x128xf32, #tpu.memory_space<vmem>>, vector<1x16xf32>,
      %get3A_388 = arith.constant 4 : i32
      %get3A_389 = arith.index_cast %get3A_388 : i32 to index
      %get3A_390 = arith.constant 0 : index
      %get3A_391 = tpu.vector_load %arg8[%get3A_389, %get3A_390] {strides = array<i32>} : memref<16x128xf32, #tpu.memory_space<vmem>>, vector<1x16xf32>,
      %get3A_392 = vector.shape_cast %get3A_391 : vector<1x16xf32> to vector<16xf32>
      %swap3A_393 = arith.constant 32 : i32
      %swap3A_394 = arith.index_cast %swap3A_393 : i32 to index
      %swap3A_395 = arith.constant 0 : index
      %swap3A_396 = tpu.vector_load %arg10[%swap3A_394, %swap3A_395] {strides = array<i32>} : memref<128x128xf32, #tpu.memory_space<vmem>>, vector<1x16xf32>,
      %swap3A_397 = vector.shape_cast %swap3A_396 : vector<1x16xf32> to vector<16xf32>
      %swap3A_398 = vector.shape_cast %get3A_392 : vector<16xf32> to vector<1x16xf32>
      tpu.vector_store %arg10[%swap3A_394, %swap3A_395], %swap3A_398 {strides = array<i32>} : memref<128x128xf32, #tpu.memory_space<vmem>>, vector<1x16xf32>,
      %get3A_399 = arith.constant 4 : i32
      %get3A_400 = arith.index_cast %get3A_399 : i32 to index
      %get3A_401 = arith.constant 16 : index
      %get3A_402 = tpu.vector_load %arg8[%get3A_400, %get3A_401] {strides = array<i32>} : memref<16x128xf32, #tpu.memory_space<vmem>>, vector<1x16xf32>,
      %get3A_403 = vector.shape_cast %get3A_402 : vector<1x16xf32> to vector<16xf32>
      %swap3A_404 = arith.constant 33 : i32
      %swap3A_405 = arith.index_cast %swap3A_404 : i32 to index
      %swap3A_406 = arith.constant 0 : index
      %swap3A_407 = tpu.vector_load %arg10[%swap3A_405, %swap3A_406] {strides = array<i32>} : memref<128x128xf32, #tpu.memory_space<vmem>>, vector<1x16xf32>,
      %swap3A_408 = vector.shape_cast %swap3A_407 : vector<1x16xf32> to vector<16xf32>
      %swap3A_409 = vector.shape_cast %get3A_403 : vector<16xf32> to vector<1x16xf32>
      tpu.vector_store %arg10[%swap3A_405, %swap3A_406], %swap3A_409 {strides = array<i32>} : memref<128x128xf32, #tpu.memory_space<vmem>>, vector<1x16xf32>,
      %get3A_410 = arith.constant 4 : i32
      %get3A_411 = arith.index_cast %get3A_410 : i32 to index
      %get3A_412 = arith.constant 32 : index
      %get3A_413 = tpu.vector_load %arg8[%get3A_411, %get3A_412] {strides = array<i32>} : memref<16x128xf32, #tpu.memory_space<vmem>>, vector<1x16xf32>,
      %get3A_414 = vector.shape_cast %get3A_413 : vector<1x16xf32> to vector<16xf32>
      %swap3A_415 = arith.constant 34 : i32
      %swap3A_416 = arith.index_cast %swap3A_415 : i32 to index
      %swap3A_417 = arith.constant 0 : index
      %swap3A_418 = tpu.vector_load %arg10[%swap3A_416, %swap3A_417] {strides = array<i32>} : memref<128x128xf32, #tpu.memory_space<vmem>>, vector<1x16xf32>,
      %swap3A_419 = vector.shape_cast %swap3A_418 : vector<1x16xf32> to vector<16xf32>
      %swap3A_420 = vector.shape_cast %get3A_414 : vector<16xf32> to vector<1x16xf32>
      tpu.vector_store %arg10[%swap3A_416, %swap3A_417], %swap3A_420 {strides = array<i32>} : memref<128x128xf32, #tpu.memory_space<vmem>>, vector<1x16xf32>,
      %get3A_421 = arith.constant 4 : i32
      %get3A_422 = arith.index_cast %get3A_421 : i32 to index
      %get3A_423 = arith.constant 48 : index
      %get3A_424 = tpu.vector_load %arg8[%get3A_422, %get3A_423] {strides = array<i32>} : memref<16x128xf32, #tpu.memory_space<vmem>>, vector<1x16xf32>,
      %get3A_425 = vector.shape_cast %get3A_424 : vector<1x16xf32> to vector<16xf32>
      %swap3A_426 = arith.constant 35 : i32
      %swap3A_427 = arith.index_cast %swap3A_426 : i32 to index
      %swap3A_428 = arith.constant 0 : index
      %swap3A_429 = tpu.vector_load %arg10[%swap3A_427, %swap3A_428] {strides = array<i32>} : memref<128x128xf32, #tpu.memory_space<vmem>>, vector<1x16xf32>,
      %swap3A_430 = vector.shape_cast %swap3A_429 : vector<1x16xf32> to vector<16xf32>
      %swap3A_431 = vector.shape_cast %get3A_425 : vector<16xf32> to vector<1x16xf32>
      tpu.vector_store %arg10[%swap3A_427, %swap3A_428], %swap3A_431 {strides = array<i32>} : memref<128x128xf32, #tpu.memory_space<vmem>>, vector<1x16xf32>,
      %get3A_432 = arith.constant 4 : i32
      %get3A_433 = arith.index_cast %get3A_432 : i32 to index
      %get3A_434 = arith.constant 64 : index
      %get3A_435 = tpu.vector_load %arg8[%get3A_433, %get3A_434] {strides = array<i32>} : memref<16x128xf32, #tpu.memory_space<vmem>>, vector<1x16xf32>,
      %get3A_436 = vector.shape_cast %get3A_435 : vector<1x16xf32> to vector<16xf32>
      %swap3A_437 = arith.constant 36 : i32
      %swap3A_438 = arith.index_cast %swap3A_437 : i32 to index
      %swap3A_439 = arith.constant 0 : index
      %swap3A_440 = tpu.vector_load %arg10[%swap3A_438, %swap3A_439] {strides = array<i32>} : memref<128x128xf32, #tpu.memory_space<vmem>>, vector<1x16xf32>,
      %swap3A_441 = vector.shape_cast %swap3A_440 : vector<1x16xf32> to vector<16xf32>
      %swap3A_442 = vector.shape_cast %get3A_436 : vector<16xf32> to vector<1x16xf32>
      tpu.vector_store %arg10[%swap3A_438, %swap3A_439], %swap3A_442 {strides = array<i32>} : memref<128x128xf32, #tpu.memory_space<vmem>>, vector<1x16xf32>,
      %get3A_443 = arith.constant 4 : i32
      %get3A_444 = arith.index_cast %get3A_443 : i32 to index
      %get3A_445 = arith.constant 80 : index
      %get3A_446 = tpu.vector_load %arg8[%get3A_444, %get3A_445] {strides = array<i32>} : memref<16x128xf32, #tpu.memory_space<vmem>>, vector<1x16xf32>,
      %get3A_447 = vector.shape_cast %get3A_446 : vector<1x16xf32> to vector<16xf32>
      %swap3A_448 = arith.constant 37 : i32
      %swap3A_449 = arith.index_cast %swap3A_448 : i32 to index
      %swap3A_450 = arith.constant 0 : index
      %swap3A_451 = tpu.vector_load %arg10[%swap3A_449, %swap3A_450] {strides = array<i32>} : memref<128x128xf32, #tpu.memory_space<vmem>>, vector<1x16xf32>,
      %swap3A_452 = vector.shape_cast %swap3A_451 : vector<1x16xf32> to vector<16xf32>
      %swap3A_453 = vector.shape_cast %get3A_447 : vector<16xf32> to vector<1x16xf32>
      tpu.vector_store %arg10[%swap3A_449, %swap3A_450], %swap3A_453 {strides = array<i32>} : memref<128x128xf32, #tpu.memory_space<vmem>>, vector<1x16xf32>,
      %get3A_454 = arith.constant 4 : i32
      %get3A_455 = arith.index_cast %get3A_454 : i32 to index
      %get3A_456 = arith.constant 96 : index
      %get3A_457 = tpu.vector_load %arg8[%get3A_455, %get3A_456] {strides = array<i32>} : memref<16x128xf32, #tpu.memory_space<vmem>>, vector<1x16xf32>,
      %get3A_458 = vector.shape_cast %get3A_457 : vector<1x16xf32> to vector<16xf32>
      %swap3A_459 = arith.constant 38 : i32
      %swap3A_460 = arith.index_cast %swap3A_459 : i32 to index
      %swap3A_461 = arith.constant 0 : index
      %swap3A_462 = tpu.vector_load %arg10[%swap3A_460, %swap3A_461] {strides = array<i32>} : memref<128x128xf32, #tpu.memory_space<vmem>>, vector<1x16xf32>,
      %swap3A_463 = vector.shape_cast %swap3A_462 : vector<1x16xf32> to vector<16xf32>
      %swap3A_464 = vector.shape_cast %get3A_458 : vector<16xf32> to vector<1x16xf32>
      tpu.vector_store %arg10[%swap3A_460, %swap3A_461], %swap3A_464 {strides = array<i32>} : memref<128x128xf32, #tpu.memory_space<vmem>>, vector<1x16xf32>,
      %get3A_465 = arith.constant 4 : i32
      %get3A_466 = arith.index_cast %get3A_465 : i32 to index
      %get3A_467 = arith.constant 112 : index
      %get3A_468 = tpu.vector_load %arg8[%get3A_466, %get3A_467] {strides = array<i32>} : memref<16x128xf32, #tpu.memory_space<vmem>>, vector<1x16xf32>,
      %get3A_469 = vector.shape_cast %get3A_468 : vector<1x16xf32> to vector<16xf32>
      %swap3A_470 = arith.constant 39 : i32
      %swap3A_471 = arith.index_cast %swap3A_470 : i32 to index
      %swap3A_472 = arith.constant 0 : index
      %swap3A_473 = tpu.vector_load %arg10[%swap3A_471, %swap3A_472] {strides = array<i32>} : memref<128x128xf32, #tpu.memory_space<vmem>>, vector<1x16xf32>,
      %swap3A_474 = vector.shape_cast %swap3A_473 : vector<1x16xf32> to vector<16xf32>
      %swap3A_475 = vector.shape_cast %get3A_469 : vector<16xf32> to vector<1x16xf32>
      tpu.vector_store %arg10[%swap3A_471, %swap3A_472], %swap3A_475 {strides = array<i32>} : memref<128x128xf32, #tpu.memory_space<vmem>>, vector<1x16xf32>,
      %get3A_476 = arith.constant 5 : i32
      %get3A_477 = arith.index_cast %get3A_476 : i32 to index
      %get3A_478 = arith.constant 0 : index
      %get3A_479 = tpu.vector_load %arg8[%get3A_477, %get3A_478] {strides = array<i32>} : memref<16x128xf32, #tpu.memory_space<vmem>>, vector<1x16xf32>,
      %get3A_480 = vector.shape_cast %get3A_479 : vector<1x16xf32> to vector<16xf32>
      %swap3A_481 = arith.constant 40 : i32
      %swap3A_482 = arith.index_cast %swap3A_481 : i32 to index
      %swap3A_483 = arith.constant 0 : index
      %swap3A_484 = tpu.vector_load %arg10[%swap3A_482, %swap3A_483] {strides = array<i32>} : memref<128x128xf32, #tpu.memory_space<vmem>>, vector<1x16xf32>,
      %swap3A_485 = vector.shape_cast %swap3A_484 : vector<1x16xf32> to vector<16xf32>
      %swap3A_486 = vector.shape_cast %get3A_480 : vector<16xf32> to vector<1x16xf32>
      tpu.vector_store %arg10[%swap3A_482, %swap3A_483], %swap3A_486 {strides = array<i32>} : memref<128x128xf32, #tpu.memory_space<vmem>>, vector<1x16xf32>,
      %get3A_487 = arith.constant 5 : i32
      %get3A_488 = arith.index_cast %get3A_487 : i32 to index
      %get3A_489 = arith.constant 16 : index
      %get3A_490 = tpu.vector_load %arg8[%get3A_488, %get3A_489] {strides = array<i32>} : memref<16x128xf32, #tpu.memory_space<vmem>>, vector<1x16xf32>,
      %get3A_491 = vector.shape_cast %get3A_490 : vector<1x16xf32> to vector<16xf32>
      %swap3A_492 = arith.constant 41 : i32
      %swap3A_493 = arith.index_cast %swap3A_492 : i32 to index
      %swap3A_494 = arith.constant 0 : index
      %swap3A_495 = tpu.vector_load %arg10[%swap3A_493, %swap3A_494] {strides = array<i32>} : memref<128x128xf32, #tpu.memory_space<vmem>>, vector<1x16xf32>,
      %swap3A_496 = vector.shape_cast %swap3A_495 : vector<1x16xf32> to vector<16xf32>
      %swap3A_497 = vector.shape_cast %get3A_491 : vector<16xf32> to vector<1x16xf32>
      tpu.vector_store %arg10[%swap3A_493, %swap3A_494], %swap3A_497 {strides = array<i32>} : memref<128x128xf32, #tpu.memory_space<vmem>>, vector<1x16xf32>,
      %get3A_498 = arith.constant 5 : i32
      %get3A_499 = arith.index_cast %get3A_498 : i32 to index
      %get3A_500 = arith.constant 32 : index
      %get3A_501 = tpu.vector_load %arg8[%get3A_499, %get3A_500] {strides = array<i32>} : memref<16x128xf32, #tpu.memory_space<vmem>>, vector<1x16xf32>,
      %get3A_502 = vector.shape_cast %get3A_501 : vector<1x16xf32> to vector<16xf32>
      %swap3A_503 = arith.constant 42 : i32
      %swap3A_504 = arith.index_cast %swap3A_503 : i32 to index
      %swap3A_505 = arith.constant 0 : index
      %swap3A_506 = tpu.vector_load %arg10[%swap3A_504, %swap3A_505] {strides = array<i32>} : memref<128x128xf32, #tpu.memory_space<vmem>>, vector<1x16xf32>,
      %swap3A_507 = vector.shape_cast %swap3A_506 : vector<1x16xf32> to vector<16xf32>
      %swap3A_508 = vector.shape_cast %get3A_502 : vector<16xf32> to vector<1x16xf32>
      tpu.vector_store %arg10[%swap3A_504, %swap3A_505], %swap3A_508 {strides = array<i32>} : memref<128x128xf32, #tpu.memory_space<vmem>>, vector<1x16xf32>,
      %get3A_509 = arith.constant 5 : i32
      %get3A_510 = arith.index_cast %get3A_509 : i32 to index
      %get3A_511 = arith.constant 48 : index
      %get3A_512 = tpu.vector_load %arg8[%get3A_510, %get3A_511] {strides = array<i32>} : memref<16x128xf32, #tpu.memory_space<vmem>>, vector<1x16xf32>,
      %get3A_513 = vector.shape_cast %get3A_512 : vector<1x16xf32> to vector<16xf32>
      %swap3A_514 = arith.constant 43 : i32
      %swap3A_515 = arith.index_cast %swap3A_514 : i32 to index
      %swap3A_516 = arith.constant 0 : index
      %swap3A_517 = tpu.vector_load %arg10[%swap3A_515, %swap3A_516] {strides = array<i32>} : memref<128x128xf32, #tpu.memory_space<vmem>>, vector<1x16xf32>,
      %swap3A_518 = vector.shape_cast %swap3A_517 : vector<1x16xf32> to vector<16xf32>
      %swap3A_519 = vector.shape_cast %get3A_513 : vector<16xf32> to vector<1x16xf32>
      tpu.vector_store %arg10[%swap3A_515, %swap3A_516], %swap3A_519 {strides = array<i32>} : memref<128x128xf32, #tpu.memory_space<vmem>>, vector<1x16xf32>,
      %get3A_520 = arith.constant 5 : i32
      %get3A_521 = arith.index_cast %get3A_520 : i32 to index
      %get3A_522 = arith.constant 64 : index
      %get3A_523 = tpu.vector_load %arg8[%get3A_521, %get3A_522] {strides = array<i32>} : memref<16x128xf32, #tpu.memory_space<vmem>>, vector<1x16xf32>,
      %get3A_524 = vector.shape_cast %get3A_523 : vector<1x16xf32> to vector<16xf32>
      %swap3A_525 = arith.constant 44 : i32
      %swap3A_526 = arith.index_cast %swap3A_525 : i32 to index
      %swap3A_527 = arith.constant 0 : index
      %swap3A_528 = tpu.vector_load %arg10[%swap3A_526, %swap3A_527] {strides = array<i32>} : memref<128x128xf32, #tpu.memory_space<vmem>>, vector<1x16xf32>,
      %swap3A_529 = vector.shape_cast %swap3A_528 : vector<1x16xf32> to vector<16xf32>
      %swap3A_530 = vector.shape_cast %get3A_524 : vector<16xf32> to vector<1x16xf32>
      tpu.vector_store %arg10[%swap3A_526, %swap3A_527], %swap3A_530 {strides = array<i32>} : memref<128x128xf32, #tpu.memory_space<vmem>>, vector<1x16xf32>,
      %get3A_531 = arith.constant 5 : i32
      %get3A_532 = arith.index_cast %get3A_531 : i32 to index
      %get3A_533 = arith.constant 80 : index
      %get3A_534 = tpu.vector_load %arg8[%get3A_532, %get3A_533] {strides = array<i32>} : memref<16x128xf32, #tpu.memory_space<vmem>>, vector<1x16xf32>,
      %get3A_535 = vector.shape_cast %get3A_534 : vector<1x16xf32> to vector<16xf32>
      %swap3A_536 = arith.constant 45 : i32
      %swap3A_537 = arith.index_cast %swap3A_536 : i32 to index
      %swap3A_538 = arith.constant 0 : index
      %swap3A_539 = tpu.vector_load %arg10[%swap3A_537, %swap3A_538] {strides = array<i32>} : memref<128x128xf32, #tpu.memory_space<vmem>>, vector<1x16xf32>,
      %swap3A_540 = vector.shape_cast %swap3A_539 : vector<1x16xf32> to vector<16xf32>
      %swap3A_541 = vector.shape_cast %get3A_535 : vector<16xf32> to vector<1x16xf32>
      tpu.vector_store %arg10[%swap3A_537, %swap3A_538], %swap3A_541 {strides = array<i32>} : memref<128x128xf32, #tpu.memory_space<vmem>>, vector<1x16xf32>,
      %get3A_542 = arith.constant 5 : i32
      %get3A_543 = arith.index_cast %get3A_542 : i32 to index
      %get3A_544 = arith.constant 96 : index
      %get3A_545 = tpu.vector_load %arg8[%get3A_543, %get3A_544] {strides = array<i32>} : memref<16x128xf32, #tpu.memory_space<vmem>>, vector<1x16xf32>,
      %get3A_546 = vector.shape_cast %get3A_545 : vector<1x16xf32> to vector<16xf32>
      %swap3A_547 = arith.constant 46 : i32
      %swap3A_548 = arith.index_cast %swap3A_547 : i32 to index
      %swap3A_549 = arith.constant 0 : index
      %swap3A_550 = tpu.vector_load %arg10[%swap3A_548, %swap3A_549] {strides = array<i32>} : memref<128x128xf32, #tpu.memory_space<vmem>>, vector<1x16xf32>,
      %swap3A_551 = vector.shape_cast %swap3A_550 : vector<1x16xf32> to vector<16xf32>
      %swap3A_552 = vector.shape_cast %get3A_546 : vector<16xf32> to vector<1x16xf32>
      tpu.vector_store %arg10[%swap3A_548, %swap3A_549], %swap3A_552 {strides = array<i32>} : memref<128x128xf32, #tpu.memory_space<vmem>>, vector<1x16xf32>,
      %get3A_553 = arith.constant 5 : i32
      %get3A_554 = arith.index_cast %get3A_553 : i32 to index
      %get3A_555 = arith.constant 112 : index
      %get3A_556 = tpu.vector_load %arg8[%get3A_554, %get3A_555] {strides = array<i32>} : memref<16x128xf32, #tpu.memory_space<vmem>>, vector<1x16xf32>,
      %get3A_557 = vector.shape_cast %get3A_556 : vector<1x16xf32> to vector<16xf32>
      %swap3A_558 = arith.constant 47 : i32
      %swap3A_559 = arith.index_cast %swap3A_558 : i32 to index
      %swap3A_560 = arith.constant 0 : index
      %swap3A_561 = tpu.vector_load %arg10[%swap3A_559, %swap3A_560] {strides = array<i32>} : memref<128x128xf32, #tpu.memory_space<vmem>>, vector<1x16xf32>,
      %swap3A_562 = vector.shape_cast %swap3A_561 : vector<1x16xf32> to vector<16xf32>
      %swap3A_563 = vector.shape_cast %get3A_557 : vector<16xf32> to vector<1x16xf32>
      tpu.vector_store %arg10[%swap3A_559, %swap3A_560], %swap3A_563 {strides = array<i32>} : memref<128x128xf32, #tpu.memory_space<vmem>>, vector<1x16xf32>,
      %get3A_564 = arith.constant 6 : i32
      %get3A_565 = arith.index_cast %get3A_564 : i32 to index
      %get3A_566 = arith.constant 0 : index
      %get3A_567 = tpu.vector_load %arg8[%get3A_565, %get3A_566] {strides = array<i32>} : memref<16x128xf32, #tpu.memory_space<vmem>>, vector<1x16xf32>,
      %get3A_568 = vector.shape_cast %get3A_567 : vector<1x16xf32> to vector<16xf32>
      %swap3A_569 = arith.constant 48 : i32
      %swap3A_570 = arith.index_cast %swap3A_569 : i32 to index
      %swap3A_571 = arith.constant 0 : index
      %swap3A_572 = tpu.vector_load %arg10[%swap3A_570, %swap3A_571] {strides = array<i32>} : memref<128x128xf32, #tpu.memory_space<vmem>>, vector<1x16xf32>,
      %swap3A_573 = vector.shape_cast %swap3A_572 : vector<1x16xf32> to vector<16xf32>
      %swap3A_574 = vector.shape_cast %get3A_568 : vector<16xf32> to vector<1x16xf32>
      tpu.vector_store %arg10[%swap3A_570, %swap3A_571], %swap3A_574 {strides = array<i32>} : memref<128x128xf32, #tpu.memory_space<vmem>>, vector<1x16xf32>,
      %get3A_575 = arith.constant 6 : i32
      %get3A_576 = arith.index_cast %get3A_575 : i32 to index
      %get3A_577 = arith.constant 16 : index
      %get3A_578 = tpu.vector_load %arg8[%get3A_576, %get3A_577] {strides = array<i32>} : memref<16x128xf32, #tpu.memory_space<vmem>>, vector<1x16xf32>,
      %get3A_579 = vector.shape_cast %get3A_578 : vector<1x16xf32> to vector<16xf32>
      %swap3A_580 = arith.constant 49 : i32
      %swap3A_581 = arith.index_cast %swap3A_580 : i32 to index
      %swap3A_582 = arith.constant 0 : index
      %swap3A_583 = tpu.vector_load %arg10[%swap3A_581, %swap3A_582] {strides = array<i32>} : memref<128x128xf32, #tpu.memory_space<vmem>>, vector<1x16xf32>,
      %swap3A_584 = vector.shape_cast %swap3A_583 : vector<1x16xf32> to vector<16xf32>
      %swap3A_585 = vector.shape_cast %get3A_579 : vector<16xf32> to vector<1x16xf32>
      tpu.vector_store %arg10[%swap3A_581, %swap3A_582], %swap3A_585 {strides = array<i32>} : memref<128x128xf32, #tpu.memory_space<vmem>>, vector<1x16xf32>,
      %get3A_586 = arith.constant 6 : i32
      %get3A_587 = arith.index_cast %get3A_586 : i32 to index
      %get3A_588 = arith.constant 32 : index
      %get3A_589 = tpu.vector_load %arg8[%get3A_587, %get3A_588] {strides = array<i32>} : memref<16x128xf32, #tpu.memory_space<vmem>>, vector<1x16xf32>,
      %get3A_590 = vector.shape_cast %get3A_589 : vector<1x16xf32> to vector<16xf32>
      %swap3A_591 = arith.constant 50 : i32
      %swap3A_592 = arith.index_cast %swap3A_591 : i32 to index
      %swap3A_593 = arith.constant 0 : index
      %swap3A_594 = tpu.vector_load %arg10[%swap3A_592, %swap3A_593] {strides = array<i32>} : memref<128x128xf32, #tpu.memory_space<vmem>>, vector<1x16xf32>,
      %swap3A_595 = vector.shape_cast %swap3A_594 : vector<1x16xf32> to vector<16xf32>
      %swap3A_596 = vector.shape_cast %get3A_590 : vector<16xf32> to vector<1x16xf32>
      tpu.vector_store %arg10[%swap3A_592, %swap3A_593], %swap3A_596 {strides = array<i32>} : memref<128x128xf32, #tpu.memory_space<vmem>>, vector<1x16xf32>,
      %get3A_597 = arith.constant 6 : i32
      %get3A_598 = arith.index_cast %get3A_597 : i32 to index
      %get3A_599 = arith.constant 48 : index
      %get3A_600 = tpu.vector_load %arg8[%get3A_598, %get3A_599] {strides = array<i32>} : memref<16x128xf32, #tpu.memory_space<vmem>>, vector<1x16xf32>,
      %get3A_601 = vector.shape_cast %get3A_600 : vector<1x16xf32> to vector<16xf32>
      %swap3A_602 = arith.constant 51 : i32
      %swap3A_603 = arith.index_cast %swap3A_602 : i32 to index
      %swap3A_604 = arith.constant 0 : index
      %swap3A_605 = tpu.vector_load %arg10[%swap3A_603, %swap3A_604] {strides = array<i32>} : memref<128x128xf32, #tpu.memory_space<vmem>>, vector<1x16xf32>,
      %swap3A_606 = vector.shape_cast %swap3A_605 : vector<1x16xf32> to vector<16xf32>
      %swap3A_607 = vector.shape_cast %get3A_601 : vector<16xf32> to vector<1x16xf32>
      tpu.vector_store %arg10[%swap3A_603, %swap3A_604], %swap3A_607 {strides = array<i32>} : memref<128x128xf32, #tpu.memory_space<vmem>>, vector<1x16xf32>,
      %get3A_608 = arith.constant 6 : i32
      %get3A_609 = arith.index_cast %get3A_608 : i32 to index
      %get3A_610 = arith.constant 64 : index
      %get3A_611 = tpu.vector_load %arg8[%get3A_609, %get3A_610] {strides = array<i32>} : memref<16x128xf32, #tpu.memory_space<vmem>>, vector<1x16xf32>,
      %get3A_612 = vector.shape_cast %get3A_611 : vector<1x16xf32> to vector<16xf32>
      %swap3A_613 = arith.constant 52 : i32
      %swap3A_614 = arith.index_cast %swap3A_613 : i32 to index
      %swap3A_615 = arith.constant 0 : index
      %swap3A_616 = tpu.vector_load %arg10[%swap3A_614, %swap3A_615] {strides = array<i32>} : memref<128x128xf32, #tpu.memory_space<vmem>>, vector<1x16xf32>,
      %swap3A_617 = vector.shape_cast %swap3A_616 : vector<1x16xf32> to vector<16xf32>
      %swap3A_618 = vector.shape_cast %get3A_612 : vector<16xf32> to vector<1x16xf32>
      tpu.vector_store %arg10[%swap3A_614, %swap3A_615], %swap3A_618 {strides = array<i32>} : memref<128x128xf32, #tpu.memory_space<vmem>>, vector<1x16xf32>,
      %get3A_619 = arith.constant 6 : i32
      %get3A_620 = arith.index_cast %get3A_619 : i32 to index
      %get3A_621 = arith.constant 80 : index
      %get3A_622 = tpu.vector_load %arg8[%get3A_620, %get3A_621] {strides = array<i32>} : memref<16x128xf32, #tpu.memory_space<vmem>>, vector<1x16xf32>,
      %get3A_623 = vector.shape_cast %get3A_622 : vector<1x16xf32> to vector<16xf32>
      %swap3A_624 = arith.constant 53 : i32
      %swap3A_625 = arith.index_cast %swap3A_624 : i32 to index
      %swap3A_626 = arith.constant 0 : index
      %swap3A_627 = tpu.vector_load %arg10[%swap3A_625, %swap3A_626] {strides = array<i32>} : memref<128x128xf32, #tpu.memory_space<vmem>>, vector<1x16xf32>,
      %swap3A_628 = vector.shape_cast %swap3A_627 : vector<1x16xf32> to vector<16xf32>
      %swap3A_629 = vector.shape_cast %get3A_623 : vector<16xf32> to vector<1x16xf32>
      tpu.vector_store %arg10[%swap3A_625, %swap3A_626], %swap3A_629 {strides = array<i32>} : memref<128x128xf32, #tpu.memory_space<vmem>>, vector<1x16xf32>,
      %get3A_630 = arith.constant 6 : i32
      %get3A_631 = arith.index_cast %get3A_630 : i32 to index
      %get3A_632 = arith.constant 96 : index
      %get3A_633 = tpu.vector_load %arg8[%get3A_631, %get3A_632] {strides = array<i32>} : memref<16x128xf32, #tpu.memory_space<vmem>>, vector<1x16xf32>,
      %get3A_634 = vector.shape_cast %get3A_633 : vector<1x16xf32> to vector<16xf32>
      %swap3A_635 = arith.constant 54 : i32
      %swap3A_636 = arith.index_cast %swap3A_635 : i32 to index
      %swap3A_637 = arith.constant 0 : index
      %swap3A_638 = tpu.vector_load %arg10[%swap3A_636, %swap3A_637] {strides = array<i32>} : memref<128x128xf32, #tpu.memory_space<vmem>>, vector<1x16xf32>,
      %swap3A_639 = vector.shape_cast %swap3A_638 : vector<1x16xf32> to vector<16xf32>
      %swap3A_640 = vector.shape_cast %get3A_634 : vector<16xf32> to vector<1x16xf32>
      tpu.vector_store %arg10[%swap3A_636, %swap3A_637], %swap3A_640 {strides = array<i32>} : memref<128x128xf32, #tpu.memory_space<vmem>>, vector<1x16xf32>,
      %get3A_641 = arith.constant 6 : i32
      %get3A_642 = arith.index_cast %get3A_641 : i32 to index
      %get3A_643 = arith.constant 112 : index
      %get3A_644 = tpu.vector_load %arg8[%get3A_642, %get3A_643] {strides = array<i32>} : memref<16x128xf32, #tpu.memory_space<vmem>>, vector<1x16xf32>,
      %get3A_645 = vector.shape_cast %get3A_644 : vector<1x16xf32> to vector<16xf32>
      %swap3A_646 = arith.constant 55 : i32
      %swap3A_647 = arith.index_cast %swap3A_646 : i32 to index
      %swap3A_648 = arith.constant 0 : index
      %swap3A_649 = tpu.vector_load %arg10[%swap3A_647, %swap3A_648] {strides = array<i32>} : memref<128x128xf32, #tpu.memory_space<vmem>>, vector<1x16xf32>,
      %swap3A_650 = vector.shape_cast %swap3A_649 : vector<1x16xf32> to vector<16xf32>
      %swap3A_651 = vector.shape_cast %get3A_645 : vector<16xf32> to vector<1x16xf32>
      tpu.vector_store %arg10[%swap3A_647, %swap3A_648], %swap3A_651 {strides = array<i32>} : memref<128x128xf32, #tpu.memory_space<vmem>>, vector<1x16xf32>,
      %get3A_652 = arith.constant 7 : i32
      %get3A_653 = arith.index_cast %get3A_652 : i32 to index
      %get3A_654 = arith.constant 0 : index
      %get3A_655 = tpu.vector_load %arg8[%get3A_653, %get3A_654] {strides = array<i32>} : memref<16x128xf32, #tpu.memory_space<vmem>>, vector<1x16xf32>,
      %get3A_656 = vector.shape_cast %get3A_655 : vector<1x16xf32> to vector<16xf32>
      %swap3A_657 = arith.constant 56 : i32
      %swap3A_658 = arith.index_cast %swap3A_657 : i32 to index
      %swap3A_659 = arith.constant 0 : index
      %swap3A_660 = tpu.vector_load %arg10[%swap3A_658, %swap3A_659] {strides = array<i32>} : memref<128x128xf32, #tpu.memory_space<vmem>>, vector<1x16xf32>,
      %swap3A_661 = vector.shape_cast %swap3A_660 : vector<1x16xf32> to vector<16xf32>
      %swap3A_662 = vector.shape_cast %get3A_656 : vector<16xf32> to vector<1x16xf32>
      tpu.vector_store %arg10[%swap3A_658, %swap3A_659], %swap3A_662 {strides = array<i32>} : memref<128x128xf32, #tpu.memory_space<vmem>>, vector<1x16xf32>,
      %get3A_663 = arith.constant 7 : i32
      %get3A_664 = arith.index_cast %get3A_663 : i32 to index
      %get3A_665 = arith.constant 16 : index
      %get3A_666 = tpu.vector_load %arg8[%get3A_664, %get3A_665] {strides = array<i32>} : memref<16x128xf32, #tpu.memory_space<vmem>>, vector<1x16xf32>,
      %get3A_667 = vector.shape_cast %get3A_666 : vector<1x16xf32> to vector<16xf32>
      %swap3A_668 = arith.constant 57 : i32
      %swap3A_669 = arith.index_cast %swap3A_668 : i32 to index
      %swap3A_670 = arith.constant 0 : index
      %swap3A_671 = tpu.vector_load %arg10[%swap3A_669, %swap3A_670] {strides = array<i32>} : memref<128x128xf32, #tpu.memory_space<vmem>>, vector<1x16xf32>,
      %swap3A_672 = vector.shape_cast %swap3A_671 : vector<1x16xf32> to vector<16xf32>
      %swap3A_673 = vector.shape_cast %get3A_667 : vector<16xf32> to vector<1x16xf32>
      tpu.vector_store %arg10[%swap3A_669, %swap3A_670], %swap3A_673 {strides = array<i32>} : memref<128x128xf32, #tpu.memory_space<vmem>>, vector<1x16xf32>,
      %get3A_674 = arith.constant 7 : i32
      %get3A_675 = arith.index_cast %get3A_674 : i32 to index
      %get3A_676 = arith.constant 32 : index
      %get3A_677 = tpu.vector_load %arg8[%get3A_675, %get3A_676] {strides = array<i32>} : memref<16x128xf32, #tpu.memory_space<vmem>>, vector<1x16xf32>,
      %get3A_678 = vector.shape_cast %get3A_677 : vector<1x16xf32> to vector<16xf32>
      %swap3A_679 = arith.constant 58 : i32
      %swap3A_680 = arith.index_cast %swap3A_679 : i32 to index
      %swap3A_681 = arith.constant 0 : index
      %swap3A_682 = tpu.vector_load %arg10[%swap3A_680, %swap3A_681] {strides = array<i32>} : memref<128x128xf32, #tpu.memory_space<vmem>>, vector<1x16xf32>,
      %swap3A_683 = vector.shape_cast %swap3A_682 : vector<1x16xf32> to vector<16xf32>
      %swap3A_684 = vector.shape_cast %get3A_678 : vector<16xf32> to vector<1x16xf32>
      tpu.vector_store %arg10[%swap3A_680, %swap3A_681], %swap3A_684 {strides = array<i32>} : memref<128x128xf32, #tpu.memory_space<vmem>>, vector<1x16xf32>,
      %get3A_685 = arith.constant 7 : i32
      %get3A_686 = arith.index_cast %get3A_685 : i32 to index
      %get3A_687 = arith.constant 48 : index
      %get3A_688 = tpu.vector_load %arg8[%get3A_686, %get3A_687] {strides = array<i32>} : memref<16x128xf32, #tpu.memory_space<vmem>>, vector<1x16xf32>,
      %get3A_689 = vector.shape_cast %get3A_688 : vector<1x16xf32> to vector<16xf32>
      %swap3A_690 = arith.constant 59 : i32
      %swap3A_691 = arith.index_cast %swap3A_690 : i32 to index
      %swap3A_692 = arith.constant 0 : index
      %swap3A_693 = tpu.vector_load %arg10[%swap3A_691, %swap3A_692] {strides = array<i32>} : memref<128x128xf32, #tpu.memory_space<vmem>>, vector<1x16xf32>,
      %swap3A_694 = vector.shape_cast %swap3A_693 : vector<1x16xf32> to vector<16xf32>
      %swap3A_695 = vector.shape_cast %get3A_689 : vector<16xf32> to vector<1x16xf32>
      tpu.vector_store %arg10[%swap3A_691, %swap3A_692], %swap3A_695 {strides = array<i32>} : memref<128x128xf32, #tpu.memory_space<vmem>>, vector<1x16xf32>,
      %get3A_696 = arith.constant 7 : i32
      %get3A_697 = arith.index_cast %get3A_696 : i32 to index
      %get3A_698 = arith.constant 64 : index
      %get3A_699 = tpu.vector_load %arg8[%get3A_697, %get3A_698] {strides = array<i32>} : memref<16x128xf32, #tpu.memory_space<vmem>>, vector<1x16xf32>,
      %get3A_700 = vector.shape_cast %get3A_699 : vector<1x16xf32> to vector<16xf32>
      %swap3A_701 = arith.constant 60 : i32
      %swap3A_702 = arith.index_cast %swap3A_701 : i32 to index
      %swap3A_703 = arith.constant 0 : index
      %swap3A_704 = tpu.vector_load %arg10[%swap3A_702, %swap3A_703] {strides = array<i32>} : memref<128x128xf32, #tpu.memory_space<vmem>>, vector<1x16xf32>,
      %swap3A_705 = vector.shape_cast %swap3A_704 : vector<1x16xf32> to vector<16xf32>
      %swap3A_706 = vector.shape_cast %get3A_700 : vector<16xf32> to vector<1x16xf32>
      tpu.vector_store %arg10[%swap3A_702, %swap3A_703], %swap3A_706 {strides = array<i32>} : memref<128x128xf32, #tpu.memory_space<vmem>>, vector<1x16xf32>,
      %get3A_707 = arith.constant 7 : i32
      %get3A_708 = arith.index_cast %get3A_707 : i32 to index
      %get3A_709 = arith.constant 80 : index
      %get3A_710 = tpu.vector_load %arg8[%get3A_708, %get3A_709] {strides = array<i32>} : memref<16x128xf32, #tpu.memory_space<vmem>>, vector<1x16xf32>,
      %get3A_711 = vector.shape_cast %get3A_710 : vector<1x16xf32> to vector<16xf32>
      %swap3A_712 = arith.constant 61 : i32
      %swap3A_713 = arith.index_cast %swap3A_712 : i32 to index
      %swap3A_714 = arith.constant 0 : index
      %swap3A_715 = tpu.vector_load %arg10[%swap3A_713, %swap3A_714] {strides = array<i32>} : memref<128x128xf32, #tpu.memory_space<vmem>>, vector<1x16xf32>,
      %swap3A_716 = vector.shape_cast %swap3A_715 : vector<1x16xf32> to vector<16xf32>
      %swap3A_717 = vector.shape_cast %get3A_711 : vector<16xf32> to vector<1x16xf32>
      tpu.vector_store %arg10[%swap3A_713, %swap3A_714], %swap3A_717 {strides = array<i32>} : memref<128x128xf32, #tpu.memory_space<vmem>>, vector<1x16xf32>,
      %get3A_718 = arith.constant 7 : i32
      %get3A_719 = arith.index_cast %get3A_718 : i32 to index
      %get3A_720 = arith.constant 96 : index
      %get3A_721 = tpu.vector_load %arg8[%get3A_719, %get3A_720] {strides = array<i32>} : memref<16x128xf32, #tpu.memory_space<vmem>>, vector<1x16xf32>,
      %get3A_722 = vector.shape_cast %get3A_721 : vector<1x16xf32> to vector<16xf32>
      %swap3A_723 = arith.constant 62 : i32
      %swap3A_724 = arith.index_cast %swap3A_723 : i32 to index
      %swap3A_725 = arith.constant 0 : index
      %swap3A_726 = tpu.vector_load %arg10[%swap3A_724, %swap3A_725] {strides = array<i32>} : memref<128x128xf32, #tpu.memory_space<vmem>>, vector<1x16xf32>,
      %swap3A_727 = vector.shape_cast %swap3A_726 : vector<1x16xf32> to vector<16xf32>
      %swap3A_728 = vector.shape_cast %get3A_722 : vector<16xf32> to vector<1x16xf32>
      tpu.vector_store %arg10[%swap3A_724, %swap3A_725], %swap3A_728 {strides = array<i32>} : memref<128x128xf32, #tpu.memory_space<vmem>>, vector<1x16xf32>,
      %get3A_729 = arith.constant 7 : i32
      %get3A_730 = arith.index_cast %get3A_729 : i32 to index
      %get3A_731 = arith.constant 112 : index
      %get3A_732 = tpu.vector_load %arg8[%get3A_730, %get3A_731] {strides = array<i32>} : memref<16x128xf32, #tpu.memory_space<vmem>>, vector<1x16xf32>,
      %get3A_733 = vector.shape_cast %get3A_732 : vector<1x16xf32> to vector<16xf32>
      %swap3A_734 = arith.constant 63 : i32
      %swap3A_735 = arith.index_cast %swap3A_734 : i32 to index
      %swap3A_736 = arith.constant 0 : index
      %swap3A_737 = tpu.vector_load %arg10[%swap3A_735, %swap3A_736] {strides = array<i32>} : memref<128x128xf32, #tpu.memory_space<vmem>>, vector<1x16xf32>,
      %swap3A_738 = vector.shape_cast %swap3A_737 : vector<1x16xf32> to vector<16xf32>
      %swap3A_739 = vector.shape_cast %get3A_733 : vector<16xf32> to vector<1x16xf32>
      tpu.vector_store %arg10[%swap3A_735, %swap3A_736], %swap3A_739 {strides = array<i32>} : memref<128x128xf32, #tpu.memory_space<vmem>>, vector<1x16xf32>,
      %get3A_740 = arith.constant 8 : i32
      %get3A_741 = arith.index_cast %get3A_740 : i32 to index
      %get3A_742 = arith.constant 0 : index
      %get3A_743 = tpu.vector_load %arg8[%get3A_741, %get3A_742] {strides = array<i32>} : memref<16x128xf32, #tpu.memory_space<vmem>>, vector<1x16xf32>,
      %get3A_744 = vector.shape_cast %get3A_743 : vector<1x16xf32> to vector<16xf32>
      %swap3A_745 = arith.constant 64 : i32
      %swap3A_746 = arith.index_cast %swap3A_745 : i32 to index
      %swap3A_747 = arith.constant 0 : index
      %swap3A_748 = tpu.vector_load %arg10[%swap3A_746, %swap3A_747] {strides = array<i32>} : memref<128x128xf32, #tpu.memory_space<vmem>>, vector<1x16xf32>,
      %swap3A_749 = vector.shape_cast %swap3A_748 : vector<1x16xf32> to vector<16xf32>
      %swap3A_750 = vector.shape_cast %get3A_744 : vector<16xf32> to vector<1x16xf32>
      tpu.vector_store %arg10[%swap3A_746, %swap3A_747], %swap3A_750 {strides = array<i32>} : memref<128x128xf32, #tpu.memory_space<vmem>>, vector<1x16xf32>,
      %get3A_751 = arith.constant 8 : i32
      %get3A_752 = arith.index_cast %get3A_751 : i32 to index
      %get3A_753 = arith.constant 16 : index
      %get3A_754 = tpu.vector_load %arg8[%get3A_752, %get3A_753] {strides = array<i32>} : memref<16x128xf32, #tpu.memory_space<vmem>>, vector<1x16xf32>,
      %get3A_755 = vector.shape_cast %get3A_754 : vector<1x16xf32> to vector<16xf32>
      %swap3A_756 = arith.constant 65 : i32
      %swap3A_757 = arith.index_cast %swap3A_756 : i32 to index
      %swap3A_758 = arith.constant 0 : index
      %swap3A_759 = tpu.vector_load %arg10[%swap3A_757, %swap3A_758] {strides = array<i32>} : memref<128x128xf32, #tpu.memory_space<vmem>>, vector<1x16xf32>,
      %swap3A_760 = vector.shape_cast %swap3A_759 : vector<1x16xf32> to vector<16xf32>
      %swap3A_761 = vector.shape_cast %get3A_755 : vector<16xf32> to vector<1x16xf32>
      tpu.vector_store %arg10[%swap3A_757, %swap3A_758], %swap3A_761 {strides = array<i32>} : memref<128x128xf32, #tpu.memory_space<vmem>>, vector<1x16xf32>,
      %get3A_762 = arith.constant 8 : i32
      %get3A_763 = arith.index_cast %get3A_762 : i32 to index
      %get3A_764 = arith.constant 32 : index
      %get3A_765 = tpu.vector_load %arg8[%get3A_763, %get3A_764] {strides = array<i32>} : memref<16x128xf32, #tpu.memory_space<vmem>>, vector<1x16xf32>,
      %get3A_766 = vector.shape_cast %get3A_765 : vector<1x16xf32> to vector<16xf32>
      %swap3A_767 = arith.constant 66 : i32
      %swap3A_768 = arith.index_cast %swap3A_767 : i32 to index
      %swap3A_769 = arith.constant 0 : index
      %swap3A_770 = tpu.vector_load %arg10[%swap3A_768, %swap3A_769] {strides = array<i32>} : memref<128x128xf32, #tpu.memory_space<vmem>>, vector<1x16xf32>,
      %swap3A_771 = vector.shape_cast %swap3A_770 : vector<1x16xf32> to vector<16xf32>
      %swap3A_772 = vector.shape_cast %get3A_766 : vector<16xf32> to vector<1x16xf32>
      tpu.vector_store %arg10[%swap3A_768, %swap3A_769], %swap3A_772 {strides = array<i32>} : memref<128x128xf32, #tpu.memory_space<vmem>>, vector<1x16xf32>,
      %get3A_773 = arith.constant 8 : i32
      %get3A_774 = arith.index_cast %get3A_773 : i32 to index
      %get3A_775 = arith.constant 48 : index
      %get3A_776 = tpu.vector_load %arg8[%get3A_774, %get3A_775] {strides = array<i32>} : memref<16x128xf32, #tpu.memory_space<vmem>>, vector<1x16xf32>,
      %get3A_777 = vector.shape_cast %get3A_776 : vector<1x16xf32> to vector<16xf32>
      %swap3A_778 = arith.constant 67 : i32
      %swap3A_779 = arith.index_cast %swap3A_778 : i32 to index
      %swap3A_780 = arith.constant 0 : index
      %swap3A_781 = tpu.vector_load %arg10[%swap3A_779, %swap3A_780] {strides = array<i32>} : memref<128x128xf32, #tpu.memory_space<vmem>>, vector<1x16xf32>,
      %swap3A_782 = vector.shape_cast %swap3A_781 : vector<1x16xf32> to vector<16xf32>
      %swap3A_783 = vector.shape_cast %get3A_777 : vector<16xf32> to vector<1x16xf32>
      tpu.vector_store %arg10[%swap3A_779, %swap3A_780], %swap3A_783 {strides = array<i32>} : memref<128x128xf32, #tpu.memory_space<vmem>>, vector<1x16xf32>,
      %get3A_784 = arith.constant 8 : i32
      %get3A_785 = arith.index_cast %get3A_784 : i32 to index
      %get3A_786 = arith.constant 64 : index
      %get3A_787 = tpu.vector_load %arg8[%get3A_785, %get3A_786] {strides = array<i32>} : memref<16x128xf32, #tpu.memory_space<vmem>>, vector<1x16xf32>,
      %get3A_788 = vector.shape_cast %get3A_787 : vector<1x16xf32> to vector<16xf32>
      %swap3A_789 = arith.constant 68 : i32
      %swap3A_790 = arith.index_cast %swap3A_789 : i32 to index
      %swap3A_791 = arith.constant 0 : index
      %swap3A_792 = tpu.vector_load %arg10[%swap3A_790, %swap3A_791] {strides = array<i32>} : memref<128x128xf32, #tpu.memory_space<vmem>>, vector<1x16xf32>,
      %swap3A_793 = vector.shape_cast %swap3A_792 : vector<1x16xf32> to vector<16xf32>
      %swap3A_794 = vector.shape_cast %get3A_788 : vector<16xf32> to vector<1x16xf32>
      tpu.vector_store %arg10[%swap3A_790, %swap3A_791], %swap3A_794 {strides = array<i32>} : memref<128x128xf32, #tpu.memory_space<vmem>>, vector<1x16xf32>,
      %get3A_795 = arith.constant 8 : i32
      %get3A_796 = arith.index_cast %get3A_795 : i32 to index
      %get3A_797 = arith.constant 80 : index
      %get3A_798 = tpu.vector_load %arg8[%get3A_796, %get3A_797] {strides = array<i32>} : memref<16x128xf32, #tpu.memory_space<vmem>>, vector<1x16xf32>,
      %get3A_799 = vector.shape_cast %get3A_798 : vector<1x16xf32> to vector<16xf32>
      %swap3A_800 = arith.constant 69 : i32
      %swap3A_801 = arith.index_cast %swap3A_800 : i32 to index
      %swap3A_802 = arith.constant 0 : index
      %swap3A_803 = tpu.vector_load %arg10[%swap3A_801, %swap3A_802] {strides = array<i32>} : memref<128x128xf32, #tpu.memory_space<vmem>>, vector<1x16xf32>,
      %swap3A_804 = vector.shape_cast %swap3A_803 : vector<1x16xf32> to vector<16xf32>
      %swap3A_805 = vector.shape_cast %get3A_799 : vector<16xf32> to vector<1x16xf32>
      tpu.vector_store %arg10[%swap3A_801, %swap3A_802], %swap3A_805 {strides = array<i32>} : memref<128x128xf32, #tpu.memory_space<vmem>>, vector<1x16xf32>,
      %get3A_806 = arith.constant 8 : i32
      %get3A_807 = arith.index_cast %get3A_806 : i32 to index
      %get3A_808 = arith.constant 96 : index
      %get3A_809 = tpu.vector_load %arg8[%get3A_807, %get3A_808] {strides = array<i32>} : memref<16x128xf32, #tpu.memory_space<vmem>>, vector<1x16xf32>,
      %get3A_810 = vector.shape_cast %get3A_809 : vector<1x16xf32> to vector<16xf32>
      %swap3A_811 = arith.constant 70 : i32
      %swap3A_812 = arith.index_cast %swap3A_811 : i32 to index
      %swap3A_813 = arith.constant 0 : index
      %swap3A_814 = tpu.vector_load %arg10[%swap3A_812, %swap3A_813] {strides = array<i32>} : memref<128x128xf32, #tpu.memory_space<vmem>>, vector<1x16xf32>,
      %swap3A_815 = vector.shape_cast %swap3A_814 : vector<1x16xf32> to vector<16xf32>
      %swap3A_816 = vector.shape_cast %get3A_810 : vector<16xf32> to vector<1x16xf32>
      tpu.vector_store %arg10[%swap3A_812, %swap3A_813], %swap3A_816 {strides = array<i32>} : memref<128x128xf32, #tpu.memory_space<vmem>>, vector<1x16xf32>,
      %get3A_817 = arith.constant 8 : i32
      %get3A_818 = arith.index_cast %get3A_817 : i32 to index
      %get3A_819 = arith.constant 112 : index
      %get3A_820 = tpu.vector_load %arg8[%get3A_818, %get3A_819] {strides = array<i32>} : memref<16x128xf32, #tpu.memory_space<vmem>>, vector<1x16xf32>,
      %get3A_821 = vector.shape_cast %get3A_820 : vector<1x16xf32> to vector<16xf32>
      %swap3A_822 = arith.constant 71 : i32
      %swap3A_823 = arith.index_cast %swap3A_822 : i32 to index
      %swap3A_824 = arith.constant 0 : index
      %swap3A_825 = tpu.vector_load %arg10[%swap3A_823, %swap3A_824] {strides = array<i32>} : memref<128x128xf32, #tpu.memory_space<vmem>>, vector<1x16xf32>,
      %swap3A_826 = vector.shape_cast %swap3A_825 : vector<1x16xf32> to vector<16xf32>
      %swap3A_827 = vector.shape_cast %get3A_821 : vector<16xf32> to vector<1x16xf32>
      tpu.vector_store %arg10[%swap3A_823, %swap3A_824], %swap3A_827 {strides = array<i32>} : memref<128x128xf32, #tpu.memory_space<vmem>>, vector<1x16xf32>,
      %get3A_828 = arith.constant 9 : i32
      %get3A_829 = arith.index_cast %get3A_828 : i32 to index
      %get3A_830 = arith.constant 0 : index
      %get3A_831 = tpu.vector_load %arg8[%get3A_829, %get3A_830] {strides = array<i32>} : memref<16x128xf32, #tpu.memory_space<vmem>>, vector<1x16xf32>,
      %get3A_832 = vector.shape_cast %get3A_831 : vector<1x16xf32> to vector<16xf32>
      %swap3A_833 = arith.constant 72 : i32
      %swap3A_834 = arith.index_cast %swap3A_833 : i32 to index
      %swap3A_835 = arith.constant 0 : index
      %swap3A_836 = tpu.vector_load %arg10[%swap3A_834, %swap3A_835] {strides = array<i32>} : memref<128x128xf32, #tpu.memory_space<vmem>>, vector<1x16xf32>,
      %swap3A_837 = vector.shape_cast %swap3A_836 : vector<1x16xf32> to vector<16xf32>
      %swap3A_838 = vector.shape_cast %get3A_832 : vector<16xf32> to vector<1x16xf32>
      tpu.vector_store %arg10[%swap3A_834, %swap3A_835], %swap3A_838 {strides = array<i32>} : memref<128x128xf32, #tpu.memory_space<vmem>>, vector<1x16xf32>,
      %get3A_839 = arith.constant 9 : i32
      %get3A_840 = arith.index_cast %get3A_839 : i32 to index
      %get3A_841 = arith.constant 16 : index
      %get3A_842 = tpu.vector_load %arg8[%get3A_840, %get3A_841] {strides = array<i32>} : memref<16x128xf32, #tpu.memory_space<vmem>>, vector<1x16xf32>,
      %get3A_843 = vector.shape_cast %get3A_842 : vector<1x16xf32> to vector<16xf32>
      %swap3A_844 = arith.constant 73 : i32
      %swap3A_845 = arith.index_cast %swap3A_844 : i32 to index
      %swap3A_846 = arith.constant 0 : index
      %swap3A_847 = tpu.vector_load %arg10[%swap3A_845, %swap3A_846] {strides = array<i32>} : memref<128x128xf32, #tpu.memory_space<vmem>>, vector<1x16xf32>,
      %swap3A_848 = vector.shape_cast %swap3A_847 : vector<1x16xf32> to vector<16xf32>
      %swap3A_849 = vector.shape_cast %get3A_843 : vector<16xf32> to vector<1x16xf32>
      tpu.vector_store %arg10[%swap3A_845, %swap3A_846], %swap3A_849 {strides = array<i32>} : memref<128x128xf32, #tpu.memory_space<vmem>>, vector<1x16xf32>,
      %get3A_850 = arith.constant 9 : i32
      %get3A_851 = arith.index_cast %get3A_850 : i32 to index
      %get3A_852 = arith.constant 32 : index
      %get3A_853 = tpu.vector_load %arg8[%get3A_851, %get3A_852] {strides = array<i32>} : memref<16x128xf32, #tpu.memory_space<vmem>>, vector<1x16xf32>,
      %get3A_854 = vector.shape_cast %get3A_853 : vector<1x16xf32> to vector<16xf32>
      %swap3A_855 = arith.constant 74 : i32
      %swap3A_856 = arith.index_cast %swap3A_855 : i32 to index
      %swap3A_857 = arith.constant 0 : index
      %swap3A_858 = tpu.vector_load %arg10[%swap3A_856, %swap3A_857] {strides = array<i32>} : memref<128x128xf32, #tpu.memory_space<vmem>>, vector<1x16xf32>,
      %swap3A_859 = vector.shape_cast %swap3A_858 : vector<1x16xf32> to vector<16xf32>
      %swap3A_860 = vector.shape_cast %get3A_854 : vector<16xf32> to vector<1x16xf32>
      tpu.vector_store %arg10[%swap3A_856, %swap3A_857], %swap3A_860 {strides = array<i32>} : memref<128x128xf32, #tpu.memory_space<vmem>>, vector<1x16xf32>,
      %get3A_861 = arith.constant 9 : i32
      %get3A_862 = arith.index_cast %get3A_861 : i32 to index
      %get3A_863 = arith.constant 48 : index
      %get3A_864 = tpu.vector_load %arg8[%get3A_862, %get3A_863] {strides = array<i32>} : memref<16x128xf32, #tpu.memory_space<vmem>>, vector<1x16xf32>,
      %get3A_865 = vector.shape_cast %get3A_864 : vector<1x16xf32> to vector<16xf32>
      %swap3A_866 = arith.constant 75 : i32
      %swap3A_867 = arith.index_cast %swap3A_866 : i32 to index
      %swap3A_868 = arith.constant 0 : index
      %swap3A_869 = tpu.vector_load %arg10[%swap3A_867, %swap3A_868] {strides = array<i32>} : memref<128x128xf32, #tpu.memory_space<vmem>>, vector<1x16xf32>,
      %swap3A_870 = vector.shape_cast %swap3A_869 : vector<1x16xf32> to vector<16xf32>
      %swap3A_871 = vector.shape_cast %get3A_865 : vector<16xf32> to vector<1x16xf32>
      tpu.vector_store %arg10[%swap3A_867, %swap3A_868], %swap3A_871 {strides = array<i32>} : memref<128x128xf32, #tpu.memory_space<vmem>>, vector<1x16xf32>,
      %get3A_872 = arith.constant 9 : i32
      %get3A_873 = arith.index_cast %get3A_872 : i32 to index
      %get3A_874 = arith.constant 64 : index
      %get3A_875 = tpu.vector_load %arg8[%get3A_873, %get3A_874] {strides = array<i32>} : memref<16x128xf32, #tpu.memory_space<vmem>>, vector<1x16xf32>,
      %get3A_876 = vector.shape_cast %get3A_875 : vector<1x16xf32> to vector<16xf32>
      %swap3A_877 = arith.constant 76 : i32
      %swap3A_878 = arith.index_cast %swap3A_877 : i32 to index
      %swap3A_879 = arith.constant 0 : index
      %swap3A_880 = tpu.vector_load %arg10[%swap3A_878, %swap3A_879] {strides = array<i32>} : memref<128x128xf32, #tpu.memory_space<vmem>>, vector<1x16xf32>,
      %swap3A_881 = vector.shape_cast %swap3A_880 : vector<1x16xf32> to vector<16xf32>
      %swap3A_882 = vector.shape_cast %get3A_876 : vector<16xf32> to vector<1x16xf32>
      tpu.vector_store %arg10[%swap3A_878, %swap3A_879], %swap3A_882 {strides = array<i32>} : memref<128x128xf32, #tpu.memory_space<vmem>>, vector<1x16xf32>,
      %get3A_883 = arith.constant 9 : i32
      %get3A_884 = arith.index_cast %get3A_883 : i32 to index
      %get3A_885 = arith.constant 80 : index
      %get3A_886 = tpu.vector_load %arg8[%get3A_884, %get3A_885] {strides = array<i32>} : memref<16x128xf32, #tpu.memory_space<vmem>>, vector<1x16xf32>,
      %get3A_887 = vector.shape_cast %get3A_886 : vector<1x16xf32> to vector<16xf32>
      %swap3A_888 = arith.constant 77 : i32
      %swap3A_889 = arith.index_cast %swap3A_888 : i32 to index
      %swap3A_890 = arith.constant 0 : index
      %swap3A_891 = tpu.vector_load %arg10[%swap3A_889, %swap3A_890] {strides = array<i32>} : memref<128x128xf32, #tpu.memory_space<vmem>>, vector<1x16xf32>,
      %swap3A_892 = vector.shape_cast %swap3A_891 : vector<1x16xf32> to vector<16xf32>
      %swap3A_893 = vector.shape_cast %get3A_887 : vector<16xf32> to vector<1x16xf32>
      tpu.vector_store %arg10[%swap3A_889, %swap3A_890], %swap3A_893 {strides = array<i32>} : memref<128x128xf32, #tpu.memory_space<vmem>>, vector<1x16xf32>,
      %get3A_894 = arith.constant 9 : i32
      %get3A_895 = arith.index_cast %get3A_894 : i32 to index
      %get3A_896 = arith.constant 96 : index
      %get3A_897 = tpu.vector_load %arg8[%get3A_895, %get3A_896] {strides = array<i32>} : memref<16x128xf32, #tpu.memory_space<vmem>>, vector<1x16xf32>,
      %get3A_898 = vector.shape_cast %get3A_897 : vector<1x16xf32> to vector<16xf32>
      %swap3A_899 = arith.constant 78 : i32
      %swap3A_900 = arith.index_cast %swap3A_899 : i32 to index
      %swap3A_901 = arith.constant 0 : index
      %swap3A_902 = tpu.vector_load %arg10[%swap3A_900, %swap3A_901] {strides = array<i32>} : memref<128x128xf32, #tpu.memory_space<vmem>>, vector<1x16xf32>,
      %swap3A_903 = vector.shape_cast %swap3A_902 : vector<1x16xf32> to vector<16xf32>
      %swap3A_904 = vector.shape_cast %get3A_898 : vector<16xf32> to vector<1x16xf32>
      tpu.vector_store %arg10[%swap3A_900, %swap3A_901], %swap3A_904 {strides = array<i32>} : memref<128x128xf32, #tpu.memory_space<vmem>>, vector<1x16xf32>,
      %get3A_905 = arith.constant 9 : i32
      %get3A_906 = arith.index_cast %get3A_905 : i32 to index
      %get3A_907 = arith.constant 112 : index
      %get3A_908 = tpu.vector_load %arg8[%get3A_906, %get3A_907] {strides = array<i32>} : memref<16x128xf32, #tpu.memory_space<vmem>>, vector<1x16xf32>,
      %get3A_909 = vector.shape_cast %get3A_908 : vector<1x16xf32> to vector<16xf32>
      %swap3A_910 = arith.constant 79 : i32
      %swap3A_911 = arith.index_cast %swap3A_910 : i32 to index
      %swap3A_912 = arith.constant 0 : index
      %swap3A_913 = tpu.vector_load %arg10[%swap3A_911, %swap3A_912] {strides = array<i32>} : memref<128x128xf32, #tpu.memory_space<vmem>>, vector<1x16xf32>,
      %swap3A_914 = vector.shape_cast %swap3A_913 : vector<1x16xf32> to vector<16xf32>
      %swap3A_915 = vector.shape_cast %get3A_909 : vector<16xf32> to vector<1x16xf32>
      tpu.vector_store %arg10[%swap3A_911, %swap3A_912], %swap3A_915 {strides = array<i32>} : memref<128x128xf32, #tpu.memory_space<vmem>>, vector<1x16xf32>,
      %get3A_916 = arith.constant 10 : i32
      %get3A_917 = arith.index_cast %get3A_916 : i32 to index
      %get3A_918 = arith.constant 0 : index
      %get3A_919 = tpu.vector_load %arg8[%get3A_917, %get3A_918] {strides = array<i32>} : memref<16x128xf32, #tpu.memory_space<vmem>>, vector<1x16xf32>,
      %get3A_920 = vector.shape_cast %get3A_919 : vector<1x16xf32> to vector<16xf32>
      %swap3A_921 = arith.constant 80 : i32
      %swap3A_922 = arith.index_cast %swap3A_921 : i32 to index
      %swap3A_923 = arith.constant 0 : index
      %swap3A_924 = tpu.vector_load %arg10[%swap3A_922, %swap3A_923] {strides = array<i32>} : memref<128x128xf32, #tpu.memory_space<vmem>>, vector<1x16xf32>,
      %swap3A_925 = vector.shape_cast %swap3A_924 : vector<1x16xf32> to vector<16xf32>
      %swap3A_926 = vector.shape_cast %get3A_920 : vector<16xf32> to vector<1x16xf32>
      tpu.vector_store %arg10[%swap3A_922, %swap3A_923], %swap3A_926 {strides = array<i32>} : memref<128x128xf32, #tpu.memory_space<vmem>>, vector<1x16xf32>,
      %get3A_927 = arith.constant 10 : i32
      %get3A_928 = arith.index_cast %get3A_927 : i32 to index
      %get3A_929 = arith.constant 16 : index
      %get3A_930 = tpu.vector_load %arg8[%get3A_928, %get3A_929] {strides = array<i32>} : memref<16x128xf32, #tpu.memory_space<vmem>>, vector<1x16xf32>,
      %get3A_931 = vector.shape_cast %get3A_930 : vector<1x16xf32> to vector<16xf32>
      %swap3A_932 = arith.constant 81 : i32
      %swap3A_933 = arith.index_cast %swap3A_932 : i32 to index
      %swap3A_934 = arith.constant 0 : index
      %swap3A_935 = tpu.vector_load %arg10[%swap3A_933, %swap3A_934] {strides = array<i32>} : memref<128x128xf32, #tpu.memory_space<vmem>>, vector<1x16xf32>,
      %swap3A_936 = vector.shape_cast %swap3A_935 : vector<1x16xf32> to vector<16xf32>
      %swap3A_937 = vector.shape_cast %get3A_931 : vector<16xf32> to vector<1x16xf32>
      tpu.vector_store %arg10[%swap3A_933, %swap3A_934], %swap3A_937 {strides = array<i32>} : memref<128x128xf32, #tpu.memory_space<vmem>>, vector<1x16xf32>,
      %get3A_938 = arith.constant 10 : i32
      %get3A_939 = arith.index_cast %get3A_938 : i32 to index
      %get3A_940 = arith.constant 32 : index
      %get3A_941 = tpu.vector_load %arg8[%get3A_939, %get3A_940] {strides = array<i32>} : memref<16x128xf32, #tpu.memory_space<vmem>>, vector<1x16xf32>,
      %get3A_942 = vector.shape_cast %get3A_941 : vector<1x16xf32> to vector<16xf32>
      %swap3A_943 = arith.constant 82 : i32
      %swap3A_944 = arith.index_cast %swap3A_943 : i32 to index
      %swap3A_945 = arith.constant 0 : index
      %swap3A_946 = tpu.vector_load %arg10[%swap3A_944, %swap3A_945] {strides = array<i32>} : memref<128x128xf32, #tpu.memory_space<vmem>>, vector<1x16xf32>,
      %swap3A_947 = vector.shape_cast %swap3A_946 : vector<1x16xf32> to vector<16xf32>
      %swap3A_948 = vector.shape_cast %get3A_942 : vector<16xf32> to vector<1x16xf32>
      tpu.vector_store %arg10[%swap3A_944, %swap3A_945], %swap3A_948 {strides = array<i32>} : memref<128x128xf32, #tpu.memory_space<vmem>>, vector<1x16xf32>,
      %get3A_949 = arith.constant 10 : i32
      %get3A_950 = arith.index_cast %get3A_949 : i32 to index
      %get3A_951 = arith.constant 48 : index
      %get3A_952 = tpu.vector_load %arg8[%get3A_950, %get3A_951] {strides = array<i32>} : memref<16x128xf32, #tpu.memory_space<vmem>>, vector<1x16xf32>,
      %get3A_953 = vector.shape_cast %get3A_952 : vector<1x16xf32> to vector<16xf32>
      %swap3A_954 = arith.constant 83 : i32
      %swap3A_955 = arith.index_cast %swap3A_954 : i32 to index
      %swap3A_956 = arith.constant 0 : index
      %swap3A_957 = tpu.vector_load %arg10[%swap3A_955, %swap3A_956] {strides = array<i32>} : memref<128x128xf32, #tpu.memory_space<vmem>>, vector<1x16xf32>,
      %swap3A_958 = vector.shape_cast %swap3A_957 : vector<1x16xf32> to vector<16xf32>
      %swap3A_959 = vector.shape_cast %get3A_953 : vector<16xf32> to vector<1x16xf32>
      tpu.vector_store %arg10[%swap3A_955, %swap3A_956], %swap3A_959 {strides = array<i32>} : memref<128x128xf32, #tpu.memory_space<vmem>>, vector<1x16xf32>,
      %get3A_960 = arith.constant 10 : i32
      %get3A_961 = arith.index_cast %get3A_960 : i32 to index
      %get3A_962 = arith.constant 64 : index
      %get3A_963 = tpu.vector_load %arg8[%get3A_961, %get3A_962] {strides = array<i32>} : memref<16x128xf32, #tpu.memory_space<vmem>>, vector<1x16xf32>,
      %get3A_964 = vector.shape_cast %get3A_963 : vector<1x16xf32> to vector<16xf32>
      %swap3A_965 = arith.constant 84 : i32
      %swap3A_966 = arith.index_cast %swap3A_965 : i32 to index
      %swap3A_967 = arith.constant 0 : index
      %swap3A_968 = tpu.vector_load %arg10[%swap3A_966, %swap3A_967] {strides = array<i32>} : memref<128x128xf32, #tpu.memory_space<vmem>>, vector<1x16xf32>,
      %swap3A_969 = vector.shape_cast %swap3A_968 : vector<1x16xf32> to vector<16xf32>
      %swap3A_970 = vector.shape_cast %get3A_964 : vector<16xf32> to vector<1x16xf32>
      tpu.vector_store %arg10[%swap3A_966, %swap3A_967], %swap3A_970 {strides = array<i32>} : memref<128x128xf32, #tpu.memory_space<vmem>>, vector<1x16xf32>,
      %get3A_971 = arith.constant 10 : i32
      %get3A_972 = arith.index_cast %get3A_971 : i32 to index
      %get3A_973 = arith.constant 80 : index
      %get3A_974 = tpu.vector_load %arg8[%get3A_972, %get3A_973] {strides = array<i32>} : memref<16x128xf32, #tpu.memory_space<vmem>>, vector<1x16xf32>,
      %get3A_975 = vector.shape_cast %get3A_974 : vector<1x16xf32> to vector<16xf32>
      %swap3A_976 = arith.constant 85 : i32
      %swap3A_977 = arith.index_cast %swap3A_976 : i32 to index
      %swap3A_978 = arith.constant 0 : index
      %swap3A_979 = tpu.vector_load %arg10[%swap3A_977, %swap3A_978] {strides = array<i32>} : memref<128x128xf32, #tpu.memory_space<vmem>>, vector<1x16xf32>,
      %swap3A_980 = vector.shape_cast %swap3A_979 : vector<1x16xf32> to vector<16xf32>
      %swap3A_981 = vector.shape_cast %get3A_975 : vector<16xf32> to vector<1x16xf32>
      tpu.vector_store %arg10[%swap3A_977, %swap3A_978], %swap3A_981 {strides = array<i32>} : memref<128x128xf32, #tpu.memory_space<vmem>>, vector<1x16xf32>,
      %get3A_982 = arith.constant 10 : i32
      %get3A_983 = arith.index_cast %get3A_982 : i32 to index
      %get3A_984 = arith.constant 96 : index
      %get3A_985 = tpu.vector_load %arg8[%get3A_983, %get3A_984] {strides = array<i32>} : memref<16x128xf32, #tpu.memory_space<vmem>>, vector<1x16xf32>,
      %get3A_986 = vector.shape_cast %get3A_985 : vector<1x16xf32> to vector<16xf32>
      %swap3A_987 = arith.constant 86 : i32
      %swap3A_988 = arith.index_cast %swap3A_987 : i32 to index
      %swap3A_989 = arith.constant 0 : index
      %swap3A_990 = tpu.vector_load %arg10[%swap3A_988, %swap3A_989] {strides = array<i32>} : memref<128x128xf32, #tpu.memory_space<vmem>>, vector<1x16xf32>,
      %swap3A_991 = vector.shape_cast %swap3A_990 : vector<1x16xf32> to vector<16xf32>
      %swap3A_992 = vector.shape_cast %get3A_986 : vector<16xf32> to vector<1x16xf32>
      tpu.vector_store %arg10[%swap3A_988, %swap3A_989], %swap3A_992 {strides = array<i32>} : memref<128x128xf32, #tpu.memory_space<vmem>>, vector<1x16xf32>,
      %get3A_993 = arith.constant 10 : i32
      %get3A_994 = arith.index_cast %get3A_993 : i32 to index
      %get3A_995 = arith.constant 112 : index
      %get3A_996 = tpu.vector_load %arg8[%get3A_994, %get3A_995] {strides = array<i32>} : memref<16x128xf32, #tpu.memory_space<vmem>>, vector<1x16xf32>,
      %get3A_997 = vector.shape_cast %get3A_996 : vector<1x16xf32> to vector<16xf32>
      %swap3A_998 = arith.constant 87 : i32
      %swap3A_999 = arith.index_cast %swap3A_998 : i32 to index
      %swap3A_1000 = arith.constant 0 : index
      %swap3A_1001 = tpu.vector_load %arg10[%swap3A_999, %swap3A_1000] {strides = array<i32>} : memref<128x128xf32, #tpu.memory_space<vmem>>, vector<1x16xf32>,
      %swap3A_1002 = vector.shape_cast %swap3A_1001 : vector<1x16xf32> to vector<16xf32>
      %swap3A_1003 = vector.shape_cast %get3A_997 : vector<16xf32> to vector<1x16xf32>
      tpu.vector_store %arg10[%swap3A_999, %swap3A_1000], %swap3A_1003 {strides = array<i32>} : memref<128x128xf32, #tpu.memory_space<vmem>>, vector<1x16xf32>,
      %get3A_1004 = arith.constant 11 : i32
      %get3A_1005 = arith.index_cast %get3A_1004 : i32 to index
      %get3A_1006 = arith.constant 0 : index
      %get3A_1007 = tpu.vector_load %arg8[%get3A_1005, %get3A_1006] {strides = array<i32>} : memref<16x128xf32, #tpu.memory_space<vmem>>, vector<1x16xf32>,
      %get3A_1008 = vector.shape_cast %get3A_1007 : vector<1x16xf32> to vector<16xf32>
      %swap3A_1009 = arith.constant 88 : i32
      %swap3A_1010 = arith.index_cast %swap3A_1009 : i32 to index
      %swap3A_1011 = arith.constant 0 : index
      %swap3A_1012 = tpu.vector_load %arg10[%swap3A_1010, %swap3A_1011] {strides = array<i32>} : memref<128x128xf32, #tpu.memory_space<vmem>>, vector<1x16xf32>,
      %swap3A_1013 = vector.shape_cast %swap3A_1012 : vector<1x16xf32> to vector<16xf32>
      %swap3A_1014 = vector.shape_cast %get3A_1008 : vector<16xf32> to vector<1x16xf32>
      tpu.vector_store %arg10[%swap3A_1010, %swap3A_1011], %swap3A_1014 {strides = array<i32>} : memref<128x128xf32, #tpu.memory_space<vmem>>, vector<1x16xf32>,
      %get3A_1015 = arith.constant 11 : i32
      %get3A_1016 = arith.index_cast %get3A_1015 : i32 to index
      %get3A_1017 = arith.constant 16 : index
      %get3A_1018 = tpu.vector_load %arg8[%get3A_1016, %get3A_1017] {strides = array<i32>} : memref<16x128xf32, #tpu.memory_space<vmem>>, vector<1x16xf32>,
      %get3A_1019 = vector.shape_cast %get3A_1018 : vector<1x16xf32> to vector<16xf32>
      %swap3A_1020 = arith.constant 89 : i32
      %swap3A_1021 = arith.index_cast %swap3A_1020 : i32 to index
      %swap3A_1022 = arith.constant 0 : index
      %swap3A_1023 = tpu.vector_load %arg10[%swap3A_1021, %swap3A_1022] {strides = array<i32>} : memref<128x128xf32, #tpu.memory_space<vmem>>, vector<1x16xf32>,
      %swap3A_1024 = vector.shape_cast %swap3A_1023 : vector<1x16xf32> to vector<16xf32>
      %swap3A_1025 = vector.shape_cast %get3A_1019 : vector<16xf32> to vector<1x16xf32>
      tpu.vector_store %arg10[%swap3A_1021, %swap3A_1022], %swap3A_1025 {strides = array<i32>} : memref<128x128xf32, #tpu.memory_space<vmem>>, vector<1x16xf32>,
      %get3A_1026 = arith.constant 11 : i32
      %get3A_1027 = arith.index_cast %get3A_1026 : i32 to index
      %get3A_1028 = arith.constant 32 : index
      %get3A_1029 = tpu.vector_load %arg8[%get3A_1027, %get3A_1028] {strides = array<i32>} : memref<16x128xf32, #tpu.memory_space<vmem>>, vector<1x16xf32>,
      %get3A_1030 = vector.shape_cast %get3A_1029 : vector<1x16xf32> to vector<16xf32>
      %swap3A_1031 = arith.constant 90 : i32
      %swap3A_1032 = arith.index_cast %swap3A_1031 : i32 to index
      %swap3A_1033 = arith.constant 0 : index
      %swap3A_1034 = tpu.vector_load %arg10[%swap3A_1032, %swap3A_1033] {strides = array<i32>} : memref<128x128xf32, #tpu.memory_space<vmem>>, vector<1x16xf32>,
      %swap3A_1035 = vector.shape_cast %swap3A_1034 : vector<1x16xf32> to vector<16xf32>
      %swap3A_1036 = vector.shape_cast %get3A_1030 : vector<16xf32> to vector<1x16xf32>
      tpu.vector_store %arg10[%swap3A_1032, %swap3A_1033], %swap3A_1036 {strides = array<i32>} : memref<128x128xf32, #tpu.memory_space<vmem>>, vector<1x16xf32>,
      %get3A_1037 = arith.constant 11 : i32
      %get3A_1038 = arith.index_cast %get3A_1037 : i32 to index
      %get3A_1039 = arith.constant 48 : index
      %get3A_1040 = tpu.vector_load %arg8[%get3A_1038, %get3A_1039] {strides = array<i32>} : memref<16x128xf32, #tpu.memory_space<vmem>>, vector<1x16xf32>,
      %get3A_1041 = vector.shape_cast %get3A_1040 : vector<1x16xf32> to vector<16xf32>
      %swap3A_1042 = arith.constant 91 : i32
      %swap3A_1043 = arith.index_cast %swap3A_1042 : i32 to index
      %swap3A_1044 = arith.constant 0 : index
      %swap3A_1045 = tpu.vector_load %arg10[%swap3A_1043, %swap3A_1044] {strides = array<i32>} : memref<128x128xf32, #tpu.memory_space<vmem>>, vector<1x16xf32>,
      %swap3A_1046 = vector.shape_cast %swap3A_1045 : vector<1x16xf32> to vector<16xf32>
      %swap3A_1047 = vector.shape_cast %get3A_1041 : vector<16xf32> to vector<1x16xf32>
      tpu.vector_store %arg10[%swap3A_1043, %swap3A_1044], %swap3A_1047 {strides = array<i32>} : memref<128x128xf32, #tpu.memory_space<vmem>>, vector<1x16xf32>,
      %get3A_1048 = arith.constant 11 : i32
      %get3A_1049 = arith.index_cast %get3A_1048 : i32 to index
      %get3A_1050 = arith.constant 64 : index
      %get3A_1051 = tpu.vector_load %arg8[%get3A_1049, %get3A_1050] {strides = array<i32>} : memref<16x128xf32, #tpu.memory_space<vmem>>, vector<1x16xf32>,
      %get3A_1052 = vector.shape_cast %get3A_1051 : vector<1x16xf32> to vector<16xf32>
      %swap3A_1053 = arith.constant 92 : i32
      %swap3A_1054 = arith.index_cast %swap3A_1053 : i32 to index
      %swap3A_1055 = arith.constant 0 : index
      %swap3A_1056 = tpu.vector_load %arg10[%swap3A_1054, %swap3A_1055] {strides = array<i32>} : memref<128x128xf32, #tpu.memory_space<vmem>>, vector<1x16xf32>,
      %swap3A_1057 = vector.shape_cast %swap3A_1056 : vector<1x16xf32> to vector<16xf32>
      %swap3A_1058 = vector.shape_cast %get3A_1052 : vector<16xf32> to vector<1x16xf32>
      tpu.vector_store %arg10[%swap3A_1054, %swap3A_1055], %swap3A_1058 {strides = array<i32>} : memref<128x128xf32, #tpu.memory_space<vmem>>, vector<1x16xf32>,
      %get3A_1059 = arith.constant 11 : i32
      %get3A_1060 = arith.index_cast %get3A_1059 : i32 to index
      %get3A_1061 = arith.constant 80 : index
      %get3A_1062 = tpu.vector_load %arg8[%get3A_1060, %get3A_1061] {strides = array<i32>} : memref<16x128xf32, #tpu.memory_space<vmem>>, vector<1x16xf32>,
      %get3A_1063 = vector.shape_cast %get3A_1062 : vector<1x16xf32> to vector<16xf32>
      %swap3A_1064 = arith.constant 93 : i32
      %swap3A_1065 = arith.index_cast %swap3A_1064 : i32 to index
      %swap3A_1066 = arith.constant 0 : index
      %swap3A_1067 = tpu.vector_load %arg10[%swap3A_1065, %swap3A_1066] {strides = array<i32>} : memref<128x128xf32, #tpu.memory_space<vmem>>, vector<1x16xf32>,
      %swap3A_1068 = vector.shape_cast %swap3A_1067 : vector<1x16xf32> to vector<16xf32>
      %swap3A_1069 = vector.shape_cast %get3A_1063 : vector<16xf32> to vector<1x16xf32>
      tpu.vector_store %arg10[%swap3A_1065, %swap3A_1066], %swap3A_1069 {strides = array<i32>} : memref<128x128xf32, #tpu.memory_space<vmem>>, vector<1x16xf32>,
      %get3A_1070 = arith.constant 11 : i32
      %get3A_1071 = arith.index_cast %get3A_1070 : i32 to index
      %get3A_1072 = arith.constant 96 : index
      %get3A_1073 = tpu.vector_load %arg8[%get3A_1071, %get3A_1072] {strides = array<i32>} : memref<16x128xf32, #tpu.memory_space<vmem>>, vector<1x16xf32>,
      %get3A_1074 = vector.shape_cast %get3A_1073 : vector<1x16xf32> to vector<16xf32>
      %swap3A_1075 = arith.constant 94 : i32
      %swap3A_1076 = arith.index_cast %swap3A_1075 : i32 to index
      %swap3A_1077 = arith.constant 0 : index
      %swap3A_1078 = tpu.vector_load %arg10[%swap3A_1076, %swap3A_1077] {strides = array<i32>} : memref<128x128xf32, #tpu.memory_space<vmem>>, vector<1x16xf32>,
      %swap3A_1079 = vector.shape_cast %swap3A_1078 : vector<1x16xf32> to vector<16xf32>
      %swap3A_1080 = vector.shape_cast %get3A_1074 : vector<16xf32> to vector<1x16xf32>
      tpu.vector_store %arg10[%swap3A_1076, %swap3A_1077], %swap3A_1080 {strides = array<i32>} : memref<128x128xf32, #tpu.memory_space<vmem>>, vector<1x16xf32>,
      %get3A_1081 = arith.constant 11 : i32
      %get3A_1082 = arith.index_cast %get3A_1081 : i32 to index
      %get3A_1083 = arith.constant 112 : index
      %get3A_1084 = tpu.vector_load %arg8[%get3A_1082, %get3A_1083] {strides = array<i32>} : memref<16x128xf32, #tpu.memory_space<vmem>>, vector<1x16xf32>,
      %get3A_1085 = vector.shape_cast %get3A_1084 : vector<1x16xf32> to vector<16xf32>
      %swap3A_1086 = arith.constant 95 : i32
      %swap3A_1087 = arith.index_cast %swap3A_1086 : i32 to index
      %swap3A_1088 = arith.constant 0 : index
      %swap3A_1089 = tpu.vector_load %arg10[%swap3A_1087, %swap3A_1088] {strides = array<i32>} : memref<128x128xf32, #tpu.memory_space<vmem>>, vector<1x16xf32>,
      %swap3A_1090 = vector.shape_cast %swap3A_1089 : vector<1x16xf32> to vector<16xf32>
      %swap3A_1091 = vector.shape_cast %get3A_1085 : vector<16xf32> to vector<1x16xf32>
      tpu.vector_store %arg10[%swap3A_1087, %swap3A_1088], %swap3A_1091 {strides = array<i32>} : memref<128x128xf32, #tpu.memory_space<vmem>>, vector<1x16xf32>,
      %get3A_1092 = arith.constant 12 : i32
      %get3A_1093 = arith.index_cast %get3A_1092 : i32 to index
      %get3A_1094 = arith.constant 0 : index
      %get3A_1095 = tpu.vector_load %arg8[%get3A_1093, %get3A_1094] {strides = array<i32>} : memref<16x128xf32, #tpu.memory_space<vmem>>, vector<1x16xf32>,
      %get3A_1096 = vector.shape_cast %get3A_1095 : vector<1x16xf32> to vector<16xf32>
      %swap3A_1097 = arith.constant 96 : i32
      %swap3A_1098 = arith.index_cast %swap3A_1097 : i32 to index
      %swap3A_1099 = arith.constant 0 : index
      %swap3A_1100 = tpu.vector_load %arg10[%swap3A_1098, %swap3A_1099] {strides = array<i32>} : memref<128x128xf32, #tpu.memory_space<vmem>>, vector<1x16xf32>,
      %swap3A_1101 = vector.shape_cast %swap3A_1100 : vector<1x16xf32> to vector<16xf32>
      %swap3A_1102 = vector.shape_cast %get3A_1096 : vector<16xf32> to vector<1x16xf32>
      tpu.vector_store %arg10[%swap3A_1098, %swap3A_1099], %swap3A_1102 {strides = array<i32>} : memref<128x128xf32, #tpu.memory_space<vmem>>, vector<1x16xf32>,
      %get3A_1103 = arith.constant 12 : i32
      %get3A_1104 = arith.index_cast %get3A_1103 : i32 to index
      %get3A_1105 = arith.constant 16 : index
      %get3A_1106 = tpu.vector_load %arg8[%get3A_1104, %get3A_1105] {strides = array<i32>} : memref<16x128xf32, #tpu.memory_space<vmem>>, vector<1x16xf32>,
      %get3A_1107 = vector.shape_cast %get3A_1106 : vector<1x16xf32> to vector<16xf32>
      %swap3A_1108 = arith.constant 97 : i32
      %swap3A_1109 = arith.index_cast %swap3A_1108 : i32 to index
      %swap3A_1110 = arith.constant 0 : index
      %swap3A_1111 = tpu.vector_load %arg10[%swap3A_1109, %swap3A_1110] {strides = array<i32>} : memref<128x128xf32, #tpu.memory_space<vmem>>, vector<1x16xf32>,
      %swap3A_1112 = vector.shape_cast %swap3A_1111 : vector<1x16xf32> to vector<16xf32>
      %swap3A_1113 = vector.shape_cast %get3A_1107 : vector<16xf32> to vector<1x16xf32>
      tpu.vector_store %arg10[%swap3A_1109, %swap3A_1110], %swap3A_1113 {strides = array<i32>} : memref<128x128xf32, #tpu.memory_space<vmem>>, vector<1x16xf32>,
      %get3A_1114 = arith.constant 12 : i32
      %get3A_1115 = arith.index_cast %get3A_1114 : i32 to index
      %get3A_1116 = arith.constant 32 : index
      %get3A_1117 = tpu.vector_load %arg8[%get3A_1115, %get3A_1116] {strides = array<i32>} : memref<16x128xf32, #tpu.memory_space<vmem>>, vector<1x16xf32>,
      %get3A_1118 = vector.shape_cast %get3A_1117 : vector<1x16xf32> to vector<16xf32>
      %swap3A_1119 = arith.constant 98 : i32
      %swap3A_1120 = arith.index_cast %swap3A_1119 : i32 to index
      %swap3A_1121 = arith.constant 0 : index
      %swap3A_1122 = tpu.vector_load %arg10[%swap3A_1120, %swap3A_1121] {strides = array<i32>} : memref<128x128xf32, #tpu.memory_space<vmem>>, vector<1x16xf32>,
      %swap3A_1123 = vector.shape_cast %swap3A_1122 : vector<1x16xf32> to vector<16xf32>
      %swap3A_1124 = vector.shape_cast %get3A_1118 : vector<16xf32> to vector<1x16xf32>
      tpu.vector_store %arg10[%swap3A_1120, %swap3A_1121], %swap3A_1124 {strides = array<i32>} : memref<128x128xf32, #tpu.memory_space<vmem>>, vector<1x16xf32>,
      %get3A_1125 = arith.constant 12 : i32
      %get3A_1126 = arith.index_cast %get3A_1125 : i32 to index
      %get3A_1127 = arith.constant 48 : index
      %get3A_1128 = tpu.vector_load %arg8[%get3A_1126, %get3A_1127] {strides = array<i32>} : memref<16x128xf32, #tpu.memory_space<vmem>>, vector<1x16xf32>,
      %get3A_1129 = vector.shape_cast %get3A_1128 : vector<1x16xf32> to vector<16xf32>
      %swap3A_1130 = arith.constant 99 : i32
      %swap3A_1131 = arith.index_cast %swap3A_1130 : i32 to index
      %swap3A_1132 = arith.constant 0 : index
      %swap3A_1133 = tpu.vector_load %arg10[%swap3A_1131, %swap3A_1132] {strides = array<i32>} : memref<128x128xf32, #tpu.memory_space<vmem>>, vector<1x16xf32>,
      %swap3A_1134 = vector.shape_cast %swap3A_1133 : vector<1x16xf32> to vector<16xf32>
      %swap3A_1135 = vector.shape_cast %get3A_1129 : vector<16xf32> to vector<1x16xf32>
      tpu.vector_store %arg10[%swap3A_1131, %swap3A_1132], %swap3A_1135 {strides = array<i32>} : memref<128x128xf32, #tpu.memory_space<vmem>>, vector<1x16xf32>,
      %get3A_1136 = arith.constant 12 : i32
      %get3A_1137 = arith.index_cast %get3A_1136 : i32 to index
      %get3A_1138 = arith.constant 64 : index
      %get3A_1139 = tpu.vector_load %arg8[%get3A_1137, %get3A_1138] {strides = array<i32>} : memref<16x128xf32, #tpu.memory_space<vmem>>, vector<1x16xf32>,
      %get3A_1140 = vector.shape_cast %get3A_1139 : vector<1x16xf32> to vector<16xf32>
      %swap3A_1141 = arith.constant 100 : i32
      %swap3A_1142 = arith.index_cast %swap3A_1141 : i32 to index
      %swap3A_1143 = arith.constant 0 : index
      %swap3A_1144 = tpu.vector_load %arg10[%swap3A_1142, %swap3A_1143] {strides = array<i32>} : memref<128x128xf32, #tpu.memory_space<vmem>>, vector<1x16xf32>,
      %swap3A_1145 = vector.shape_cast %swap3A_1144 : vector<1x16xf32> to vector<16xf32>
      %swap3A_1146 = vector.shape_cast %get3A_1140 : vector<16xf32> to vector<1x16xf32>
      tpu.vector_store %arg10[%swap3A_1142, %swap3A_1143], %swap3A_1146 {strides = array<i32>} : memref<128x128xf32, #tpu.memory_space<vmem>>, vector<1x16xf32>,
      %get3A_1147 = arith.constant 12 : i32
      %get3A_1148 = arith.index_cast %get3A_1147 : i32 to index
      %get3A_1149 = arith.constant 80 : index
      %get3A_1150 = tpu.vector_load %arg8[%get3A_1148, %get3A_1149] {strides = array<i32>} : memref<16x128xf32, #tpu.memory_space<vmem>>, vector<1x16xf32>,
      %get3A_1151 = vector.shape_cast %get3A_1150 : vector<1x16xf32> to vector<16xf32>
      %swap3A_1152 = arith.constant 101 : i32
      %swap3A_1153 = arith.index_cast %swap3A_1152 : i32 to index
      %swap3A_1154 = arith.constant 0 : index
      %swap3A_1155 = tpu.vector_load %arg10[%swap3A_1153, %swap3A_1154] {strides = array<i32>} : memref<128x128xf32, #tpu.memory_space<vmem>>, vector<1x16xf32>,
      %swap3A_1156 = vector.shape_cast %swap3A_1155 : vector<1x16xf32> to vector<16xf32>
      %swap3A_1157 = vector.shape_cast %get3A_1151 : vector<16xf32> to vector<1x16xf32>
      tpu.vector_store %arg10[%swap3A_1153, %swap3A_1154], %swap3A_1157 {strides = array<i32>} : memref<128x128xf32, #tpu.memory_space<vmem>>, vector<1x16xf32>,
      %get3A_1158 = arith.constant 12 : i32
      %get3A_1159 = arith.index_cast %get3A_1158 : i32 to index
      %get3A_1160 = arith.constant 96 : index
      %get3A_1161 = tpu.vector_load %arg8[%get3A_1159, %get3A_1160] {strides = array<i32>} : memref<16x128xf32, #tpu.memory_space<vmem>>, vector<1x16xf32>,
      %get3A_1162 = vector.shape_cast %get3A_1161 : vector<1x16xf32> to vector<16xf32>
      %swap3A_1163 = arith.constant 102 : i32
      %swap3A_1164 = arith.index_cast %swap3A_1163 : i32 to index
      %swap3A_1165 = arith.constant 0 : index
      %swap3A_1166 = tpu.vector_load %arg10[%swap3A_1164, %swap3A_1165] {strides = array<i32>} : memref<128x128xf32, #tpu.memory_space<vmem>>, vector<1x16xf32>,
      %swap3A_1167 = vector.shape_cast %swap3A_1166 : vector<1x16xf32> to vector<16xf32>
      %swap3A_1168 = vector.shape_cast %get3A_1162 : vector<16xf32> to vector<1x16xf32>
      tpu.vector_store %arg10[%swap3A_1164, %swap3A_1165], %swap3A_1168 {strides = array<i32>} : memref<128x128xf32, #tpu.memory_space<vmem>>, vector<1x16xf32>,
      %get3A_1169 = arith.constant 12 : i32
      %get3A_1170 = arith.index_cast %get3A_1169 : i32 to index
      %get3A_1171 = arith.constant 112 : index
      %get3A_1172 = tpu.vector_load %arg8[%get3A_1170, %get3A_1171] {strides = array<i32>} : memref<16x128xf32, #tpu.memory_space<vmem>>, vector<1x16xf32>,
      %get3A_1173 = vector.shape_cast %get3A_1172 : vector<1x16xf32> to vector<16xf32>
      %swap3A_1174 = arith.constant 103 : i32
      %swap3A_1175 = arith.index_cast %swap3A_1174 : i32 to index
      %swap3A_1176 = arith.constant 0 : index
      %swap3A_1177 = tpu.vector_load %arg10[%swap3A_1175, %swap3A_1176] {strides = array<i32>} : memref<128x128xf32, #tpu.memory_space<vmem>>, vector<1x16xf32>,
      %swap3A_1178 = vector.shape_cast %swap3A_1177 : vector<1x16xf32> to vector<16xf32>
      %swap3A_1179 = vector.shape_cast %get3A_1173 : vector<16xf32> to vector<1x16xf32>
      tpu.vector_store %arg10[%swap3A_1175, %swap3A_1176], %swap3A_1179 {strides = array<i32>} : memref<128x128xf32, #tpu.memory_space<vmem>>, vector<1x16xf32>,
      %get3A_1180 = arith.constant 13 : i32
      %get3A_1181 = arith.index_cast %get3A_1180 : i32 to index
      %get3A_1182 = arith.constant 0 : index
      %get3A_1183 = tpu.vector_load %arg8[%get3A_1181, %get3A_1182] {strides = array<i32>} : memref<16x128xf32, #tpu.memory_space<vmem>>, vector<1x16xf32>,
      %get3A_1184 = vector.shape_cast %get3A_1183 : vector<1x16xf32> to vector<16xf32>
      %swap3A_1185 = arith.constant 104 : i32
      %swap3A_1186 = arith.index_cast %swap3A_1185 : i32 to index
      %swap3A_1187 = arith.constant 0 : index
      %swap3A_1188 = tpu.vector_load %arg10[%swap3A_1186, %swap3A_1187] {strides = array<i32>} : memref<128x128xf32, #tpu.memory_space<vmem>>, vector<1x16xf32>,
      %swap3A_1189 = vector.shape_cast %swap3A_1188 : vector<1x16xf32> to vector<16xf32>
      %swap3A_1190 = vector.shape_cast %get3A_1184 : vector<16xf32> to vector<1x16xf32>
      tpu.vector_store %arg10[%swap3A_1186, %swap3A_1187], %swap3A_1190 {strides = array<i32>} : memref<128x128xf32, #tpu.memory_space<vmem>>, vector<1x16xf32>,
      %get3A_1191 = arith.constant 13 : i32
      %get3A_1192 = arith.index_cast %get3A_1191 : i32 to index
      %get3A_1193 = arith.constant 16 : index
      %get3A_1194 = tpu.vector_load %arg8[%get3A_1192, %get3A_1193] {strides = array<i32>} : memref<16x128xf32, #tpu.memory_space<vmem>>, vector<1x16xf32>,
      %get3A_1195 = vector.shape_cast %get3A_1194 : vector<1x16xf32> to vector<16xf32>
      %swap3A_1196 = arith.constant 105 : i32
      %swap3A_1197 = arith.index_cast %swap3A_1196 : i32 to index
      %swap3A_1198 = arith.constant 0 : index
      %swap3A_1199 = tpu.vector_load %arg10[%swap3A_1197, %swap3A_1198] {strides = array<i32>} : memref<128x128xf32, #tpu.memory_space<vmem>>, vector<1x16xf32>,
      %swap3A_1200 = vector.shape_cast %swap3A_1199 : vector<1x16xf32> to vector<16xf32>
      %swap3A_1201 = vector.shape_cast %get3A_1195 : vector<16xf32> to vector<1x16xf32>
      tpu.vector_store %arg10[%swap3A_1197, %swap3A_1198], %swap3A_1201 {strides = array<i32>} : memref<128x128xf32, #tpu.memory_space<vmem>>, vector<1x16xf32>,
      %get3A_1202 = arith.constant 13 : i32
      %get3A_1203 = arith.index_cast %get3A_1202 : i32 to index
      %get3A_1204 = arith.constant 32 : index
      %get3A_1205 = tpu.vector_load %arg8[%get3A_1203, %get3A_1204] {strides = array<i32>} : memref<16x128xf32, #tpu.memory_space<vmem>>, vector<1x16xf32>,
      %get3A_1206 = vector.shape_cast %get3A_1205 : vector<1x16xf32> to vector<16xf32>
      %swap3A_1207 = arith.constant 106 : i32
      %swap3A_1208 = arith.index_cast %swap3A_1207 : i32 to index
      %swap3A_1209 = arith.constant 0 : index
      %swap3A_1210 = tpu.vector_load %arg10[%swap3A_1208, %swap3A_1209] {strides = array<i32>} : memref<128x128xf32, #tpu.memory_space<vmem>>, vector<1x16xf32>,
      %swap3A_1211 = vector.shape_cast %swap3A_1210 : vector<1x16xf32> to vector<16xf32>
      %swap3A_1212 = vector.shape_cast %get3A_1206 : vector<16xf32> to vector<1x16xf32>
      tpu.vector_store %arg10[%swap3A_1208, %swap3A_1209], %swap3A_1212 {strides = array<i32>} : memref<128x128xf32, #tpu.memory_space<vmem>>, vector<1x16xf32>,
      %get3A_1213 = arith.constant 13 : i32
      %get3A_1214 = arith.index_cast %get3A_1213 : i32 to index
      %get3A_1215 = arith.constant 48 : index
      %get3A_1216 = tpu.vector_load %arg8[%get3A_1214, %get3A_1215] {strides = array<i32>} : memref<16x128xf32, #tpu.memory_space<vmem>>, vector<1x16xf32>,
      %get3A_1217 = vector.shape_cast %get3A_1216 : vector<1x16xf32> to vector<16xf32>
      %swap3A_1218 = arith.constant 107 : i32
      %swap3A_1219 = arith.index_cast %swap3A_1218 : i32 to index
      %swap3A_1220 = arith.constant 0 : index
      %swap3A_1221 = tpu.vector_load %arg10[%swap3A_1219, %swap3A_1220] {strides = array<i32>} : memref<128x128xf32, #tpu.memory_space<vmem>>, vector<1x16xf32>,
      %swap3A_1222 = vector.shape_cast %swap3A_1221 : vector<1x16xf32> to vector<16xf32>
      %swap3A_1223 = vector.shape_cast %get3A_1217 : vector<16xf32> to vector<1x16xf32>
      tpu.vector_store %arg10[%swap3A_1219, %swap3A_1220], %swap3A_1223 {strides = array<i32>} : memref<128x128xf32, #tpu.memory_space<vmem>>, vector<1x16xf32>,
      %get3A_1224 = arith.constant 13 : i32
      %get3A_1225 = arith.index_cast %get3A_1224 : i32 to index
      %get3A_1226 = arith.constant 64 : index
      %get3A_1227 = tpu.vector_load %arg8[%get3A_1225, %get3A_1226] {strides = array<i32>} : memref<16x128xf32, #tpu.memory_space<vmem>>, vector<1x16xf32>,
      %get3A_1228 = vector.shape_cast %get3A_1227 : vector<1x16xf32> to vector<16xf32>
      %swap3A_1229 = arith.constant 108 : i32
      %swap3A_1230 = arith.index_cast %swap3A_1229 : i32 to index
      %swap3A_1231 = arith.constant 0 : index
      %swap3A_1232 = tpu.vector_load %arg10[%swap3A_1230, %swap3A_1231] {strides = array<i32>} : memref<128x128xf32, #tpu.memory_space<vmem>>, vector<1x16xf32>,
      %swap3A_1233 = vector.shape_cast %swap3A_1232 : vector<1x16xf32> to vector<16xf32>
      %swap3A_1234 = vector.shape_cast %get3A_1228 : vector<16xf32> to vector<1x16xf32>
      tpu.vector_store %arg10[%swap3A_1230, %swap3A_1231], %swap3A_1234 {strides = array<i32>} : memref<128x128xf32, #tpu.memory_space<vmem>>, vector<1x16xf32>,
      %get3A_1235 = arith.constant 13 : i32
      %get3A_1236 = arith.index_cast %get3A_1235 : i32 to index
      %get3A_1237 = arith.constant 80 : index
      %get3A_1238 = tpu.vector_load %arg8[%get3A_1236, %get3A_1237] {strides = array<i32>} : memref<16x128xf32, #tpu.memory_space<vmem>>, vector<1x16xf32>,
      %get3A_1239 = vector.shape_cast %get3A_1238 : vector<1x16xf32> to vector<16xf32>
      %swap3A_1240 = arith.constant 109 : i32
      %swap3A_1241 = arith.index_cast %swap3A_1240 : i32 to index
      %swap3A_1242 = arith.constant 0 : index
      %swap3A_1243 = tpu.vector_load %arg10[%swap3A_1241, %swap3A_1242] {strides = array<i32>} : memref<128x128xf32, #tpu.memory_space<vmem>>, vector<1x16xf32>,
      %swap3A_1244 = vector.shape_cast %swap3A_1243 : vector<1x16xf32> to vector<16xf32>
      %swap3A_1245 = vector.shape_cast %get3A_1239 : vector<16xf32> to vector<1x16xf32>
      tpu.vector_store %arg10[%swap3A_1241, %swap3A_1242], %swap3A_1245 {strides = array<i32>} : memref<128x128xf32, #tpu.memory_space<vmem>>, vector<1x16xf32>,
      %get3A_1246 = arith.constant 13 : i32
      %get3A_1247 = arith.index_cast %get3A_1246 : i32 to index
      %get3A_1248 = arith.constant 96 : index
      %get3A_1249 = tpu.vector_load %arg8[%get3A_1247, %get3A_1248] {strides = array<i32>} : memref<16x128xf32, #tpu.memory_space<vmem>>, vector<1x16xf32>,
      %get3A_1250 = vector.shape_cast %get3A_1249 : vector<1x16xf32> to vector<16xf32>
      %swap3A_1251 = arith.constant 110 : i32
      %swap3A_1252 = arith.index_cast %swap3A_1251 : i32 to index
      %swap3A_1253 = arith.constant 0 : index
      %swap3A_1254 = tpu.vector_load %arg10[%swap3A_1252, %swap3A_1253] {strides = array<i32>} : memref<128x128xf32, #tpu.memory_space<vmem>>, vector<1x16xf32>,
      %swap3A_1255 = vector.shape_cast %swap3A_1254 : vector<1x16xf32> to vector<16xf32>
      %swap3A_1256 = vector.shape_cast %get3A_1250 : vector<16xf32> to vector<1x16xf32>
      tpu.vector_store %arg10[%swap3A_1252, %swap3A_1253], %swap3A_1256 {strides = array<i32>} : memref<128x128xf32, #tpu.memory_space<vmem>>, vector<1x16xf32>,
      %get3A_1257 = arith.constant 13 : i32
      %get3A_1258 = arith.index_cast %get3A_1257 : i32 to index
      %get3A_1259 = arith.constant 112 : index
      %get3A_1260 = tpu.vector_load %arg8[%get3A_1258, %get3A_1259] {strides = array<i32>} : memref<16x128xf32, #tpu.memory_space<vmem>>, vector<1x16xf32>,
      %get3A_1261 = vector.shape_cast %get3A_1260 : vector<1x16xf32> to vector<16xf32>
      %swap3A_1262 = arith.constant 111 : i32
      %swap3A_1263 = arith.index_cast %swap3A_1262 : i32 to index
      %swap3A_1264 = arith.constant 0 : index
      %swap3A_1265 = tpu.vector_load %arg10[%swap3A_1263, %swap3A_1264] {strides = array<i32>} : memref<128x128xf32, #tpu.memory_space<vmem>>, vector<1x16xf32>,
      %swap3A_1266 = vector.shape_cast %swap3A_1265 : vector<1x16xf32> to vector<16xf32>
      %swap3A_1267 = vector.shape_cast %get3A_1261 : vector<16xf32> to vector<1x16xf32>
      tpu.vector_store %arg10[%swap3A_1263, %swap3A_1264], %swap3A_1267 {strides = array<i32>} : memref<128x128xf32, #tpu.memory_space<vmem>>, vector<1x16xf32>,
      %get3A_1268 = arith.constant 14 : i32
      %get3A_1269 = arith.index_cast %get3A_1268 : i32 to index
      %get3A_1270 = arith.constant 0 : index
      %get3A_1271 = tpu.vector_load %arg8[%get3A_1269, %get3A_1270] {strides = array<i32>} : memref<16x128xf32, #tpu.memory_space<vmem>>, vector<1x16xf32>,
      %get3A_1272 = vector.shape_cast %get3A_1271 : vector<1x16xf32> to vector<16xf32>
      %swap3A_1273 = arith.constant 112 : i32
      %swap3A_1274 = arith.index_cast %swap3A_1273 : i32 to index
      %swap3A_1275 = arith.constant 0 : index
      %swap3A_1276 = tpu.vector_load %arg10[%swap3A_1274, %swap3A_1275] {strides = array<i32>} : memref<128x128xf32, #tpu.memory_space<vmem>>, vector<1x16xf32>,
      %swap3A_1277 = vector.shape_cast %swap3A_1276 : vector<1x16xf32> to vector<16xf32>
      %swap3A_1278 = vector.shape_cast %get3A_1272 : vector<16xf32> to vector<1x16xf32>
      tpu.vector_store %arg10[%swap3A_1274, %swap3A_1275], %swap3A_1278 {strides = array<i32>} : memref<128x128xf32, #tpu.memory_space<vmem>>, vector<1x16xf32>,
      %get3A_1279 = arith.constant 14 : i32
      %get3A_1280 = arith.index_cast %get3A_1279 : i32 to index
      %get3A_1281 = arith.constant 16 : index
      %get3A_1282 = tpu.vector_load %arg8[%get3A_1280, %get3A_1281] {strides = array<i32>} : memref<16x128xf32, #tpu.memory_space<vmem>>, vector<1x16xf32>,
      %get3A_1283 = vector.shape_cast %get3A_1282 : vector<1x16xf32> to vector<16xf32>
      %swap3A_1284 = arith.constant 113 : i32
      %swap3A_1285 = arith.index_cast %swap3A_1284 : i32 to index
      %swap3A_1286 = arith.constant 0 : index
      %swap3A_1287 = tpu.vector_load %arg10[%swap3A_1285, %swap3A_1286] {strides = array<i32>} : memref<128x128xf32, #tpu.memory_space<vmem>>, vector<1x16xf32>,
      %swap3A_1288 = vector.shape_cast %swap3A_1287 : vector<1x16xf32> to vector<16xf32>
      %swap3A_1289 = vector.shape_cast %get3A_1283 : vector<16xf32> to vector<1x16xf32>
      tpu.vector_store %arg10[%swap3A_1285, %swap3A_1286], %swap3A_1289 {strides = array<i32>} : memref<128x128xf32, #tpu.memory_space<vmem>>, vector<1x16xf32>,
      %get3A_1290 = arith.constant 14 : i32
      %get3A_1291 = arith.index_cast %get3A_1290 : i32 to index
      %get3A_1292 = arith.constant 32 : index
      %get3A_1293 = tpu.vector_load %arg8[%get3A_1291, %get3A_1292] {strides = array<i32>} : memref<16x128xf32, #tpu.memory_space<vmem>>, vector<1x16xf32>,
      %get3A_1294 = vector.shape_cast %get3A_1293 : vector<1x16xf32> to vector<16xf32>
      %swap3A_1295 = arith.constant 114 : i32
      %swap3A_1296 = arith.index_cast %swap3A_1295 : i32 to index
      %swap3A_1297 = arith.constant 0 : index
      %swap3A_1298 = tpu.vector_load %arg10[%swap3A_1296, %swap3A_1297] {strides = array<i32>} : memref<128x128xf32, #tpu.memory_space<vmem>>, vector<1x16xf32>,
      %swap3A_1299 = vector.shape_cast %swap3A_1298 : vector<1x16xf32> to vector<16xf32>
      %swap3A_1300 = vector.shape_cast %get3A_1294 : vector<16xf32> to vector<1x16xf32>
      tpu.vector_store %arg10[%swap3A_1296, %swap3A_1297], %swap3A_1300 {strides = array<i32>} : memref<128x128xf32, #tpu.memory_space<vmem>>, vector<1x16xf32>,
      %get3A_1301 = arith.constant 14 : i32
      %get3A_1302 = arith.index_cast %get3A_1301 : i32 to index
      %get3A_1303 = arith.constant 48 : index
      %get3A_1304 = tpu.vector_load %arg8[%get3A_1302, %get3A_1303] {strides = array<i32>} : memref<16x128xf32, #tpu.memory_space<vmem>>, vector<1x16xf32>,
      %get3A_1305 = vector.shape_cast %get3A_1304 : vector<1x16xf32> to vector<16xf32>
      %swap3A_1306 = arith.constant 115 : i32
      %swap3A_1307 = arith.index_cast %swap3A_1306 : i32 to index
      %swap3A_1308 = arith.constant 0 : index
      %swap3A_1309 = tpu.vector_load %arg10[%swap3A_1307, %swap3A_1308] {strides = array<i32>} : memref<128x128xf32, #tpu.memory_space<vmem>>, vector<1x16xf32>,
      %swap3A_1310 = vector.shape_cast %swap3A_1309 : vector<1x16xf32> to vector<16xf32>
      %swap3A_1311 = vector.shape_cast %get3A_1305 : vector<16xf32> to vector<1x16xf32>
      tpu.vector_store %arg10[%swap3A_1307, %swap3A_1308], %swap3A_1311 {strides = array<i32>} : memref<128x128xf32, #tpu.memory_space<vmem>>, vector<1x16xf32>,
      %get3A_1312 = arith.constant 14 : i32
      %get3A_1313 = arith.index_cast %get3A_1312 : i32 to index
      %get3A_1314 = arith.constant 64 : index
      %get3A_1315 = tpu.vector_load %arg8[%get3A_1313, %get3A_1314] {strides = array<i32>} : memref<16x128xf32, #tpu.memory_space<vmem>>, vector<1x16xf32>,
      %get3A_1316 = vector.shape_cast %get3A_1315 : vector<1x16xf32> to vector<16xf32>
      %swap3A_1317 = arith.constant 116 : i32
      %swap3A_1318 = arith.index_cast %swap3A_1317 : i32 to index
      %swap3A_1319 = arith.constant 0 : index
      %swap3A_1320 = tpu.vector_load %arg10[%swap3A_1318, %swap3A_1319] {strides = array<i32>} : memref<128x128xf32, #tpu.memory_space<vmem>>, vector<1x16xf32>,
      %swap3A_1321 = vector.shape_cast %swap3A_1320 : vector<1x16xf32> to vector<16xf32>
      %swap3A_1322 = vector.shape_cast %get3A_1316 : vector<16xf32> to vector<1x16xf32>
      tpu.vector_store %arg10[%swap3A_1318, %swap3A_1319], %swap3A_1322 {strides = array<i32>} : memref<128x128xf32, #tpu.memory_space<vmem>>, vector<1x16xf32>,
      %get3A_1323 = arith.constant 14 : i32
      %get3A_1324 = arith.index_cast %get3A_1323 : i32 to index
      %get3A_1325 = arith.constant 80 : index
      %get3A_1326 = tpu.vector_load %arg8[%get3A_1324, %get3A_1325] {strides = array<i32>} : memref<16x128xf32, #tpu.memory_space<vmem>>, vector<1x16xf32>,
      %get3A_1327 = vector.shape_cast %get3A_1326 : vector<1x16xf32> to vector<16xf32>
      %swap3A_1328 = arith.constant 117 : i32
      %swap3A_1329 = arith.index_cast %swap3A_1328 : i32 to index
      %swap3A_1330 = arith.constant 0 : index
      %swap3A_1331 = tpu.vector_load %arg10[%swap3A_1329, %swap3A_1330] {strides = array<i32>} : memref<128x128xf32, #tpu.memory_space<vmem>>, vector<1x16xf32>,
      %swap3A_1332 = vector.shape_cast %swap3A_1331 : vector<1x16xf32> to vector<16xf32>
      %swap3A_1333 = vector.shape_cast %get3A_1327 : vector<16xf32> to vector<1x16xf32>
      tpu.vector_store %arg10[%swap3A_1329, %swap3A_1330], %swap3A_1333 {strides = array<i32>} : memref<128x128xf32, #tpu.memory_space<vmem>>, vector<1x16xf32>,
      %get3A_1334 = arith.constant 14 : i32
      %get3A_1335 = arith.index_cast %get3A_1334 : i32 to index
      %get3A_1336 = arith.constant 96 : index
      %get3A_1337 = tpu.vector_load %arg8[%get3A_1335, %get3A_1336] {strides = array<i32>} : memref<16x128xf32, #tpu.memory_space<vmem>>, vector<1x16xf32>,
      %get3A_1338 = vector.shape_cast %get3A_1337 : vector<1x16xf32> to vector<16xf32>
      %swap3A_1339 = arith.constant 118 : i32
      %swap3A_1340 = arith.index_cast %swap3A_1339 : i32 to index
      %swap3A_1341 = arith.constant 0 : index
      %swap3A_1342 = tpu.vector_load %arg10[%swap3A_1340, %swap3A_1341] {strides = array<i32>} : memref<128x128xf32, #tpu.memory_space<vmem>>, vector<1x16xf32>,
      %swap3A_1343 = vector.shape_cast %swap3A_1342 : vector<1x16xf32> to vector<16xf32>
      %swap3A_1344 = vector.shape_cast %get3A_1338 : vector<16xf32> to vector<1x16xf32>
      tpu.vector_store %arg10[%swap3A_1340, %swap3A_1341], %swap3A_1344 {strides = array<i32>} : memref<128x128xf32, #tpu.memory_space<vmem>>, vector<1x16xf32>,
      %get3A_1345 = arith.constant 14 : i32
      %get3A_1346 = arith.index_cast %get3A_1345 : i32 to index
      %get3A_1347 = arith.constant 112 : index
      %get3A_1348 = tpu.vector_load %arg8[%get3A_1346, %get3A_1347] {strides = array<i32>} : memref<16x128xf32, #tpu.memory_space<vmem>>, vector<1x16xf32>,
      %get3A_1349 = vector.shape_cast %get3A_1348 : vector<1x16xf32> to vector<16xf32>
      %swap3A_1350 = arith.constant 119 : i32
      %swap3A_1351 = arith.index_cast %swap3A_1350 : i32 to index
      %swap3A_1352 = arith.constant 0 : index
      %swap3A_1353 = tpu.vector_load %arg10[%swap3A_1351, %swap3A_1352] {strides = array<i32>} : memref<128x128xf32, #tpu.memory_space<vmem>>, vector<1x16xf32>,
      %swap3A_1354 = vector.shape_cast %swap3A_1353 : vector<1x16xf32> to vector<16xf32>
      %swap3A_1355 = vector.shape_cast %get3A_1349 : vector<16xf32> to vector<1x16xf32>
      tpu.vector_store %arg10[%swap3A_1351, %swap3A_1352], %swap3A_1355 {strides = array<i32>} : memref<128x128xf32, #tpu.memory_space<vmem>>, vector<1x16xf32>,
      %get3A_1356 = arith.constant 15 : i32
      %get3A_1357 = arith.index_cast %get3A_1356 : i32 to index
      %get3A_1358 = arith.constant 0 : index
      %get3A_1359 = tpu.vector_load %arg8[%get3A_1357, %get3A_1358] {strides = array<i32>} : memref<16x128xf32, #tpu.memory_space<vmem>>, vector<1x16xf32>,
      %get3A_1360 = vector.shape_cast %get3A_1359 : vector<1x16xf32> to vector<16xf32>
      %swap3A_1361 = arith.constant 120 : i32
      %swap3A_1362 = arith.index_cast %swap3A_1361 : i32 to index
      %swap3A_1363 = arith.constant 0 : index
      %swap3A_1364 = tpu.vector_load %arg10[%swap3A_1362, %swap3A_1363] {strides = array<i32>} : memref<128x128xf32, #tpu.memory_space<vmem>>, vector<1x16xf32>,
      %swap3A_1365 = vector.shape_cast %swap3A_1364 : vector<1x16xf32> to vector<16xf32>
      %swap3A_1366 = vector.shape_cast %get3A_1360 : vector<16xf32> to vector<1x16xf32>
      tpu.vector_store %arg10[%swap3A_1362, %swap3A_1363], %swap3A_1366 {strides = array<i32>} : memref<128x128xf32, #tpu.memory_space<vmem>>, vector<1x16xf32>,
      %get3A_1367 = arith.constant 15 : i32
      %get3A_1368 = arith.index_cast %get3A_1367 : i32 to index
      %get3A_1369 = arith.constant 16 : index
      %get3A_1370 = tpu.vector_load %arg8[%get3A_1368, %get3A_1369] {strides = array<i32>} : memref<16x128xf32, #tpu.memory_space<vmem>>, vector<1x16xf32>,
      %get3A_1371 = vector.shape_cast %get3A_1370 : vector<1x16xf32> to vector<16xf32>
      %swap3A_1372 = arith.constant 121 : i32
      %swap3A_1373 = arith.index_cast %swap3A_1372 : i32 to index
      %swap3A_1374 = arith.constant 0 : index
      %swap3A_1375 = tpu.vector_load %arg10[%swap3A_1373, %swap3A_1374] {strides = array<i32>} : memref<128x128xf32, #tpu.memory_space<vmem>>, vector<1x16xf32>,
      %swap3A_1376 = vector.shape_cast %swap3A_1375 : vector<1x16xf32> to vector<16xf32>
      %swap3A_1377 = vector.shape_cast %get3A_1371 : vector<16xf32> to vector<1x16xf32>
      tpu.vector_store %arg10[%swap3A_1373, %swap3A_1374], %swap3A_1377 {strides = array<i32>} : memref<128x128xf32, #tpu.memory_space<vmem>>, vector<1x16xf32>,
      %get3A_1378 = arith.constant 15 : i32
      %get3A_1379 = arith.index_cast %get3A_1378 : i32 to index
      %get3A_1380 = arith.constant 32 : index
      %get3A_1381 = tpu.vector_load %arg8[%get3A_1379, %get3A_1380] {strides = array<i32>} : memref<16x128xf32, #tpu.memory_space<vmem>>, vector<1x16xf32>,
      %get3A_1382 = vector.shape_cast %get3A_1381 : vector<1x16xf32> to vector<16xf32>
      %swap3A_1383 = arith.constant 122 : i32
      %swap3A_1384 = arith.index_cast %swap3A_1383 : i32 to index
      %swap3A_1385 = arith.constant 0 : index
      %swap3A_1386 = tpu.vector_load %arg10[%swap3A_1384, %swap3A_1385] {strides = array<i32>} : memref<128x128xf32, #tpu.memory_space<vmem>>, vector<1x16xf32>,
      %swap3A_1387 = vector.shape_cast %swap3A_1386 : vector<1x16xf32> to vector<16xf32>
      %swap3A_1388 = vector.shape_cast %get3A_1382 : vector<16xf32> to vector<1x16xf32>
      tpu.vector_store %arg10[%swap3A_1384, %swap3A_1385], %swap3A_1388 {strides = array<i32>} : memref<128x128xf32, #tpu.memory_space<vmem>>, vector<1x16xf32>,
      %get3A_1389 = arith.constant 15 : i32
      %get3A_1390 = arith.index_cast %get3A_1389 : i32 to index
      %get3A_1391 = arith.constant 48 : index
      %get3A_1392 = tpu.vector_load %arg8[%get3A_1390, %get3A_1391] {strides = array<i32>} : memref<16x128xf32, #tpu.memory_space<vmem>>, vector<1x16xf32>,
      %get3A_1393 = vector.shape_cast %get3A_1392 : vector<1x16xf32> to vector<16xf32>
      %swap3A_1394 = arith.constant 123 : i32
      %swap3A_1395 = arith.index_cast %swap3A_1394 : i32 to index
      %swap3A_1396 = arith.constant 0 : index
      %swap3A_1397 = tpu.vector_load %arg10[%swap3A_1395, %swap3A_1396] {strides = array<i32>} : memref<128x128xf32, #tpu.memory_space<vmem>>, vector<1x16xf32>,
      %swap3A_1398 = vector.shape_cast %swap3A_1397 : vector<1x16xf32> to vector<16xf32>
      %swap3A_1399 = vector.shape_cast %get3A_1393 : vector<16xf32> to vector<1x16xf32>
      tpu.vector_store %arg10[%swap3A_1395, %swap3A_1396], %swap3A_1399 {strides = array<i32>} : memref<128x128xf32, #tpu.memory_space<vmem>>, vector<1x16xf32>,
      %get3A_1400 = arith.constant 15 : i32
      %get3A_1401 = arith.index_cast %get3A_1400 : i32 to index
      %get3A_1402 = arith.constant 64 : index
      %get3A_1403 = tpu.vector_load %arg8[%get3A_1401, %get3A_1402] {strides = array<i32>} : memref<16x128xf32, #tpu.memory_space<vmem>>, vector<1x16xf32>,
      %get3A_1404 = vector.shape_cast %get3A_1403 : vector<1x16xf32> to vector<16xf32>
      %swap3A_1405 = arith.constant 124 : i32
      %swap3A_1406 = arith.index_cast %swap3A_1405 : i32 to index
      %swap3A_1407 = arith.constant 0 : index
      %swap3A_1408 = tpu.vector_load %arg10[%swap3A_1406, %swap3A_1407] {strides = array<i32>} : memref<128x128xf32, #tpu.memory_space<vmem>>, vector<1x16xf32>,
      %swap3A_1409 = vector.shape_cast %swap3A_1408 : vector<1x16xf32> to vector<16xf32>
      %swap3A_1410 = vector.shape_cast %get3A_1404 : vector<16xf32> to vector<1x16xf32>
      tpu.vector_store %arg10[%swap3A_1406, %swap3A_1407], %swap3A_1410 {strides = array<i32>} : memref<128x128xf32, #tpu.memory_space<vmem>>, vector<1x16xf32>,
      %get3A_1411 = arith.constant 15 : i32
      %get3A_1412 = arith.index_cast %get3A_1411 : i32 to index
      %get3A_1413 = arith.constant 80 : index
      %get3A_1414 = tpu.vector_load %arg8[%get3A_1412, %get3A_1413] {strides = array<i32>} : memref<16x128xf32, #tpu.memory_space<vmem>>, vector<1x16xf32>,
      %get3A_1415 = vector.shape_cast %get3A_1414 : vector<1x16xf32> to vector<16xf32>
      %swap3A_1416 = arith.constant 125 : i32
      %swap3A_1417 = arith.index_cast %swap3A_1416 : i32 to index
      %swap3A_1418 = arith.constant 0 : index
      %swap3A_1419 = tpu.vector_load %arg10[%swap3A_1417, %swap3A_1418] {strides = array<i32>} : memref<128x128xf32, #tpu.memory_space<vmem>>, vector<1x16xf32>,
      %swap3A_1420 = vector.shape_cast %swap3A_1419 : vector<1x16xf32> to vector<16xf32>
      %swap3A_1421 = vector.shape_cast %get3A_1415 : vector<16xf32> to vector<1x16xf32>
      tpu.vector_store %arg10[%swap3A_1417, %swap3A_1418], %swap3A_1421 {strides = array<i32>} : memref<128x128xf32, #tpu.memory_space<vmem>>, vector<1x16xf32>,
      %get3A_1422 = arith.constant 15 : i32
      %get3A_1423 = arith.index_cast %get3A_1422 : i32 to index
      %get3A_1424 = arith.constant 96 : index
      %get3A_1425 = tpu.vector_load %arg8[%get3A_1423, %get3A_1424] {strides = array<i32>} : memref<16x128xf32, #tpu.memory_space<vmem>>, vector<1x16xf32>,
      %get3A_1426 = vector.shape_cast %get3A_1425 : vector<1x16xf32> to vector<16xf32>
      %swap3A_1427 = arith.constant 126 : i32
      %swap3A_1428 = arith.index_cast %swap3A_1427 : i32 to index
      %swap3A_1429 = arith.constant 0 : index
      %swap3A_1430 = tpu.vector_load %arg10[%swap3A_1428, %swap3A_1429] {strides = array<i32>} : memref<128x128xf32, #tpu.memory_space<vmem>>, vector<1x16xf32>,
      %swap3A_1431 = vector.shape_cast %swap3A_1430 : vector<1x16xf32> to vector<16xf32>
      %swap3A_1432 = vector.shape_cast %get3A_1426 : vector<16xf32> to vector<1x16xf32>
      tpu.vector_store %arg10[%swap3A_1428, %swap3A_1429], %swap3A_1432 {strides = array<i32>} : memref<128x128xf32, #tpu.memory_space<vmem>>, vector<1x16xf32>,
      %get3A_1433 = arith.constant 15 : i32
      %get3A_1434 = arith.index_cast %get3A_1433 : i32 to index
      %get3A_1435 = arith.constant 112 : index
      %get3A_1436 = tpu.vector_load %arg8[%get3A_1434, %get3A_1435] {strides = array<i32>} : memref<16x128xf32, #tpu.memory_space<vmem>>, vector<1x16xf32>,
      %get3A_1437 = vector.shape_cast %get3A_1436 : vector<1x16xf32> to vector<16xf32>
      %swap3A_1438 = arith.constant 127 : i32
      %swap3A_1439 = arith.index_cast %swap3A_1438 : i32 to index
      %swap3A_1440 = arith.constant 0 : index
      %swap3A_1441 = tpu.vector_load %arg10[%swap3A_1439, %swap3A_1440] {strides = array<i32>} : memref<128x128xf32, #tpu.memory_space<vmem>>, vector<1x16xf32>,
      %swap3A_1442 = vector.shape_cast %swap3A_1441 : vector<1x16xf32> to vector<16xf32>
      %swap3A_1443 = vector.shape_cast %get3A_1437 : vector<16xf32> to vector<1x16xf32>
      tpu.vector_store %arg10[%swap3A_1439, %swap3A_1440], %swap3A_1443 {strides = array<i32>} : memref<128x128xf32, #tpu.memory_space<vmem>>, vector<1x16xf32>,
      %dma_start3A = arith.constant 1 : i32
      %dma_start3A_1444 = arith.constant 0 : i32
      %dma_start3A_1445 = tpu.memref_slice %arg6[%dma_start3A, %dma_start3A_1444] : memref<2x128xi32, #tpu.memory_space<vmem>> -> memref<1x128xi32, #tpu.memory_space<vmem>>
      %dma_start3A_1446 = tpu.memref_squeeze %dma_start3A_1445 : memref<1x128xi32, #tpu.memory_space<vmem>> -> memref<128xi32, #tpu.memory_space<vmem>>
      %dma_start3A_1447 = arith.constant 0 : i32
      %dma_start3A_1448 = arith.constant 0 : i32
      %dma_start3A_1449 = tpu.memref_slice %arg12[%dma_start3A_1447, %dma_start3A_1448] : memref<10240x128xf32, #tpu.memory_space<vmem_shared>> -> memref<10240x128xf32, #tpu.memory_space<vmem_shared>>
      tpu.enqueue_indirect_dma source(%arg10 : memref<128x128xf32, #tpu.memory_space<vmem>>) target(%dma_start3A_1449 : memref<10240x128xf32, #tpu.memory_space<vmem_shared>>) offsets(%dma_start3A_1446 : memref<128xi32, #tpu.memory_space<vmem>>) semaphore(%arg13 : memref<!tpu.dma_semaphore, #tpu.memory_space<semaphore_mem>>) {add = true}
      %gt3A_1450 = arith.constant 0 : i32
      %gt3A_1451 = arith.cmpi sgt, %scan3A_33, %gt3A_1450 : i32
      %convert_element_type3A_1452 = arith.extui %gt3A_1451 : i1 to i32
      %cond3A_1453 = arith.constant 0 : i32
      %cond3A_1454 = arith.cmpi ne, %convert_element_type3A_1452, %cond3A_1453 : i32
      scf.if %cond3A_1454 {
        %dma_wait3A_2874 = arith.constant 1 : i32
        %dma_wait3A_2875 = arith.constant 0 : i32
        %dma_wait3A_2876 = tpu.memref_slice %arg7[%dma_wait3A_2874, %dma_wait3A_2875] : memref<2x128xi32, #tpu.memory_space<vmem>> -> memref<1x128xi32, #tpu.memory_space<vmem>>
        %dma_wait3A_2877 = tpu.memref_squeeze %dma_wait3A_2876 : memref<1x128xi32, #tpu.memory_space<vmem>> -> memref<128xi32, #tpu.memory_space<vmem>>
        %dma_wait3A_2878 = arith.constant 0 : i32
        %dma_wait3A_2879 = arith.constant 0 : i32
        %dma_wait3A_2880 = tpu.memref_slice %arg12[%dma_wait3A_2878, %dma_wait3A_2879] : memref<10240x128xf32, #tpu.memory_space<vmem_shared>> -> memref<10240x128xf32, #tpu.memory_space<vmem_shared>>
        tpu.wait_indirect_dma semaphore(%arg14 : memref<!tpu.dma_semaphore, #tpu.memory_space<semaphore_mem>>) src(%arg11 : memref<128x128xf32, #tpu.memory_space<vmem>>) dst(%dma_wait3A_2880 : memref<10240x128xf32, #tpu.memory_space<vmem_shared>>)
      } else {
      }
      %add3A_1455 = arith.constant 1 : i32
      %add3A_1456 = arith.addi %mul3A_35, %add3A_1455 : i32
      "tpu.region"() ({
        %run_scoped3A = tpu.sem_alloc : memref<!tpu.dma_semaphore, #tpu.memory_space<semaphore_mem>>
        %dma_start3A_2874 = arith.constant 0 : i32
        %dma_start3A_2875 = arith.constant 0 : i32
        %dma_start3A_2876 = tpu.memref_slice %arg2[%add3A, %add3A_1456, %dma_start3A_2874, %dma_start3A_2875] : memref<32x80x2x128xi32, #tpu.memory_space<hbm>> -> memref<1x1x2x128xi32, #tpu.memory_space<hbm>>
        %dma_start3A_2877 = tpu.memref_squeeze %dma_start3A_2876 : memref<1x1x2x128xi32, #tpu.memory_space<hbm>> -> memref<2x128xi32, #tpu.memory_space<hbm>>
        %dma_start3A_2878 = arith.constant 0 : i32
        %dma_start3A_2879 = arith.constant 0 : i32
        %dma_start3A_2880 = tpu.memref_slice %arg2[%add3A, %add3A_1456, %dma_start3A_2878, %dma_start3A_2879] : memref<32x80x2x128xi32, #tpu.memory_space<hbm>> -> memref<1x1x2x128xi32, #tpu.memory_space<hbm>>
        %dma_start3A_2881 = tpu.memref_squeeze %dma_start3A_2880 : memref<1x1x2x128xi32, #tpu.memory_space<hbm>> -> memref<2x128xi32, #tpu.memory_space<hbm>>
        tpu.enqueue_dma source(%dma_start3A_2881 : memref<2x128xi32, #tpu.memory_space<hbm>>) target(%arg7 : memref<2x128xi32, #tpu.memory_space<vmem>>) target_semaphore(%run_scoped3A : memref<!tpu.dma_semaphore, #tpu.memory_space<semaphore_mem>>)
        %dma_wait3A_2882 = arith.constant 0 : i32
        %dma_wait3A_2883 = arith.constant 0 : i32
        %dma_wait3A_2884 = tpu.memref_slice %arg2[%add3A, %add3A_1456, %dma_wait3A_2882, %dma_wait3A_2883] : memref<32x80x2x128xi32, #tpu.memory_space<hbm>> -> memref<1x1x2x128xi32, #tpu.memory_space<hbm>>
        %dma_wait3A_2885 = tpu.memref_squeeze %dma_wait3A_2884 : memref<1x1x2x128xi32, #tpu.memory_space<hbm>> -> memref<2x128xi32, #tpu.memory_space<hbm>>
        %dma_wait3A_2886 = arith.constant 0 : i32
        %dma_wait3A_2887 = arith.constant 0 : i32
        %dma_wait3A_2888 = tpu.memref_slice %arg2[%add3A, %add3A_1456, %dma_wait3A_2886, %dma_wait3A_2887] : memref<32x80x2x128xi32, #tpu.memory_space<hbm>> -> memref<1x1x2x128xi32, #tpu.memory_space<hbm>>
        %dma_wait3A_2889 = tpu.memref_squeeze %dma_wait3A_2888 : memref<1x1x2x128xi32, #tpu.memory_space<hbm>> -> memref<2x128xi32, #tpu.memory_space<hbm>>
        tpu.wait_dma2 semaphore(%run_scoped3A : memref<!tpu.dma_semaphore, #tpu.memory_space<semaphore_mem>>) src(%dma_wait3A_2889 : memref<2x128xi32, #tpu.memory_space<hbm>>) dst(%arg7 : memref<2x128xi32, #tpu.memory_space<vmem>>)
        tpu.yield
      }) : () -> ()
      %add3A_1457 = arith.constant 1 : i32
      %add3A_1458 = arith.addi %mul3A_35, %add3A_1457 : i32
      "tpu.region"() ({
        %run_scoped3A = tpu.sem_alloc : memref<!tpu.dma_semaphore, #tpu.memory_space<semaphore_mem>>
        %dma_start3A_2874 = arith.constant 0 : i32
        %dma_start3A_2875 = arith.constant 0 : i32
        %dma_start3A_2876 = tpu.memref_slice %arg3[%add3A, %add3A_1458, %dma_start3A_2874, %dma_start3A_2875] : memref<32x80x16x128xf32, #tpu.memory_space<hbm>> -> memref<1x1x16x128xf32, #tpu.memory_space<hbm>>
        %dma_start3A_2877 = tpu.memref_squeeze %dma_start3A_2876 : memref<1x1x16x128xf32, #tpu.memory_space<hbm>> -> memref<16x128xf32, #tpu.memory_space<hbm>>
        %dma_start3A_2878 = arith.constant 0 : i32
        %dma_start3A_2879 = arith.constant 0 : i32
        %dma_start3A_2880 = tpu.memref_slice %arg3[%add3A, %add3A_1458, %dma_start3A_2878, %dma_start3A_2879] : memref<32x80x16x128xf32, #tpu.memory_space<hbm>> -> memref<1x1x16x128xf32, #tpu.memory_space<hbm>>
        %dma_start3A_2881 = tpu.memref_squeeze %dma_start3A_2880 : memref<1x1x16x128xf32, #tpu.memory_space<hbm>> -> memref<16x128xf32, #tpu.memory_space<hbm>>
        tpu.enqueue_dma source(%dma_start3A_2881 : memref<16x128xf32, #tpu.memory_space<hbm>>) target(%arg9 : memref<16x128xf32, #tpu.memory_space<vmem>>) target_semaphore(%run_scoped3A : memref<!tpu.dma_semaphore, #tpu.memory_space<semaphore_mem>>)
        %dma_wait3A_2882 = arith.constant 0 : i32
        %dma_wait3A_2883 = arith.constant 0 : i32
        %dma_wait3A_2884 = tpu.memref_slice %arg3[%add3A, %add3A_1458, %dma_wait3A_2882, %dma_wait3A_2883] : memref<32x80x16x128xf32, #tpu.memory_space<hbm>> -> memref<1x1x16x128xf32, #tpu.memory_space<hbm>>
        %dma_wait3A_2885 = tpu.memref_squeeze %dma_wait3A_2884 : memref<1x1x16x128xf32, #tpu.memory_space<hbm>> -> memref<16x128xf32, #tpu.memory_space<hbm>>
        %dma_wait3A_2886 = arith.constant 0 : i32
        %dma_wait3A_2887 = arith.constant 0 : i32
        %dma_wait3A_2888 = tpu.memref_slice %arg3[%add3A, %add3A_1458, %dma_wait3A_2886, %dma_wait3A_2887] : memref<32x80x16x128xf32, #tpu.memory_space<hbm>> -> memref<1x1x16x128xf32, #tpu.memory_space<hbm>>
        %dma_wait3A_2889 = tpu.memref_squeeze %dma_wait3A_2888 : memref<1x1x16x128xf32, #tpu.memory_space<hbm>> -> memref<16x128xf32, #tpu.memory_space<hbm>>
        tpu.wait_dma2 semaphore(%run_scoped3A : memref<!tpu.dma_semaphore, #tpu.memory_space<semaphore_mem>>) src(%dma_wait3A_2889 : memref<16x128xf32, #tpu.memory_space<hbm>>) dst(%arg9 : memref<16x128xf32, #tpu.memory_space<vmem>>)
        tpu.yield
      }) : () -> ()
      %get3A_1459 = arith.constant 0 : i32
      %get3A_1460 = arith.index_cast %get3A_1459 : i32 to index
      %get3A_1461 = arith.constant 0 : index
      %get3A_1462 = tpu.vector_load %arg9[%get3A_1460, %get3A_1461] {strides = array<i32>} : memref<16x128xf32, #tpu.memory_space<vmem>>, vector<1x16xf32>,
      %get3A_1463 = vector.shape_cast %get3A_1462 : vector<1x16xf32> to vector<16xf32>
      %swap3A_1464 = arith.constant 0 : i32
      %swap3A_1465 = arith.index_cast %swap3A_1464 : i32 to index
      %swap3A_1466 = arith.constant 0 : index
      %swap3A_1467 = tpu.vector_load %arg11[%swap3A_1465, %swap3A_1466] {strides = array<i32>} : memref<128x128xf32, #tpu.memory_space<vmem>>, vector<1x16xf32>,
      %swap3A_1468 = vector.shape_cast %swap3A_1467 : vector<1x16xf32> to vector<16xf32>
      %swap3A_1469 = vector.shape_cast %get3A_1463 : vector<16xf32> to vector<1x16xf32>
      tpu.vector_store %arg11[%swap3A_1465, %swap3A_1466], %swap3A_1469 {strides = array<i32>} : memref<128x128xf32, #tpu.memory_space<vmem>>, vector<1x16xf32>,
      %get3A_1470 = arith.constant 0 : i32
      %get3A_1471 = arith.index_cast %get3A_1470 : i32 to index
      %get3A_1472 = arith.constant 16 : index
      %get3A_1473 = tpu.vector_load %arg9[%get3A_1471, %get3A_1472] {strides = array<i32>} : memref<16x128xf32, #tpu.memory_space<vmem>>, vector<1x16xf32>,
      %get3A_1474 = vector.shape_cast %get3A_1473 : vector<1x16xf32> to vector<16xf32>
      %swap3A_1475 = arith.constant 1 : i32
      %swap3A_1476 = arith.index_cast %swap3A_1475 : i32 to index
      %swap3A_1477 = arith.constant 0 : index
      %swap3A_1478 = tpu.vector_load %arg11[%swap3A_1476, %swap3A_1477] {strides = array<i32>} : memref<128x128xf32, #tpu.memory_space<vmem>>, vector<1x16xf32>,
      %swap3A_1479 = vector.shape_cast %swap3A_1478 : vector<1x16xf32> to vector<16xf32>
      %swap3A_1480 = vector.shape_cast %get3A_1474 : vector<16xf32> to vector<1x16xf32>
      tpu.vector_store %arg11[%swap3A_1476, %swap3A_1477], %swap3A_1480 {strides = array<i32>} : memref<128x128xf32, #tpu.memory_space<vmem>>, vector<1x16xf32>,
      %get3A_1481 = arith.constant 0 : i32
      %get3A_1482 = arith.index_cast %get3A_1481 : i32 to index
      %get3A_1483 = arith.constant 32 : index
      %get3A_1484 = tpu.vector_load %arg9[%get3A_1482, %get3A_1483] {strides = array<i32>} : memref<16x128xf32, #tpu.memory_space<vmem>>, vector<1x16xf32>,
      %get3A_1485 = vector.shape_cast %get3A_1484 : vector<1x16xf32> to vector<16xf32>
      %swap3A_1486 = arith.constant 2 : i32
      %swap3A_1487 = arith.index_cast %swap3A_1486 : i32 to index
      %swap3A_1488 = arith.constant 0 : index
      %swap3A_1489 = tpu.vector_load %arg11[%swap3A_1487, %swap3A_1488] {strides = array<i32>} : memref<128x128xf32, #tpu.memory_space<vmem>>, vector<1x16xf32>,
      %swap3A_1490 = vector.shape_cast %swap3A_1489 : vector<1x16xf32> to vector<16xf32>
      %swap3A_1491 = vector.shape_cast %get3A_1485 : vector<16xf32> to vector<1x16xf32>
      tpu.vector_store %arg11[%swap3A_1487, %swap3A_1488], %swap3A_1491 {strides = array<i32>} : memref<128x128xf32, #tpu.memory_space<vmem>>, vector<1x16xf32>,
      %get3A_1492 = arith.constant 0 : i32
      %get3A_1493 = arith.index_cast %get3A_1492 : i32 to index
      %get3A_1494 = arith.constant 48 : index
      %get3A_1495 = tpu.vector_load %arg9[%get3A_1493, %get3A_1494] {strides = array<i32>} : memref<16x128xf32, #tpu.memory_space<vmem>>, vector<1x16xf32>,
      %get3A_1496 = vector.shape_cast %get3A_1495 : vector<1x16xf32> to vector<16xf32>
      %swap3A_1497 = arith.constant 3 : i32
      %swap3A_1498 = arith.index_cast %swap3A_1497 : i32 to index
      %swap3A_1499 = arith.constant 0 : index
      %swap3A_1500 = tpu.vector_load %arg11[%swap3A_1498, %swap3A_1499] {strides = array<i32>} : memref<128x128xf32, #tpu.memory_space<vmem>>, vector<1x16xf32>,
      %swap3A_1501 = vector.shape_cast %swap3A_1500 : vector<1x16xf32> to vector<16xf32>
      %swap3A_1502 = vector.shape_cast %get3A_1496 : vector<16xf32> to vector<1x16xf32>
      tpu.vector_store %arg11[%swap3A_1498, %swap3A_1499], %swap3A_1502 {strides = array<i32>} : memref<128x128xf32, #tpu.memory_space<vmem>>, vector<1x16xf32>,
      %get3A_1503 = arith.constant 0 : i32
      %get3A_1504 = arith.index_cast %get3A_1503 : i32 to index
      %get3A_1505 = arith.constant 64 : index
      %get3A_1506 = tpu.vector_load %arg9[%get3A_1504, %get3A_1505] {strides = array<i32>} : memref<16x128xf32, #tpu.memory_space<vmem>>, vector<1x16xf32>,
      %get3A_1507 = vector.shape_cast %get3A_1506 : vector<1x16xf32> to vector<16xf32>
      %swap3A_1508 = arith.constant 4 : i32
      %swap3A_1509 = arith.index_cast %swap3A_1508 : i32 to index
      %swap3A_1510 = arith.constant 0 : index
      %swap3A_1511 = tpu.vector_load %arg11[%swap3A_1509, %swap3A_1510] {strides = array<i32>} : memref<128x128xf32, #tpu.memory_space<vmem>>, vector<1x16xf32>,
      %swap3A_1512 = vector.shape_cast %swap3A_1511 : vector<1x16xf32> to vector<16xf32>
      %swap3A_1513 = vector.shape_cast %get3A_1507 : vector<16xf32> to vector<1x16xf32>
      tpu.vector_store %arg11[%swap3A_1509, %swap3A_1510], %swap3A_1513 {strides = array<i32>} : memref<128x128xf32, #tpu.memory_space<vmem>>, vector<1x16xf32>,
      %get3A_1514 = arith.constant 0 : i32
      %get3A_1515 = arith.index_cast %get3A_1514 : i32 to index
      %get3A_1516 = arith.constant 80 : index
      %get3A_1517 = tpu.vector_load %arg9[%get3A_1515, %get3A_1516] {strides = array<i32>} : memref<16x128xf32, #tpu.memory_space<vmem>>, vector<1x16xf32>,
      %get3A_1518 = vector.shape_cast %get3A_1517 : vector<1x16xf32> to vector<16xf32>
      %swap3A_1519 = arith.constant 5 : i32
      %swap3A_1520 = arith.index_cast %swap3A_1519 : i32 to index
      %swap3A_1521 = arith.constant 0 : index
      %swap3A_1522 = tpu.vector_load %arg11[%swap3A_1520, %swap3A_1521] {strides = array<i32>} : memref<128x128xf32, #tpu.memory_space<vmem>>, vector<1x16xf32>,
      %swap3A_1523 = vector.shape_cast %swap3A_1522 : vector<1x16xf32> to vector<16xf32>
      %swap3A_1524 = vector.shape_cast %get3A_1518 : vector<16xf32> to vector<1x16xf32>
      tpu.vector_store %arg11[%swap3A_1520, %swap3A_1521], %swap3A_1524 {strides = array<i32>} : memref<128x128xf32, #tpu.memory_space<vmem>>, vector<1x16xf32>,
      %get3A_1525 = arith.constant 0 : i32
      %get3A_1526 = arith.index_cast %get3A_1525 : i32 to index
      %get3A_1527 = arith.constant 96 : index
      %get3A_1528 = tpu.vector_load %arg9[%get3A_1526, %get3A_1527] {strides = array<i32>} : memref<16x128xf32, #tpu.memory_space<vmem>>, vector<1x16xf32>,
      %get3A_1529 = vector.shape_cast %get3A_1528 : vector<1x16xf32> to vector<16xf32>
      %swap3A_1530 = arith.constant 6 : i32
      %swap3A_1531 = arith.index_cast %swap3A_1530 : i32 to index
      %swap3A_1532 = arith.constant 0 : index
      %swap3A_1533 = tpu.vector_load %arg11[%swap3A_1531, %swap3A_1532] {strides = array<i32>} : memref<128x128xf32, #tpu.memory_space<vmem>>, vector<1x16xf32>,
      %swap3A_1534 = vector.shape_cast %swap3A_1533 : vector<1x16xf32> to vector<16xf32>
      %swap3A_1535 = vector.shape_cast %get3A_1529 : vector<16xf32> to vector<1x16xf32>
      tpu.vector_store %arg11[%swap3A_1531, %swap3A_1532], %swap3A_1535 {strides = array<i32>} : memref<128x128xf32, #tpu.memory_space<vmem>>, vector<1x16xf32>,
      %get3A_1536 = arith.constant 0 : i32
      %get3A_1537 = arith.index_cast %get3A_1536 : i32 to index
      %get3A_1538 = arith.constant 112 : index
      %get3A_1539 = tpu.vector_load %arg9[%get3A_1537, %get3A_1538] {strides = array<i32>} : memref<16x128xf32, #tpu.memory_space<vmem>>, vector<1x16xf32>,
      %get3A_1540 = vector.shape_cast %get3A_1539 : vector<1x16xf32> to vector<16xf32>
      %swap3A_1541 = arith.constant 7 : i32
      %swap3A_1542 = arith.index_cast %swap3A_1541 : i32 to index
      %swap3A_1543 = arith.constant 0 : index
      %swap3A_1544 = tpu.vector_load %arg11[%swap3A_1542, %swap3A_1543] {strides = array<i32>} : memref<128x128xf32, #tpu.memory_space<vmem>>, vector<1x16xf32>,
      %swap3A_1545 = vector.shape_cast %swap3A_1544 : vector<1x16xf32> to vector<16xf32>
      %swap3A_1546 = vector.shape_cast %get3A_1540 : vector<16xf32> to vector<1x16xf32>
      tpu.vector_store %arg11[%swap3A_1542, %swap3A_1543], %swap3A_1546 {strides = array<i32>} : memref<128x128xf32, #tpu.memory_space<vmem>>, vector<1x16xf32>,
      %get3A_1547 = arith.constant 1 : i32
      %get3A_1548 = arith.index_cast %get3A_1547 : i32 to index
      %get3A_1549 = arith.constant 0 : index
      %get3A_1550 = tpu.vector_load %arg9[%get3A_1548, %get3A_1549] {strides = array<i32>} : memref<16x128xf32, #tpu.memory_space<vmem>>, vector<1x16xf32>,
      %get3A_1551 = vector.shape_cast %get3A_1550 : vector<1x16xf32> to vector<16xf32>
      %swap3A_1552 = arith.constant 8 : i32
      %swap3A_1553 = arith.index_cast %swap3A_1552 : i32 to index
      %swap3A_1554 = arith.constant 0 : index
      %swap3A_1555 = tpu.vector_load %arg11[%swap3A_1553, %swap3A_1554] {strides = array<i32>} : memref<128x128xf32, #tpu.memory_space<vmem>>, vector<1x16xf32>,
      %swap3A_1556 = vector.shape_cast %swap3A_1555 : vector<1x16xf32> to vector<16xf32>
      %swap3A_1557 = vector.shape_cast %get3A_1551 : vector<16xf32> to vector<1x16xf32>
      tpu.vector_store %arg11[%swap3A_1553, %swap3A_1554], %swap3A_1557 {strides = array<i32>} : memref<128x128xf32, #tpu.memory_space<vmem>>, vector<1x16xf32>,
      %get3A_1558 = arith.constant 1 : i32
      %get3A_1559 = arith.index_cast %get3A_1558 : i32 to index
      %get3A_1560 = arith.constant 16 : index
      %get3A_1561 = tpu.vector_load %arg9[%get3A_1559, %get3A_1560] {strides = array<i32>} : memref<16x128xf32, #tpu.memory_space<vmem>>, vector<1x16xf32>,
      %get3A_1562 = vector.shape_cast %get3A_1561 : vector<1x16xf32> to vector<16xf32>
      %swap3A_1563 = arith.constant 9 : i32
      %swap3A_1564 = arith.index_cast %swap3A_1563 : i32 to index
      %swap3A_1565 = arith.constant 0 : index
      %swap3A_1566 = tpu.vector_load %arg11[%swap3A_1564, %swap3A_1565] {strides = array<i32>} : memref<128x128xf32, #tpu.memory_space<vmem>>, vector<1x16xf32>,
      %swap3A_1567 = vector.shape_cast %swap3A_1566 : vector<1x16xf32> to vector<16xf32>
      %swap3A_1568 = vector.shape_cast %get3A_1562 : vector<16xf32> to vector<1x16xf32>
      tpu.vector_store %arg11[%swap3A_1564, %swap3A_1565], %swap3A_1568 {strides = array<i32>} : memref<128x128xf32, #tpu.memory_space<vmem>>, vector<1x16xf32>,
      %get3A_1569 = arith.constant 1 : i32
      %get3A_1570 = arith.index_cast %get3A_1569 : i32 to index
      %get3A_1571 = arith.constant 32 : index
      %get3A_1572 = tpu.vector_load %arg9[%get3A_1570, %get3A_1571] {strides = array<i32>} : memref<16x128xf32, #tpu.memory_space<vmem>>, vector<1x16xf32>,
      %get3A_1573 = vector.shape_cast %get3A_1572 : vector<1x16xf32> to vector<16xf32>
      %swap3A_1574 = arith.constant 10 : i32
      %swap3A_1575 = arith.index_cast %swap3A_1574 : i32 to index
      %swap3A_1576 = arith.constant 0 : index
      %swap3A_1577 = tpu.vector_load %arg11[%swap3A_1575, %swap3A_1576] {strides = array<i32>} : memref<128x128xf32, #tpu.memory_space<vmem>>, vector<1x16xf32>,
      %swap3A_1578 = vector.shape_cast %swap3A_1577 : vector<1x16xf32> to vector<16xf32>
      %swap3A_1579 = vector.shape_cast %get3A_1573 : vector<16xf32> to vector<1x16xf32>
      tpu.vector_store %arg11[%swap3A_1575, %swap3A_1576], %swap3A_1579 {strides = array<i32>} : memref<128x128xf32, #tpu.memory_space<vmem>>, vector<1x16xf32>,
      %get3A_1580 = arith.constant 1 : i32
      %get3A_1581 = arith.index_cast %get3A_1580 : i32 to index
      %get3A_1582 = arith.constant 48 : index
      %get3A_1583 = tpu.vector_load %arg9[%get3A_1581, %get3A_1582] {strides = array<i32>} : memref<16x128xf32, #tpu.memory_space<vmem>>, vector<1x16xf32>,
      %get3A_1584 = vector.shape_cast %get3A_1583 : vector<1x16xf32> to vector<16xf32>
      %swap3A_1585 = arith.constant 11 : i32
      %swap3A_1586 = arith.index_cast %swap3A_1585 : i32 to index
      %swap3A_1587 = arith.constant 0 : index
      %swap3A_1588 = tpu.vector_load %arg11[%swap3A_1586, %swap3A_1587] {strides = array<i32>} : memref<128x128xf32, #tpu.memory_space<vmem>>, vector<1x16xf32>,
      %swap3A_1589 = vector.shape_cast %swap3A_1588 : vector<1x16xf32> to vector<16xf32>
      %swap3A_1590 = vector.shape_cast %get3A_1584 : vector<16xf32> to vector<1x16xf32>
      tpu.vector_store %arg11[%swap3A_1586, %swap3A_1587], %swap3A_1590 {strides = array<i32>} : memref<128x128xf32, #tpu.memory_space<vmem>>, vector<1x16xf32>,
      %get3A_1591 = arith.constant 1 : i32
      %get3A_1592 = arith.index_cast %get3A_1591 : i32 to index
      %get3A_1593 = arith.constant 64 : index
      %get3A_1594 = tpu.vector_load %arg9[%get3A_1592, %get3A_1593] {strides = array<i32>} : memref<16x128xf32, #tpu.memory_space<vmem>>, vector<1x16xf32>,
      %get3A_1595 = vector.shape_cast %get3A_1594 : vector<1x16xf32> to vector<16xf32>
      %swap3A_1596 = arith.constant 12 : i32
      %swap3A_1597 = arith.index_cast %swap3A_1596 : i32 to index
      %swap3A_1598 = arith.constant 0 : index
      %swap3A_1599 = tpu.vector_load %arg11[%swap3A_1597, %swap3A_1598] {strides = array<i32>} : memref<128x128xf32, #tpu.memory_space<vmem>>, vector<1x16xf32>,
      %swap3A_1600 = vector.shape_cast %swap3A_1599 : vector<1x16xf32> to vector<16xf32>
      %swap3A_1601 = vector.shape_cast %get3A_1595 : vector<16xf32> to vector<1x16xf32>
      tpu.vector_store %arg11[%swap3A_1597, %swap3A_1598], %swap3A_1601 {strides = array<i32>} : memref<128x128xf32, #tpu.memory_space<vmem>>, vector<1x16xf32>,
      %get3A_1602 = arith.constant 1 : i32
      %get3A_1603 = arith.index_cast %get3A_1602 : i32 to index
      %get3A_1604 = arith.constant 80 : index
      %get3A_1605 = tpu.vector_load %arg9[%get3A_1603, %get3A_1604] {strides = array<i32>} : memref<16x128xf32, #tpu.memory_space<vmem>>, vector<1x16xf32>,
      %get3A_1606 = vector.shape_cast %get3A_1605 : vector<1x16xf32> to vector<16xf32>
      %swap3A_1607 = arith.constant 13 : i32
      %swap3A_1608 = arith.index_cast %swap3A_1607 : i32 to index
      %swap3A_1609 = arith.constant 0 : index
      %swap3A_1610 = tpu.vector_load %arg11[%swap3A_1608, %swap3A_1609] {strides = array<i32>} : memref<128x128xf32, #tpu.memory_space<vmem>>, vector<1x16xf32>,
      %swap3A_1611 = vector.shape_cast %swap3A_1610 : vector<1x16xf32> to vector<16xf32>
      %swap3A_1612 = vector.shape_cast %get3A_1606 : vector<16xf32> to vector<1x16xf32>
      tpu.vector_store %arg11[%swap3A_1608, %swap3A_1609], %swap3A_1612 {strides = array<i32>} : memref<128x128xf32, #tpu.memory_space<vmem>>, vector<1x16xf32>,
      %get3A_1613 = arith.constant 1 : i32
      %get3A_1614 = arith.index_cast %get3A_1613 : i32 to index
      %get3A_1615 = arith.constant 96 : index
      %get3A_1616 = tpu.vector_load %arg9[%get3A_1614, %get3A_1615] {strides = array<i32>} : memref<16x128xf32, #tpu.memory_space<vmem>>, vector<1x16xf32>,
      %get3A_1617 = vector.shape_cast %get3A_1616 : vector<1x16xf32> to vector<16xf32>
      %swap3A_1618 = arith.constant 14 : i32
      %swap3A_1619 = arith.index_cast %swap3A_1618 : i32 to index
      %swap3A_1620 = arith.constant 0 : index
      %swap3A_1621 = tpu.vector_load %arg11[%swap3A_1619, %swap3A_1620] {strides = array<i32>} : memref<128x128xf32, #tpu.memory_space<vmem>>, vector<1x16xf32>,
      %swap3A_1622 = vector.shape_cast %swap3A_1621 : vector<1x16xf32> to vector<16xf32>
      %swap3A_1623 = vector.shape_cast %get3A_1617 : vector<16xf32> to vector<1x16xf32>
      tpu.vector_store %arg11[%swap3A_1619, %swap3A_1620], %swap3A_1623 {strides = array<i32>} : memref<128x128xf32, #tpu.memory_space<vmem>>, vector<1x16xf32>,
      %get3A_1624 = arith.constant 1 : i32
      %get3A_1625 = arith.index_cast %get3A_1624 : i32 to index
      %get3A_1626 = arith.constant 112 : index
      %get3A_1627 = tpu.vector_load %arg9[%get3A_1625, %get3A_1626] {strides = array<i32>} : memref<16x128xf32, #tpu.memory_space<vmem>>, vector<1x16xf32>,
      %get3A_1628 = vector.shape_cast %get3A_1627 : vector<1x16xf32> to vector<16xf32>
      %swap3A_1629 = arith.constant 15 : i32
      %swap3A_1630 = arith.index_cast %swap3A_1629 : i32 to index
      %swap3A_1631 = arith.constant 0 : index
      %swap3A_1632 = tpu.vector_load %arg11[%swap3A_1630, %swap3A_1631] {strides = array<i32>} : memref<128x128xf32, #tpu.memory_space<vmem>>, vector<1x16xf32>,
      %swap3A_1633 = vector.shape_cast %swap3A_1632 : vector<1x16xf32> to vector<16xf32>
      %swap3A_1634 = vector.shape_cast %get3A_1628 : vector<16xf32> to vector<1x16xf32>
      tpu.vector_store %arg11[%swap3A_1630, %swap3A_1631], %swap3A_1634 {strides = array<i32>} : memref<128x128xf32, #tpu.memory_space<vmem>>, vector<1x16xf32>,
      %get3A_1635 = arith.constant 2 : i32
      %get3A_1636 = arith.index_cast %get3A_1635 : i32 to index
      %get3A_1637 = arith.constant 0 : index
      %get3A_1638 = tpu.vector_load %arg9[%get3A_1636, %get3A_1637] {strides = array<i32>} : memref<16x128xf32, #tpu.memory_space<vmem>>, vector<1x16xf32>,
      %get3A_1639 = vector.shape_cast %get3A_1638 : vector<1x16xf32> to vector<16xf32>
      %swap3A_1640 = arith.constant 16 : i32
      %swap3A_1641 = arith.index_cast %swap3A_1640 : i32 to index
      %swap3A_1642 = arith.constant 0 : index
      %swap3A_1643 = tpu.vector_load %arg11[%swap3A_1641, %swap3A_1642] {strides = array<i32>} : memref<128x128xf32, #tpu.memory_space<vmem>>, vector<1x16xf32>,
      %swap3A_1644 = vector.shape_cast %swap3A_1643 : vector<1x16xf32> to vector<16xf32>
      %swap3A_1645 = vector.shape_cast %get3A_1639 : vector<16xf32> to vector<1x16xf32>
      tpu.vector_store %arg11[%swap3A_1641, %swap3A_1642], %swap3A_1645 {strides = array<i32>} : memref<128x128xf32, #tpu.memory_space<vmem>>, vector<1x16xf32>,
      %get3A_1646 = arith.constant 2 : i32
      %get3A_1647 = arith.index_cast %get3A_1646 : i32 to index
      %get3A_1648 = arith.constant 16 : index
      %get3A_1649 = tpu.vector_load %arg9[%get3A_1647, %get3A_1648] {strides = array<i32>} : memref<16x128xf32, #tpu.memory_space<vmem>>, vector<1x16xf32>,
      %get3A_1650 = vector.shape_cast %get3A_1649 : vector<1x16xf32> to vector<16xf32>
      %swap3A_1651 = arith.constant 17 : i32
      %swap3A_1652 = arith.index_cast %swap3A_1651 : i32 to index
      %swap3A_1653 = arith.constant 0 : index
      %swap3A_1654 = tpu.vector_load %arg11[%swap3A_1652, %swap3A_1653] {strides = array<i32>} : memref<128x128xf32, #tpu.memory_space<vmem>>, vector<1x16xf32>,
      %swap3A_1655 = vector.shape_cast %swap3A_1654 : vector<1x16xf32> to vector<16xf32>
      %swap3A_1656 = vector.shape_cast %get3A_1650 : vector<16xf32> to vector<1x16xf32>
      tpu.vector_store %arg11[%swap3A_1652, %swap3A_1653], %swap3A_1656 {strides = array<i32>} : memref<128x128xf32, #tpu.memory_space<vmem>>, vector<1x16xf32>,
      %get3A_1657 = arith.constant 2 : i32
      %get3A_1658 = arith.index_cast %get3A_1657 : i32 to index
      %get3A_1659 = arith.constant 32 : index
      %get3A_1660 = tpu.vector_load %arg9[%get3A_1658, %get3A_1659] {strides = array<i32>} : memref<16x128xf32, #tpu.memory_space<vmem>>, vector<1x16xf32>,
      %get3A_1661 = vector.shape_cast %get3A_1660 : vector<1x16xf32> to vector<16xf32>
      %swap3A_1662 = arith.constant 18 : i32
      %swap3A_1663 = arith.index_cast %swap3A_1662 : i32 to index
      %swap3A_1664 = arith.constant 0 : index
      %swap3A_1665 = tpu.vector_load %arg11[%swap3A_1663, %swap3A_1664] {strides = array<i32>} : memref<128x128xf32, #tpu.memory_space<vmem>>, vector<1x16xf32>,
      %swap3A_1666 = vector.shape_cast %swap3A_1665 : vector<1x16xf32> to vector<16xf32>
      %swap3A_1667 = vector.shape_cast %get3A_1661 : vector<16xf32> to vector<1x16xf32>
      tpu.vector_store %arg11[%swap3A_1663, %swap3A_1664], %swap3A_1667 {strides = array<i32>} : memref<128x128xf32, #tpu.memory_space<vmem>>, vector<1x16xf32>,
      %get3A_1668 = arith.constant 2 : i32
      %get3A_1669 = arith.index_cast %get3A_1668 : i32 to index
      %get3A_1670 = arith.constant 48 : index
      %get3A_1671 = tpu.vector_load %arg9[%get3A_1669, %get3A_1670] {strides = array<i32>} : memref<16x128xf32, #tpu.memory_space<vmem>>, vector<1x16xf32>,
      %get3A_1672 = vector.shape_cast %get3A_1671 : vector<1x16xf32> to vector<16xf32>
      %swap3A_1673 = arith.constant 19 : i32
      %swap3A_1674 = arith.index_cast %swap3A_1673 : i32 to index
      %swap3A_1675 = arith.constant 0 : index
      %swap3A_1676 = tpu.vector_load %arg11[%swap3A_1674, %swap3A_1675] {strides = array<i32>} : memref<128x128xf32, #tpu.memory_space<vmem>>, vector<1x16xf32>,
      %swap3A_1677 = vector.shape_cast %swap3A_1676 : vector<1x16xf32> to vector<16xf32>
      %swap3A_1678 = vector.shape_cast %get3A_1672 : vector<16xf32> to vector<1x16xf32>
      tpu.vector_store %arg11[%swap3A_1674, %swap3A_1675], %swap3A_1678 {strides = array<i32>} : memref<128x128xf32, #tpu.memory_space<vmem>>, vector<1x16xf32>,
      %get3A_1679 = arith.constant 2 : i32
      %get3A_1680 = arith.index_cast %get3A_1679 : i32 to index
      %get3A_1681 = arith.constant 64 : index
      %get3A_1682 = tpu.vector_load %arg9[%get3A_1680, %get3A_1681] {strides = array<i32>} : memref<16x128xf32, #tpu.memory_space<vmem>>, vector<1x16xf32>,
      %get3A_1683 = vector.shape_cast %get3A_1682 : vector<1x16xf32> to vector<16xf32>
      %swap3A_1684 = arith.constant 20 : i32
      %swap3A_1685 = arith.index_cast %swap3A_1684 : i32 to index
      %swap3A_1686 = arith.constant 0 : index
      %swap3A_1687 = tpu.vector_load %arg11[%swap3A_1685, %swap3A_1686] {strides = array<i32>} : memref<128x128xf32, #tpu.memory_space<vmem>>, vector<1x16xf32>,
      %swap3A_1688 = vector.shape_cast %swap3A_1687 : vector<1x16xf32> to vector<16xf32>
      %swap3A_1689 = vector.shape_cast %get3A_1683 : vector<16xf32> to vector<1x16xf32>
      tpu.vector_store %arg11[%swap3A_1685, %swap3A_1686], %swap3A_1689 {strides = array<i32>} : memref<128x128xf32, #tpu.memory_space<vmem>>, vector<1x16xf32>,
      %get3A_1690 = arith.constant 2 : i32
      %get3A_1691 = arith.index_cast %get3A_1690 : i32 to index
      %get3A_1692 = arith.constant 80 : index
      %get3A_1693 = tpu.vector_load %arg9[%get3A_1691, %get3A_1692] {strides = array<i32>} : memref<16x128xf32, #tpu.memory_space<vmem>>, vector<1x16xf32>,
      %get3A_1694 = vector.shape_cast %get3A_1693 : vector<1x16xf32> to vector<16xf32>
      %swap3A_1695 = arith.constant 21 : i32
      %swap3A_1696 = arith.index_cast %swap3A_1695 : i32 to index
      %swap3A_1697 = arith.constant 0 : index
      %swap3A_1698 = tpu.vector_load %arg11[%swap3A_1696, %swap3A_1697] {strides = array<i32>} : memref<128x128xf32, #tpu.memory_space<vmem>>, vector<1x16xf32>,
      %swap3A_1699 = vector.shape_cast %swap3A_1698 : vector<1x16xf32> to vector<16xf32>
      %swap3A_1700 = vector.shape_cast %get3A_1694 : vector<16xf32> to vector<1x16xf32>
      tpu.vector_store %arg11[%swap3A_1696, %swap3A_1697], %swap3A_1700 {strides = array<i32>} : memref<128x128xf32, #tpu.memory_space<vmem>>, vector<1x16xf32>,
      %get3A_1701 = arith.constant 2 : i32
      %get3A_1702 = arith.index_cast %get3A_1701 : i32 to index
      %get3A_1703 = arith.constant 96 : index
      %get3A_1704 = tpu.vector_load %arg9[%get3A_1702, %get3A_1703] {strides = array<i32>} : memref<16x128xf32, #tpu.memory_space<vmem>>, vector<1x16xf32>,
      %get3A_1705 = vector.shape_cast %get3A_1704 : vector<1x16xf32> to vector<16xf32>
      %swap3A_1706 = arith.constant 22 : i32
      %swap3A_1707 = arith.index_cast %swap3A_1706 : i32 to index
      %swap3A_1708 = arith.constant 0 : index
      %swap3A_1709 = tpu.vector_load %arg11[%swap3A_1707, %swap3A_1708] {strides = array<i32>} : memref<128x128xf32, #tpu.memory_space<vmem>>, vector<1x16xf32>,
      %swap3A_1710 = vector.shape_cast %swap3A_1709 : vector<1x16xf32> to vector<16xf32>
      %swap3A_1711 = vector.shape_cast %get3A_1705 : vector<16xf32> to vector<1x16xf32>
      tpu.vector_store %arg11[%swap3A_1707, %swap3A_1708], %swap3A_1711 {strides = array<i32>} : memref<128x128xf32, #tpu.memory_space<vmem>>, vector<1x16xf32>,
      %get3A_1712 = arith.constant 2 : i32
      %get3A_1713 = arith.index_cast %get3A_1712 : i32 to index
      %get3A_1714 = arith.constant 112 : index
      %get3A_1715 = tpu.vector_load %arg9[%get3A_1713, %get3A_1714] {strides = array<i32>} : memref<16x128xf32, #tpu.memory_space<vmem>>, vector<1x16xf32>,
      %get3A_1716 = vector.shape_cast %get3A_1715 : vector<1x16xf32> to vector<16xf32>
      %swap3A_1717 = arith.constant 23 : i32
      %swap3A_1718 = arith.index_cast %swap3A_1717 : i32 to index
      %swap3A_1719 = arith.constant 0 : index
      %swap3A_1720 = tpu.vector_load %arg11[%swap3A_1718, %swap3A_1719] {strides = array<i32>} : memref<128x128xf32, #tpu.memory_space<vmem>>, vector<1x16xf32>,
      %swap3A_1721 = vector.shape_cast %swap3A_1720 : vector<1x16xf32> to vector<16xf32>
      %swap3A_1722 = vector.shape_cast %get3A_1716 : vector<16xf32> to vector<1x16xf32>
      tpu.vector_store %arg11[%swap3A_1718, %swap3A_1719], %swap3A_1722 {strides = array<i32>} : memref<128x128xf32, #tpu.memory_space<vmem>>, vector<1x16xf32>,
      %get3A_1723 = arith.constant 3 : i32
      %get3A_1724 = arith.index_cast %get3A_1723 : i32 to index
      %get3A_1725 = arith.constant 0 : index
      %get3A_1726 = tpu.vector_load %arg9[%get3A_1724, %get3A_1725] {strides = array<i32>} : memref<16x128xf32, #tpu.memory_space<vmem>>, vector<1x16xf32>,
      %get3A_1727 = vector.shape_cast %get3A_1726 : vector<1x16xf32> to vector<16xf32>
      %swap3A_1728 = arith.constant 24 : i32
      %swap3A_1729 = arith.index_cast %swap3A_1728 : i32 to index
      %swap3A_1730 = arith.constant 0 : index
      %swap3A_1731 = tpu.vector_load %arg11[%swap3A_1729, %swap3A_1730] {strides = array<i32>} : memref<128x128xf32, #tpu.memory_space<vmem>>, vector<1x16xf32>,
      %swap3A_1732 = vector.shape_cast %swap3A_1731 : vector<1x16xf32> to vector<16xf32>
      %swap3A_1733 = vector.shape_cast %get3A_1727 : vector<16xf32> to vector<1x16xf32>
      tpu.vector_store %arg11[%swap3A_1729, %swap3A_1730], %swap3A_1733 {strides = array<i32>} : memref<128x128xf32, #tpu.memory_space<vmem>>, vector<1x16xf32>,
      %get3A_1734 = arith.constant 3 : i32
      %get3A_1735 = arith.index_cast %get3A_1734 : i32 to index
      %get3A_1736 = arith.constant 16 : index
      %get3A_1737 = tpu.vector_load %arg9[%get3A_1735, %get3A_1736] {strides = array<i32>} : memref<16x128xf32, #tpu.memory_space<vmem>>, vector<1x16xf32>,
      %get3A_1738 = vector.shape_cast %get3A_1737 : vector<1x16xf32> to vector<16xf32>
      %swap3A_1739 = arith.constant 25 : i32
      %swap3A_1740 = arith.index_cast %swap3A_1739 : i32 to index
      %swap3A_1741 = arith.constant 0 : index
      %swap3A_1742 = tpu.vector_load %arg11[%swap3A_1740, %swap3A_1741] {strides = array<i32>} : memref<128x128xf32, #tpu.memory_space<vmem>>, vector<1x16xf32>,
      %swap3A_1743 = vector.shape_cast %swap3A_1742 : vector<1x16xf32> to vector<16xf32>
      %swap3A_1744 = vector.shape_cast %get3A_1738 : vector<16xf32> to vector<1x16xf32>
      tpu.vector_store %arg11[%swap3A_1740, %swap3A_1741], %swap3A_1744 {strides = array<i32>} : memref<128x128xf32, #tpu.memory_space<vmem>>, vector<1x16xf32>,
      %get3A_1745 = arith.constant 3 : i32
      %get3A_1746 = arith.index_cast %get3A_1745 : i32 to index
      %get3A_1747 = arith.constant 32 : index
      %get3A_1748 = tpu.vector_load %arg9[%get3A_1746, %get3A_1747] {strides = array<i32>} : memref<16x128xf32, #tpu.memory_space<vmem>>, vector<1x16xf32>,
      %get3A_1749 = vector.shape_cast %get3A_1748 : vector<1x16xf32> to vector<16xf32>
      %swap3A_1750 = arith.constant 26 : i32
      %swap3A_1751 = arith.index_cast %swap3A_1750 : i32 to index
      %swap3A_1752 = arith.constant 0 : index
      %swap3A_1753 = tpu.vector_load %arg11[%swap3A_1751, %swap3A_1752] {strides = array<i32>} : memref<128x128xf32, #tpu.memory_space<vmem>>, vector<1x16xf32>,
      %swap3A_1754 = vector.shape_cast %swap3A_1753 : vector<1x16xf32> to vector<16xf32>
      %swap3A_1755 = vector.shape_cast %get3A_1749 : vector<16xf32> to vector<1x16xf32>
      tpu.vector_store %arg11[%swap3A_1751, %swap3A_1752], %swap3A_1755 {strides = array<i32>} : memref<128x128xf32, #tpu.memory_space<vmem>>, vector<1x16xf32>,
      %get3A_1756 = arith.constant 3 : i32
      %get3A_1757 = arith.index_cast %get3A_1756 : i32 to index
      %get3A_1758 = arith.constant 48 : index
      %get3A_1759 = tpu.vector_load %arg9[%get3A_1757, %get3A_1758] {strides = array<i32>} : memref<16x128xf32, #tpu.memory_space<vmem>>, vector<1x16xf32>,
      %get3A_1760 = vector.shape_cast %get3A_1759 : vector<1x16xf32> to vector<16xf32>
      %swap3A_1761 = arith.constant 27 : i32
      %swap3A_1762 = arith.index_cast %swap3A_1761 : i32 to index
      %swap3A_1763 = arith.constant 0 : index
      %swap3A_1764 = tpu.vector_load %arg11[%swap3A_1762, %swap3A_1763] {strides = array<i32>} : memref<128x128xf32, #tpu.memory_space<vmem>>, vector<1x16xf32>,
      %swap3A_1765 = vector.shape_cast %swap3A_1764 : vector<1x16xf32> to vector<16xf32>
      %swap3A_1766 = vector.shape_cast %get3A_1760 : vector<16xf32> to vector<1x16xf32>
      tpu.vector_store %arg11[%swap3A_1762, %swap3A_1763], %swap3A_1766 {strides = array<i32>} : memref<128x128xf32, #tpu.memory_space<vmem>>, vector<1x16xf32>,
      %get3A_1767 = arith.constant 3 : i32
      %get3A_1768 = arith.index_cast %get3A_1767 : i32 to index
      %get3A_1769 = arith.constant 64 : index
      %get3A_1770 = tpu.vector_load %arg9[%get3A_1768, %get3A_1769] {strides = array<i32>} : memref<16x128xf32, #tpu.memory_space<vmem>>, vector<1x16xf32>,
      %get3A_1771 = vector.shape_cast %get3A_1770 : vector<1x16xf32> to vector<16xf32>
      %swap3A_1772 = arith.constant 28 : i32
      %swap3A_1773 = arith.index_cast %swap3A_1772 : i32 to index
      %swap3A_1774 = arith.constant 0 : index
      %swap3A_1775 = tpu.vector_load %arg11[%swap3A_1773, %swap3A_1774] {strides = array<i32>} : memref<128x128xf32, #tpu.memory_space<vmem>>, vector<1x16xf32>,
      %swap3A_1776 = vector.shape_cast %swap3A_1775 : vector<1x16xf32> to vector<16xf32>
      %swap3A_1777 = vector.shape_cast %get3A_1771 : vector<16xf32> to vector<1x16xf32>
      tpu.vector_store %arg11[%swap3A_1773, %swap3A_1774], %swap3A_1777 {strides = array<i32>} : memref<128x128xf32, #tpu.memory_space<vmem>>, vector<1x16xf32>,
      %get3A_1778 = arith.constant 3 : i32
      %get3A_1779 = arith.index_cast %get3A_1778 : i32 to index
      %get3A_1780 = arith.constant 80 : index
      %get3A_1781 = tpu.vector_load %arg9[%get3A_1779, %get3A_1780] {strides = array<i32>} : memref<16x128xf32, #tpu.memory_space<vmem>>, vector<1x16xf32>,
      %get3A_1782 = vector.shape_cast %get3A_1781 : vector<1x16xf32> to vector<16xf32>
      %swap3A_1783 = arith.constant 29 : i32
      %swap3A_1784 = arith.index_cast %swap3A_1783 : i32 to index
      %swap3A_1785 = arith.constant 0 : index
      %swap3A_1786 = tpu.vector_load %arg11[%swap3A_1784, %swap3A_1785] {strides = array<i32>} : memref<128x128xf32, #tpu.memory_space<vmem>>, vector<1x16xf32>,
      %swap3A_1787 = vector.shape_cast %swap3A_1786 : vector<1x16xf32> to vector<16xf32>
      %swap3A_1788 = vector.shape_cast %get3A_1782 : vector<16xf32> to vector<1x16xf32>
      tpu.vector_store %arg11[%swap3A_1784, %swap3A_1785], %swap3A_1788 {strides = array<i32>} : memref<128x128xf32, #tpu.memory_space<vmem>>, vector<1x16xf32>,
      %get3A_1789 = arith.constant 3 : i32
      %get3A_1790 = arith.index_cast %get3A_1789 : i32 to index
      %get3A_1791 = arith.constant 96 : index
      %get3A_1792 = tpu.vector_load %arg9[%get3A_1790, %get3A_1791] {strides = array<i32>} : memref<16x128xf32, #tpu.memory_space<vmem>>, vector<1x16xf32>,
      %get3A_1793 = vector.shape_cast %get3A_1792 : vector<1x16xf32> to vector<16xf32>
      %swap3A_1794 = arith.constant 30 : i32
      %swap3A_1795 = arith.index_cast %swap3A_1794 : i32 to index
      %swap3A_1796 = arith.constant 0 : index
      %swap3A_1797 = tpu.vector_load %arg11[%swap3A_1795, %swap3A_1796] {strides = array<i32>} : memref<128x128xf32, #tpu.memory_space<vmem>>, vector<1x16xf32>,
      %swap3A_1798 = vector.shape_cast %swap3A_1797 : vector<1x16xf32> to vector<16xf32>
      %swap3A_1799 = vector.shape_cast %get3A_1793 : vector<16xf32> to vector<1x16xf32>
      tpu.vector_store %arg11[%swap3A_1795, %swap3A_1796], %swap3A_1799 {strides = array<i32>} : memref<128x128xf32, #tpu.memory_space<vmem>>, vector<1x16xf32>,
      %get3A_1800 = arith.constant 3 : i32
      %get3A_1801 = arith.index_cast %get3A_1800 : i32 to index
      %get3A_1802 = arith.constant 112 : index
      %get3A_1803 = tpu.vector_load %arg9[%get3A_1801, %get3A_1802] {strides = array<i32>} : memref<16x128xf32, #tpu.memory_space<vmem>>, vector<1x16xf32>,
      %get3A_1804 = vector.shape_cast %get3A_1803 : vector<1x16xf32> to vector<16xf32>
      %swap3A_1805 = arith.constant 31 : i32
      %swap3A_1806 = arith.index_cast %swap3A_1805 : i32 to index
      %swap3A_1807 = arith.constant 0 : index
      %swap3A_1808 = tpu.vector_load %arg11[%swap3A_1806, %swap3A_1807] {strides = array<i32>} : memref<128x128xf32, #tpu.memory_space<vmem>>, vector<1x16xf32>,
      %swap3A_1809 = vector.shape_cast %swap3A_1808 : vector<1x16xf32> to vector<16xf32>
      %swap3A_1810 = vector.shape_cast %get3A_1804 : vector<16xf32> to vector<1x16xf32>
      tpu.vector_store %arg11[%swap3A_1806, %swap3A_1807], %swap3A_1810 {strides = array<i32>} : memref<128x128xf32, #tpu.memory_space<vmem>>, vector<1x16xf32>,
      %get3A_1811 = arith.constant 4 : i32
      %get3A_1812 = arith.index_cast %get3A_1811 : i32 to index
      %get3A_1813 = arith.constant 0 : index
      %get3A_1814 = tpu.vector_load %arg9[%get3A_1812, %get3A_1813] {strides = array<i32>} : memref<16x128xf32, #tpu.memory_space<vmem>>, vector<1x16xf32>,
      %get3A_1815 = vector.shape_cast %get3A_1814 : vector<1x16xf32> to vector<16xf32>
      %swap3A_1816 = arith.constant 32 : i32
      %swap3A_1817 = arith.index_cast %swap3A_1816 : i32 to index
      %swap3A_1818 = arith.constant 0 : index
      %swap3A_1819 = tpu.vector_load %arg11[%swap3A_1817, %swap3A_1818] {strides = array<i32>} : memref<128x128xf32, #tpu.memory_space<vmem>>, vector<1x16xf32>,
      %swap3A_1820 = vector.shape_cast %swap3A_1819 : vector<1x16xf32> to vector<16xf32>
      %swap3A_1821 = vector.shape_cast %get3A_1815 : vector<16xf32> to vector<1x16xf32>
      tpu.vector_store %arg11[%swap3A_1817, %swap3A_1818], %swap3A_1821 {strides = array<i32>} : memref<128x128xf32, #tpu.memory_space<vmem>>, vector<1x16xf32>,
      %get3A_1822 = arith.constant 4 : i32
      %get3A_1823 = arith.index_cast %get3A_1822 : i32 to index
      %get3A_1824 = arith.constant 16 : index
      %get3A_1825 = tpu.vector_load %arg9[%get3A_1823, %get3A_1824] {strides = array<i32>} : memref<16x128xf32, #tpu.memory_space<vmem>>, vector<1x16xf32>,
      %get3A_1826 = vector.shape_cast %get3A_1825 : vector<1x16xf32> to vector<16xf32>
      %swap3A_1827 = arith.constant 33 : i32
      %swap3A_1828 = arith.index_cast %swap3A_1827 : i32 to index
      %swap3A_1829 = arith.constant 0 : index
      %swap3A_1830 = tpu.vector_load %arg11[%swap3A_1828, %swap3A_1829] {strides = array<i32>} : memref<128x128xf32, #tpu.memory_space<vmem>>, vector<1x16xf32>,
      %swap3A_1831 = vector.shape_cast %swap3A_1830 : vector<1x16xf32> to vector<16xf32>
      %swap3A_1832 = vector.shape_cast %get3A_1826 : vector<16xf32> to vector<1x16xf32>
      tpu.vector_store %arg11[%swap3A_1828, %swap3A_1829], %swap3A_1832 {strides = array<i32>} : memref<128x128xf32, #tpu.memory_space<vmem>>, vector<1x16xf32>,
      %get3A_1833 = arith.constant 4 : i32
      %get3A_1834 = arith.index_cast %get3A_1833 : i32 to index
      %get3A_1835 = arith.constant 32 : index
      %get3A_1836 = tpu.vector_load %arg9[%get3A_1834, %get3A_1835] {strides = array<i32>} : memref<16x128xf32, #tpu.memory_space<vmem>>, vector<1x16xf32>,
      %get3A_1837 = vector.shape_cast %get3A_1836 : vector<1x16xf32> to vector<16xf32>
      %swap3A_1838 = arith.constant 34 : i32
      %swap3A_1839 = arith.index_cast %swap3A_1838 : i32 to index
      %swap3A_1840 = arith.constant 0 : index
      %swap3A_1841 = tpu.vector_load %arg11[%swap3A_1839, %swap3A_1840] {strides = array<i32>} : memref<128x128xf32, #tpu.memory_space<vmem>>, vector<1x16xf32>,
      %swap3A_1842 = vector.shape_cast %swap3A_1841 : vector<1x16xf32> to vector<16xf32>
      %swap3A_1843 = vector.shape_cast %get3A_1837 : vector<16xf32> to vector<1x16xf32>
      tpu.vector_store %arg11[%swap3A_1839, %swap3A_1840], %swap3A_1843 {strides = array<i32>} : memref<128x128xf32, #tpu.memory_space<vmem>>, vector<1x16xf32>,
      %get3A_1844 = arith.constant 4 : i32
      %get3A_1845 = arith.index_cast %get3A_1844 : i32 to index
      %get3A_1846 = arith.constant 48 : index
      %get3A_1847 = tpu.vector_load %arg9[%get3A_1845, %get3A_1846] {strides = array<i32>} : memref<16x128xf32, #tpu.memory_space<vmem>>, vector<1x16xf32>,
      %get3A_1848 = vector.shape_cast %get3A_1847 : vector<1x16xf32> to vector<16xf32>
      %swap3A_1849 = arith.constant 35 : i32
      %swap3A_1850 = arith.index_cast %swap3A_1849 : i32 to index
      %swap3A_1851 = arith.constant 0 : index
      %swap3A_1852 = tpu.vector_load %arg11[%swap3A_1850, %swap3A_1851] {strides = array<i32>} : memref<128x128xf32, #tpu.memory_space<vmem>>, vector<1x16xf32>,
      %swap3A_1853 = vector.shape_cast %swap3A_1852 : vector<1x16xf32> to vector<16xf32>
      %swap3A_1854 = vector.shape_cast %get3A_1848 : vector<16xf32> to vector<1x16xf32>
      tpu.vector_store %arg11[%swap3A_1850, %swap3A_1851], %swap3A_1854 {strides = array<i32>} : memref<128x128xf32, #tpu.memory_space<vmem>>, vector<1x16xf32>,
      %get3A_1855 = arith.constant 4 : i32
      %get3A_1856 = arith.index_cast %get3A_1855 : i32 to index
      %get3A_1857 = arith.constant 64 : index
      %get3A_1858 = tpu.vector_load %arg9[%get3A_1856, %get3A_1857] {strides = array<i32>} : memref<16x128xf32, #tpu.memory_space<vmem>>, vector<1x16xf32>,
      %get3A_1859 = vector.shape_cast %get3A_1858 : vector<1x16xf32> to vector<16xf32>
      %swap3A_1860 = arith.constant 36 : i32
      %swap3A_1861 = arith.index_cast %swap3A_1860 : i32 to index
      %swap3A_1862 = arith.constant 0 : index
      %swap3A_1863 = tpu.vector_load %arg11[%swap3A_1861, %swap3A_1862] {strides = array<i32>} : memref<128x128xf32, #tpu.memory_space<vmem>>, vector<1x16xf32>,
      %swap3A_1864 = vector.shape_cast %swap3A_1863 : vector<1x16xf32> to vector<16xf32>
      %swap3A_1865 = vector.shape_cast %get3A_1859 : vector<16xf32> to vector<1x16xf32>
      tpu.vector_store %arg11[%swap3A_1861, %swap3A_1862], %swap3A_1865 {strides = array<i32>} : memref<128x128xf32, #tpu.memory_space<vmem>>, vector<1x16xf32>,
      %get3A_1866 = arith.constant 4 : i32
      %get3A_1867 = arith.index_cast %get3A_1866 : i32 to index
      %get3A_1868 = arith.constant 80 : index
      %get3A_1869 = tpu.vector_load %arg9[%get3A_1867, %get3A_1868] {strides = array<i32>} : memref<16x128xf32, #tpu.memory_space<vmem>>, vector<1x16xf32>,
      %get3A_1870 = vector.shape_cast %get3A_1869 : vector<1x16xf32> to vector<16xf32>
      %swap3A_1871 = arith.constant 37 : i32
      %swap3A_1872 = arith.index_cast %swap3A_1871 : i32 to index
      %swap3A_1873 = arith.constant 0 : index
      %swap3A_1874 = tpu.vector_load %arg11[%swap3A_1872, %swap3A_1873] {strides = array<i32>} : memref<128x128xf32, #tpu.memory_space<vmem>>, vector<1x16xf32>,
      %swap3A_1875 = vector.shape_cast %swap3A_1874 : vector<1x16xf32> to vector<16xf32>
      %swap3A_1876 = vector.shape_cast %get3A_1870 : vector<16xf32> to vector<1x16xf32>
      tpu.vector_store %arg11[%swap3A_1872, %swap3A_1873], %swap3A_1876 {strides = array<i32>} : memref<128x128xf32, #tpu.memory_space<vmem>>, vector<1x16xf32>,
      %get3A_1877 = arith.constant 4 : i32
      %get3A_1878 = arith.index_cast %get3A_1877 : i32 to index
      %get3A_1879 = arith.constant 96 : index
      %get3A_1880 = tpu.vector_load %arg9[%get3A_1878, %get3A_1879] {strides = array<i32>} : memref<16x128xf32, #tpu.memory_space<vmem>>, vector<1x16xf32>,
      %get3A_1881 = vector.shape_cast %get3A_1880 : vector<1x16xf32> to vector<16xf32>
      %swap3A_1882 = arith.constant 38 : i32
      %swap3A_1883 = arith.index_cast %swap3A_1882 : i32 to index
      %swap3A_1884 = arith.constant 0 : index
      %swap3A_1885 = tpu.vector_load %arg11[%swap3A_1883, %swap3A_1884] {strides = array<i32>} : memref<128x128xf32, #tpu.memory_space<vmem>>, vector<1x16xf32>,
      %swap3A_1886 = vector.shape_cast %swap3A_1885 : vector<1x16xf32> to vector<16xf32>
      %swap3A_1887 = vector.shape_cast %get3A_1881 : vector<16xf32> to vector<1x16xf32>
      tpu.vector_store %arg11[%swap3A_1883, %swap3A_1884], %swap3A_1887 {strides = array<i32>} : memref<128x128xf32, #tpu.memory_space<vmem>>, vector<1x16xf32>,
      %get3A_1888 = arith.constant 4 : i32
      %get3A_1889 = arith.index_cast %get3A_1888 : i32 to index
      %get3A_1890 = arith.constant 112 : index
      %get3A_1891 = tpu.vector_load %arg9[%get3A_1889, %get3A_1890] {strides = array<i32>} : memref<16x128xf32, #tpu.memory_space<vmem>>, vector<1x16xf32>,
      %get3A_1892 = vector.shape_cast %get3A_1891 : vector<1x16xf32> to vector<16xf32>
      %swap3A_1893 = arith.constant 39 : i32
      %swap3A_1894 = arith.index_cast %swap3A_1893 : i32 to index
      %swap3A_1895 = arith.constant 0 : index
      %swap3A_1896 = tpu.vector_load %arg11[%swap3A_1894, %swap3A_1895] {strides = array<i32>} : memref<128x128xf32, #tpu.memory_space<vmem>>, vector<1x16xf32>,
      %swap3A_1897 = vector.shape_cast %swap3A_1896 : vector<1x16xf32> to vector<16xf32>
      %swap3A_1898 = vector.shape_cast %get3A_1892 : vector<16xf32> to vector<1x16xf32>
      tpu.vector_store %arg11[%swap3A_1894, %swap3A_1895], %swap3A_1898 {strides = array<i32>} : memref<128x128xf32, #tpu.memory_space<vmem>>, vector<1x16xf32>,
      %get3A_1899 = arith.constant 5 : i32
      %get3A_1900 = arith.index_cast %get3A_1899 : i32 to index
      %get3A_1901 = arith.constant 0 : index
      %get3A_1902 = tpu.vector_load %arg9[%get3A_1900, %get3A_1901] {strides = array<i32>} : memref<16x128xf32, #tpu.memory_space<vmem>>, vector<1x16xf32>,
      %get3A_1903 = vector.shape_cast %get3A_1902 : vector<1x16xf32> to vector<16xf32>
      %swap3A_1904 = arith.constant 40 : i32
      %swap3A_1905 = arith.index_cast %swap3A_1904 : i32 to index
      %swap3A_1906 = arith.constant 0 : index
      %swap3A_1907 = tpu.vector_load %arg11[%swap3A_1905, %swap3A_1906] {strides = array<i32>} : memref<128x128xf32, #tpu.memory_space<vmem>>, vector<1x16xf32>,
      %swap3A_1908 = vector.shape_cast %swap3A_1907 : vector<1x16xf32> to vector<16xf32>
      %swap3A_1909 = vector.shape_cast %get3A_1903 : vector<16xf32> to vector<1x16xf32>
      tpu.vector_store %arg11[%swap3A_1905, %swap3A_1906], %swap3A_1909 {strides = array<i32>} : memref<128x128xf32, #tpu.memory_space<vmem>>, vector<1x16xf32>,
      %get3A_1910 = arith.constant 5 : i32
      %get3A_1911 = arith.index_cast %get3A_1910 : i32 to index
      %get3A_1912 = arith.constant 16 : index
      %get3A_1913 = tpu.vector_load %arg9[%get3A_1911, %get3A_1912] {strides = array<i32>} : memref<16x128xf32, #tpu.memory_space<vmem>>, vector<1x16xf32>,
      %get3A_1914 = vector.shape_cast %get3A_1913 : vector<1x16xf32> to vector<16xf32>
      %swap3A_1915 = arith.constant 41 : i32
      %swap3A_1916 = arith.index_cast %swap3A_1915 : i32 to index
      %swap3A_1917 = arith.constant 0 : index
      %swap3A_1918 = tpu.vector_load %arg11[%swap3A_1916, %swap3A_1917] {strides = array<i32>} : memref<128x128xf32, #tpu.memory_space<vmem>>, vector<1x16xf32>,
      %swap3A_1919 = vector.shape_cast %swap3A_1918 : vector<1x16xf32> to vector<16xf32>
      %swap3A_1920 = vector.shape_cast %get3A_1914 : vector<16xf32> to vector<1x16xf32>
      tpu.vector_store %arg11[%swap3A_1916, %swap3A_1917], %swap3A_1920 {strides = array<i32>} : memref<128x128xf32, #tpu.memory_space<vmem>>, vector<1x16xf32>,
      %get3A_1921 = arith.constant 5 : i32
      %get3A_1922 = arith.index_cast %get3A_1921 : i32 to index
      %get3A_1923 = arith.constant 32 : index
      %get3A_1924 = tpu.vector_load %arg9[%get3A_1922, %get3A_1923] {strides = array<i32>} : memref<16x128xf32, #tpu.memory_space<vmem>>, vector<1x16xf32>,
      %get3A_1925 = vector.shape_cast %get3A_1924 : vector<1x16xf32> to vector<16xf32>
      %swap3A_1926 = arith.constant 42 : i32
      %swap3A_1927 = arith.index_cast %swap3A_1926 : i32 to index
      %swap3A_1928 = arith.constant 0 : index
      %swap3A_1929 = tpu.vector_load %arg11[%swap3A_1927, %swap3A_1928] {strides = array<i32>} : memref<128x128xf32, #tpu.memory_space<vmem>>, vector<1x16xf32>,
      %swap3A_1930 = vector.shape_cast %swap3A_1929 : vector<1x16xf32> to vector<16xf32>
      %swap3A_1931 = vector.shape_cast %get3A_1925 : vector<16xf32> to vector<1x16xf32>
      tpu.vector_store %arg11[%swap3A_1927, %swap3A_1928], %swap3A_1931 {strides = array<i32>} : memref<128x128xf32, #tpu.memory_space<vmem>>, vector<1x16xf32>,
      %get3A_1932 = arith.constant 5 : i32
      %get3A_1933 = arith.index_cast %get3A_1932 : i32 to index
      %get3A_1934 = arith.constant 48 : index
      %get3A_1935 = tpu.vector_load %arg9[%get3A_1933, %get3A_1934] {strides = array<i32>} : memref<16x128xf32, #tpu.memory_space<vmem>>, vector<1x16xf32>,
      %get3A_1936 = vector.shape_cast %get3A_1935 : vector<1x16xf32> to vector<16xf32>
      %swap3A_1937 = arith.constant 43 : i32
      %swap3A_1938 = arith.index_cast %swap3A_1937 : i32 to index
      %swap3A_1939 = arith.constant 0 : index
      %swap3A_1940 = tpu.vector_load %arg11[%swap3A_1938, %swap3A_1939] {strides = array<i32>} : memref<128x128xf32, #tpu.memory_space<vmem>>, vector<1x16xf32>,
      %swap3A_1941 = vector.shape_cast %swap3A_1940 : vector<1x16xf32> to vector<16xf32>
      %swap3A_1942 = vector.shape_cast %get3A_1936 : vector<16xf32> to vector<1x16xf32>
      tpu.vector_store %arg11[%swap3A_1938, %swap3A_1939], %swap3A_1942 {strides = array<i32>} : memref<128x128xf32, #tpu.memory_space<vmem>>, vector<1x16xf32>,
      %get3A_1943 = arith.constant 5 : i32
      %get3A_1944 = arith.index_cast %get3A_1943 : i32 to index
      %get3A_1945 = arith.constant 64 : index
      %get3A_1946 = tpu.vector_load %arg9[%get3A_1944, %get3A_1945] {strides = array<i32>} : memref<16x128xf32, #tpu.memory_space<vmem>>, vector<1x16xf32>,
      %get3A_1947 = vector.shape_cast %get3A_1946 : vector<1x16xf32> to vector<16xf32>
      %swap3A_1948 = arith.constant 44 : i32
      %swap3A_1949 = arith.index_cast %swap3A_1948 : i32 to index
      %swap3A_1950 = arith.constant 0 : index
      %swap3A_1951 = tpu.vector_load %arg11[%swap3A_1949, %swap3A_1950] {strides = array<i32>} : memref<128x128xf32, #tpu.memory_space<vmem>>, vector<1x16xf32>,
      %swap3A_1952 = vector.shape_cast %swap3A_1951 : vector<1x16xf32> to vector<16xf32>
      %swap3A_1953 = vector.shape_cast %get3A_1947 : vector<16xf32> to vector<1x16xf32>
      tpu.vector_store %arg11[%swap3A_1949, %swap3A_1950], %swap3A_1953 {strides = array<i32>} : memref<128x128xf32, #tpu.memory_space<vmem>>, vector<1x16xf32>,
      %get3A_1954 = arith.constant 5 : i32
      %get3A_1955 = arith.index_cast %get3A_1954 : i32 to index
      %get3A_1956 = arith.constant 80 : index
      %get3A_1957 = tpu.vector_load %arg9[%get3A_1955, %get3A_1956] {strides = array<i32>} : memref<16x128xf32, #tpu.memory_space<vmem>>, vector<1x16xf32>,
      %get3A_1958 = vector.shape_cast %get3A_1957 : vector<1x16xf32> to vector<16xf32>
      %swap3A_1959 = arith.constant 45 : i32
      %swap3A_1960 = arith.index_cast %swap3A_1959 : i32 to index
      %swap3A_1961 = arith.constant 0 : index
      %swap3A_1962 = tpu.vector_load %arg11[%swap3A_1960, %swap3A_1961] {strides = array<i32>} : memref<128x128xf32, #tpu.memory_space<vmem>>, vector<1x16xf32>,
      %swap3A_1963 = vector.shape_cast %swap3A_1962 : vector<1x16xf32> to vector<16xf32>
      %swap3A_1964 = vector.shape_cast %get3A_1958 : vector<16xf32> to vector<1x16xf32>
      tpu.vector_store %arg11[%swap3A_1960, %swap3A_1961], %swap3A_1964 {strides = array<i32>} : memref<128x128xf32, #tpu.memory_space<vmem>>, vector<1x16xf32>,
      %get3A_1965 = arith.constant 5 : i32
      %get3A_1966 = arith.index_cast %get3A_1965 : i32 to index
      %get3A_1967 = arith.constant 96 : index
      %get3A_1968 = tpu.vector_load %arg9[%get3A_1966, %get3A_1967] {strides = array<i32>} : memref<16x128xf32, #tpu.memory_space<vmem>>, vector<1x16xf32>,
      %get3A_1969 = vector.shape_cast %get3A_1968 : vector<1x16xf32> to vector<16xf32>
      %swap3A_1970 = arith.constant 46 : i32
      %swap3A_1971 = arith.index_cast %swap3A_1970 : i32 to index
      %swap3A_1972 = arith.constant 0 : index
      %swap3A_1973 = tpu.vector_load %arg11[%swap3A_1971, %swap3A_1972] {strides = array<i32>} : memref<128x128xf32, #tpu.memory_space<vmem>>, vector<1x16xf32>,
      %swap3A_1974 = vector.shape_cast %swap3A_1973 : vector<1x16xf32> to vector<16xf32>
      %swap3A_1975 = vector.shape_cast %get3A_1969 : vector<16xf32> to vector<1x16xf32>
      tpu.vector_store %arg11[%swap3A_1971, %swap3A_1972], %swap3A_1975 {strides = array<i32>} : memref<128x128xf32, #tpu.memory_space<vmem>>, vector<1x16xf32>,
      %get3A_1976 = arith.constant 5 : i32
      %get3A_1977 = arith.index_cast %get3A_1976 : i32 to index
      %get3A_1978 = arith.constant 112 : index
      %get3A_1979 = tpu.vector_load %arg9[%get3A_1977, %get3A_1978] {strides = array<i32>} : memref<16x128xf32, #tpu.memory_space<vmem>>, vector<1x16xf32>,
      %get3A_1980 = vector.shape_cast %get3A_1979 : vector<1x16xf32> to vector<16xf32>
      %swap3A_1981 = arith.constant 47 : i32
      %swap3A_1982 = arith.index_cast %swap3A_1981 : i32 to index
      %swap3A_1983 = arith.constant 0 : index
      %swap3A_1984 = tpu.vector_load %arg11[%swap3A_1982, %swap3A_1983] {strides = array<i32>} : memref<128x128xf32, #tpu.memory_space<vmem>>, vector<1x16xf32>,
      %swap3A_1985 = vector.shape_cast %swap3A_1984 : vector<1x16xf32> to vector<16xf32>
      %swap3A_1986 = vector.shape_cast %get3A_1980 : vector<16xf32> to vector<1x16xf32>
      tpu.vector_store %arg11[%swap3A_1982, %swap3A_1983], %swap3A_1986 {strides = array<i32>} : memref<128x128xf32, #tpu.memory_space<vmem>>, vector<1x16xf32>,
      %get3A_1987 = arith.constant 6 : i32
      %get3A_1988 = arith.index_cast %get3A_1987 : i32 to index
      %get3A_1989 = arith.constant 0 : index
      %get3A_1990 = tpu.vector_load %arg9[%get3A_1988, %get3A_1989] {strides = array<i32>} : memref<16x128xf32, #tpu.memory_space<vmem>>, vector<1x16xf32>,
      %get3A_1991 = vector.shape_cast %get3A_1990 : vector<1x16xf32> to vector<16xf32>
      %swap3A_1992 = arith.constant 48 : i32
      %swap3A_1993 = arith.index_cast %swap3A_1992 : i32 to index
      %swap3A_1994 = arith.constant 0 : index
      %swap3A_1995 = tpu.vector_load %arg11[%swap3A_1993, %swap3A_1994] {strides = array<i32>} : memref<128x128xf32, #tpu.memory_space<vmem>>, vector<1x16xf32>,
      %swap3A_1996 = vector.shape_cast %swap3A_1995 : vector<1x16xf32> to vector<16xf32>
      %swap3A_1997 = vector.shape_cast %get3A_1991 : vector<16xf32> to vector<1x16xf32>
      tpu.vector_store %arg11[%swap3A_1993, %swap3A_1994], %swap3A_1997 {strides = array<i32>} : memref<128x128xf32, #tpu.memory_space<vmem>>, vector<1x16xf32>,
      %get3A_1998 = arith.constant 6 : i32
      %get3A_1999 = arith.index_cast %get3A_1998 : i32 to index
      %get3A_2000 = arith.constant 16 : index
      %get3A_2001 = tpu.vector_load %arg9[%get3A_1999, %get3A_2000] {strides = array<i32>} : memref<16x128xf32, #tpu.memory_space<vmem>>, vector<1x16xf32>,
      %get3A_2002 = vector.shape_cast %get3A_2001 : vector<1x16xf32> to vector<16xf32>
      %swap3A_2003 = arith.constant 49 : i32
      %swap3A_2004 = arith.index_cast %swap3A_2003 : i32 to index
      %swap3A_2005 = arith.constant 0 : index
      %swap3A_2006 = tpu.vector_load %arg11[%swap3A_2004, %swap3A_2005] {strides = array<i32>} : memref<128x128xf32, #tpu.memory_space<vmem>>, vector<1x16xf32>,
      %swap3A_2007 = vector.shape_cast %swap3A_2006 : vector<1x16xf32> to vector<16xf32>
      %swap3A_2008 = vector.shape_cast %get3A_2002 : vector<16xf32> to vector<1x16xf32>
      tpu.vector_store %arg11[%swap3A_2004, %swap3A_2005], %swap3A_2008 {strides = array<i32>} : memref<128x128xf32, #tpu.memory_space<vmem>>, vector<1x16xf32>,
      %get3A_2009 = arith.constant 6 : i32
      %get3A_2010 = arith.index_cast %get3A_2009 : i32 to index
      %get3A_2011 = arith.constant 32 : index
      %get3A_2012 = tpu.vector_load %arg9[%get3A_2010, %get3A_2011] {strides = array<i32>} : memref<16x128xf32, #tpu.memory_space<vmem>>, vector<1x16xf32>,
      %get3A_2013 = vector.shape_cast %get3A_2012 : vector<1x16xf32> to vector<16xf32>
      %swap3A_2014 = arith.constant 50 : i32
      %swap3A_2015 = arith.index_cast %swap3A_2014 : i32 to index
      %swap3A_2016 = arith.constant 0 : index
      %swap3A_2017 = tpu.vector_load %arg11[%swap3A_2015, %swap3A_2016] {strides = array<i32>} : memref<128x128xf32, #tpu.memory_space<vmem>>, vector<1x16xf32>,
      %swap3A_2018 = vector.shape_cast %swap3A_2017 : vector<1x16xf32> to vector<16xf32>
      %swap3A_2019 = vector.shape_cast %get3A_2013 : vector<16xf32> to vector<1x16xf32>
      tpu.vector_store %arg11[%swap3A_2015, %swap3A_2016], %swap3A_2019 {strides = array<i32>} : memref<128x128xf32, #tpu.memory_space<vmem>>, vector<1x16xf32>,
      %get3A_2020 = arith.constant 6 : i32
      %get3A_2021 = arith.index_cast %get3A_2020 : i32 to index
      %get3A_2022 = arith.constant 48 : index
      %get3A_2023 = tpu.vector_load %arg9[%get3A_2021, %get3A_2022] {strides = array<i32>} : memref<16x128xf32, #tpu.memory_space<vmem>>, vector<1x16xf32>,
      %get3A_2024 = vector.shape_cast %get3A_2023 : vector<1x16xf32> to vector<16xf32>
      %swap3A_2025 = arith.constant 51 : i32
      %swap3A_2026 = arith.index_cast %swap3A_2025 : i32 to index
      %swap3A_2027 = arith.constant 0 : index
      %swap3A_2028 = tpu.vector_load %arg11[%swap3A_2026, %swap3A_2027] {strides = array<i32>} : memref<128x128xf32, #tpu.memory_space<vmem>>, vector<1x16xf32>,
      %swap3A_2029 = vector.shape_cast %swap3A_2028 : vector<1x16xf32> to vector<16xf32>
      %swap3A_2030 = vector.shape_cast %get3A_2024 : vector<16xf32> to vector<1x16xf32>
      tpu.vector_store %arg11[%swap3A_2026, %swap3A_2027], %swap3A_2030 {strides = array<i32>} : memref<128x128xf32, #tpu.memory_space<vmem>>, vector<1x16xf32>,
      %get3A_2031 = arith.constant 6 : i32
      %get3A_2032 = arith.index_cast %get3A_2031 : i32 to index
      %get3A_2033 = arith.constant 64 : index
      %get3A_2034 = tpu.vector_load %arg9[%get3A_2032, %get3A_2033] {strides = array<i32>} : memref<16x128xf32, #tpu.memory_space<vmem>>, vector<1x16xf32>,
      %get3A_2035 = vector.shape_cast %get3A_2034 : vector<1x16xf32> to vector<16xf32>
      %swap3A_2036 = arith.constant 52 : i32
      %swap3A_2037 = arith.index_cast %swap3A_2036 : i32 to index
      %swap3A_2038 = arith.constant 0 : index
      %swap3A_2039 = tpu.vector_load %arg11[%swap3A_2037, %swap3A_2038] {strides = array<i32>} : memref<128x128xf32, #tpu.memory_space<vmem>>, vector<1x16xf32>,
      %swap3A_2040 = vector.shape_cast %swap3A_2039 : vector<1x16xf32> to vector<16xf32>
      %swap3A_2041 = vector.shape_cast %get3A_2035 : vector<16xf32> to vector<1x16xf32>
      tpu.vector_store %arg11[%swap3A_2037, %swap3A_2038], %swap3A_2041 {strides = array<i32>} : memref<128x128xf32, #tpu.memory_space<vmem>>, vector<1x16xf32>,
      %get3A_2042 = arith.constant 6 : i32
      %get3A_2043 = arith.index_cast %get3A_2042 : i32 to index
      %get3A_2044 = arith.constant 80 : index
      %get3A_2045 = tpu.vector_load %arg9[%get3A_2043, %get3A_2044] {strides = array<i32>} : memref<16x128xf32, #tpu.memory_space<vmem>>, vector<1x16xf32>,
      %get3A_2046 = vector.shape_cast %get3A_2045 : vector<1x16xf32> to vector<16xf32>
      %swap3A_2047 = arith.constant 53 : i32
      %swap3A_2048 = arith.index_cast %swap3A_2047 : i32 to index
      %swap3A_2049 = arith.constant 0 : index
      %swap3A_2050 = tpu.vector_load %arg11[%swap3A_2048, %swap3A_2049] {strides = array<i32>} : memref<128x128xf32, #tpu.memory_space<vmem>>, vector<1x16xf32>,
      %swap3A_2051 = vector.shape_cast %swap3A_2050 : vector<1x16xf32> to vector<16xf32>
      %swap3A_2052 = vector.shape_cast %get3A_2046 : vector<16xf32> to vector<1x16xf32>
      tpu.vector_store %arg11[%swap3A_2048, %swap3A_2049], %swap3A_2052 {strides = array<i32>} : memref<128x128xf32, #tpu.memory_space<vmem>>, vector<1x16xf32>,
      %get3A_2053 = arith.constant 6 : i32
      %get3A_2054 = arith.index_cast %get3A_2053 : i32 to index
      %get3A_2055 = arith.constant 96 : index
      %get3A_2056 = tpu.vector_load %arg9[%get3A_2054, %get3A_2055] {strides = array<i32>} : memref<16x128xf32, #tpu.memory_space<vmem>>, vector<1x16xf32>,
      %get3A_2057 = vector.shape_cast %get3A_2056 : vector<1x16xf32> to vector<16xf32>
      %swap3A_2058 = arith.constant 54 : i32
      %swap3A_2059 = arith.index_cast %swap3A_2058 : i32 to index
      %swap3A_2060 = arith.constant 0 : index
      %swap3A_2061 = tpu.vector_load %arg11[%swap3A_2059, %swap3A_2060] {strides = array<i32>} : memref<128x128xf32, #tpu.memory_space<vmem>>, vector<1x16xf32>,
      %swap3A_2062 = vector.shape_cast %swap3A_2061 : vector<1x16xf32> to vector<16xf32>
      %swap3A_2063 = vector.shape_cast %get3A_2057 : vector<16xf32> to vector<1x16xf32>
      tpu.vector_store %arg11[%swap3A_2059, %swap3A_2060], %swap3A_2063 {strides = array<i32>} : memref<128x128xf32, #tpu.memory_space<vmem>>, vector<1x16xf32>,
      %get3A_2064 = arith.constant 6 : i32
      %get3A_2065 = arith.index_cast %get3A_2064 : i32 to index
      %get3A_2066 = arith.constant 112 : index
      %get3A_2067 = tpu.vector_load %arg9[%get3A_2065, %get3A_2066] {strides = array<i32>} : memref<16x128xf32, #tpu.memory_space<vmem>>, vector<1x16xf32>,
      %get3A_2068 = vector.shape_cast %get3A_2067 : vector<1x16xf32> to vector<16xf32>
      %swap3A_2069 = arith.constant 55 : i32
      %swap3A_2070 = arith.index_cast %swap3A_2069 : i32 to index
      %swap3A_2071 = arith.constant 0 : index
      %swap3A_2072 = tpu.vector_load %arg11[%swap3A_2070, %swap3A_2071] {strides = array<i32>} : memref<128x128xf32, #tpu.memory_space<vmem>>, vector<1x16xf32>,
      %swap3A_2073 = vector.shape_cast %swap3A_2072 : vector<1x16xf32> to vector<16xf32>
      %swap3A_2074 = vector.shape_cast %get3A_2068 : vector<16xf32> to vector<1x16xf32>
      tpu.vector_store %arg11[%swap3A_2070, %swap3A_2071], %swap3A_2074 {strides = array<i32>} : memref<128x128xf32, #tpu.memory_space<vmem>>, vector<1x16xf32>,
      %get3A_2075 = arith.constant 7 : i32
      %get3A_2076 = arith.index_cast %get3A_2075 : i32 to index
      %get3A_2077 = arith.constant 0 : index
      %get3A_2078 = tpu.vector_load %arg9[%get3A_2076, %get3A_2077] {strides = array<i32>} : memref<16x128xf32, #tpu.memory_space<vmem>>, vector<1x16xf32>,
      %get3A_2079 = vector.shape_cast %get3A_2078 : vector<1x16xf32> to vector<16xf32>
      %swap3A_2080 = arith.constant 56 : i32
      %swap3A_2081 = arith.index_cast %swap3A_2080 : i32 to index
      %swap3A_2082 = arith.constant 0 : index
      %swap3A_2083 = tpu.vector_load %arg11[%swap3A_2081, %swap3A_2082] {strides = array<i32>} : memref<128x128xf32, #tpu.memory_space<vmem>>, vector<1x16xf32>,
      %swap3A_2084 = vector.shape_cast %swap3A_2083 : vector<1x16xf32> to vector<16xf32>
      %swap3A_2085 = vector.shape_cast %get3A_2079 : vector<16xf32> to vector<1x16xf32>
      tpu.vector_store %arg11[%swap3A_2081, %swap3A_2082], %swap3A_2085 {strides = array<i32>} : memref<128x128xf32, #tpu.memory_space<vmem>>, vector<1x16xf32>,
      %get3A_2086 = arith.constant 7 : i32
      %get3A_2087 = arith.index_cast %get3A_2086 : i32 to index
      %get3A_2088 = arith.constant 16 : index
      %get3A_2089 = tpu.vector_load %arg9[%get3A_2087, %get3A_2088] {strides = array<i32>} : memref<16x128xf32, #tpu.memory_space<vmem>>, vector<1x16xf32>,
      %get3A_2090 = vector.shape_cast %get3A_2089 : vector<1x16xf32> to vector<16xf32>
      %swap3A_2091 = arith.constant 57 : i32
      %swap3A_2092 = arith.index_cast %swap3A_2091 : i32 to index
      %swap3A_2093 = arith.constant 0 : index
      %swap3A_2094 = tpu.vector_load %arg11[%swap3A_2092, %swap3A_2093] {strides = array<i32>} : memref<128x128xf32, #tpu.memory_space<vmem>>, vector<1x16xf32>,
      %swap3A_2095 = vector.shape_cast %swap3A_2094 : vector<1x16xf32> to vector<16xf32>
      %swap3A_2096 = vector.shape_cast %get3A_2090 : vector<16xf32> to vector<1x16xf32>
      tpu.vector_store %arg11[%swap3A_2092, %swap3A_2093], %swap3A_2096 {strides = array<i32>} : memref<128x128xf32, #tpu.memory_space<vmem>>, vector<1x16xf32>,
      %get3A_2097 = arith.constant 7 : i32
      %get3A_2098 = arith.index_cast %get3A_2097 : i32 to index
      %get3A_2099 = arith.constant 32 : index
      %get3A_2100 = tpu.vector_load %arg9[%get3A_2098, %get3A_2099] {strides = array<i32>} : memref<16x128xf32, #tpu.memory_space<vmem>>, vector<1x16xf32>,
      %get3A_2101 = vector.shape_cast %get3A_2100 : vector<1x16xf32> to vector<16xf32>
      %swap3A_2102 = arith.constant 58 : i32
      %swap3A_2103 = arith.index_cast %swap3A_2102 : i32 to index
      %swap3A_2104 = arith.constant 0 : index
      %swap3A_2105 = tpu.vector_load %arg11[%swap3A_2103, %swap3A_2104] {strides = array<i32>} : memref<128x128xf32, #tpu.memory_space<vmem>>, vector<1x16xf32>,
      %swap3A_2106 = vector.shape_cast %swap3A_2105 : vector<1x16xf32> to vector<16xf32>
      %swap3A_2107 = vector.shape_cast %get3A_2101 : vector<16xf32> to vector<1x16xf32>
      tpu.vector_store %arg11[%swap3A_2103, %swap3A_2104], %swap3A_2107 {strides = array<i32>} : memref<128x128xf32, #tpu.memory_space<vmem>>, vector<1x16xf32>,
      %get3A_2108 = arith.constant 7 : i32
      %get3A_2109 = arith.index_cast %get3A_2108 : i32 to index
      %get3A_2110 = arith.constant 48 : index
      %get3A_2111 = tpu.vector_load %arg9[%get3A_2109, %get3A_2110] {strides = array<i32>} : memref<16x128xf32, #tpu.memory_space<vmem>>, vector<1x16xf32>,
      %get3A_2112 = vector.shape_cast %get3A_2111 : vector<1x16xf32> to vector<16xf32>
      %swap3A_2113 = arith.constant 59 : i32
      %swap3A_2114 = arith.index_cast %swap3A_2113 : i32 to index
      %swap3A_2115 = arith.constant 0 : index
      %swap3A_2116 = tpu.vector_load %arg11[%swap3A_2114, %swap3A_2115] {strides = array<i32>} : memref<128x128xf32, #tpu.memory_space<vmem>>, vector<1x16xf32>,
      %swap3A_2117 = vector.shape_cast %swap3A_2116 : vector<1x16xf32> to vector<16xf32>
      %swap3A_2118 = vector.shape_cast %get3A_2112 : vector<16xf32> to vector<1x16xf32>
      tpu.vector_store %arg11[%swap3A_2114, %swap3A_2115], %swap3A_2118 {strides = array<i32>} : memref<128x128xf32, #tpu.memory_space<vmem>>, vector<1x16xf32>,
      %get3A_2119 = arith.constant 7 : i32
      %get3A_2120 = arith.index_cast %get3A_2119 : i32 to index
      %get3A_2121 = arith.constant 64 : index
      %get3A_2122 = tpu.vector_load %arg9[%get3A_2120, %get3A_2121] {strides = array<i32>} : memref<16x128xf32, #tpu.memory_space<vmem>>, vector<1x16xf32>,
      %get3A_2123 = vector.shape_cast %get3A_2122 : vector<1x16xf32> to vector<16xf32>
      %swap3A_2124 = arith.constant 60 : i32
      %swap3A_2125 = arith.index_cast %swap3A_2124 : i32 to index
      %swap3A_2126 = arith.constant 0 : index
      %swap3A_2127 = tpu.vector_load %arg11[%swap3A_2125, %swap3A_2126] {strides = array<i32>} : memref<128x128xf32, #tpu.memory_space<vmem>>, vector<1x16xf32>,
      %swap3A_2128 = vector.shape_cast %swap3A_2127 : vector<1x16xf32> to vector<16xf32>
      %swap3A_2129 = vector.shape_cast %get3A_2123 : vector<16xf32> to vector<1x16xf32>
      tpu.vector_store %arg11[%swap3A_2125, %swap3A_2126], %swap3A_2129 {strides = array<i32>} : memref<128x128xf32, #tpu.memory_space<vmem>>, vector<1x16xf32>,
      %get3A_2130 = arith.constant 7 : i32
      %get3A_2131 = arith.index_cast %get3A_2130 : i32 to index
      %get3A_2132 = arith.constant 80 : index
      %get3A_2133 = tpu.vector_load %arg9[%get3A_2131, %get3A_2132] {strides = array<i32>} : memref<16x128xf32, #tpu.memory_space<vmem>>, vector<1x16xf32>,
      %get3A_2134 = vector.shape_cast %get3A_2133 : vector<1x16xf32> to vector<16xf32>
      %swap3A_2135 = arith.constant 61 : i32
      %swap3A_2136 = arith.index_cast %swap3A_2135 : i32 to index
      %swap3A_2137 = arith.constant 0 : index
      %swap3A_2138 = tpu.vector_load %arg11[%swap3A_2136, %swap3A_2137] {strides = array<i32>} : memref<128x128xf32, #tpu.memory_space<vmem>>, vector<1x16xf32>,
      %swap3A_2139 = vector.shape_cast %swap3A_2138 : vector<1x16xf32> to vector<16xf32>
      %swap3A_2140 = vector.shape_cast %get3A_2134 : vector<16xf32> to vector<1x16xf32>
      tpu.vector_store %arg11[%swap3A_2136, %swap3A_2137], %swap3A_2140 {strides = array<i32>} : memref<128x128xf32, #tpu.memory_space<vmem>>, vector<1x16xf32>,
      %get3A_2141 = arith.constant 7 : i32
      %get3A_2142 = arith.index_cast %get3A_2141 : i32 to index
      %get3A_2143 = arith.constant 96 : index
      %get3A_2144 = tpu.vector_load %arg9[%get3A_2142, %get3A_2143] {strides = array<i32>} : memref<16x128xf32, #tpu.memory_space<vmem>>, vector<1x16xf32>,
      %get3A_2145 = vector.shape_cast %get3A_2144 : vector<1x16xf32> to vector<16xf32>
      %swap3A_2146 = arith.constant 62 : i32
      %swap3A_2147 = arith.index_cast %swap3A_2146 : i32 to index
      %swap3A_2148 = arith.constant 0 : index
      %swap3A_2149 = tpu.vector_load %arg11[%swap3A_2147, %swap3A_2148] {strides = array<i32>} : memref<128x128xf32, #tpu.memory_space<vmem>>, vector<1x16xf32>,
      %swap3A_2150 = vector.shape_cast %swap3A_2149 : vector<1x16xf32> to vector<16xf32>
      %swap3A_2151 = vector.shape_cast %get3A_2145 : vector<16xf32> to vector<1x16xf32>
      tpu.vector_store %arg11[%swap3A_2147, %swap3A_2148], %swap3A_2151 {strides = array<i32>} : memref<128x128xf32, #tpu.memory_space<vmem>>, vector<1x16xf32>,
      %get3A_2152 = arith.constant 7 : i32
      %get3A_2153 = arith.index_cast %get3A_2152 : i32 to index
      %get3A_2154 = arith.constant 112 : index
      %get3A_2155 = tpu.vector_load %arg9[%get3A_2153, %get3A_2154] {strides = array<i32>} : memref<16x128xf32, #tpu.memory_space<vmem>>, vector<1x16xf32>,
      %get3A_2156 = vector.shape_cast %get3A_2155 : vector<1x16xf32> to vector<16xf32>
      %swap3A_2157 = arith.constant 63 : i32
      %swap3A_2158 = arith.index_cast %swap3A_2157 : i32 to index
      %swap3A_2159 = arith.constant 0 : index
      %swap3A_2160 = tpu.vector_load %arg11[%swap3A_2158, %swap3A_2159] {strides = array<i32>} : memref<128x128xf32, #tpu.memory_space<vmem>>, vector<1x16xf32>,
      %swap3A_2161 = vector.shape_cast %swap3A_2160 : vector<1x16xf32> to vector<16xf32>
      %swap3A_2162 = vector.shape_cast %get3A_2156 : vector<16xf32> to vector<1x16xf32>
      tpu.vector_store %arg11[%swap3A_2158, %swap3A_2159], %swap3A_2162 {strides = array<i32>} : memref<128x128xf32, #tpu.memory_space<vmem>>, vector<1x16xf32>,
      %get3A_2163 = arith.constant 8 : i32
      %get3A_2164 = arith.index_cast %get3A_2163 : i32 to index
      %get3A_2165 = arith.constant 0 : index
      %get3A_2166 = tpu.vector_load %arg9[%get3A_2164, %get3A_2165] {strides = array<i32>} : memref<16x128xf32, #tpu.memory_space<vmem>>, vector<1x16xf32>,
      %get3A_2167 = vector.shape_cast %get3A_2166 : vector<1x16xf32> to vector<16xf32>
      %swap3A_2168 = arith.constant 64 : i32
      %swap3A_2169 = arith.index_cast %swap3A_2168 : i32 to index
      %swap3A_2170 = arith.constant 0 : index
      %swap3A_2171 = tpu.vector_load %arg11[%swap3A_2169, %swap3A_2170] {strides = array<i32>} : memref<128x128xf32, #tpu.memory_space<vmem>>, vector<1x16xf32>,
      %swap3A_2172 = vector.shape_cast %swap3A_2171 : vector<1x16xf32> to vector<16xf32>
      %swap3A_2173 = vector.shape_cast %get3A_2167 : vector<16xf32> to vector<1x16xf32>
      tpu.vector_store %arg11[%swap3A_2169, %swap3A_2170], %swap3A_2173 {strides = array<i32>} : memref<128x128xf32, #tpu.memory_space<vmem>>, vector<1x16xf32>,
      %get3A_2174 = arith.constant 8 : i32
      %get3A_2175 = arith.index_cast %get3A_2174 : i32 to index
      %get3A_2176 = arith.constant 16 : index
      %get3A_2177 = tpu.vector_load %arg9[%get3A_2175, %get3A_2176] {strides = array<i32>} : memref<16x128xf32, #tpu.memory_space<vmem>>, vector<1x16xf32>,
      %get3A_2178 = vector.shape_cast %get3A_2177 : vector<1x16xf32> to vector<16xf32>
      %swap3A_2179 = arith.constant 65 : i32
      %swap3A_2180 = arith.index_cast %swap3A_2179 : i32 to index
      %swap3A_2181 = arith.constant 0 : index
      %swap3A_2182 = tpu.vector_load %arg11[%swap3A_2180, %swap3A_2181] {strides = array<i32>} : memref<128x128xf32, #tpu.memory_space<vmem>>, vector<1x16xf32>,
      %swap3A_2183 = vector.shape_cast %swap3A_2182 : vector<1x16xf32> to vector<16xf32>
      %swap3A_2184 = vector.shape_cast %get3A_2178 : vector<16xf32> to vector<1x16xf32>
      tpu.vector_store %arg11[%swap3A_2180, %swap3A_2181], %swap3A_2184 {strides = array<i32>} : memref<128x128xf32, #tpu.memory_space<vmem>>, vector<1x16xf32>,
      %get3A_2185 = arith.constant 8 : i32
      %get3A_2186 = arith.index_cast %get3A_2185 : i32 to index
      %get3A_2187 = arith.constant 32 : index
      %get3A_2188 = tpu.vector_load %arg9[%get3A_2186, %get3A_2187] {strides = array<i32>} : memref<16x128xf32, #tpu.memory_space<vmem>>, vector<1x16xf32>,
      %get3A_2189 = vector.shape_cast %get3A_2188 : vector<1x16xf32> to vector<16xf32>
      %swap3A_2190 = arith.constant 66 : i32
      %swap3A_2191 = arith.index_cast %swap3A_2190 : i32 to index
      %swap3A_2192 = arith.constant 0 : index
      %swap3A_2193 = tpu.vector_load %arg11[%swap3A_2191, %swap3A_2192] {strides = array<i32>} : memref<128x128xf32, #tpu.memory_space<vmem>>, vector<1x16xf32>,
      %swap3A_2194 = vector.shape_cast %swap3A_2193 : vector<1x16xf32> to vector<16xf32>
      %swap3A_2195 = vector.shape_cast %get3A_2189 : vector<16xf32> to vector<1x16xf32>
      tpu.vector_store %arg11[%swap3A_2191, %swap3A_2192], %swap3A_2195 {strides = array<i32>} : memref<128x128xf32, #tpu.memory_space<vmem>>, vector<1x16xf32>,
      %get3A_2196 = arith.constant 8 : i32
      %get3A_2197 = arith.index_cast %get3A_2196 : i32 to index
      %get3A_2198 = arith.constant 48 : index
      %get3A_2199 = tpu.vector_load %arg9[%get3A_2197, %get3A_2198] {strides = array<i32>} : memref<16x128xf32, #tpu.memory_space<vmem>>, vector<1x16xf32>,
      %get3A_2200 = vector.shape_cast %get3A_2199 : vector<1x16xf32> to vector<16xf32>
      %swap3A_2201 = arith.constant 67 : i32
      %swap3A_2202 = arith.index_cast %swap3A_2201 : i32 to index
      %swap3A_2203 = arith.constant 0 : index
      %swap3A_2204 = tpu.vector_load %arg11[%swap3A_2202, %swap3A_2203] {strides = array<i32>} : memref<128x128xf32, #tpu.memory_space<vmem>>, vector<1x16xf32>,
      %swap3A_2205 = vector.shape_cast %swap3A_2204 : vector<1x16xf32> to vector<16xf32>
      %swap3A_2206 = vector.shape_cast %get3A_2200 : vector<16xf32> to vector<1x16xf32>
      tpu.vector_store %arg11[%swap3A_2202, %swap3A_2203], %swap3A_2206 {strides = array<i32>} : memref<128x128xf32, #tpu.memory_space<vmem>>, vector<1x16xf32>,
      %get3A_2207 = arith.constant 8 : i32
      %get3A_2208 = arith.index_cast %get3A_2207 : i32 to index
      %get3A_2209 = arith.constant 64 : index
      %get3A_2210 = tpu.vector_load %arg9[%get3A_2208, %get3A_2209] {strides = array<i32>} : memref<16x128xf32, #tpu.memory_space<vmem>>, vector<1x16xf32>,
      %get3A_2211 = vector.shape_cast %get3A_2210 : vector<1x16xf32> to vector<16xf32>
      %swap3A_2212 = arith.constant 68 : i32
      %swap3A_2213 = arith.index_cast %swap3A_2212 : i32 to index
      %swap3A_2214 = arith.constant 0 : index
      %swap3A_2215 = tpu.vector_load %arg11[%swap3A_2213, %swap3A_2214] {strides = array<i32>} : memref<128x128xf32, #tpu.memory_space<vmem>>, vector<1x16xf32>,
      %swap3A_2216 = vector.shape_cast %swap3A_2215 : vector<1x16xf32> to vector<16xf32>
      %swap3A_2217 = vector.shape_cast %get3A_2211 : vector<16xf32> to vector<1x16xf32>
      tpu.vector_store %arg11[%swap3A_2213, %swap3A_2214], %swap3A_2217 {strides = array<i32>} : memref<128x128xf32, #tpu.memory_space<vmem>>, vector<1x16xf32>,
      %get3A_2218 = arith.constant 8 : i32
      %get3A_2219 = arith.index_cast %get3A_2218 : i32 to index
      %get3A_2220 = arith.constant 80 : index
      %get3A_2221 = tpu.vector_load %arg9[%get3A_2219, %get3A_2220] {strides = array<i32>} : memref<16x128xf32, #tpu.memory_space<vmem>>, vector<1x16xf32>,
      %get3A_2222 = vector.shape_cast %get3A_2221 : vector<1x16xf32> to vector<16xf32>
      %swap3A_2223 = arith.constant 69 : i32
      %swap3A_2224 = arith.index_cast %swap3A_2223 : i32 to index
      %swap3A_2225 = arith.constant 0 : index
      %swap3A_2226 = tpu.vector_load %arg11[%swap3A_2224, %swap3A_2225] {strides = array<i32>} : memref<128x128xf32, #tpu.memory_space<vmem>>, vector<1x16xf32>,
      %swap3A_2227 = vector.shape_cast %swap3A_2226 : vector<1x16xf32> to vector<16xf32>
      %swap3A_2228 = vector.shape_cast %get3A_2222 : vector<16xf32> to vector<1x16xf32>
      tpu.vector_store %arg11[%swap3A_2224, %swap3A_2225], %swap3A_2228 {strides = array<i32>} : memref<128x128xf32, #tpu.memory_space<vmem>>, vector<1x16xf32>,
      %get3A_2229 = arith.constant 8 : i32
      %get3A_2230 = arith.index_cast %get3A_2229 : i32 to index
      %get3A_2231 = arith.constant 96 : index
      %get3A_2232 = tpu.vector_load %arg9[%get3A_2230, %get3A_2231] {strides = array<i32>} : memref<16x128xf32, #tpu.memory_space<vmem>>, vector<1x16xf32>,
      %get3A_2233 = vector.shape_cast %get3A_2232 : vector<1x16xf32> to vector<16xf32>
      %swap3A_2234 = arith.constant 70 : i32
      %swap3A_2235 = arith.index_cast %swap3A_2234 : i32 to index
      %swap3A_2236 = arith.constant 0 : index
      %swap3A_2237 = tpu.vector_load %arg11[%swap3A_2235, %swap3A_2236] {strides = array<i32>} : memref<128x128xf32, #tpu.memory_space<vmem>>, vector<1x16xf32>,
      %swap3A_2238 = vector.shape_cast %swap3A_2237 : vector<1x16xf32> to vector<16xf32>
      %swap3A_2239 = vector.shape_cast %get3A_2233 : vector<16xf32> to vector<1x16xf32>
      tpu.vector_store %arg11[%swap3A_2235, %swap3A_2236], %swap3A_2239 {strides = array<i32>} : memref<128x128xf32, #tpu.memory_space<vmem>>, vector<1x16xf32>,
      %get3A_2240 = arith.constant 8 : i32
      %get3A_2241 = arith.index_cast %get3A_2240 : i32 to index
      %get3A_2242 = arith.constant 112 : index
      %get3A_2243 = tpu.vector_load %arg9[%get3A_2241, %get3A_2242] {strides = array<i32>} : memref<16x128xf32, #tpu.memory_space<vmem>>, vector<1x16xf32>,
      %get3A_2244 = vector.shape_cast %get3A_2243 : vector<1x16xf32> to vector<16xf32>
      %swap3A_2245 = arith.constant 71 : i32
      %swap3A_2246 = arith.index_cast %swap3A_2245 : i32 to index
      %swap3A_2247 = arith.constant 0 : index
      %swap3A_2248 = tpu.vector_load %arg11[%swap3A_2246, %swap3A_2247] {strides = array<i32>} : memref<128x128xf32, #tpu.memory_space<vmem>>, vector<1x16xf32>,
      %swap3A_2249 = vector.shape_cast %swap3A_2248 : vector<1x16xf32> to vector<16xf32>
      %swap3A_2250 = vector.shape_cast %get3A_2244 : vector<16xf32> to vector<1x16xf32>
      tpu.vector_store %arg11[%swap3A_2246, %swap3A_2247], %swap3A_2250 {strides = array<i32>} : memref<128x128xf32, #tpu.memory_space<vmem>>, vector<1x16xf32>,
      %get3A_2251 = arith.constant 9 : i32
      %get3A_2252 = arith.index_cast %get3A_2251 : i32 to index
      %get3A_2253 = arith.constant 0 : index
      %get3A_2254 = tpu.vector_load %arg9[%get3A_2252, %get3A_2253] {strides = array<i32>} : memref<16x128xf32, #tpu.memory_space<vmem>>, vector<1x16xf32>,
      %get3A_2255 = vector.shape_cast %get3A_2254 : vector<1x16xf32> to vector<16xf32>
      %swap3A_2256 = arith.constant 72 : i32
      %swap3A_2257 = arith.index_cast %swap3A_2256 : i32 to index
      %swap3A_2258 = arith.constant 0 : index
      %swap3A_2259 = tpu.vector_load %arg11[%swap3A_2257, %swap3A_2258] {strides = array<i32>} : memref<128x128xf32, #tpu.memory_space<vmem>>, vector<1x16xf32>,
      %swap3A_2260 = vector.shape_cast %swap3A_2259 : vector<1x16xf32> to vector<16xf32>
      %swap3A_2261 = vector.shape_cast %get3A_2255 : vector<16xf32> to vector<1x16xf32>
      tpu.vector_store %arg11[%swap3A_2257, %swap3A_2258], %swap3A_2261 {strides = array<i32>} : memref<128x128xf32, #tpu.memory_space<vmem>>, vector<1x16xf32>,
      %get3A_2262 = arith.constant 9 : i32
      %get3A_2263 = arith.index_cast %get3A_2262 : i32 to index
      %get3A_2264 = arith.constant 16 : index
      %get3A_2265 = tpu.vector_load %arg9[%get3A_2263, %get3A_2264] {strides = array<i32>} : memref<16x128xf32, #tpu.memory_space<vmem>>, vector<1x16xf32>,
      %get3A_2266 = vector.shape_cast %get3A_2265 : vector<1x16xf32> to vector<16xf32>
      %swap3A_2267 = arith.constant 73 : i32
      %swap3A_2268 = arith.index_cast %swap3A_2267 : i32 to index
      %swap3A_2269 = arith.constant 0 : index
      %swap3A_2270 = tpu.vector_load %arg11[%swap3A_2268, %swap3A_2269] {strides = array<i32>} : memref<128x128xf32, #tpu.memory_space<vmem>>, vector<1x16xf32>,
      %swap3A_2271 = vector.shape_cast %swap3A_2270 : vector<1x16xf32> to vector<16xf32>
      %swap3A_2272 = vector.shape_cast %get3A_2266 : vector<16xf32> to vector<1x16xf32>
      tpu.vector_store %arg11[%swap3A_2268, %swap3A_2269], %swap3A_2272 {strides = array<i32>} : memref<128x128xf32, #tpu.memory_space<vmem>>, vector<1x16xf32>,
      %get3A_2273 = arith.constant 9 : i32
      %get3A_2274 = arith.index_cast %get3A_2273 : i32 to index
      %get3A_2275 = arith.constant 32 : index
      %get3A_2276 = tpu.vector_load %arg9[%get3A_2274, %get3A_2275] {strides = array<i32>} : memref<16x128xf32, #tpu.memory_space<vmem>>, vector<1x16xf32>,
      %get3A_2277 = vector.shape_cast %get3A_2276 : vector<1x16xf32> to vector<16xf32>
      %swap3A_2278 = arith.constant 74 : i32
      %swap3A_2279 = arith.index_cast %swap3A_2278 : i32 to index
      %swap3A_2280 = arith.constant 0 : index
      %swap3A_2281 = tpu.vector_load %arg11[%swap3A_2279, %swap3A_2280] {strides = array<i32>} : memref<128x128xf32, #tpu.memory_space<vmem>>, vector<1x16xf32>,
      %swap3A_2282 = vector.shape_cast %swap3A_2281 : vector<1x16xf32> to vector<16xf32>
      %swap3A_2283 = vector.shape_cast %get3A_2277 : vector<16xf32> to vector<1x16xf32>
      tpu.vector_store %arg11[%swap3A_2279, %swap3A_2280], %swap3A_2283 {strides = array<i32>} : memref<128x128xf32, #tpu.memory_space<vmem>>, vector<1x16xf32>,
      %get3A_2284 = arith.constant 9 : i32
      %get3A_2285 = arith.index_cast %get3A_2284 : i32 to index
      %get3A_2286 = arith.constant 48 : index
      %get3A_2287 = tpu.vector_load %arg9[%get3A_2285, %get3A_2286] {strides = array<i32>} : memref<16x128xf32, #tpu.memory_space<vmem>>, vector<1x16xf32>,
      %get3A_2288 = vector.shape_cast %get3A_2287 : vector<1x16xf32> to vector<16xf32>
      %swap3A_2289 = arith.constant 75 : i32
      %swap3A_2290 = arith.index_cast %swap3A_2289 : i32 to index
      %swap3A_2291 = arith.constant 0 : index
      %swap3A_2292 = tpu.vector_load %arg11[%swap3A_2290, %swap3A_2291] {strides = array<i32>} : memref<128x128xf32, #tpu.memory_space<vmem>>, vector<1x16xf32>,
      %swap3A_2293 = vector.shape_cast %swap3A_2292 : vector<1x16xf32> to vector<16xf32>
      %swap3A_2294 = vector.shape_cast %get3A_2288 : vector<16xf32> to vector<1x16xf32>
      tpu.vector_store %arg11[%swap3A_2290, %swap3A_2291], %swap3A_2294 {strides = array<i32>} : memref<128x128xf32, #tpu.memory_space<vmem>>, vector<1x16xf32>,
      %get3A_2295 = arith.constant 9 : i32
      %get3A_2296 = arith.index_cast %get3A_2295 : i32 to index
      %get3A_2297 = arith.constant 64 : index
      %get3A_2298 = tpu.vector_load %arg9[%get3A_2296, %get3A_2297] {strides = array<i32>} : memref<16x128xf32, #tpu.memory_space<vmem>>, vector<1x16xf32>,
      %get3A_2299 = vector.shape_cast %get3A_2298 : vector<1x16xf32> to vector<16xf32>
      %swap3A_2300 = arith.constant 76 : i32
      %swap3A_2301 = arith.index_cast %swap3A_2300 : i32 to index
      %swap3A_2302 = arith.constant 0 : index
      %swap3A_2303 = tpu.vector_load %arg11[%swap3A_2301, %swap3A_2302] {strides = array<i32>} : memref<128x128xf32, #tpu.memory_space<vmem>>, vector<1x16xf32>,
      %swap3A_2304 = vector.shape_cast %swap3A_2303 : vector<1x16xf32> to vector<16xf32>
      %swap3A_2305 = vector.shape_cast %get3A_2299 : vector<16xf32> to vector<1x16xf32>
      tpu.vector_store %arg11[%swap3A_2301, %swap3A_2302], %swap3A_2305 {strides = array<i32>} : memref<128x128xf32, #tpu.memory_space<vmem>>, vector<1x16xf32>,
      %get3A_2306 = arith.constant 9 : i32
      %get3A_2307 = arith.index_cast %get3A_2306 : i32 to index
      %get3A_2308 = arith.constant 80 : index
      %get3A_2309 = tpu.vector_load %arg9[%get3A_2307, %get3A_2308] {strides = array<i32>} : memref<16x128xf32, #tpu.memory_space<vmem>>, vector<1x16xf32>,
      %get3A_2310 = vector.shape_cast %get3A_2309 : vector<1x16xf32> to vector<16xf32>
      %swap3A_2311 = arith.constant 77 : i32
      %swap3A_2312 = arith.index_cast %swap3A_2311 : i32 to index
      %swap3A_2313 = arith.constant 0 : index
      %swap3A_2314 = tpu.vector_load %arg11[%swap3A_2312, %swap3A_2313] {strides = array<i32>} : memref<128x128xf32, #tpu.memory_space<vmem>>, vector<1x16xf32>,
      %swap3A_2315 = vector.shape_cast %swap3A_2314 : vector<1x16xf32> to vector<16xf32>
      %swap3A_2316 = vector.shape_cast %get3A_2310 : vector<16xf32> to vector<1x16xf32>
      tpu.vector_store %arg11[%swap3A_2312, %swap3A_2313], %swap3A_2316 {strides = array<i32>} : memref<128x128xf32, #tpu.memory_space<vmem>>, vector<1x16xf32>,
      %get3A_2317 = arith.constant 9 : i32
      %get3A_2318 = arith.index_cast %get3A_2317 : i32 to index
      %get3A_2319 = arith.constant 96 : index
      %get3A_2320 = tpu.vector_load %arg9[%get3A_2318, %get3A_2319] {strides = array<i32>} : memref<16x128xf32, #tpu.memory_space<vmem>>, vector<1x16xf32>,
      %get3A_2321 = vector.shape_cast %get3A_2320 : vector<1x16xf32> to vector<16xf32>
      %swap3A_2322 = arith.constant 78 : i32
      %swap3A_2323 = arith.index_cast %swap3A_2322 : i32 to index
      %swap3A_2324 = arith.constant 0 : index
      %swap3A_2325 = tpu.vector_load %arg11[%swap3A_2323, %swap3A_2324] {strides = array<i32>} : memref<128x128xf32, #tpu.memory_space<vmem>>, vector<1x16xf32>,
      %swap3A_2326 = vector.shape_cast %swap3A_2325 : vector<1x16xf32> to vector<16xf32>
      %swap3A_2327 = vector.shape_cast %get3A_2321 : vector<16xf32> to vector<1x16xf32>
      tpu.vector_store %arg11[%swap3A_2323, %swap3A_2324], %swap3A_2327 {strides = array<i32>} : memref<128x128xf32, #tpu.memory_space<vmem>>, vector<1x16xf32>,
      %get3A_2328 = arith.constant 9 : i32
      %get3A_2329 = arith.index_cast %get3A_2328 : i32 to index
      %get3A_2330 = arith.constant 112 : index
      %get3A_2331 = tpu.vector_load %arg9[%get3A_2329, %get3A_2330] {strides = array<i32>} : memref<16x128xf32, #tpu.memory_space<vmem>>, vector<1x16xf32>,
      %get3A_2332 = vector.shape_cast %get3A_2331 : vector<1x16xf32> to vector<16xf32>
      %swap3A_2333 = arith.constant 79 : i32
      %swap3A_2334 = arith.index_cast %swap3A_2333 : i32 to index
      %swap3A_2335 = arith.constant 0 : index
      %swap3A_2336 = tpu.vector_load %arg11[%swap3A_2334, %swap3A_2335] {strides = array<i32>} : memref<128x128xf32, #tpu.memory_space<vmem>>, vector<1x16xf32>,
      %swap3A_2337 = vector.shape_cast %swap3A_2336 : vector<1x16xf32> to vector<16xf32>
      %swap3A_2338 = vector.shape_cast %get3A_2332 : vector<16xf32> to vector<1x16xf32>
      tpu.vector_store %arg11[%swap3A_2334, %swap3A_2335], %swap3A_2338 {strides = array<i32>} : memref<128x128xf32, #tpu.memory_space<vmem>>, vector<1x16xf32>,
      %get3A_2339 = arith.constant 10 : i32
      %get3A_2340 = arith.index_cast %get3A_2339 : i32 to index
      %get3A_2341 = arith.constant 0 : index
      %get3A_2342 = tpu.vector_load %arg9[%get3A_2340, %get3A_2341] {strides = array<i32>} : memref<16x128xf32, #tpu.memory_space<vmem>>, vector<1x16xf32>,
      %get3A_2343 = vector.shape_cast %get3A_2342 : vector<1x16xf32> to vector<16xf32>
      %swap3A_2344 = arith.constant 80 : i32
      %swap3A_2345 = arith.index_cast %swap3A_2344 : i32 to index
      %swap3A_2346 = arith.constant 0 : index
      %swap3A_2347 = tpu.vector_load %arg11[%swap3A_2345, %swap3A_2346] {strides = array<i32>} : memref<128x128xf32, #tpu.memory_space<vmem>>, vector<1x16xf32>,
      %swap3A_2348 = vector.shape_cast %swap3A_2347 : vector<1x16xf32> to vector<16xf32>
      %swap3A_2349 = vector.shape_cast %get3A_2343 : vector<16xf32> to vector<1x16xf32>
      tpu.vector_store %arg11[%swap3A_2345, %swap3A_2346], %swap3A_2349 {strides = array<i32>} : memref<128x128xf32, #tpu.memory_space<vmem>>, vector<1x16xf32>,
      %get3A_2350 = arith.constant 10 : i32
      %get3A_2351 = arith.index_cast %get3A_2350 : i32 to index
      %get3A_2352 = arith.constant 16 : index
      %get3A_2353 = tpu.vector_load %arg9[%get3A_2351, %get3A_2352] {strides = array<i32>} : memref<16x128xf32, #tpu.memory_space<vmem>>, vector<1x16xf32>,
      %get3A_2354 = vector.shape_cast %get3A_2353 : vector<1x16xf32> to vector<16xf32>
      %swap3A_2355 = arith.constant 81 : i32
      %swap3A_2356 = arith.index_cast %swap3A_2355 : i32 to index
      %swap3A_2357 = arith.constant 0 : index
      %swap3A_2358 = tpu.vector_load %arg11[%swap3A_2356, %swap3A_2357] {strides = array<i32>} : memref<128x128xf32, #tpu.memory_space<vmem>>, vector<1x16xf32>,
      %swap3A_2359 = vector.shape_cast %swap3A_2358 : vector<1x16xf32> to vector<16xf32>
      %swap3A_2360 = vector.shape_cast %get3A_2354 : vector<16xf32> to vector<1x16xf32>
      tpu.vector_store %arg11[%swap3A_2356, %swap3A_2357], %swap3A_2360 {strides = array<i32>} : memref<128x128xf32, #tpu.memory_space<vmem>>, vector<1x16xf32>,
      %get3A_2361 = arith.constant 10 : i32
      %get3A_2362 = arith.index_cast %get3A_2361 : i32 to index
      %get3A_2363 = arith.constant 32 : index
      %get3A_2364 = tpu.vector_load %arg9[%get3A_2362, %get3A_2363] {strides = array<i32>} : memref<16x128xf32, #tpu.memory_space<vmem>>, vector<1x16xf32>,
      %get3A_2365 = vector.shape_cast %get3A_2364 : vector<1x16xf32> to vector<16xf32>
      %swap3A_2366 = arith.constant 82 : i32
      %swap3A_2367 = arith.index_cast %swap3A_2366 : i32 to index
      %swap3A_2368 = arith.constant 0 : index
      %swap3A_2369 = tpu.vector_load %arg11[%swap3A_2367, %swap3A_2368] {strides = array<i32>} : memref<128x128xf32, #tpu.memory_space<vmem>>, vector<1x16xf32>,
      %swap3A_2370 = vector.shape_cast %swap3A_2369 : vector<1x16xf32> to vector<16xf32>
      %swap3A_2371 = vector.shape_cast %get3A_2365 : vector<16xf32> to vector<1x16xf32>
      tpu.vector_store %arg11[%swap3A_2367, %swap3A_2368], %swap3A_2371 {strides = array<i32>} : memref<128x128xf32, #tpu.memory_space<vmem>>, vector<1x16xf32>,
      %get3A_2372 = arith.constant 10 : i32
      %get3A_2373 = arith.index_cast %get3A_2372 : i32 to index
      %get3A_2374 = arith.constant 48 : index
      %get3A_2375 = tpu.vector_load %arg9[%get3A_2373, %get3A_2374] {strides = array<i32>} : memref<16x128xf32, #tpu.memory_space<vmem>>, vector<1x16xf32>,
      %get3A_2376 = vector.shape_cast %get3A_2375 : vector<1x16xf32> to vector<16xf32>
      %swap3A_2377 = arith.constant 83 : i32
      %swap3A_2378 = arith.index_cast %swap3A_2377 : i32 to index
      %swap3A_2379 = arith.constant 0 : index
      %swap3A_2380 = tpu.vector_load %arg11[%swap3A_2378, %swap3A_2379] {strides = array<i32>} : memref<128x128xf32, #tpu.memory_space<vmem>>, vector<1x16xf32>,
      %swap3A_2381 = vector.shape_cast %swap3A_2380 : vector<1x16xf32> to vector<16xf32>
      %swap3A_2382 = vector.shape_cast %get3A_2376 : vector<16xf32> to vector<1x16xf32>
      tpu.vector_store %arg11[%swap3A_2378, %swap3A_2379], %swap3A_2382 {strides = array<i32>} : memref<128x128xf32, #tpu.memory_space<vmem>>, vector<1x16xf32>,
      %get3A_2383 = arith.constant 10 : i32
      %get3A_2384 = arith.index_cast %get3A_2383 : i32 to index
      %get3A_2385 = arith.constant 64 : index
      %get3A_2386 = tpu.vector_load %arg9[%get3A_2384, %get3A_2385] {strides = array<i32>} : memref<16x128xf32, #tpu.memory_space<vmem>>, vector<1x16xf32>,
      %get3A_2387 = vector.shape_cast %get3A_2386 : vector<1x16xf32> to vector<16xf32>
      %swap3A_2388 = arith.constant 84 : i32
      %swap3A_2389 = arith.index_cast %swap3A_2388 : i32 to index
      %swap3A_2390 = arith.constant 0 : index
      %swap3A_2391 = tpu.vector_load %arg11[%swap3A_2389, %swap3A_2390] {strides = array<i32>} : memref<128x128xf32, #tpu.memory_space<vmem>>, vector<1x16xf32>,
      %swap3A_2392 = vector.shape_cast %swap3A_2391 : vector<1x16xf32> to vector<16xf32>
      %swap3A_2393 = vector.shape_cast %get3A_2387 : vector<16xf32> to vector<1x16xf32>
      tpu.vector_store %arg11[%swap3A_2389, %swap3A_2390], %swap3A_2393 {strides = array<i32>} : memref<128x128xf32, #tpu.memory_space<vmem>>, vector<1x16xf32>,
      %get3A_2394 = arith.constant 10 : i32
      %get3A_2395 = arith.index_cast %get3A_2394 : i32 to index
      %get3A_2396 = arith.constant 80 : index
      %get3A_2397 = tpu.vector_load %arg9[%get3A_2395, %get3A_2396] {strides = array<i32>} : memref<16x128xf32, #tpu.memory_space<vmem>>, vector<1x16xf32>,
      %get3A_2398 = vector.shape_cast %get3A_2397 : vector<1x16xf32> to vector<16xf32>
      %swap3A_2399 = arith.constant 85 : i32
      %swap3A_2400 = arith.index_cast %swap3A_2399 : i32 to index
      %swap3A_2401 = arith.constant 0 : index
      %swap3A_2402 = tpu.vector_load %arg11[%swap3A_2400, %swap3A_2401] {strides = array<i32>} : memref<128x128xf32, #tpu.memory_space<vmem>>, vector<1x16xf32>,
      %swap3A_2403 = vector.shape_cast %swap3A_2402 : vector<1x16xf32> to vector<16xf32>
      %swap3A_2404 = vector.shape_cast %get3A_2398 : vector<16xf32> to vector<1x16xf32>
      tpu.vector_store %arg11[%swap3A_2400, %swap3A_2401], %swap3A_2404 {strides = array<i32>} : memref<128x128xf32, #tpu.memory_space<vmem>>, vector<1x16xf32>,
      %get3A_2405 = arith.constant 10 : i32
      %get3A_2406 = arith.index_cast %get3A_2405 : i32 to index
      %get3A_2407 = arith.constant 96 : index
      %get3A_2408 = tpu.vector_load %arg9[%get3A_2406, %get3A_2407] {strides = array<i32>} : memref<16x128xf32, #tpu.memory_space<vmem>>, vector<1x16xf32>,
      %get3A_2409 = vector.shape_cast %get3A_2408 : vector<1x16xf32> to vector<16xf32>
      %swap3A_2410 = arith.constant 86 : i32
      %swap3A_2411 = arith.index_cast %swap3A_2410 : i32 to index
      %swap3A_2412 = arith.constant 0 : index
      %swap3A_2413 = tpu.vector_load %arg11[%swap3A_2411, %swap3A_2412] {strides = array<i32>} : memref<128x128xf32, #tpu.memory_space<vmem>>, vector<1x16xf32>,
      %swap3A_2414 = vector.shape_cast %swap3A_2413 : vector<1x16xf32> to vector<16xf32>
      %swap3A_2415 = vector.shape_cast %get3A_2409 : vector<16xf32> to vector<1x16xf32>
      tpu.vector_store %arg11[%swap3A_2411, %swap3A_2412], %swap3A_2415 {strides = array<i32>} : memref<128x128xf32, #tpu.memory_space<vmem>>, vector<1x16xf32>,
      %get3A_2416 = arith.constant 10 : i32
      %get3A_2417 = arith.index_cast %get3A_2416 : i32 to index
      %get3A_2418 = arith.constant 112 : index
      %get3A_2419 = tpu.vector_load %arg9[%get3A_2417, %get3A_2418] {strides = array<i32>} : memref<16x128xf32, #tpu.memory_space<vmem>>, vector<1x16xf32>,
      %get3A_2420 = vector.shape_cast %get3A_2419 : vector<1x16xf32> to vector<16xf32>
      %swap3A_2421 = arith.constant 87 : i32
      %swap3A_2422 = arith.index_cast %swap3A_2421 : i32 to index
      %swap3A_2423 = arith.constant 0 : index
      %swap3A_2424 = tpu.vector_load %arg11[%swap3A_2422, %swap3A_2423] {strides = array<i32>} : memref<128x128xf32, #tpu.memory_space<vmem>>, vector<1x16xf32>,
      %swap3A_2425 = vector.shape_cast %swap3A_2424 : vector<1x16xf32> to vector<16xf32>
      %swap3A_2426 = vector.shape_cast %get3A_2420 : vector<16xf32> to vector<1x16xf32>
      tpu.vector_store %arg11[%swap3A_2422, %swap3A_2423], %swap3A_2426 {strides = array<i32>} : memref<128x128xf32, #tpu.memory_space<vmem>>, vector<1x16xf32>,
      %get3A_2427 = arith.constant 11 : i32
      %get3A_2428 = arith.index_cast %get3A_2427 : i32 to index
      %get3A_2429 = arith.constant 0 : index
      %get3A_2430 = tpu.vector_load %arg9[%get3A_2428, %get3A_2429] {strides = array<i32>} : memref<16x128xf32, #tpu.memory_space<vmem>>, vector<1x16xf32>,
      %get3A_2431 = vector.shape_cast %get3A_2430 : vector<1x16xf32> to vector<16xf32>
      %swap3A_2432 = arith.constant 88 : i32
      %swap3A_2433 = arith.index_cast %swap3A_2432 : i32 to index
      %swap3A_2434 = arith.constant 0 : index
      %swap3A_2435 = tpu.vector_load %arg11[%swap3A_2433, %swap3A_2434] {strides = array<i32>} : memref<128x128xf32, #tpu.memory_space<vmem>>, vector<1x16xf32>,
      %swap3A_2436 = vector.shape_cast %swap3A_2435 : vector<1x16xf32> to vector<16xf32>
      %swap3A_2437 = vector.shape_cast %get3A_2431 : vector<16xf32> to vector<1x16xf32>
      tpu.vector_store %arg11[%swap3A_2433, %swap3A_2434], %swap3A_2437 {strides = array<i32>} : memref<128x128xf32, #tpu.memory_space<vmem>>, vector<1x16xf32>,
      %get3A_2438 = arith.constant 11 : i32
      %get3A_2439 = arith.index_cast %get3A_2438 : i32 to index
      %get3A_2440 = arith.constant 16 : index
      %get3A_2441 = tpu.vector_load %arg9[%get3A_2439, %get3A_2440] {strides = array<i32>} : memref<16x128xf32, #tpu.memory_space<vmem>>, vector<1x16xf32>,
      %get3A_2442 = vector.shape_cast %get3A_2441 : vector<1x16xf32> to vector<16xf32>
      %swap3A_2443 = arith.constant 89 : i32
      %swap3A_2444 = arith.index_cast %swap3A_2443 : i32 to index
      %swap3A_2445 = arith.constant 0 : index
      %swap3A_2446 = tpu.vector_load %arg11[%swap3A_2444, %swap3A_2445] {strides = array<i32>} : memref<128x128xf32, #tpu.memory_space<vmem>>, vector<1x16xf32>,
      %swap3A_2447 = vector.shape_cast %swap3A_2446 : vector<1x16xf32> to vector<16xf32>
      %swap3A_2448 = vector.shape_cast %get3A_2442 : vector<16xf32> to vector<1x16xf32>
      tpu.vector_store %arg11[%swap3A_2444, %swap3A_2445], %swap3A_2448 {strides = array<i32>} : memref<128x128xf32, #tpu.memory_space<vmem>>, vector<1x16xf32>,
      %get3A_2449 = arith.constant 11 : i32
      %get3A_2450 = arith.index_cast %get3A_2449 : i32 to index
      %get3A_2451 = arith.constant 32 : index
      %get3A_2452 = tpu.vector_load %arg9[%get3A_2450, %get3A_2451] {strides = array<i32>} : memref<16x128xf32, #tpu.memory_space<vmem>>, vector<1x16xf32>,
      %get3A_2453 = vector.shape_cast %get3A_2452 : vector<1x16xf32> to vector<16xf32>
      %swap3A_2454 = arith.constant 90 : i32
      %swap3A_2455 = arith.index_cast %swap3A_2454 : i32 to index
      %swap3A_2456 = arith.constant 0 : index
      %swap3A_2457 = tpu.vector_load %arg11[%swap3A_2455, %swap3A_2456] {strides = array<i32>} : memref<128x128xf32, #tpu.memory_space<vmem>>, vector<1x16xf32>,
      %swap3A_2458 = vector.shape_cast %swap3A_2457 : vector<1x16xf32> to vector<16xf32>
      %swap3A_2459 = vector.shape_cast %get3A_2453 : vector<16xf32> to vector<1x16xf32>
      tpu.vector_store %arg11[%swap3A_2455, %swap3A_2456], %swap3A_2459 {strides = array<i32>} : memref<128x128xf32, #tpu.memory_space<vmem>>, vector<1x16xf32>,
      %get3A_2460 = arith.constant 11 : i32
      %get3A_2461 = arith.index_cast %get3A_2460 : i32 to index
      %get3A_2462 = arith.constant 48 : index
      %get3A_2463 = tpu.vector_load %arg9[%get3A_2461, %get3A_2462] {strides = array<i32>} : memref<16x128xf32, #tpu.memory_space<vmem>>, vector<1x16xf32>,
      %get3A_2464 = vector.shape_cast %get3A_2463 : vector<1x16xf32> to vector<16xf32>
      %swap3A_2465 = arith.constant 91 : i32
      %swap3A_2466 = arith.index_cast %swap3A_2465 : i32 to index
      %swap3A_2467 = arith.constant 0 : index
      %swap3A_2468 = tpu.vector_load %arg11[%swap3A_2466, %swap3A_2467] {strides = array<i32>} : memref<128x128xf32, #tpu.memory_space<vmem>>, vector<1x16xf32>,
      %swap3A_2469 = vector.shape_cast %swap3A_2468 : vector<1x16xf32> to vector<16xf32>
      %swap3A_2470 = vector.shape_cast %get3A_2464 : vector<16xf32> to vector<1x16xf32>
      tpu.vector_store %arg11[%swap3A_2466, %swap3A_2467], %swap3A_2470 {strides = array<i32>} : memref<128x128xf32, #tpu.memory_space<vmem>>, vector<1x16xf32>,
      %get3A_2471 = arith.constant 11 : i32
      %get3A_2472 = arith.index_cast %get3A_2471 : i32 to index
      %get3A_2473 = arith.constant 64 : index
      %get3A_2474 = tpu.vector_load %arg9[%get3A_2472, %get3A_2473] {strides = array<i32>} : memref<16x128xf32, #tpu.memory_space<vmem>>, vector<1x16xf32>,
      %get3A_2475 = vector.shape_cast %get3A_2474 : vector<1x16xf32> to vector<16xf32>
      %swap3A_2476 = arith.constant 92 : i32
      %swap3A_2477 = arith.index_cast %swap3A_2476 : i32 to index
      %swap3A_2478 = arith.constant 0 : index
      %swap3A_2479 = tpu.vector_load %arg11[%swap3A_2477, %swap3A_2478] {strides = array<i32>} : memref<128x128xf32, #tpu.memory_space<vmem>>, vector<1x16xf32>,
      %swap3A_2480 = vector.shape_cast %swap3A_2479 : vector<1x16xf32> to vector<16xf32>
      %swap3A_2481 = vector.shape_cast %get3A_2475 : vector<16xf32> to vector<1x16xf32>
      tpu.vector_store %arg11[%swap3A_2477, %swap3A_2478], %swap3A_2481 {strides = array<i32>} : memref<128x128xf32, #tpu.memory_space<vmem>>, vector<1x16xf32>,
      %get3A_2482 = arith.constant 11 : i32
      %get3A_2483 = arith.index_cast %get3A_2482 : i32 to index
      %get3A_2484 = arith.constant 80 : index
      %get3A_2485 = tpu.vector_load %arg9[%get3A_2483, %get3A_2484] {strides = array<i32>} : memref<16x128xf32, #tpu.memory_space<vmem>>, vector<1x16xf32>,
      %get3A_2486 = vector.shape_cast %get3A_2485 : vector<1x16xf32> to vector<16xf32>
      %swap3A_2487 = arith.constant 93 : i32
      %swap3A_2488 = arith.index_cast %swap3A_2487 : i32 to index
      %swap3A_2489 = arith.constant 0 : index
      %swap3A_2490 = tpu.vector_load %arg11[%swap3A_2488, %swap3A_2489] {strides = array<i32>} : memref<128x128xf32, #tpu.memory_space<vmem>>, vector<1x16xf32>,
      %swap3A_2491 = vector.shape_cast %swap3A_2490 : vector<1x16xf32> to vector<16xf32>
      %swap3A_2492 = vector.shape_cast %get3A_2486 : vector<16xf32> to vector<1x16xf32>
      tpu.vector_store %arg11[%swap3A_2488, %swap3A_2489], %swap3A_2492 {strides = array<i32>} : memref<128x128xf32, #tpu.memory_space<vmem>>, vector<1x16xf32>,
      %get3A_2493 = arith.constant 11 : i32
      %get3A_2494 = arith.index_cast %get3A_2493 : i32 to index
      %get3A_2495 = arith.constant 96 : index
      %get3A_2496 = tpu.vector_load %arg9[%get3A_2494, %get3A_2495] {strides = array<i32>} : memref<16x128xf32, #tpu.memory_space<vmem>>, vector<1x16xf32>,
      %get3A_2497 = vector.shape_cast %get3A_2496 : vector<1x16xf32> to vector<16xf32>
      %swap3A_2498 = arith.constant 94 : i32
      %swap3A_2499 = arith.index_cast %swap3A_2498 : i32 to index
      %swap3A_2500 = arith.constant 0 : index
      %swap3A_2501 = tpu.vector_load %arg11[%swap3A_2499, %swap3A_2500] {strides = array<i32>} : memref<128x128xf32, #tpu.memory_space<vmem>>, vector<1x16xf32>,
      %swap3A_2502 = vector.shape_cast %swap3A_2501 : vector<1x16xf32> to vector<16xf32>
      %swap3A_2503 = vector.shape_cast %get3A_2497 : vector<16xf32> to vector<1x16xf32>
      tpu.vector_store %arg11[%swap3A_2499, %swap3A_2500], %swap3A_2503 {strides = array<i32>} : memref<128x128xf32, #tpu.memory_space<vmem>>, vector<1x16xf32>,
      %get3A_2504 = arith.constant 11 : i32
      %get3A_2505 = arith.index_cast %get3A_2504 : i32 to index
      %get3A_2506 = arith.constant 112 : index
      %get3A_2507 = tpu.vector_load %arg9[%get3A_2505, %get3A_2506] {strides = array<i32>} : memref<16x128xf32, #tpu.memory_space<vmem>>, vector<1x16xf32>,
      %get3A_2508 = vector.shape_cast %get3A_2507 : vector<1x16xf32> to vector<16xf32>
      %swap3A_2509 = arith.constant 95 : i32
      %swap3A_2510 = arith.index_cast %swap3A_2509 : i32 to index
      %swap3A_2511 = arith.constant 0 : index
      %swap3A_2512 = tpu.vector_load %arg11[%swap3A_2510, %swap3A_2511] {strides = array<i32>} : memref<128x128xf32, #tpu.memory_space<vmem>>, vector<1x16xf32>,
      %swap3A_2513 = vector.shape_cast %swap3A_2512 : vector<1x16xf32> to vector<16xf32>
      %swap3A_2514 = vector.shape_cast %get3A_2508 : vector<16xf32> to vector<1x16xf32>
      tpu.vector_store %arg11[%swap3A_2510, %swap3A_2511], %swap3A_2514 {strides = array<i32>} : memref<128x128xf32, #tpu.memory_space<vmem>>, vector<1x16xf32>,
      %get3A_2515 = arith.constant 12 : i32
      %get3A_2516 = arith.index_cast %get3A_2515 : i32 to index
      %get3A_2517 = arith.constant 0 : index
      %get3A_2518 = tpu.vector_load %arg9[%get3A_2516, %get3A_2517] {strides = array<i32>} : memref<16x128xf32, #tpu.memory_space<vmem>>, vector<1x16xf32>,
      %get3A_2519 = vector.shape_cast %get3A_2518 : vector<1x16xf32> to vector<16xf32>
      %swap3A_2520 = arith.constant 96 : i32
      %swap3A_2521 = arith.index_cast %swap3A_2520 : i32 to index
      %swap3A_2522 = arith.constant 0 : index
      %swap3A_2523 = tpu.vector_load %arg11[%swap3A_2521, %swap3A_2522] {strides = array<i32>} : memref<128x128xf32, #tpu.memory_space<vmem>>, vector<1x16xf32>,
      %swap3A_2524 = vector.shape_cast %swap3A_2523 : vector<1x16xf32> to vector<16xf32>
      %swap3A_2525 = vector.shape_cast %get3A_2519 : vector<16xf32> to vector<1x16xf32>
      tpu.vector_store %arg11[%swap3A_2521, %swap3A_2522], %swap3A_2525 {strides = array<i32>} : memref<128x128xf32, #tpu.memory_space<vmem>>, vector<1x16xf32>,
      %get3A_2526 = arith.constant 12 : i32
      %get3A_2527 = arith.index_cast %get3A_2526 : i32 to index
      %get3A_2528 = arith.constant 16 : index
      %get3A_2529 = tpu.vector_load %arg9[%get3A_2527, %get3A_2528] {strides = array<i32>} : memref<16x128xf32, #tpu.memory_space<vmem>>, vector<1x16xf32>,
      %get3A_2530 = vector.shape_cast %get3A_2529 : vector<1x16xf32> to vector<16xf32>
      %swap3A_2531 = arith.constant 97 : i32
      %swap3A_2532 = arith.index_cast %swap3A_2531 : i32 to index
      %swap3A_2533 = arith.constant 0 : index
      %swap3A_2534 = tpu.vector_load %arg11[%swap3A_2532, %swap3A_2533] {strides = array<i32>} : memref<128x128xf32, #tpu.memory_space<vmem>>, vector<1x16xf32>,
      %swap3A_2535 = vector.shape_cast %swap3A_2534 : vector<1x16xf32> to vector<16xf32>
      %swap3A_2536 = vector.shape_cast %get3A_2530 : vector<16xf32> to vector<1x16xf32>
      tpu.vector_store %arg11[%swap3A_2532, %swap3A_2533], %swap3A_2536 {strides = array<i32>} : memref<128x128xf32, #tpu.memory_space<vmem>>, vector<1x16xf32>,
      %get3A_2537 = arith.constant 12 : i32
      %get3A_2538 = arith.index_cast %get3A_2537 : i32 to index
      %get3A_2539 = arith.constant 32 : index
      %get3A_2540 = tpu.vector_load %arg9[%get3A_2538, %get3A_2539] {strides = array<i32>} : memref<16x128xf32, #tpu.memory_space<vmem>>, vector<1x16xf32>,
      %get3A_2541 = vector.shape_cast %get3A_2540 : vector<1x16xf32> to vector<16xf32>
      %swap3A_2542 = arith.constant 98 : i32
      %swap3A_2543 = arith.index_cast %swap3A_2542 : i32 to index
      %swap3A_2544 = arith.constant 0 : index
      %swap3A_2545 = tpu.vector_load %arg11[%swap3A_2543, %swap3A_2544] {strides = array<i32>} : memref<128x128xf32, #tpu.memory_space<vmem>>, vector<1x16xf32>,
      %swap3A_2546 = vector.shape_cast %swap3A_2545 : vector<1x16xf32> to vector<16xf32>
      %swap3A_2547 = vector.shape_cast %get3A_2541 : vector<16xf32> to vector<1x16xf32>
      tpu.vector_store %arg11[%swap3A_2543, %swap3A_2544], %swap3A_2547 {strides = array<i32>} : memref<128x128xf32, #tpu.memory_space<vmem>>, vector<1x16xf32>,
      %get3A_2548 = arith.constant 12 : i32
      %get3A_2549 = arith.index_cast %get3A_2548 : i32 to index
      %get3A_2550 = arith.constant 48 : index
      %get3A_2551 = tpu.vector_load %arg9[%get3A_2549, %get3A_2550] {strides = array<i32>} : memref<16x128xf32, #tpu.memory_space<vmem>>, vector<1x16xf32>,
      %get3A_2552 = vector.shape_cast %get3A_2551 : vector<1x16xf32> to vector<16xf32>
      %swap3A_2553 = arith.constant 99 : i32
      %swap3A_2554 = arith.index_cast %swap3A_2553 : i32 to index
      %swap3A_2555 = arith.constant 0 : index
      %swap3A_2556 = tpu.vector_load %arg11[%swap3A_2554, %swap3A_2555] {strides = array<i32>} : memref<128x128xf32, #tpu.memory_space<vmem>>, vector<1x16xf32>,
      %swap3A_2557 = vector.shape_cast %swap3A_2556 : vector<1x16xf32> to vector<16xf32>
      %swap3A_2558 = vector.shape_cast %get3A_2552 : vector<16xf32> to vector<1x16xf32>
      tpu.vector_store %arg11[%swap3A_2554, %swap3A_2555], %swap3A_2558 {strides = array<i32>} : memref<128x128xf32, #tpu.memory_space<vmem>>, vector<1x16xf32>,
      %get3A_2559 = arith.constant 12 : i32
      %get3A_2560 = arith.index_cast %get3A_2559 : i32 to index
      %get3A_2561 = arith.constant 64 : index
      %get3A_2562 = tpu.vector_load %arg9[%get3A_2560, %get3A_2561] {strides = array<i32>} : memref<16x128xf32, #tpu.memory_space<vmem>>, vector<1x16xf32>,
      %get3A_2563 = vector.shape_cast %get3A_2562 : vector<1x16xf32> to vector<16xf32>
      %swap3A_2564 = arith.constant 100 : i32
      %swap3A_2565 = arith.index_cast %swap3A_2564 : i32 to index
      %swap3A_2566 = arith.constant 0 : index
      %swap3A_2567 = tpu.vector_load %arg11[%swap3A_2565, %swap3A_2566] {strides = array<i32>} : memref<128x128xf32, #tpu.memory_space<vmem>>, vector<1x16xf32>,
      %swap3A_2568 = vector.shape_cast %swap3A_2567 : vector<1x16xf32> to vector<16xf32>
      %swap3A_2569 = vector.shape_cast %get3A_2563 : vector<16xf32> to vector<1x16xf32>
      tpu.vector_store %arg11[%swap3A_2565, %swap3A_2566], %swap3A_2569 {strides = array<i32>} : memref<128x128xf32, #tpu.memory_space<vmem>>, vector<1x16xf32>,
      %get3A_2570 = arith.constant 12 : i32
      %get3A_2571 = arith.index_cast %get3A_2570 : i32 to index
      %get3A_2572 = arith.constant 80 : index
      %get3A_2573 = tpu.vector_load %arg9[%get3A_2571, %get3A_2572] {strides = array<i32>} : memref<16x128xf32, #tpu.memory_space<vmem>>, vector<1x16xf32>,
      %get3A_2574 = vector.shape_cast %get3A_2573 : vector<1x16xf32> to vector<16xf32>
      %swap3A_2575 = arith.constant 101 : i32
      %swap3A_2576 = arith.index_cast %swap3A_2575 : i32 to index
      %swap3A_2577 = arith.constant 0 : index
      %swap3A_2578 = tpu.vector_load %arg11[%swap3A_2576, %swap3A_2577] {strides = array<i32>} : memref<128x128xf32, #tpu.memory_space<vmem>>, vector<1x16xf32>,
      %swap3A_2579 = vector.shape_cast %swap3A_2578 : vector<1x16xf32> to vector<16xf32>
      %swap3A_2580 = vector.shape_cast %get3A_2574 : vector<16xf32> to vector<1x16xf32>
      tpu.vector_store %arg11[%swap3A_2576, %swap3A_2577], %swap3A_2580 {strides = array<i32>} : memref<128x128xf32, #tpu.memory_space<vmem>>, vector<1x16xf32>,
      %get3A_2581 = arith.constant 12 : i32
      %get3A_2582 = arith.index_cast %get3A_2581 : i32 to index
      %get3A_2583 = arith.constant 96 : index
      %get3A_2584 = tpu.vector_load %arg9[%get3A_2582, %get3A_2583] {strides = array<i32>} : memref<16x128xf32, #tpu.memory_space<vmem>>, vector<1x16xf32>,
      %get3A_2585 = vector.shape_cast %get3A_2584 : vector<1x16xf32> to vector<16xf32>
      %swap3A_2586 = arith.constant 102 : i32
      %swap3A_2587 = arith.index_cast %swap3A_2586 : i32 to index
      %swap3A_2588 = arith.constant 0 : index
      %swap3A_2589 = tpu.vector_load %arg11[%swap3A_2587, %swap3A_2588] {strides = array<i32>} : memref<128x128xf32, #tpu.memory_space<vmem>>, vector<1x16xf32>,
      %swap3A_2590 = vector.shape_cast %swap3A_2589 : vector<1x16xf32> to vector<16xf32>
      %swap3A_2591 = vector.shape_cast %get3A_2585 : vector<16xf32> to vector<1x16xf32>
      tpu.vector_store %arg11[%swap3A_2587, %swap3A_2588], %swap3A_2591 {strides = array<i32>} : memref<128x128xf32, #tpu.memory_space<vmem>>, vector<1x16xf32>,
      %get3A_2592 = arith.constant 12 : i32
      %get3A_2593 = arith.index_cast %get3A_2592 : i32 to index
      %get3A_2594 = arith.constant 112 : index
      %get3A_2595 = tpu.vector_load %arg9[%get3A_2593, %get3A_2594] {strides = array<i32>} : memref<16x128xf32, #tpu.memory_space<vmem>>, vector<1x16xf32>,
      %get3A_2596 = vector.shape_cast %get3A_2595 : vector<1x16xf32> to vector<16xf32>
      %swap3A_2597 = arith.constant 103 : i32
      %swap3A_2598 = arith.index_cast %swap3A_2597 : i32 to index
      %swap3A_2599 = arith.constant 0 : index
      %swap3A_2600 = tpu.vector_load %arg11[%swap3A_2598, %swap3A_2599] {strides = array<i32>} : memref<128x128xf32, #tpu.memory_space<vmem>>, vector<1x16xf32>,
      %swap3A_2601 = vector.shape_cast %swap3A_2600 : vector<1x16xf32> to vector<16xf32>
      %swap3A_2602 = vector.shape_cast %get3A_2596 : vector<16xf32> to vector<1x16xf32>
      tpu.vector_store %arg11[%swap3A_2598, %swap3A_2599], %swap3A_2602 {strides = array<i32>} : memref<128x128xf32, #tpu.memory_space<vmem>>, vector<1x16xf32>,
      %get3A_2603 = arith.constant 13 : i32
      %get3A_2604 = arith.index_cast %get3A_2603 : i32 to index
      %get3A_2605 = arith.constant 0 : index
      %get3A_2606 = tpu.vector_load %arg9[%get3A_2604, %get3A_2605] {strides = array<i32>} : memref<16x128xf32, #tpu.memory_space<vmem>>, vector<1x16xf32>,
      %get3A_2607 = vector.shape_cast %get3A_2606 : vector<1x16xf32> to vector<16xf32>
      %swap3A_2608 = arith.constant 104 : i32
      %swap3A_2609 = arith.index_cast %swap3A_2608 : i32 to index
      %swap3A_2610 = arith.constant 0 : index
      %swap3A_2611 = tpu.vector_load %arg11[%swap3A_2609, %swap3A_2610] {strides = array<i32>} : memref<128x128xf32, #tpu.memory_space<vmem>>, vector<1x16xf32>,
      %swap3A_2612 = vector.shape_cast %swap3A_2611 : vector<1x16xf32> to vector<16xf32>
      %swap3A_2613 = vector.shape_cast %get3A_2607 : vector<16xf32> to vector<1x16xf32>
      tpu.vector_store %arg11[%swap3A_2609, %swap3A_2610], %swap3A_2613 {strides = array<i32>} : memref<128x128xf32, #tpu.memory_space<vmem>>, vector<1x16xf32>,
      %get3A_2614 = arith.constant 13 : i32
      %get3A_2615 = arith.index_cast %get3A_2614 : i32 to index
      %get3A_2616 = arith.constant 16 : index
      %get3A_2617 = tpu.vector_load %arg9[%get3A_2615, %get3A_2616] {strides = array<i32>} : memref<16x128xf32, #tpu.memory_space<vmem>>, vector<1x16xf32>,
      %get3A_2618 = vector.shape_cast %get3A_2617 : vector<1x16xf32> to vector<16xf32>
      %swap3A_2619 = arith.constant 105 : i32
      %swap3A_2620 = arith.index_cast %swap3A_2619 : i32 to index
      %swap3A_2621 = arith.constant 0 : index
      %swap3A_2622 = tpu.vector_load %arg11[%swap3A_2620, %swap3A_2621] {strides = array<i32>} : memref<128x128xf32, #tpu.memory_space<vmem>>, vector<1x16xf32>,
      %swap3A_2623 = vector.shape_cast %swap3A_2622 : vector<1x16xf32> to vector<16xf32>
      %swap3A_2624 = vector.shape_cast %get3A_2618 : vector<16xf32> to vector<1x16xf32>
      tpu.vector_store %arg11[%swap3A_2620, %swap3A_2621], %swap3A_2624 {strides = array<i32>} : memref<128x128xf32, #tpu.memory_space<vmem>>, vector<1x16xf32>,
      %get3A_2625 = arith.constant 13 : i32
      %get3A_2626 = arith.index_cast %get3A_2625 : i32 to index
      %get3A_2627 = arith.constant 32 : index
      %get3A_2628 = tpu.vector_load %arg9[%get3A_2626, %get3A_2627] {strides = array<i32>} : memref<16x128xf32, #tpu.memory_space<vmem>>, vector<1x16xf32>,
      %get3A_2629 = vector.shape_cast %get3A_2628 : vector<1x16xf32> to vector<16xf32>
      %swap3A_2630 = arith.constant 106 : i32
      %swap3A_2631 = arith.index_cast %swap3A_2630 : i32 to index
      %swap3A_2632 = arith.constant 0 : index
      %swap3A_2633 = tpu.vector_load %arg11[%swap3A_2631, %swap3A_2632] {strides = array<i32>} : memref<128x128xf32, #tpu.memory_space<vmem>>, vector<1x16xf32>,
      %swap3A_2634 = vector.shape_cast %swap3A_2633 : vector<1x16xf32> to vector<16xf32>
      %swap3A_2635 = vector.shape_cast %get3A_2629 : vector<16xf32> to vector<1x16xf32>
      tpu.vector_store %arg11[%swap3A_2631, %swap3A_2632], %swap3A_2635 {strides = array<i32>} : memref<128x128xf32, #tpu.memory_space<vmem>>, vector<1x16xf32>,
      %get3A_2636 = arith.constant 13 : i32
      %get3A_2637 = arith.index_cast %get3A_2636 : i32 to index
      %get3A_2638 = arith.constant 48 : index
      %get3A_2639 = tpu.vector_load %arg9[%get3A_2637, %get3A_2638] {strides = array<i32>} : memref<16x128xf32, #tpu.memory_space<vmem>>, vector<1x16xf32>,
      %get3A_2640 = vector.shape_cast %get3A_2639 : vector<1x16xf32> to vector<16xf32>
      %swap3A_2641 = arith.constant 107 : i32
      %swap3A_2642 = arith.index_cast %swap3A_2641 : i32 to index
      %swap3A_2643 = arith.constant 0 : index
      %swap3A_2644 = tpu.vector_load %arg11[%swap3A_2642, %swap3A_2643] {strides = array<i32>} : memref<128x128xf32, #tpu.memory_space<vmem>>, vector<1x16xf32>,
      %swap3A_2645 = vector.shape_cast %swap3A_2644 : vector<1x16xf32> to vector<16xf32>
      %swap3A_2646 = vector.shape_cast %get3A_2640 : vector<16xf32> to vector<1x16xf32>
      tpu.vector_store %arg11[%swap3A_2642, %swap3A_2643], %swap3A_2646 {strides = array<i32>} : memref<128x128xf32, #tpu.memory_space<vmem>>, vector<1x16xf32>,
      %get3A_2647 = arith.constant 13 : i32
      %get3A_2648 = arith.index_cast %get3A_2647 : i32 to index
      %get3A_2649 = arith.constant 64 : index
      %get3A_2650 = tpu.vector_load %arg9[%get3A_2648, %get3A_2649] {strides = array<i32>} : memref<16x128xf32, #tpu.memory_space<vmem>>, vector<1x16xf32>,
      %get3A_2651 = vector.shape_cast %get3A_2650 : vector<1x16xf32> to vector<16xf32>
      %swap3A_2652 = arith.constant 108 : i32
      %swap3A_2653 = arith.index_cast %swap3A_2652 : i32 to index
      %swap3A_2654 = arith.constant 0 : index
      %swap3A_2655 = tpu.vector_load %arg11[%swap3A_2653, %swap3A_2654] {strides = array<i32>} : memref<128x128xf32, #tpu.memory_space<vmem>>, vector<1x16xf32>,
      %swap3A_2656 = vector.shape_cast %swap3A_2655 : vector<1x16xf32> to vector<16xf32>
      %swap3A_2657 = vector.shape_cast %get3A_2651 : vector<16xf32> to vector<1x16xf32>
      tpu.vector_store %arg11[%swap3A_2653, %swap3A_2654], %swap3A_2657 {strides = array<i32>} : memref<128x128xf32, #tpu.memory_space<vmem>>, vector<1x16xf32>,
      %get3A_2658 = arith.constant 13 : i32
      %get3A_2659 = arith.index_cast %get3A_2658 : i32 to index
      %get3A_2660 = arith.constant 80 : index
      %get3A_2661 = tpu.vector_load %arg9[%get3A_2659, %get3A_2660] {strides = array<i32>} : memref<16x128xf32, #tpu.memory_space<vmem>>, vector<1x16xf32>,
      %get3A_2662 = vector.shape_cast %get3A_2661 : vector<1x16xf32> to vector<16xf32>
      %swap3A_2663 = arith.constant 109 : i32
      %swap3A_2664 = arith.index_cast %swap3A_2663 : i32 to index
      %swap3A_2665 = arith.constant 0 : index
      %swap3A_2666 = tpu.vector_load %arg11[%swap3A_2664, %swap3A_2665] {strides = array<i32>} : memref<128x128xf32, #tpu.memory_space<vmem>>, vector<1x16xf32>,
      %swap3A_2667 = vector.shape_cast %swap3A_2666 : vector<1x16xf32> to vector<16xf32>
      %swap3A_2668 = vector.shape_cast %get3A_2662 : vector<16xf32> to vector<1x16xf32>
      tpu.vector_store %arg11[%swap3A_2664, %swap3A_2665], %swap3A_2668 {strides = array<i32>} : memref<128x128xf32, #tpu.memory_space<vmem>>, vector<1x16xf32>,
      %get3A_2669 = arith.constant 13 : i32
      %get3A_2670 = arith.index_cast %get3A_2669 : i32 to index
      %get3A_2671 = arith.constant 96 : index
      %get3A_2672 = tpu.vector_load %arg9[%get3A_2670, %get3A_2671] {strides = array<i32>} : memref<16x128xf32, #tpu.memory_space<vmem>>, vector<1x16xf32>,
      %get3A_2673 = vector.shape_cast %get3A_2672 : vector<1x16xf32> to vector<16xf32>
      %swap3A_2674 = arith.constant 110 : i32
      %swap3A_2675 = arith.index_cast %swap3A_2674 : i32 to index
      %swap3A_2676 = arith.constant 0 : index
      %swap3A_2677 = tpu.vector_load %arg11[%swap3A_2675, %swap3A_2676] {strides = array<i32>} : memref<128x128xf32, #tpu.memory_space<vmem>>, vector<1x16xf32>,
      %swap3A_2678 = vector.shape_cast %swap3A_2677 : vector<1x16xf32> to vector<16xf32>
      %swap3A_2679 = vector.shape_cast %get3A_2673 : vector<16xf32> to vector<1x16xf32>
      tpu.vector_store %arg11[%swap3A_2675, %swap3A_2676], %swap3A_2679 {strides = array<i32>} : memref<128x128xf32, #tpu.memory_space<vmem>>, vector<1x16xf32>,
      %get3A_2680 = arith.constant 13 : i32
      %get3A_2681 = arith.index_cast %get3A_2680 : i32 to index
      %get3A_2682 = arith.constant 112 : index
      %get3A_2683 = tpu.vector_load %arg9[%get3A_2681, %get3A_2682] {strides = array<i32>} : memref<16x128xf32, #tpu.memory_space<vmem>>, vector<1x16xf32>,
      %get3A_2684 = vector.shape_cast %get3A_2683 : vector<1x16xf32> to vector<16xf32>
      %swap3A_2685 = arith.constant 111 : i32
      %swap3A_2686 = arith.index_cast %swap3A_2685 : i32 to index
      %swap3A_2687 = arith.constant 0 : index
      %swap3A_2688 = tpu.vector_load %arg11[%swap3A_2686, %swap3A_2687] {strides = array<i32>} : memref<128x128xf32, #tpu.memory_space<vmem>>, vector<1x16xf32>,
      %swap3A_2689 = vector.shape_cast %swap3A_2688 : vector<1x16xf32> to vector<16xf32>
      %swap3A_2690 = vector.shape_cast %get3A_2684 : vector<16xf32> to vector<1x16xf32>
      tpu.vector_store %arg11[%swap3A_2686, %swap3A_2687], %swap3A_2690 {strides = array<i32>} : memref<128x128xf32, #tpu.memory_space<vmem>>, vector<1x16xf32>,
      %get3A_2691 = arith.constant 14 : i32
      %get3A_2692 = arith.index_cast %get3A_2691 : i32 to index
      %get3A_2693 = arith.constant 0 : index
      %get3A_2694 = tpu.vector_load %arg9[%get3A_2692, %get3A_2693] {strides = array<i32>} : memref<16x128xf32, #tpu.memory_space<vmem>>, vector<1x16xf32>,
      %get3A_2695 = vector.shape_cast %get3A_2694 : vector<1x16xf32> to vector<16xf32>
      %swap3A_2696 = arith.constant 112 : i32
      %swap3A_2697 = arith.index_cast %swap3A_2696 : i32 to index
      %swap3A_2698 = arith.constant 0 : index
      %swap3A_2699 = tpu.vector_load %arg11[%swap3A_2697, %swap3A_2698] {strides = array<i32>} : memref<128x128xf32, #tpu.memory_space<vmem>>, vector<1x16xf32>,
      %swap3A_2700 = vector.shape_cast %swap3A_2699 : vector<1x16xf32> to vector<16xf32>
      %swap3A_2701 = vector.shape_cast %get3A_2695 : vector<16xf32> to vector<1x16xf32>
      tpu.vector_store %arg11[%swap3A_2697, %swap3A_2698], %swap3A_2701 {strides = array<i32>} : memref<128x128xf32, #tpu.memory_space<vmem>>, vector<1x16xf32>,
      %get3A_2702 = arith.constant 14 : i32
      %get3A_2703 = arith.index_cast %get3A_2702 : i32 to index
      %get3A_2704 = arith.constant 16 : index
      %get3A_2705 = tpu.vector_load %arg9[%get3A_2703, %get3A_2704] {strides = array<i32>} : memref<16x128xf32, #tpu.memory_space<vmem>>, vector<1x16xf32>,
      %get3A_2706 = vector.shape_cast %get3A_2705 : vector<1x16xf32> to vector<16xf32>
      %swap3A_2707 = arith.constant 113 : i32
      %swap3A_2708 = arith.index_cast %swap3A_2707 : i32 to index
      %swap3A_2709 = arith.constant 0 : index
      %swap3A_2710 = tpu.vector_load %arg11[%swap3A_2708, %swap3A_2709] {strides = array<i32>} : memref<128x128xf32, #tpu.memory_space<vmem>>, vector<1x16xf32>,
      %swap3A_2711 = vector.shape_cast %swap3A_2710 : vector<1x16xf32> to vector<16xf32>
      %swap3A_2712 = vector.shape_cast %get3A_2706 : vector<16xf32> to vector<1x16xf32>
      tpu.vector_store %arg11[%swap3A_2708, %swap3A_2709], %swap3A_2712 {strides = array<i32>} : memref<128x128xf32, #tpu.memory_space<vmem>>, vector<1x16xf32>,
      %get3A_2713 = arith.constant 14 : i32
      %get3A_2714 = arith.index_cast %get3A_2713 : i32 to index
      %get3A_2715 = arith.constant 32 : index
      %get3A_2716 = tpu.vector_load %arg9[%get3A_2714, %get3A_2715] {strides = array<i32>} : memref<16x128xf32, #tpu.memory_space<vmem>>, vector<1x16xf32>,
      %get3A_2717 = vector.shape_cast %get3A_2716 : vector<1x16xf32> to vector<16xf32>
      %swap3A_2718 = arith.constant 114 : i32
      %swap3A_2719 = arith.index_cast %swap3A_2718 : i32 to index
      %swap3A_2720 = arith.constant 0 : index
      %swap3A_2721 = tpu.vector_load %arg11[%swap3A_2719, %swap3A_2720] {strides = array<i32>} : memref<128x128xf32, #tpu.memory_space<vmem>>, vector<1x16xf32>,
      %swap3A_2722 = vector.shape_cast %swap3A_2721 : vector<1x16xf32> to vector<16xf32>
      %swap3A_2723 = vector.shape_cast %get3A_2717 : vector<16xf32> to vector<1x16xf32>
      tpu.vector_store %arg11[%swap3A_2719, %swap3A_2720], %swap3A_2723 {strides = array<i32>} : memref<128x128xf32, #tpu.memory_space<vmem>>, vector<1x16xf32>,
      %get3A_2724 = arith.constant 14 : i32
      %get3A_2725 = arith.index_cast %get3A_2724 : i32 to index
      %get3A_2726 = arith.constant 48 : index
      %get3A_2727 = tpu.vector_load %arg9[%get3A_2725, %get3A_2726] {strides = array<i32>} : memref<16x128xf32, #tpu.memory_space<vmem>>, vector<1x16xf32>,
      %get3A_2728 = vector.shape_cast %get3A_2727 : vector<1x16xf32> to vector<16xf32>
      %swap3A_2729 = arith.constant 115 : i32
      %swap3A_2730 = arith.index_cast %swap3A_2729 : i32 to index
      %swap3A_2731 = arith.constant 0 : index
      %swap3A_2732 = tpu.vector_load %arg11[%swap3A_2730, %swap3A_2731] {strides = array<i32>} : memref<128x128xf32, #tpu.memory_space<vmem>>, vector<1x16xf32>,
      %swap3A_2733 = vector.shape_cast %swap3A_2732 : vector<1x16xf32> to vector<16xf32>
      %swap3A_2734 = vector.shape_cast %get3A_2728 : vector<16xf32> to vector<1x16xf32>
      tpu.vector_store %arg11[%swap3A_2730, %swap3A_2731], %swap3A_2734 {strides = array<i32>} : memref<128x128xf32, #tpu.memory_space<vmem>>, vector<1x16xf32>,
      %get3A_2735 = arith.constant 14 : i32
      %get3A_2736 = arith.index_cast %get3A_2735 : i32 to index
      %get3A_2737 = arith.constant 64 : index
      %get3A_2738 = tpu.vector_load %arg9[%get3A_2736, %get3A_2737] {strides = array<i32>} : memref<16x128xf32, #tpu.memory_space<vmem>>, vector<1x16xf32>,
      %get3A_2739 = vector.shape_cast %get3A_2738 : vector<1x16xf32> to vector<16xf32>
      %swap3A_2740 = arith.constant 116 : i32
      %swap3A_2741 = arith.index_cast %swap3A_2740 : i32 to index
      %swap3A_2742 = arith.constant 0 : index
      %swap3A_2743 = tpu.vector_load %arg11[%swap3A_2741, %swap3A_2742] {strides = array<i32>} : memref<128x128xf32, #tpu.memory_space<vmem>>, vector<1x16xf32>,
      %swap3A_2744 = vector.shape_cast %swap3A_2743 : vector<1x16xf32> to vector<16xf32>
      %swap3A_2745 = vector.shape_cast %get3A_2739 : vector<16xf32> to vector<1x16xf32>
      tpu.vector_store %arg11[%swap3A_2741, %swap3A_2742], %swap3A_2745 {strides = array<i32>} : memref<128x128xf32, #tpu.memory_space<vmem>>, vector<1x16xf32>,
      %get3A_2746 = arith.constant 14 : i32
      %get3A_2747 = arith.index_cast %get3A_2746 : i32 to index
      %get3A_2748 = arith.constant 80 : index
      %get3A_2749 = tpu.vector_load %arg9[%get3A_2747, %get3A_2748] {strides = array<i32>} : memref<16x128xf32, #tpu.memory_space<vmem>>, vector<1x16xf32>,
      %get3A_2750 = vector.shape_cast %get3A_2749 : vector<1x16xf32> to vector<16xf32>
      %swap3A_2751 = arith.constant 117 : i32
      %swap3A_2752 = arith.index_cast %swap3A_2751 : i32 to index
      %swap3A_2753 = arith.constant 0 : index
      %swap3A_2754 = tpu.vector_load %arg11[%swap3A_2752, %swap3A_2753] {strides = array<i32>} : memref<128x128xf32, #tpu.memory_space<vmem>>, vector<1x16xf32>,
      %swap3A_2755 = vector.shape_cast %swap3A_2754 : vector<1x16xf32> to vector<16xf32>
      %swap3A_2756 = vector.shape_cast %get3A_2750 : vector<16xf32> to vector<1x16xf32>
      tpu.vector_store %arg11[%swap3A_2752, %swap3A_2753], %swap3A_2756 {strides = array<i32>} : memref<128x128xf32, #tpu.memory_space<vmem>>, vector<1x16xf32>,
      %get3A_2757 = arith.constant 14 : i32
      %get3A_2758 = arith.index_cast %get3A_2757 : i32 to index
      %get3A_2759 = arith.constant 96 : index
      %get3A_2760 = tpu.vector_load %arg9[%get3A_2758, %get3A_2759] {strides = array<i32>} : memref<16x128xf32, #tpu.memory_space<vmem>>, vector<1x16xf32>,
      %get3A_2761 = vector.shape_cast %get3A_2760 : vector<1x16xf32> to vector<16xf32>
      %swap3A_2762 = arith.constant 118 : i32
      %swap3A_2763 = arith.index_cast %swap3A_2762 : i32 to index
      %swap3A_2764 = arith.constant 0 : index
      %swap3A_2765 = tpu.vector_load %arg11[%swap3A_2763, %swap3A_2764] {strides = array<i32>} : memref<128x128xf32, #tpu.memory_space<vmem>>, vector<1x16xf32>,
      %swap3A_2766 = vector.shape_cast %swap3A_2765 : vector<1x16xf32> to vector<16xf32>
      %swap3A_2767 = vector.shape_cast %get3A_2761 : vector<16xf32> to vector<1x16xf32>
      tpu.vector_store %arg11[%swap3A_2763, %swap3A_2764], %swap3A_2767 {strides = array<i32>} : memref<128x128xf32, #tpu.memory_space<vmem>>, vector<1x16xf32>,
      %get3A_2768 = arith.constant 14 : i32
      %get3A_2769 = arith.index_cast %get3A_2768 : i32 to index
      %get3A_2770 = arith.constant 112 : index
      %get3A_2771 = tpu.vector_load %arg9[%get3A_2769, %get3A_2770] {strides = array<i32>} : memref<16x128xf32, #tpu.memory_space<vmem>>, vector<1x16xf32>,
      %get3A_2772 = vector.shape_cast %get3A_2771 : vector<1x16xf32> to vector<16xf32>
      %swap3A_2773 = arith.constant 119 : i32
      %swap3A_2774 = arith.index_cast %swap3A_2773 : i32 to index
      %swap3A_2775 = arith.constant 0 : index
      %swap3A_2776 = tpu.vector_load %arg11[%swap3A_2774, %swap3A_2775] {strides = array<i32>} : memref<128x128xf32, #tpu.memory_space<vmem>>, vector<1x16xf32>,
      %swap3A_2777 = vector.shape_cast %swap3A_2776 : vector<1x16xf32> to vector<16xf32>
      %swap3A_2778 = vector.shape_cast %get3A_2772 : vector<16xf32> to vector<1x16xf32>
      tpu.vector_store %arg11[%swap3A_2774, %swap3A_2775], %swap3A_2778 {strides = array<i32>} : memref<128x128xf32, #tpu.memory_space<vmem>>, vector<1x16xf32>,
      %get3A_2779 = arith.constant 15 : i32
      %get3A_2780 = arith.index_cast %get3A_2779 : i32 to index
      %get3A_2781 = arith.constant 0 : index
      %get3A_2782 = tpu.vector_load %arg9[%get3A_2780, %get3A_2781] {strides = array<i32>} : memref<16x128xf32, #tpu.memory_space<vmem>>, vector<1x16xf32>,
      %get3A_2783 = vector.shape_cast %get3A_2782 : vector<1x16xf32> to vector<16xf32>
      %swap3A_2784 = arith.constant 120 : i32
      %swap3A_2785 = arith.index_cast %swap3A_2784 : i32 to index
      %swap3A_2786 = arith.constant 0 : index
      %swap3A_2787 = tpu.vector_load %arg11[%swap3A_2785, %swap3A_2786] {strides = array<i32>} : memref<128x128xf32, #tpu.memory_space<vmem>>, vector<1x16xf32>,
      %swap3A_2788 = vector.shape_cast %swap3A_2787 : vector<1x16xf32> to vector<16xf32>
      %swap3A_2789 = vector.shape_cast %get3A_2783 : vector<16xf32> to vector<1x16xf32>
      tpu.vector_store %arg11[%swap3A_2785, %swap3A_2786], %swap3A_2789 {strides = array<i32>} : memref<128x128xf32, #tpu.memory_space<vmem>>, vector<1x16xf32>,
      %get3A_2790 = arith.constant 15 : i32
      %get3A_2791 = arith.index_cast %get3A_2790 : i32 to index
      %get3A_2792 = arith.constant 16 : index
      %get3A_2793 = tpu.vector_load %arg9[%get3A_2791, %get3A_2792] {strides = array<i32>} : memref<16x128xf32, #tpu.memory_space<vmem>>, vector<1x16xf32>,
      %get3A_2794 = vector.shape_cast %get3A_2793 : vector<1x16xf32> to vector<16xf32>
      %swap3A_2795 = arith.constant 121 : i32
      %swap3A_2796 = arith.index_cast %swap3A_2795 : i32 to index
      %swap3A_2797 = arith.constant 0 : index
      %swap3A_2798 = tpu.vector_load %arg11[%swap3A_2796, %swap3A_2797] {strides = array<i32>} : memref<128x128xf32, #tpu.memory_space<vmem>>, vector<1x16xf32>,
      %swap3A_2799 = vector.shape_cast %swap3A_2798 : vector<1x16xf32> to vector<16xf32>
      %swap3A_2800 = vector.shape_cast %get3A_2794 : vector<16xf32> to vector<1x16xf32>
      tpu.vector_store %arg11[%swap3A_2796, %swap3A_2797], %swap3A_2800 {strides = array<i32>} : memref<128x128xf32, #tpu.memory_space<vmem>>, vector<1x16xf32>,
      %get3A_2801 = arith.constant 15 : i32
      %get3A_2802 = arith.index_cast %get3A_2801 : i32 to index
      %get3A_2803 = arith.constant 32 : index
      %get3A_2804 = tpu.vector_load %arg9[%get3A_2802, %get3A_2803] {strides = array<i32>} : memref<16x128xf32, #tpu.memory_space<vmem>>, vector<1x16xf32>,
      %get3A_2805 = vector.shape_cast %get3A_2804 : vector<1x16xf32> to vector<16xf32>
      %swap3A_2806 = arith.constant 122 : i32
      %swap3A_2807 = arith.index_cast %swap3A_2806 : i32 to index
      %swap3A_2808 = arith.constant 0 : index
      %swap3A_2809 = tpu.vector_load %arg11[%swap3A_2807, %swap3A_2808] {strides = array<i32>} : memref<128x128xf32, #tpu.memory_space<vmem>>, vector<1x16xf32>,
      %swap3A_2810 = vector.shape_cast %swap3A_2809 : vector<1x16xf32> to vector<16xf32>
      %swap3A_2811 = vector.shape_cast %get3A_2805 : vector<16xf32> to vector<1x16xf32>
      tpu.vector_store %arg11[%swap3A_2807, %swap3A_2808], %swap3A_2811 {strides = array<i32>} : memref<128x128xf32, #tpu.memory_space<vmem>>, vector<1x16xf32>,
      %get3A_2812 = arith.constant 15 : i32
      %get3A_2813 = arith.index_cast %get3A_2812 : i32 to index
      %get3A_2814 = arith.constant 48 : index
      %get3A_2815 = tpu.vector_load %arg9[%get3A_2813, %get3A_2814] {strides = array<i32>} : memref<16x128xf32, #tpu.memory_space<vmem>>, vector<1x16xf32>,
      %get3A_2816 = vector.shape_cast %get3A_2815 : vector<1x16xf32> to vector<16xf32>
      %swap3A_2817 = arith.constant 123 : i32
      %swap3A_2818 = arith.index_cast %swap3A_2817 : i32 to index
      %swap3A_2819 = arith.constant 0 : index
      %swap3A_2820 = tpu.vector_load %arg11[%swap3A_2818, %swap3A_2819] {strides = array<i32>} : memref<128x128xf32, #tpu.memory_space<vmem>>, vector<1x16xf32>,
      %swap3A_2821 = vector.shape_cast %swap3A_2820 : vector<1x16xf32> to vector<16xf32>
      %swap3A_2822 = vector.shape_cast %get3A_2816 : vector<16xf32> to vector<1x16xf32>
      tpu.vector_store %arg11[%swap3A_2818, %swap3A_2819], %swap3A_2822 {strides = array<i32>} : memref<128x128xf32, #tpu.memory_space<vmem>>, vector<1x16xf32>,
      %get3A_2823 = arith.constant 15 : i32
      %get3A_2824 = arith.index_cast %get3A_2823 : i32 to index
      %get3A_2825 = arith.constant 64 : index
      %get3A_2826 = tpu.vector_load %arg9[%get3A_2824, %get3A_2825] {strides = array<i32>} : memref<16x128xf32, #tpu.memory_space<vmem>>, vector<1x16xf32>,
      %get3A_2827 = vector.shape_cast %get3A_2826 : vector<1x16xf32> to vector<16xf32>
      %swap3A_2828 = arith.constant 124 : i32
      %swap3A_2829 = arith.index_cast %swap3A_2828 : i32 to index
      %swap3A_2830 = arith.constant 0 : index
      %swap3A_2831 = tpu.vector_load %arg11[%swap3A_2829, %swap3A_2830] {strides = array<i32>} : memref<128x128xf32, #tpu.memory_space<vmem>>, vector<1x16xf32>,
      %swap3A_2832 = vector.shape_cast %swap3A_2831 : vector<1x16xf32> to vector<16xf32>
      %swap3A_2833 = vector.shape_cast %get3A_2827 : vector<16xf32> to vector<1x16xf32>
      tpu.vector_store %arg11[%swap3A_2829, %swap3A_2830], %swap3A_2833 {strides = array<i32>} : memref<128x128xf32, #tpu.memory_space<vmem>>, vector<1x16xf32>,
      %get3A_2834 = arith.constant 15 : i32
      %get3A_2835 = arith.index_cast %get3A_2834 : i32 to index
      %get3A_2836 = arith.constant 80 : index
      %get3A_2837 = tpu.vector_load %arg9[%get3A_2835, %get3A_2836] {strides = array<i32>} : memref<16x128xf32, #tpu.memory_space<vmem>>, vector<1x16xf32>,
      %get3A_2838 = vector.shape_cast %get3A_2837 : vector<1x16xf32> to vector<16xf32>
      %swap3A_2839 = arith.constant 125 : i32
      %swap3A_2840 = arith.index_cast %swap3A_2839 : i32 to index
      %swap3A_2841 = arith.constant 0 : index
      %swap3A_2842 = tpu.vector_load %arg11[%swap3A_2840, %swap3A_2841] {strides = array<i32>} : memref<128x128xf32, #tpu.memory_space<vmem>>, vector<1x16xf32>,
      %swap3A_2843 = vector.shape_cast %swap3A_2842 : vector<1x16xf32> to vector<16xf32>
      %swap3A_2844 = vector.shape_cast %get3A_2838 : vector<16xf32> to vector<1x16xf32>
      tpu.vector_store %arg11[%swap3A_2840, %swap3A_2841], %swap3A_2844 {strides = array<i32>} : memref<128x128xf32, #tpu.memory_space<vmem>>, vector<1x16xf32>,
      %get3A_2845 = arith.constant 15 : i32
      %get3A_2846 = arith.index_cast %get3A_2845 : i32 to index
      %get3A_2847 = arith.constant 96 : index
      %get3A_2848 = tpu.vector_load %arg9[%get3A_2846, %get3A_2847] {strides = array<i32>} : memref<16x128xf32, #tpu.memory_space<vmem>>, vector<1x16xf32>,
      %get3A_2849 = vector.shape_cast %get3A_2848 : vector<1x16xf32> to vector<16xf32>
      %swap3A_2850 = arith.constant 126 : i32
      %swap3A_2851 = arith.index_cast %swap3A_2850 : i32 to index
      %swap3A_2852 = arith.constant 0 : index
      %swap3A_2853 = tpu.vector_load %arg11[%swap3A_2851, %swap3A_2852] {strides = array<i32>} : memref<128x128xf32, #tpu.memory_space<vmem>>, vector<1x16xf32>,
      %swap3A_2854 = vector.shape_cast %swap3A_2853 : vector<1x16xf32> to vector<16xf32>
      %swap3A_2855 = vector.shape_cast %get3A_2849 : vector<16xf32> to vector<1x16xf32>
      tpu.vector_store %arg11[%swap3A_2851, %swap3A_2852], %swap3A_2855 {strides = array<i32>} : memref<128x128xf32, #tpu.memory_space<vmem>>, vector<1x16xf32>,
      %get3A_2856 = arith.constant 15 : i32
      %get3A_2857 = arith.index_cast %get3A_2856 : i32 to index
      %get3A_2858 = arith.constant 112 : index
      %get3A_2859 = tpu.vector_load %arg9[%get3A_2857, %get3A_2858] {strides = array<i32>} : memref<16x128xf32, #tpu.memory_space<vmem>>, vector<1x16xf32>,
      %get3A_2860 = vector.shape_cast %get3A_2859 : vector<1x16xf32> to vector<16xf32>
      %swap3A_2861 = arith.constant 127 : i32
      %swap3A_2862 = arith.index_cast %swap3A_2861 : i32 to index
      %swap3A_2863 = arith.constant 0 : index
      %swap3A_2864 = tpu.vector_load %arg11[%swap3A_2862, %swap3A_2863] {strides = array<i32>} : memref<128x128xf32, #tpu.memory_space<vmem>>, vector<1x16xf32>,
      %swap3A_2865 = vector.shape_cast %swap3A_2864 : vector<1x16xf32> to vector<16xf32>
      %swap3A_2866 = vector.shape_cast %get3A_2860 : vector<16xf32> to vector<1x16xf32>
      tpu.vector_store %arg11[%swap3A_2862, %swap3A_2863], %swap3A_2866 {strides = array<i32>} : memref<128x128xf32, #tpu.memory_space<vmem>>, vector<1x16xf32>,
      %dma_start3A_2867 = arith.constant 1 : i32
      %dma_start3A_2868 = arith.constant 0 : i32
      %dma_start3A_2869 = tpu.memref_slice %arg7[%dma_start3A_2867, %dma_start3A_2868] : memref<2x128xi32, #tpu.memory_space<vmem>> -> memref<1x128xi32, #tpu.memory_space<vmem>>
      %dma_start3A_2870 = tpu.memref_squeeze %dma_start3A_2869 : memref<1x128xi32, #tpu.memory_space<vmem>> -> memref<128xi32, #tpu.memory_space<vmem>>
      %dma_start3A_2871 = arith.constant 0 : i32
      %dma_start3A_2872 = arith.constant 0 : i32
      %dma_start3A_2873 = tpu.memref_slice %arg12[%dma_start3A_2871, %dma_start3A_2872] : memref<10240x128xf32, #tpu.memory_space<vmem_shared>> -> memref<10240x128xf32, #tpu.memory_space<vmem_shared>>
      tpu.enqueue_indirect_dma source(%arg11 : memref<128x128xf32, #tpu.memory_space<vmem>>) target(%dma_start3A_2873 : memref<10240x128xf32, #tpu.memory_space<vmem_shared>>) offsets(%dma_start3A_2870 : memref<128xi32, #tpu.memory_space<vmem>>) semaphore(%arg14 : memref<!tpu.dma_semaphore, #tpu.memory_space<semaphore_mem>>) {add = true}
    }
    %scan3A_14 = arith.constant 40 : i32
    %dma_wait3A = arith.constant 1 : i32
    %dma_wait3A_15 = arith.constant 0 : i32
    %dma_wait3A_16 = tpu.memref_slice %arg6[%dma_wait3A, %dma_wait3A_15] : memref<2x128xi32, #tpu.memory_space<vmem>> -> memref<1x128xi32, #tpu.memory_space<vmem>>
    %dma_wait3A_17 = tpu.memref_squeeze %dma_wait3A_16 : memref<1x128xi32, #tpu.memory_space<vmem>> -> memref<128xi32, #tpu.memory_space<vmem>>
    %dma_wait3A_18 = arith.constant 0 : i32
    %dma_wait3A_19 = arith.constant 0 : i32
    %dma_wait3A_20 = tpu.memref_slice %arg12[%dma_wait3A_18, %dma_wait3A_19] : memref<10240x128xf32, #tpu.memory_space<vmem_shared>> -> memref<10240x128xf32, #tpu.memory_space<vmem_shared>>
    tpu.wait_indirect_dma semaphore(%arg13 : memref<!tpu.dma_semaphore, #tpu.memory_space<semaphore_mem>>) src(%arg10 : memref<128x128xf32, #tpu.memory_space<vmem>>) dst(%dma_wait3A_20 : memref<10240x128xf32, #tpu.memory_space<vmem_shared>>)
    %dma_wait3A_21 = arith.constant 1 : i32
    %dma_wait3A_22 = arith.constant 0 : i32
    %dma_wait3A_23 = tpu.memref_slice %arg7[%dma_wait3A_21, %dma_wait3A_22] : memref<2x128xi32, #tpu.memory_space<vmem>> -> memref<1x128xi32, #tpu.memory_space<vmem>>
    %dma_wait3A_24 = tpu.memref_squeeze %dma_wait3A_23 : memref<1x128xi32, #tpu.memory_space<vmem>> -> memref<128xi32, #tpu.memory_space<vmem>>
    %dma_wait3A_25 = arith.constant 0 : i32
    %dma_wait3A_26 = arith.constant 0 : i32
    %dma_wait3A_27 = tpu.memref_slice %arg12[%dma_wait3A_25, %dma_wait3A_26] : memref<10240x128xf32, #tpu.memory_space<vmem_shared>> -> memref<10240x128xf32, #tpu.memory_space<vmem_shared>>
    tpu.wait_indirect_dma semaphore(%arg14 : memref<!tpu.dma_semaphore, #tpu.memory_space<semaphore_mem>>) src(%arg11 : memref<128x128xf32, #tpu.memory_space<vmem>>) dst(%dma_wait3A_27 : memref<10240x128xf32, #tpu.memory_space<vmem_shared>>)
    %barrier3A_28 = arith.constant 0 : index
    tpu.barrier barrier_id(%barrier3A_28)
    %mul3A_29 = arith.constant 640 : i32
    %mul3A_30 = arith.muli %arg1, %mul3A_29 : i32
    %mul3A_31 = arith.constant 640 : i32
    %mul3A_32 = arith.muli %arg1, %mul3A_31 : i32
    "tpu.region"() ({
      %run_scoped3A = tpu.sem_alloc : memref<!tpu.dma_semaphore, #tpu.memory_space<semaphore_mem>>
      %dma_start3A = arith.constant 0 : i32
      %dma_start3A_33 = tpu.memref_slice %arg5[%arg0, %mul3A_32, %dma_start3A] : memref<2x10240x128xf32, #tpu.memory_space<hbm>> -> memref<1x640x128xf32, #tpu.memory_space<hbm>>
      %dma_start3A_34 = tpu.memref_squeeze %dma_start3A_33 : memref<1x640x128xf32, #tpu.memory_space<hbm>> -> memref<640x128xf32, #tpu.memory_space<hbm>>
      %dma_start3A_35 = arith.constant 0 : i32
      %dma_start3A_36 = tpu.memref_slice %arg12[%mul3A_30, %dma_start3A_35] : memref<10240x128xf32, #tpu.memory_space<vmem_shared>> -> memref<640x128xf32, #tpu.memory_space<vmem_shared>>
      tpu.enqueue_dma source(%dma_start3A_36 : memref<640x128xf32, #tpu.memory_space<vmem_shared>>) target(%dma_start3A_34 : memref<640x128xf32, #tpu.memory_space<hbm>>) target_semaphore(%run_scoped3A : memref<!tpu.dma_semaphore, #tpu.memory_space<semaphore_mem>>)
      %dma_wait3A_37 = arith.constant 0 : i32
      %dma_wait3A_38 = tpu.memref_slice %arg5[%arg0, %mul3A_32, %dma_wait3A_37] : memref<2x10240x128xf32, #tpu.memory_space<hbm>> -> memref<1x640x128xf32, #tpu.memory_space<hbm>>
      %dma_wait3A_39 = tpu.memref_squeeze %dma_wait3A_38 : memref<1x640x128xf32, #tpu.memory_space<hbm>> -> memref<640x128xf32, #tpu.memory_space<hbm>>
      %dma_wait3A_40 = arith.constant 0 : i32
      %dma_wait3A_41 = tpu.memref_slice %arg12[%mul3A_30, %dma_wait3A_40] : memref<10240x128xf32, #tpu.memory_space<vmem_shared>> -> memref<640x128xf32, #tpu.memory_space<vmem_shared>>
      tpu.wait_dma2 semaphore(%run_scoped3A : memref<!tpu.dma_semaphore, #tpu.memory_space<semaphore_mem>>) src(%dma_wait3A_41 : memref<640x128xf32, #tpu.memory_space<vmem_shared>>) dst(%dma_wait3A_39 : memref<640x128xf32, #tpu.memory_space<hbm>>)
      tpu.yield
    }) : () -> ()
    return
  }
}

module attributes {stable_mosaic.version = 14 : i64} {
  func.func @_node_update_body(%arg0: i32, %arg1: memref<2x1000x128xf32, #tpu.memory_space<vmem>>, %arg2: memref<2x1000x128xf32, #tpu.memory_space<vmem>>, %arg3: memref<1000x128xf32, #tpu.memory_space<vmem>>, %arg4: memref<128x128xf32, #tpu.memory_space<vmem>>, %arg5: memref<128x128xf32, #tpu.memory_space<vmem>>, %arg6: memref<1x128xf32, #tpu.memory_space<vmem>>, %arg7: memref<1000x128xf32, #tpu.memory_space<vmem>>) attributes {dimension_semantics = [#tpu.dimension_semantics<arbitrary>], iteration_bounds = array<i64: 10>, scalar_prefetch = 0 : i64, scratch_operands = 0 : i64, tpu.core_type = #tpu.core_type<tc>, window_params = [{transform_indices = @transform_0, window_bounds = array<i64: 2, 1000, 128>}, {transform_indices = @transform_1, window_bounds = array<i64: 2, 1000, 128>}, {transform_indices = @transform_2, window_bounds = array<i64: 1000, 128>}, {pipeline_mode = #tpu.pipeline_mode<synchronous>, transform_indices = @transform_3, window_bounds = array<i64: 128, 128>}, {pipeline_mode = #tpu.pipeline_mode<synchronous>, transform_indices = @transform_4, window_bounds = array<i64: 128, 128>}, {pipeline_mode = #tpu.pipeline_mode<synchronous>, transform_indices = @transform_5, window_bounds = array<i64: 1, 128>}, {transform_indices = @transform_6, window_bounds = array<i64: 1000, 128>}]} {
    %get3A = arith.constant 0 : index
    %get3A_0 = arith.constant 0 : index
    %get3A_1 = arith.constant 0 : index
    %get3A_2 = vector.load %arg1[%get3A, %get3A_0, %get3A_1] : memref<2x1000x128xf32, #tpu.memory_space<vmem>>, vector<1x1000x128xf32>
    %get3A_3 = vector.shape_cast %get3A_2 : vector<1x1000x128xf32> to vector<1000x128xf32>
    %get3A_4 = arith.constant 1 : index
    %get3A_5 = arith.constant 0 : index
    %get3A_6 = arith.constant 0 : index
    %get3A_7 = vector.load %arg1[%get3A_4, %get3A_5, %get3A_6] : memref<2x1000x128xf32, #tpu.memory_space<vmem>>, vector<1x1000x128xf32>
    %get3A_8 = vector.shape_cast %get3A_7 : vector<1x1000x128xf32> to vector<1000x128xf32>
    %add3A = arith.addf %get3A_3, %get3A_8 : vector<1000x128xf32>
    %get3A_9 = arith.constant 0 : index
    %get3A_10 = arith.constant 0 : index
    %get3A_11 = arith.constant 0 : index
    %get3A_12 = vector.load %arg2[%get3A_9, %get3A_10, %get3A_11] : memref<2x1000x128xf32, #tpu.memory_space<vmem>>, vector<1x1000x128xf32>
    %get3A_13 = vector.shape_cast %get3A_12 : vector<1x1000x128xf32> to vector<1000x128xf32>
    %get3A_14 = arith.constant 1 : index
    %get3A_15 = arith.constant 0 : index
    %get3A_16 = arith.constant 0 : index
    %get3A_17 = vector.load %arg2[%get3A_14, %get3A_15, %get3A_16] : memref<2x1000x128xf32, #tpu.memory_space<vmem>>, vector<1x1000x128xf32>
    %get3A_18 = vector.shape_cast %get3A_17 : vector<1x1000x128xf32> to vector<1000x128xf32>
    %add3A_19 = arith.addf %get3A_13, %get3A_18 : vector<1000x128xf32>
    %get3A_20 = arith.constant 0 : index
    %get3A_21 = arith.constant 0 : index
    %get3A_22 = vector.load %arg4[%get3A_20, %get3A_21] : memref<128x128xf32, #tpu.memory_space<vmem>>, vector<128x128xf32>
    %dot_general3A = arith.constant dense<0.000000e+00> : vector<1000x128xf32>
    %dot_general3A_23 = tpu.matmul %add3A, %get3A_22, %dot_general3A {dimension_numbers = #tpu.dot_dimension_numbers<[1], [0], [0], [1], [0, 0, 1, 1], [], []>, transpose_lhs_hint = false} : vector<1000x128xf32>, vector<128x128xf32>, vector<1000x128xf32> -> vector<1000x128xf32>
    %get3A_24 = arith.constant 0 : index
    %get3A_25 = arith.constant 0 : index
    %get3A_26 = vector.load %arg5[%get3A_24, %get3A_25] : memref<128x128xf32, #tpu.memory_space<vmem>>, vector<128x128xf32>
    %dot_general3A_27 = arith.constant dense<0.000000e+00> : vector<1000x128xf32>
    %dot_general3A_28 = tpu.matmul %add3A_19, %get3A_26, %dot_general3A_27 {dimension_numbers = #tpu.dot_dimension_numbers<[1], [0], [0], [1], [0, 0, 1, 1], [], []>, transpose_lhs_hint = false} : vector<1000x128xf32>, vector<128x128xf32>, vector<1000x128xf32> -> vector<1000x128xf32>
    %add3A_29 = arith.addf %dot_general3A_23, %dot_general3A_28 : vector<1000x128xf32>
    %get3A_30 = arith.constant 0 : index
    %get3A_31 = arith.constant 0 : index
    %get3A_32 = vector.load %arg3[%get3A_30, %get3A_31] : memref<1000x128xf32, #tpu.memory_space<vmem>>, vector<1000x128xf32>
    %add3A_33 = arith.addf %add3A_29, %get3A_32 : vector<1000x128xf32>
    %get3A_34 = arith.constant 0 : index
    %get3A_35 = arith.constant 0 : index
    %get3A_36 = vector.load %arg6[%get3A_34, %get3A_35] : memref<1x128xf32, #tpu.memory_space<vmem>>, vector<1x128xf32>
    %add3A_37 = vector.broadcast %get3A_36 : vector<1x128xf32> to vector<1000x128xf32>
    %add3A_38 = arith.addf %add3A_33, %add3A_37 : vector<1000x128xf32>
    %ge3A = arith.constant 0.000000e+00 : f32
    %ge3A_39 = vector.broadcast %ge3A : f32 to vector<1000x128xf32>
    %ge3A_40 = arith.cmpf oge, %add3A_38, %ge3A_39 : vector<1000x128xf32>
    %mul3A = arith.constant 1.000000e-01 : f32
    %mul3A_41 = vector.broadcast %mul3A : f32 to vector<1000x128xf32>
    %mul3A_42 = arith.mulf %mul3A_41, %add3A_38 : vector<1000x128xf32>
    %select_n3A = arith.select %ge3A_40, %add3A_38, %mul3A_42 : vector<1000x128xi1>, vector<1000x128xf32>
    %swap3A = arith.constant 0 : index
    %swap3A_43 = arith.constant 0 : index
    %swap3A_44 = vector.load %arg7[%swap3A, %swap3A_43] : memref<1000x128xf32, #tpu.memory_space<vmem>>, vector<1000x128xf32>
    tpu.vector_store %arg7[%swap3A, %swap3A_43], %select_n3A {strides = array<i32>} : memref<1000x128xf32, #tpu.memory_space<vmem>>, vector<1000x128xf32>,
    return
  }
  func.func @transform_0(%arg0: i32) -> (i32, i32, i32) {
    %c0_i32 = arith.constant 0 : i32
    %c0_i32_0 = arith.constant 0 : i32
    %c0_i32_1 = arith.constant 0 : i32
    return %c0_i32, %arg0, %c0_i32_0 : i32, i32, i32
  }
  func.func @transform_1(%arg0: i32) -> (i32, i32, i32) {
    %c0_i32 = arith.constant 0 : i32
    %c0_i32_0 = arith.constant 0 : i32
    %c0_i32_1 = arith.constant 0 : i32
    return %c0_i32, %arg0, %c0_i32_0 : i32, i32, i32
  }
  func.func @transform_2(%arg0: i32) -> (i32, i32) {
    %c0_i32 = arith.constant 0 : i32
    %c0_i32_0 = arith.constant 0 : i32
    return %arg0, %c0_i32 : i32, i32
  }
  func.func @transform_3(%arg0: i32) -> (i32, i32) {
    %c0_i32 = arith.constant 0 : i32
    %c0_i32_0 = arith.constant 0 : i32
    %c0_i32_1 = arith.constant 0 : i32
    return %c0_i32, %c0_i32_0 : i32, i32
  }
  func.func @transform_4(%arg0: i32) -> (i32, i32) {
    %c0_i32 = arith.constant 0 : i32
    %c0_i32_0 = arith.constant 0 : i32
    %c0_i32_1 = arith.constant 0 : i32
    return %c0_i32, %c0_i32_0 : i32, i32
  }
  func.func @transform_5(%arg0: i32) -> (i32, i32) {
    %c0_i32 = arith.constant 0 : i32
    %c0_i32_0 = arith.constant 0 : i32
    %c0_i32_1 = arith.constant 0 : i32
    return %c0_i32, %c0_i32_0 : i32, i32
  }
  func.func @transform_6(%arg0: i32) -> (i32, i32) {
    %c0_i32 = arith.constant 0 : i32
    %c0_i32_0 = arith.constant 0 : i32
    return %arg0, %c0_i32 : i32, i32
  }
}

</mosaic_0001>

<sc_bundles>
// kernel: kernel.5.cloned.1.call-start
scs
__scs_entry_jumppad:
0x0: {  	(pc) =	sbr.rel $0x88, $3  }
0x1: {  	(tag) =	ssettag $0x0;
	lr =	simm.s32 $0x1  }
0x2: {  	[smem:$0x3F9B] =	sst lr;
	_ =	strace $0xD0000000  }
0x3: {  	_ = 	snop  }
0x4: {  	_ = 	snop  }
0x5: {  	_ = 	snop  }
0x6: {  	_ = 	snop  }
0x7: {  	_ = 	snop  }
__scs_overlays_trampoline_lowered:
0x8: {  	[smem:$0x3FAA] =	sst s0  }
0x9: {  	[smem:$0x3FAB] =	sst s1  }
0xa: {  	[smem:$0x3FAC] =	sst s2  }
0xb: {  	[smem:$0x3FAD] =	sst s3  }
0xc: {  	[smem:$0x3FAE] =	sst s4  }
0xd: {  	[smem:$0x3FAF] =	sst s5  }
0xe: {  	[smem:$0x3FB0] =	sst s6  }
0xf: {  	[smem:$0x3FB1] =	sst s7  }
0x10: {  	[smem:$0x3FB2] =	sst s8  }
0x11: {  	[smem:$0x3FB3] =	sst s9;
	s0 =	simm.s32 @!p0 $0x0  }
0x12: {  	s1 =	sld [smem:$0x3F99];
	s0 =	simm.s32 @p0 $0x1  }
0x13: {  	[smem:$0x3FB4] =	sst s0;
	s0 =	simm.s32 @!p1 $0x0  }
0x14: {  	s2 =	sld [smem:$0x3F98];
	s0 =	simm.s32 @p1 $0x1  }
0x15: {  	[smem:$0x3FB5] =	sst s0;
	s0 =	simm.s32 @!p2 $0x0  }
0x16: {  	s3 =	sld [smem:$0x3FDB];
	s0 =	simm.s32 @p2 $0x1  }
0x17: {  	s4 =	simm.s32 $0x1BF5;
	[smem:$0x3FB7] =	sst s0  }
0x18: {  	s0 =	sld [smem:$0x3F9A];
	_ =	swait.ge [sflag:s4], $0x0  }
0x19: {  	s7 =	sld [smem:$0x3F9B]  }
0x1a: {  	s8 =	sadd.s32 $0xFFFFE003, lr  }
0x1b: {  	s9 =	sadd.s32 $0xFFFFFEF7, lr;
	s5 =	simm.s32 $0xFFFFFFFF;
	p2 =	slt.u32 s8, $0xFFFFF086  }
0x1c: {  	p1 =	slt.u32 s9, $0xF7A;
	s5 =	simm.s32 @!p2 $0x0  }
0x1d: {  	s5 =	simm.s32 @p1 $0x1;
	p0 =	seq.s32 s7, s2  }
0x1e: {  	s7 =	smul.u32 @!p0 $0xF7A, s2;
	p2 =	seq.s32 @!p0 s5, $0x0  }
0x1f: {  	s9 =	smul.u32 $0xF7A, s1;
	s8 =	simm.s32 @!p0 $0x1BF5;
	p2 =	por !p2, p0  }
0x20: {  	[sflag:s8] =	ssyncset.s32 @!p0 $0xFFFFF086;
	s6 =	sadd.s32 @!p0 s3, s7;
	s7 =	simm.s32 @!p0 $0x108  }
0x21: {  	s3 =	sadd.s32 s3, s9;
	s6 =	sadd.s32 @!p0 $0x88, s6;
	s7 =	simm.s32 @p2 $0x1082  }
0x22: {  	[simem:s7], [sflag:s8] =	dma.local @!p0 [hbm:s6], $0xF7A  }
0x23: {  	s9 =	sor.u32 $0xD0000000, s2;
	s6 =	simm.s32 $0x108;
	_ =	swait.ge @!p0 [sflag:s8], $0x0  }
0x24: {  	s3 =	sadd.s32 $0x88, s3;
	s6 =	simm.s32 @!p1 $0x1082;
	[sflag:s4] =	ssyncset.s32 $0xFFFFF086  }
0x25: {  	[simem:s6], [sflag:s4] =	dma.local [hbm:s3], $0xF7A  }
0x26: {  	[smem:$0x3F9B] =	sst s1;
	(tag) =	ssettag s2;
	_ =	strace s9  }
0x27: {  	s1 =	sld [smem:$0x3FAB]  }
0x28: {  	s2 =	sld [smem:$0x3FAC]  }
0x29: {  	s4 =	sld [smem:$0x3FAE]  }
0x2a: {  	p0 =	seq.s32 s5, $0x0;
	s5 =	sld [smem:$0x3FAF]  }
0x2b: {  	s6 =	sld [smem:$0x3FB0]  }
0x2c: {  	s7 =	sld [smem:$0x3FB1]  }
0x2d: {  	s3 =	simm.s32 $0x108;
	s8 =	sld [smem:$0x3FB2]  }
0x2e: {  	s3 =	simm.s32 @!p0 $0x1082;
	s9 =	sld [smem:$0x3FB3]  }
0x2f: {  	lr =	sadd.s32 s0, s3;
	s0 =	sld [smem:$0x3FAA]  }
0x30: {  	s3 =	sld [smem:$0x3FAD]  }
0x31: {  	[smem:$0x3FB6] =	sst s10  }
0x32: {  	s10 =	sld [smem:$0x3FB4];
	_ =	sdelay $0x3  }
0x33: {  	p0 =	seq.s32 s10, $0x1;
	s10 =	sld [smem:$0x3FB6];
	_ =	sdelay $0x3  }
0x34: {  	[smem:$0x3FB6] =	sst s10  }
0x35: {  	s10 =	sld [smem:$0x3FB5];
	_ =	sdelay $0x3  }
0x36: {  	p1 =	seq.s32 s10, $0x1;
	s10 =	sld [smem:$0x3FB6];
	_ =	sdelay $0x3  }
0x37: {  	[smem:$0x3FB6] =	sst s10  }
0x38: {  	s10 =	sld [smem:$0x3FB7]  }
0x39: {  	_ = 	snop;
	(pc) =	sbr.ind lr, $3  }
0x3a: {  	_ = 	snop  }
0x3b: {  	_ = 	snop  }
0x3c: {  	p2 =	seq.s32 s10, $0x1;
	s10 =	sld [smem:$0x3FB6]  }
0x3d: {  	_ =	shalt  }
0x3e: {  	_ =	shalt  }
0x3f: {  	_ =	shalt  }
0x40: {  	_ =	shalt  }
0x41: {  	_ =	shalt  }
0x42: {  	_ =	shalt  }
0x43: {  	_ =	shalt  }
0x44: {  	_ =	shalt  }
0x45: {  	_ =	shalt  }
0x46: {  	_ =	shalt  }
0x47: {  	_ =	shalt  }
0x48: {  	_ =	shalt  }
0x49: {  	_ =	shalt  }
0x4a: {  	_ =	shalt  }
0x4b: {  	_ =	shalt  }
0x4c: {  	_ =	shalt  }
0x4d: {  	_ =	shalt  }
0x4e: {  	_ =	shalt  }
0x4f: {  	_ =	shalt  }
0x50: {  	_ =	shalt  }
0x51: {  	_ =	shalt  }
0x52: {  	_ =	shalt  }
0x53: {  	_ =	shalt  }
0x54: {  	_ =	shalt  }
0x55: {  	_ =	shalt  }
0x56: {  	_ =	shalt  }
0x57: {  	_ =	shalt  }
0x58: {  	_ =	shalt  }
0x59: {  	_ =	shalt  }
0x5a: {  	_ =	shalt  }
0x5b: {  	_ =	shalt  }
0x5c: {  	_ =	shalt  }
0x5d: {  	_ =	shalt  }
0x5e: {  	_ =	shalt  }
0x5f: {  	_ =	shalt  }
0x60: {  	_ =	shalt  }
0x61: {  	_ =	shalt  }
0x62: {  	_ =	shalt  }
0x63: {  	_ =	shalt  }
0x64: {  	_ =	shalt  }
0x65: {  	_ =	shalt  }
0x66: {  	_ =	shalt  }
0x67: {  	_ =	shalt  }
0x68: {  	_ =	shalt  }
0x69: {  	_ =	shalt  }
0x6a: {  	_ =	shalt  }
0x6b: {  	_ =	shalt  }
0x6c: {  	_ =	shalt  }
0x6d: {  	_ =	shalt  }
0x6e: {  	_ =	shalt  }
0x6f: {  	_ =	shalt  }
0x70: {  	_ =	shalt  }
0x71: {  	_ =	shalt  }
0x72: {  	_ =	shalt  }
0x73: {  	_ =	shalt  }
0x74: {  	_ =	shalt  }
0x75: {  	_ =	shalt  }
0x76: {  	_ =	shalt  }
0x77: {  	_ =	shalt  }
0x78: {  	_ =	shalt  }
0x79: {  	_ =	shalt  }
0x7a: {  	_ =	shalt  }
0x7b: {  	_ =	shalt  }
0x7c: {  	_ =	shalt  }
0x7d: {  	_ =	shalt  }
0x7e: {  	_ =	shalt  }
0x7f: {  	_ =	shalt  }
0x80: {  	_ =	shalt  }
0x81: {  	_ =	shalt  }
0x82: {  	_ =	shalt  }
0x83: {  	_ =	shalt  }
0x84: {  	_ =	shalt  }
0x85: {  	_ =	shalt  }
0x86: {  	_ =	shalt  }
0x87: {  	_ =	shalt  }
.Lfunc_end0:
.L_simem_size_0:
called_computation_lowered:
.L_overlay_start_0:
0x88: {  	s2 =	sld [smem:$0x3FD9]  }
0x89: {  	s3 =	sld [smem:$0x3FFE];
	_ =	sdelay $0x1  }
0x8a: {  	s1 =	srdreg.scid  }
0x8b: {  	s0 =	sand.u32 $0x1, s1  }
0x8c: {  	s17 =	sshll.u32 s0, $0xA;
	s2 =	sadd.s32 s3, s2  }
0x8d: {  	s2 =	sadd.s32 s2, s17  }
0x8e: {  	[smem:$0x3FC2] =	sst s2  }
0x8f: {  	_ = 	snop  }
0x90: {  	s18 =	sld [smem:$0x3FC9]  }
0x91: {  	s4 =	sld [smem:$0x3FD0];
	(tm) =	ssettm $0x1  }
0x92: {  	s19 =	sld [smem:$0x3FFB];
	_ =	sdelay $0x3  }
0x93: {  	_ =	strace s19  }
0x94: {  	s2 =	sld [smem:$0x3FFC];
	_ =	sdelay $0x3  }
0x95: {  	_ =	strace s2  }
0x96: {  	s2 =	sld [smem:$0x3FFD];
	_ =	sdelay $0x3  }
0x97: {  	_ =	strace s2  }
0x98: {  	_ =	strace $0x8FFFFFFF  }
0x99: {  	s20 =	sld [smem:$0x3FDB];
	_ =	sdelay $0x1  }
0x9a: {  	s5 =	simm.s32 $_scs_section_size  }
0x9b: {  	s6 =	simm.s32 $_size__tile_overlayer_lowered;
	s7 =	simm.s32 $_tile_overlayer_lowered  }
0x9c: {  	s8 =	simm.s32 $0x1BFF;
	s21 =	sshll.u32 s7, $0x1;
	s5 =	sadd.s32 s5, s20  }
0x9d: {  	s22 =	simm.s32 $0x0;
	s6 =	sshll.u32 s6, $0x1;
	s7 =	sadd.s32 s21, s5  }
0x9e: {  	[timem:s22], [sflag:s8] =	dma.local [hbm:s7], s6  }
0x9f: {  	_ =	swait.ge [sflag:s8], s6  }
0xa0: {  	s6 =	ssub.s32 $0x0, s6;
	[sflag:s8] =	ssyncset.done $0x0  }
0xa1: {  	[sflag:s8] =	ssyncadd.s32 s6;
	_ =	sdelay $0x1  }
0xa2: {  	s23 =	simm.s32 $0x1B8B  }
0xa3: {  	_ =	swait.ge [sflag:s23], $0x1  }
0xa4: {  	[sflag:s23] =	ssyncset.done $0x0  }
0xa5: {  	[sflag:s23] =	ssyncadd.s32 $0xFFFFFFFF  }
0xa6: {  	s6 =	sld [smem:$0x0]  }
0xa7: {  	s7 =	sand.u32 $0xFFFFFFFE, s1  }
0xa8: {  	p0 =	sne.s32 s1, s7  }
0xa9: {  	s7 =	sshll.u32 @p0 s7, $0xE  }
0xaa: {  	s7 =	sadd.s32 @p0 $0x11B8D, s7;
	s8 =	sshll.u32 @p0 s6, $0x11  }
0xab: {  	s7 =	sor.u32 @p0 s8, s7  }
0xac: {  	[sflag:s7] =	ssyncadd.remote.s32 @p0 $0x1;
	_ =	sdelay $0x1  }
0xad: {  	s7 =	simm.s32 @p0 $0x1B8D  }
0xae: {  	_ =	swait.eq @p0 [sflag:s7], $0x1  }
0xaf: {  	[sflag:s7] =	ssyncadd.s32 @p0 $0xFFFFFFFF  }
0xb0: {  	s8 =	sshll.u32 @!p0 s1, $0xE  }
0xb1: {  	s8 =	sor.u32 @!p0 $0x4000, s8;
	s7 =	simm.s32 @!p0 $0x1B8D  }
0xb2: {  	s6 =	sshll.u32 @!p0 s6, $0x11;
	s8 =	sadd.s32 @!p0 $0x11B8D, s8;
	_ =	swait.eq @!p0 [sflag:s7], $0x1  }
0xb3: {  	s6 =	sor.u32 @!p0 s6, s8;
	[sflag:s7] =	ssyncadd.s32 @!p0 $0xFFFFFFFF  }
0xb4: {  	s25 =	simm.s32 $0x1B8E;
	s24 =	sld [smem:$0x3FFE];
	[sflag:s6] =	ssyncadd.remote.s32 @!p0 $0x1  }
0xb5: {  	s26 =	simm.s32 $execute0_lowered;
	[smem:$0x3FD2] =	sst s25  }
0xb6: {  	s7 =	sshll.u32 s26, $0x1;
	_ =	strace $0x80000049;
	[dreg:$0x1] =	wrdreg $0xFFFFFFFF  }
0xb7: {  	s28 =	simm.s32 $_size_execute0_lowered;
	s5 =	sadd.s32 s5, s7;
	[dreg:$0x0] =	wrdreg $0x0  }
0xb8: {  	s7 =	sshll.u32 s28, $0x1;
	[dreg:$0x2] =	wrdreg s5  }
0xb9: {  	[dreg:$0x3] =	wrdreg s7  }
0xba: {  	[dreg:$0x4] =	wrdreg $0xC0  }
0xbb: {  	_ =	task [dreg:s22], $0x5FFFF  }
0xbc: {  	[dreg:$0x1] =	wrdreg $0xFFFFFFFF  }
0xbd: {  	[dreg:$0x0] =	wrdreg $0x60  }
0xbe: {  	[dreg:$0x2] =	wrdreg s4  }
0xbf: {  	[dreg:$0x3] =	wrdreg s18  }
0xc0: {  	[dreg:$0x4] =	wrdreg s24  }
0xc1: {  	[dreg:$0x5] =	wrdreg $0xA8000  }
0xc2: {  	[dreg:$0x6] =	wrdreg $0x9  }
0xc3: {  	_ =	task.clear_ibuf [dreg:s22], $0x7FFFF;
	_ =	strace $0x90000049  }
0xc4: {  	s29 =	simm.s32 $0x9;
	_ =	strace $0x8000004B  }
0xc5: {  	_ =	swait.ge [sflag:s29], $0x1  }
0xc6: {  	[sflag:s29] =	ssyncadd.s32 $0xFFFFFFFF  }
0xc7: {  	_ =	strace $0x9000004B  }
0xc8: {  	_ =	sfence  }
0xc9: {  	s30 =	sld [smem:$0x0];
	_ =	sdelay $0x2  }
0xca: {  	s31 =	sshll.u32 s1, $0xD;
	s1 =	sshrl.u32 s1, $0x2  }
0xcb: {  	s4 =	sand.u32 $0x4000, s31;
	s1 =	sadd.s32 s1, s30  }
0xcc: {  	s0 =	sor.u32 s4, s0;
	s1 =	sshll.u32 s1, $0x11  }
0xcd: {  	s0 =	sor.u32 s1, s0  }
0xce: {  	s0 =	sadd.s32 $0x8F2B, s0  }
0xcf: {  	[sflag:s0] =	ssyncadd.remote.s32 $0x1  }
0xd0: {  	_ =	sfence.sel $0xFFFF  }
0xd1: {  	[dreg:$0x0] =	wrdreg $0xFFFFFFFF;
	(pc) =	sbr.abs _section_cstart, $3  }
0xd2: {  	[dreg:$0x1] =	wrdreg $0xFFFFFFFF  }
0xd3: {  	_ =	task.clear_ibuf [dreg:s22], $0x2FFFF;
	_ =	strace $0x9FFFFFFF  }
0xd4: {  	(tm) =	ssettm $0x7FFFFFFF  }
0xd5: {  	_ =	shalt  }
tec
execute0_lowered:
.L_overlay_start_1:
0x0: {  	(tag) =	ssettag $0x1  }
0x1: {  	s6 =	rddreg [dreg:$0x0]  }
0x2: {  	s1 =	rddreg [dreg:$0x1]  }
0x3: {  	s7 =	rddreg [dreg:$0x2]  }
0x4: {  	s2 =	rddreg [dreg:$0x3]  }
0x5: {  	s3 =	srdreg.scid;
	s0 =	rddreg [dreg:$0x4];
	s4 =	simm.s32 $0x0  }
0x6: {  	s13 =	simm.s32 $0x80;
	s14 =	simm.s32 $0x2800;
	s15 =	simm.s32 $0x100  }
0x7: {  	s16 =	simm.s32 $0x6800;
	s17 =	simm.s32 $0x1;
	s18 =	simm.s32 $0x3  }
0x8: {  	s19 =	simm.s32 $0x200;
	s20 =	simm.s32 $0x2;
	s21 =	simm.s32 $0x180  }
0x9: {  	s22 =	simm.s32 $0x4;
	s23 =	simm.s32 $0x2700;
	s24 =	simm.s32 $0x2680  }
0xa: {  	s25 =	simm.s32 $0x2780;
	s8 =	sand.u32 $0x1, s3;
	s3 =	stileid.u32  }
0xb: {  	[smem:$0x7FF] =	sst s4;
	s5 =	sadd.s32 $0x1200, s7;
	s9 =	smul.u32 $0x140000, s8  }
0xc: {  	s10 =	smul.u32 $0x14000, s3;
	s11 =	sshll.u32 s8, $0x4;
	_ =	strace $0x8000004A  }
0xd: {  	s8 =	ssub.s32 $0x2, s8;
	s12 =	smul.u32 $0x50000, s3;
	s31 =	sshll.u32 s3, $0x6  }
0xe: {  	s11 =	sor.u32 s3, s11;
	s28 =	sshrl.u32 s8, $0x1;
	s9 =	sadd.s32 s10, s9  }
0xf: {  	s26 =	smul.u32 $0x5000, s11;
	s11 =	ssub.s32 s8, s28;
	s30 =	sshrl.u32 s12, $0x2  }
0x10: {  	s9 =	sshrl.u32 s9, $0x3;
	s12 =	sadd.s32 s30, s2;
	s10 =	smax.u32 s11, $0x1  }
0x11: {  	s9 =	sadd.s32 s9, s7;
	s29 =	sshrl.u32 s26, $0x3;
	s7 =	sor.u32 $0x1C05, s31  }
0x12: {  	s11 =	sshrl.u32 s12, $0x3;
	s12 =	simm.s32 $0x5;
	s6 =	sadd.s32 s6, s29  }
0x13: {  	s26 =	simm.s32 $0x0;
	s9 =	sadd.s32 $0xFB000, s9;
	s8 =	sadd.s32 $0x500, s6  }
.LBB2_1:
0x14: {  	[spmem:s11], [sflag:s7] =	dma.local [hbm:s5], $0x2800  }
0x15: {  	_ =	swait.ge [sflag:s12], $0x2800  }
0x16: {  	[sflag:s12] =	ssyncset.done $0x0  }
0x17: {  	[sflag:s12] =	ssyncadd.s32 $0xFFFFD800  }
0x18: {  	[bflag:$0x0] =	sbarrier.arrive $0xFFFF  }
0x19: {  	[tilespmem:s4], [sflag:$0x5] =	stream.linear.gather [hbm4b:s6+s4], $0x2800, $0x38;
	[tilespmem:$0x1E800] =	vst v63  }
0x1a: {  	_ =	swait.ge [sflag:s12], $0x2800  }
0x1b: {  	[sflag:s12] =	ssyncset.done $0x0  }
0x1c: {  	[sflag:s12] =	ssyncadd.s32 $0xFFFFD800  }
0x1d: {  	[tilespmem:s14], [sflag:$0x1] =	stream.indirect.gather [hbm4b:s1+s13], $0x80, s4, s13, $0xb8;
	[tilespmem:$0x1E800] =	vst v63  }
0x1e: {  	_ = 	snop  }
0x1f: {  	[tilespmem:s16], [sflag:$0x2] =	stream.indirect.gather [hbm4b:s1+s13], $0x80, s15, s13, $0xb8;
	[tilespmem:$0x1E800] =	vst v63  }
0x20: {  	_ =	swait.ge [sflag:s17], $0x4000  }
0x21: {  	[sflag:s17] =	ssyncset.done $0x0  }
0x22: {  	[sflag:s17] =	ssyncadd.s32 $0xFFFFC000  }
0x23: {  	[spmem:s2] =	stream.indirect.scatter.add.f32 [tilespmem:s14], [sflag:$0x3], $0x80, s13, s13, $0xb8;
	[tilespmem:$0x1E800] =	vst v63  }
0x24: {  	_ =	swait.ge [sflag:s18], $0x4000  }
0x25: {  	[sflag:s18] =	ssyncset.done $0x0  }
0x26: {  	[sflag:s18] =	ssyncadd.s32 $0xFFFFC000  }
0x27: {  	[tilespmem:s14], [sflag:$0x1] =	stream.indirect.gather [hbm4b:s1+s13], $0x80, s19, s13, $0xb8;
	[tilespmem:$0x1E800] =	vst v63  }
0x28: {  	_ =	swait.ge [sflag:s20], $0x4000  }
0x29: {  	[sflag:s20] =	ssyncset.done $0x0  }
0x2a: {  	[sflag:s20] =	ssyncadd.s32 $0xFFFFC000  }
0x2b: {  	[spmem:s2] =	stream.indirect.scatter.add.f32 [tilespmem:s16], [sflag:$0x4], $0x80, s21, s13, $0xb8;
	[tilespmem:$0x1E800] =	vst v63  }
0x2c: {  	_ =	swait.ge [sflag:s22], $0x4000  }
0x2d: {  	[sflag:s22] =	ssyncset.done $0x0  }
0x2e: {  	s28 =	simm.s32 $0x300;
	[sflag:s22] =	ssyncadd.s32 $0xFFFFC000  }
0x2f: {  	[tilespmem:s16], [sflag:$0x2] =	stream.indirect.gather [hbm4b:s1+s13], $0x80, s28, s13, $0xb8;
	[tilespmem:$0x1E800] =	vst v63  }
0x30: {  	_ =	swait.ge [sflag:s17], $0x4000  }
0x31: {  	[sflag:s17] =	ssyncset.done $0x0  }
0x32: {  	s28 =	simm.s32 $0x280;
	[sflag:s17] =	ssyncadd.s32 $0xFFFFC000  }
0x33: {  	[spmem:s2] =	stream.indirect.scatter.add.f32 [tilespmem:s14], [sflag:$0x3], $0x80, s28, s13, $0xb8;
	[tilespmem:$0x1E800] =	vst v63  }
0x34: {  	_ =	swait.ge [sflag:s18], $0x4000  }
0x35: {  	[sflag:s18] =	ssyncset.done $0x0  }
0x36: {  	s28 =	simm.s32 $0x400;
	[sflag:s18] =	ssyncadd.s32 $0xFFFFC000  }
0x37: {  	[tilespmem:s14], [sflag:$0x1] =	stream.indirect.gather [hbm4b:s1+s13], $0x80, s28, s13, $0xb8;
	[tilespmem:$0x1E800] =	vst v63  }
0x38: {  	_ =	swait.ge [sflag:s20], $0x4000  }
0x39: {  	[sflag:s20] =	ssyncset.done $0x0  }
0x3a: {  	s29 =	simm.s32 $0x380;
	s28 =	simm.s32 $0xFFFF7800;
	[sflag:s20] =	ssyncadd.s32 $0xFFFFC000  }
.LBB2_2:
0x3b: {  	[spmem:s2] =	stream.indirect.scatter.add.f32 [tilespmem:s16], [sflag:$0x4], $0x80, s29, s13, $0xb8;
	[tilespmem:$0x1E800] =	vst v63  }
0x3c: {  	s29 =	smov.u32 s28  }
0x3d: {  	p0 =	sne.s32 s28, $0xFFFFF800;
	s28 =	sadd.s32 $0x800, s28;
	_ =	swait.ge [sflag:s22], $0x4000  }
0x3e: {  	s29 =	sshra.s32 s29, $0x2;
	[sflag:s22] =	ssyncset.done $0x0  }
0x3f: {  	s30 =	sadd.s32 $0x2700, s29;
	[sflag:s22] =	ssyncadd.s32 $0xFFFFC000  }
0x40: {  	[tilespmem:s16], [sflag:$0x2] =	stream.indirect.gather [hbm4b:s1+s13], $0x80, s30, s13, $0xb8;
	[tilespmem:$0x1E800] =	vst v63  }
0x41: {  	_ =	swait.ge [sflag:s17], $0x4000  }
0x42: {  	[sflag:s17] =	ssyncset.done $0x0  }
0x43: {  	s30 =	sadd.s32 $0x2680, s29;
	[sflag:s17] =	ssyncadd.s32 $0xFFFFC000  }
0x44: {  	[spmem:s2] =	stream.indirect.scatter.add.f32 [tilespmem:s14], [sflag:$0x3], $0x80, s30, s13, $0xb8;
	[tilespmem:$0x1E800] =	vst v63  }
0x45: {  	_ =	swait.ge [sflag:s18], $0x4000  }
0x46: {  	[sflag:s18] =	ssyncset.done $0x0  }
.Ltmp0:
0x47: {  	s30 =	sadd.s32 $0x2800, s29;
	[sflag:s18] =	ssyncadd.s32 $0xFFFFC000;
	(pc) =	sbr.rel @p0 .LBB2_2-.Ltmp0, $4  }
0x48: {  	[tilespmem:s14], [sflag:$0x1] =	stream.indirect.gather [hbm4b:s1+s13], $0x80, s30, s13, $0xb8;
	[tilespmem:$0x1E800] =	vst v63  }
0x49: {  	_ =	swait.ge [sflag:s20], $0x4000  }
0x4a: {  	[sflag:s20] =	ssyncset.done $0x0  }
0x4b: {  	s29 =	sadd.s32 $0x2780, s29;
	[sflag:s20] =	ssyncadd.s32 $0xFFFFC000  }
0x4c: {  	[spmem:s2] =	stream.indirect.scatter.add.f32 [tilespmem:s16], [sflag:$0x4], $0x80, s29, s13, $0xb8;
	[tilespmem:$0x1E800] =	vst v63  }
0x4d: {  	_ =	swait.ge [sflag:s22], $0x4000  }
0x4e: {  	[sflag:s22] =	ssyncset.done $0x0  }
0x4f: {  	[sflag:s22] =	ssyncadd.s32 $0xFFFFC000  }
0x50: {  	[tilespmem:s16], [sflag:$0x2] =	stream.indirect.gather [hbm4b:s1+s13], $0x80, s23, s13, $0xb8;
	[tilespmem:$0x1E800] =	vst v63  }
0x51: {  	_ =	swait.ge [sflag:s17], $0x4000  }
0x52: {  	[sflag:s17] =	ssyncset.done $0x0  }
0x53: {  	[sflag:s17] =	ssyncadd.s32 $0xFFFFC000  }
0x54: {  	[spmem:s2] =	stream.indirect.scatter.add.f32 [tilespmem:s14], [sflag:$0x3], $0x80, s24, s13, $0xb8;
	[tilespmem:$0x1E800] =	vst v63  }
0x55: {  	_ =	swait.ge [sflag:s20], $0x4000  }
0x56: {  	[sflag:s20] =	ssyncset.done $0x0  }
0x57: {  	[sflag:s20] =	ssyncadd.s32 $0xFFFFC000  }
0x58: {  	[spmem:s2] =	stream.indirect.scatter.add.f32 [tilespmem:s16], [sflag:$0x4], $0x80, s25, s13, $0xb8;
	[tilespmem:$0x1E800] =	vst v63  }
0x59: {  	_ =	swait.ge [sflag:s18], $0x4000  }
0x5a: {  	[sflag:s18] =	ssyncset.done $0x0  }
0x5b: {  	[sflag:s18] =	ssyncadd.s32 $0xFFFFC000  }
0x5c: {  	_ =	swait.ge [sflag:s22], $0x4000  }
0x5d: {  	[sflag:s22] =	ssyncset.done $0x0  }
0x5e: {  	[sflag:s22] =	ssyncadd.s32 $0xFFFFC000  }
0x5f: {  	[tilespmem:s4], [sflag:$0x5] =	stream.linear.gather [hbm4b:s8+s4], $0x2800, $0x38;
	[tilespmem:$0x1E800] =	vst v63  }
0x60: {  	_ =	swait.ge [sflag:s12], $0x2800  }
0x61: {  	[sflag:s12] =	ssyncset.done $0x0  }
0x62: {  	[sflag:s12] =	ssyncadd.s32 $0xFFFFD800  }
0x63: {  	[tilespmem:s14], [sflag:$0x1] =	stream.indirect.gather [hbm4b:s1+s13], $0x80, s4, s13, $0xb8;
	[tilespmem:$0x1E800] =	vst v63  }
0x64: {  	_ = 	snop  }
0x65: {  	[tilespmem:s16], [sflag:$0x2] =	stream.indirect.gather [hbm4b:s1+s13], $0x80, s15, s13, $0xb8;
	[tilespmem:$0x1E800] =	vst v63  }
0x66: {  	_ =	swait.ge [sflag:s17], $0x4000  }
0x67: {  	[sflag:s17] =	ssyncset.done $0x0  }
0x68: {  	[sflag:s17] =	ssyncadd.s32 $0xFFFFC000  }
0x69: {  	[spmem:s2] =	stream.indirect.scatter.add.f32 [tilespmem:s14], [sflag:$0x3], $0x80, s13, s13, $0xb8;
	[tilespmem:$0x1E800] =	vst v63  }
0x6a: {  	_ =	swait.ge [sflag:s18], $0x4000  }
0x6b: {  	[sflag:s18] =	ssyncset.done $0x0  }
0x6c: {  	[sflag:s18] =	ssyncadd.s32 $0xFFFFC000  }
0x6d: {  	[tilespmem:s14], [sflag:$0x1] =	stream.indirect.gather [hbm4b:s1+s13], $0x80, s19, s13, $0xb8;
	[tilespmem:$0x1E800] =	vst v63  }
0x6e: {  	_ =	swait.ge [sflag:s20], $0x4000  }
0x6f: {  	[sflag:s20] =	ssyncset.done $0x0  }
0x70: {  	[sflag:s20] =	ssyncadd.s32 $0xFFFFC000  }
0x71: {  	[spmem:s2] =	stream.indirect.scatter.add.f32 [tilespmem:s16], [sflag:$0x4], $0x80, s21, s13, $0xb8;
	[tilespmem:$0x1E800] =	vst v63  }
0x72: {  	_ =	swait.ge [sflag:s22], $0x4000  }
0x73: {  	[sflag:s22] =	ssyncset.done $0x0  }
0x74: {  	s28 =	simm.s32 $0x300;
	[sflag:s22] =	ssyncadd.s32 $0xFFFFC000  }
0x75: {  	[tilespmem:s16], [sflag:$0x2] =	stream.indirect.gather [hbm4b:s1+s13], $0x80, s28, s13, $0xb8;
	[tilespmem:$0x1E800] =	vst v63  }
0x76: {  	_ =	swait.ge [sflag:s17], $0x4000  }
0x77: {  	[sflag:s17] =	ssyncset.done $0x0  }
0x78: {  	s28 =	simm.s32 $0x280;
	[sflag:s17] =	ssyncadd.s32 $0xFFFFC000  }
0x79: {  	[spmem:s2] =	stream.indirect.scatter.add.f32 [tilespmem:s14], [sflag:$0x3], $0x80, s28, s13, $0xb8;
	[tilespmem:$0x1E800] =	vst v63  }
0x7a: {  	_ =	swait.ge [sflag:s18], $0x4000  }
0x7b: {  	[sflag:s18] =	ssyncset.done $0x0  }
0x7c: {  	s28 =	simm.s32 $0x400;
	[sflag:s18] =	ssyncadd.s32 $0xFFFFC000  }
0x7d: {  	[tilespmem:s14], [sflag:$0x1] =	stream.indirect.gather [hbm4b:s1+s13], $0x80, s28, s13, $0xb8;
	[tilespmem:$0x1E800] =	vst v63  }
0x7e: {  	_ =	swait.ge [sflag:s20], $0x4000  }
0x7f: {  	[sflag:s20] =	ssyncset.done $0x0  }
0x80: {  	s29 =	simm.s32 $0x380;
	s28 =	simm.s32 $0xFFFF7800;
	[sflag:s20] =	ssyncadd.s32 $0xFFFFC000  }
.LBB2_4:
0x81: {  	[spmem:s2] =	stream.indirect.scatter.add.f32 [tilespmem:s16], [sflag:$0x4], $0x80, s29, s13, $0xb8;
	[tilespmem:$0x1E800] =	vst v63  }
0x82: {  	s29 =	smov.u32 s28  }
0x83: {  	p0 =	sne.s32 s28, $0xFFFFF800;
	s28 =	sadd.s32 $0x800, s28;
	_ =	swait.ge [sflag:s22], $0x4000  }
0x84: {  	s29 =	sshra.s32 s29, $0x2;
	[sflag:s22] =	ssyncset.done $0x0  }
0x85: {  	s30 =	sadd.s32 $0x2700, s29;
	[sflag:s22] =	ssyncadd.s32 $0xFFFFC000  }
0x86: {  	[tilespmem:s16], [sflag:$0x2] =	stream.indirect.gather [hbm4b:s1+s13], $0x80, s30, s13, $0xb8;
	[tilespmem:$0x1E800] =	vst v63  }
0x87: {  	_ =	swait.ge [sflag:s17], $0x4000  }
0x88: {  	[sflag:s17] =	ssyncset.done $0x0  }
0x89: {  	s30 =	sadd.s32 $0x2680, s29;
	[sflag:s17] =	ssyncadd.s32 $0xFFFFC000  }
0x8a: {  	[spmem:s2] =	stream.indirect.scatter.add.f32 [tilespmem:s14], [sflag:$0x3], $0x80, s30, s13, $0xb8;
	[tilespmem:$0x1E800] =	vst v63  }
0x8b: {  	_ =	swait.ge [sflag:s18], $0x4000  }
0x8c: {  	[sflag:s18] =	ssyncset.done $0x0  }
.Ltmp1:
0x8d: {  	s30 =	sadd.s32 $0x2800, s29;
	[sflag:s18] =	ssyncadd.s32 $0xFFFFC000;
	(pc) =	sbr.rel @p0 .LBB2_4-.Ltmp1, $4  }
0x8e: {  	[tilespmem:s14], [sflag:$0x1] =	stream.indirect.gather [hbm4b:s1+s13], $0x80, s30, s13, $0xb8;
	[tilespmem:$0x1E800] =	vst v63  }
0x8f: {  	_ =	swait.ge [sflag:s20], $0x4000  }
0x90: {  	[sflag:s20] =	ssyncset.done $0x0  }
0x91: {  	s29 =	sadd.s32 $0x2780, s29;
	[sflag:s20] =	ssyncadd.s32 $0xFFFFC000  }
0x92: {  	[spmem:s2] =	stream.indirect.scatter.add.f32 [tilespmem:s16], [sflag:$0x4], $0x80, s29, s13, $0xb8;
	[tilespmem:$0x1E800] =	vst v63  }
0x93: {  	_ =	swait.ge [sflag:s22], $0x4000  }
0x94: {  	[sflag:s22] =	ssyncset.done $0x0  }
0x95: {  	[sflag:s22] =	ssyncadd.s32 $0xFFFFC000  }
0x96: {  	[tilespmem:s16], [sflag:$0x2] =	stream.indirect.gather [hbm4b:s1+s13], $0x80, s23, s13, $0xb8;
	[tilespmem:$0x1E800] =	vst v63  }
0x97: {  	_ =	swait.ge [sflag:s17], $0x4000  }
0x98: {  	[sflag:s17] =	ssyncset.done $0x0  }
0x99: {  	[sflag:s17] =	ssyncadd.s32 $0xFFFFC000  }
0x9a: {  	[spmem:s2] =	stream.indirect.scatter.add.f32 [tilespmem:s14], [sflag:$0x3], $0x80, s24, s13, $0xb8;
	[tilespmem:$0x1E800] =	vst v63  }
0x9b: {  	_ =	swait.ge [sflag:s20], $0x4000  }
0x9c: {  	[sflag:s20] =	ssyncset.done $0x0  }
0x9d: {  	[sflag:s20] =	ssyncadd.s32 $0xFFFFC000  }
0x9e: {  	[spmem:s2] =	stream.indirect.scatter.add.f32 [tilespmem:s16], [sflag:$0x4], $0x80, s25, s13, $0xb8;
	[tilespmem:$0x1E800] =	vst v63  }
0x9f: {  	_ =	swait.ge [sflag:s18], $0x4000  }
0xa0: {  	[sflag:s18] =	ssyncset.done $0x0  }
0xa1: {  	[sflag:s18] =	ssyncadd.s32 $0xFFFFC000  }
0xa2: {  	_ =	swait.ge [sflag:s22], $0x4000  }
0xa3: {  	s26 =	sadd.s32 $0x1, s26;
	[sflag:s22] =	ssyncset.done $0x0  }
0xa4: {  	p0 =	sne.s32 s26, s10;
	[sflag:s22] =	ssyncadd.s32 $0xFFFFC000  }
.Ltmp2:
0xa5: {  	[bflag:$0x0] =	sbarrier.arrive $0xFFFF;
	(pc) =	sbr.rel @p0 .LBB2_1-.Ltmp2, $4  }
0xa6: {  	[hbm:s9], [sflag:s7] =	dma.local [spmem:s11], $0x2800  }
0xa7: {  	_ =	swait.ge [sflag:s12], $0x2800  }
0xa8: {  	[sflag:s12] =	ssyncset.done $0x0  }
0xa9: {  	[sflag:s12] =	ssyncadd.s32 $0xFFFFD800  }
0xaa: {  	_ =	sfence.sel $0x180000  }
0xab: {  	[bflag:$0x0] =	sbarrier.arrive $0xFFFF  }
0xac: {  	p0 =	sne.s32 s3, $0x0;
	_ =	strace $0x9000004A  }
0xad: {  	s0 =	sadd.s32 @!p0 $0x100000, s0;
	[bflag:$0x2] =	sbarrier.arrive $0xFFFF  }
0xae: {  	[sflag:s0] =	ssyncadd.tile.s32 @!p0 $0x1;
	_ =	shalt  }
.Lfunc_end2:
_tile_overlayer_lowered:
.L_overlay_start_2:
0xaf: {  	(tag) =	ssettag $0x2  }
0xb0: {  	s0 =	rddreg [dreg:$0x0];
	s2 =	stileid.u32  }
0xb1: {  	s1 =	rddreg [dreg:$0x1];
	p0 =	sne.s32 s2, $0x0  }
0xb2: {  	s3 =	rddreg [dreg:$0x2];
	[bflag:$0x3] =	sbarrier.arrive $0xFFFF;
	s2 =	simm.s32 @!p0 $0x1C05  }
0xb3: {  	[timem:s3], [sflag:s2] =	dma.local @!p0 [hbm:s0], s1  }
0xb4: {  	s0 =	simm.s32 @!p0 $0x5  }
0xb5: {  	_ =	swait.ge @!p0 [sflag:s0], s1  }
0xb6: {  	s1 =	ssub.s32 @!p0 $0x0, s1;
	[sflag:s0] =	ssyncset.done @!p0 $0x0  }
0xb7: {  	[sflag:s0] =	ssyncadd.s32 @!p0 s1  }
0xb8: {  	[bflag:$0x3] =	sbarrier.arrive $0xFFFF  }
0xb9: {  	_ =	shalt  }

// kernel: kernel.8.cloned.1.call-start
scs
__scs_entry_jumppad:
0x0: {  	(pc) =	sbr.rel $0x88, $3  }
0x1: {  	(tag) =	ssettag $0x0;
	lr =	simm.s32 $0x1  }
0x2: {  	[smem:$0x3F9B] =	sst lr;
	_ =	strace $0xD0000000  }
0x3: {  	_ = 	snop  }
0x4: {  	_ = 	snop  }
0x5: {  	_ = 	snop  }
0x6: {  	_ = 	snop  }
0x7: {  	_ = 	snop  }
__scs_overlays_trampoline_lowered:
0x8: {  	[smem:$0x3FAA] =	sst s0  }
0x9: {  	[smem:$0x3FAB] =	sst s1  }
0xa: {  	[smem:$0x3FAC] =	sst s2  }
0xb: {  	[smem:$0x3FAD] =	sst s3  }
0xc: {  	[smem:$0x3FAE] =	sst s4  }
0xd: {  	[smem:$0x3FAF] =	sst s5  }
0xe: {  	[smem:$0x3FB0] =	sst s6  }
0xf: {  	[smem:$0x3FB1] =	sst s7  }
0x10: {  	[smem:$0x3FB2] =	sst s8  }
0x11: {  	[smem:$0x3FB3] =	sst s9;
	s0 =	simm.s32 @!p0 $0x0  }
0x12: {  	s1 =	sld [smem:$0x3F99];
	s0 =	simm.s32 @p0 $0x1  }
0x13: {  	[smem:$0x3FB4] =	sst s0;
	s0 =	simm.s32 @!p1 $0x0  }
0x14: {  	s2 =	sld [smem:$0x3F98];
	s0 =	simm.s32 @p1 $0x1  }
0x15: {  	[smem:$0x3FB5] =	sst s0;
	s0 =	simm.s32 @!p2 $0x0  }
0x16: {  	s3 =	sld [smem:$0x3FDB];
	s0 =	simm.s32 @p2 $0x1  }
0x17: {  	s4 =	simm.s32 $0x1BF5;
	[smem:$0x3FB7] =	sst s0  }
0x18: {  	s0 =	sld [smem:$0x3F9A];
	_ =	swait.ge [sflag:s4], $0x0  }
0x19: {  	s7 =	sld [smem:$0x3F9B]  }
0x1a: {  	s8 =	sadd.s32 $0xFFFFE003, lr  }
0x1b: {  	s9 =	sadd.s32 $0xFFFFFEF7, lr;
	s5 =	simm.s32 $0xFFFFFFFF;
	p2 =	slt.u32 s8, $0xFFFFF086  }
0x1c: {  	p1 =	slt.u32 s9, $0xF7A;
	s5 =	simm.s32 @!p2 $0x0  }
0x1d: {  	s5 =	simm.s32 @p1 $0x1;
	p0 =	seq.s32 s7, s2  }
0x1e: {  	s7 =	smul.u32 @!p0 $0xF7A, s2;
	p2 =	seq.s32 @!p0 s5, $0x0  }
0x1f: {  	s9 =	smul.u32 $0xF7A, s1;
	s8 =	simm.s32 @!p0 $0x1BF5;
	p2 =	por !p2, p0  }
0x20: {  	[sflag:s8] =	ssyncset.s32 @!p0 $0xFFFFF086;
	s6 =	sadd.s32 @!p0 s3, s7;
	s7 =	simm.s32 @!p0 $0x108  }
0x21: {  	s3 =	sadd.s32 s3, s9;
	s6 =	sadd.s32 @!p0 $0x88, s6;
	s7 =	simm.s32 @p2 $0x1082  }
0x22: {  	[simem:s7], [sflag:s8] =	dma.local @!p0 [hbm:s6], $0xF7A  }
0x23: {  	s9 =	sor.u32 $0xD0000000, s2;
	s6 =	simm.s32 $0x108;
	_ =	swait.ge @!p0 [sflag:s8], $0x0  }
0x24: {  	s3 =	sadd.s32 $0x88, s3;
	s6 =	simm.s32 @!p1 $0x1082;
	[sflag:s4] =	ssyncset.s32 $0xFFFFF086  }
0x25: {  	[simem:s6], [sflag:s4] =	dma.local [hbm:s3], $0xF7A  }
0x26: {  	[smem:$0x3F9B] =	sst s1;
	(tag) =	ssettag s2;
	_ =	strace s9  }
0x27: {  	s1 =	sld [smem:$0x3FAB]  }
0x28: {  	s2 =	sld [smem:$0x3FAC]  }
0x29: {  	s4 =	sld [smem:$0x3FAE]  }
0x2a: {  	p0 =	seq.s32 s5, $0x0;
	s5 =	sld [smem:$0x3FAF]  }
0x2b: {  	s6 =	sld [smem:$0x3FB0]  }
0x2c: {  	s7 =	sld [smem:$0x3FB1]  }
0x2d: {  	s3 =	simm.s32 $0x108;
	s8 =	sld [smem:$0x3FB2]  }
0x2e: {  	s3 =	simm.s32 @!p0 $0x1082;
	s9 =	sld [smem:$0x3FB3]  }
0x2f: {  	lr =	sadd.s32 s0, s3;
	s0 =	sld [smem:$0x3FAA]  }
0x30: {  	s3 =	sld [smem:$0x3FAD]  }
0x31: {  	[smem:$0x3FB6] =	sst s10  }
0x32: {  	s10 =	sld [smem:$0x3FB4];
	_ =	sdelay $0x3  }
0x33: {  	p0 =	seq.s32 s10, $0x1;
	s10 =	sld [smem:$0x3FB6];
	_ =	sdelay $0x3  }
0x34: {  	[smem:$0x3FB6] =	sst s10  }
0x35: {  	s10 =	sld [smem:$0x3FB5];
	_ =	sdelay $0x3  }
0x36: {  	p1 =	seq.s32 s10, $0x1;
	s10 =	sld [smem:$0x3FB6];
	_ =	sdelay $0x3  }
0x37: {  	[smem:$0x3FB6] =	sst s10  }
0x38: {  	s10 =	sld [smem:$0x3FB7]  }
0x39: {  	_ = 	snop;
	(pc) =	sbr.ind lr, $3  }
0x3a: {  	_ = 	snop  }
0x3b: {  	_ = 	snop  }
0x3c: {  	p2 =	seq.s32 s10, $0x1;
	s10 =	sld [smem:$0x3FB6]  }
0x3d: {  	_ =	shalt  }
0x3e: {  	_ =	shalt  }
0x3f: {  	_ =	shalt  }
0x40: {  	_ =	shalt  }
0x41: {  	_ =	shalt  }
0x42: {  	_ =	shalt  }
0x43: {  	_ =	shalt  }
0x44: {  	_ =	shalt  }
0x45: {  	_ =	shalt  }
0x46: {  	_ =	shalt  }
0x47: {  	_ =	shalt  }
0x48: {  	_ =	shalt  }
0x49: {  	_ =	shalt  }
0x4a: {  	_ =	shalt  }
0x4b: {  	_ =	shalt  }
0x4c: {  	_ =	shalt  }
0x4d: {  	_ =	shalt  }
0x4e: {  	_ =	shalt  }
0x4f: {  	_ =	shalt  }
0x50: {  	_ =	shalt  }
0x51: {  	_ =	shalt  }
0x52: {  	_ =	shalt  }
0x53: {  	_ =	shalt  }
0x54: {  	_ =	shalt  }
0x55: {  	_ =	shalt  }
0x56: {  	_ =	shalt  }
0x57: {  	_ =	shalt  }
0x58: {  	_ =	shalt  }
0x59: {  	_ =	shalt  }
0x5a: {  	_ =	shalt  }
0x5b: {  	_ =	shalt  }
0x5c: {  	_ =	shalt  }
0x5d: {  	_ =	shalt  }
0x5e: {  	_ =	shalt  }
0x5f: {  	_ =	shalt  }
0x60: {  	_ =	shalt  }
0x61: {  	_ =	shalt  }
0x62: {  	_ =	shalt  }
0x63: {  	_ =	shalt  }
0x64: {  	_ =	shalt  }
0x65: {  	_ =	shalt  }
0x66: {  	_ =	shalt  }
0x67: {  	_ =	shalt  }
0x68: {  	_ =	shalt  }
0x69: {  	_ =	shalt  }
0x6a: {  	_ =	shalt  }
0x6b: {  	_ =	shalt  }
0x6c: {  	_ =	shalt  }
0x6d: {  	_ =	shalt  }
0x6e: {  	_ =	shalt  }
0x6f: {  	_ =	shalt  }
0x70: {  	_ =	shalt  }
0x71: {  	_ =	shalt  }
0x72: {  	_ =	shalt  }
0x73: {  	_ =	shalt  }
0x74: {  	_ =	shalt  }
0x75: {  	_ =	shalt  }
0x76: {  	_ =	shalt  }
0x77: {  	_ =	shalt  }
0x78: {  	_ =	shalt  }
0x79: {  	_ =	shalt  }
0x7a: {  	_ =	shalt  }
0x7b: {  	_ =	shalt  }
0x7c: {  	_ =	shalt  }
0x7d: {  	_ =	shalt  }
0x7e: {  	_ =	shalt  }
0x7f: {  	_ =	shalt  }
0x80: {  	_ =	shalt  }
0x81: {  	_ =	shalt  }
0x82: {  	_ =	shalt  }
0x83: {  	_ =	shalt  }
0x84: {  	_ =	shalt  }
0x85: {  	_ =	shalt  }
0x86: {  	_ =	shalt  }
0x87: {  	_ =	shalt  }
.Lfunc_end0:
.L_simem_size_0:
called_computation.1_lowered:
.L_overlay_start_0:
0x88: {  	s2 =	sld [smem:$0x3FD9]  }
0x89: {  	s3 =	sld [smem:$0x3FFE];
	_ =	sdelay $0x1  }
0x8a: {  	s1 =	srdreg.scid  }
0x8b: {  	s0 =	sand.u32 $0x1, s1  }
0x8c: {  	s17 =	sshll.u32 s0, $0xA;
	s2 =	sadd.s32 s3, s2  }
0x8d: {  	s2 =	sadd.s32 s2, s17  }
0x8e: {  	[smem:$0x3FC2] =	sst s2  }
0x8f: {  	_ = 	snop  }
0x90: {  	s2 =	sld [smem:$0x3FD0];
	(tm) =	ssettm $0x1  }
0x91: {  	s18 =	sld [smem:$0x3FFB];
	_ =	sdelay $0x3  }
0x92: {  	_ =	strace s18  }
0x93: {  	s3 =	sld [smem:$0x3FFC];
	_ =	sdelay $0x3  }
0x94: {  	_ =	strace s3  }
0x95: {  	s3 =	sld [smem:$0x3FFD];
	_ =	sdelay $0x3  }
0x96: {  	_ =	strace s3  }
0x97: {  	_ =	strace $0x8FFFFFFF  }
0x98: {  	s19 =	sld [smem:$0x3FDB];
	_ =	sdelay $0x1  }
0x99: {  	s4 =	simm.s32 $_scs_section_size  }
0x9a: {  	s5 =	simm.s32 $_size__tile_overlayer_lowered;
	s6 =	simm.s32 $_tile_overlayer_lowered  }
0x9b: {  	s22 =	simm.s32 $0x1BFF;
	s21 =	sshll.u32 s6, $0x1;
	s3 =	sadd.s32 s4, s19  }
0x9c: {  	s7 =	simm.s32 $0x0;
	s20 =	sshll.u32 s5, $0x1;
	s5 =	sadd.s32 s21, s3  }
0x9d: {  	[timem:s7], [sflag:s22] =	dma.local [hbm:s5], s20  }
0x9e: {  	_ =	swait.ge [sflag:s22], s20  }
0x9f: {  	s4 =	ssub.s32 $0x0, s20;
	[sflag:s22] =	ssyncset.done $0x0  }
0xa0: {  	[sflag:s22] =	ssyncadd.s32 s4;
	_ =	sdelay $0x1  }
0xa1: {  	s23 =	simm.s32 $0x1B8B  }
0xa2: {  	_ =	swait.ge [sflag:s23], $0x1  }
0xa3: {  	[sflag:s23] =	ssyncset.done $0x0  }
0xa4: {  	s25 =	simm.s32 $0x1B8E;
	s24 =	sld [smem:$0x3FFE];
	[sflag:s23] =	ssyncadd.s32 $0xFFFFFFFF  }
0xa5: {  	s26 =	simm.s32 $execute0_lowered;
	[smem:$0x3FD2] =	sst s25  }
0xa6: {  	s5 =	sshll.u32 s26, $0x1;
	_ =	strace $0x80000046;
	[dreg:$0x1] =	wrdreg $0xFFFFFFFF  }
0xa7: {  	s28 =	simm.s32 $_size_execute0_lowered;
	s3 =	sadd.s32 s3, s5;
	[dreg:$0x0] =	wrdreg $0x0  }
0xa8: {  	s5 =	sshll.u32 s28, $0x1;
	[dreg:$0x2] =	wrdreg s3  }
0xa9: {  	[dreg:$0x3] =	wrdreg s5  }
0xaa: {  	[dreg:$0x4] =	wrdreg $0xC0  }
0xab: {  	_ =	task [dreg:s7], $0x5FFFF  }
0xac: {  	[dreg:$0x1] =	wrdreg $0xFFFFFFFF  }
0xad: {  	[dreg:$0x0] =	wrdreg $0x60  }
0xae: {  	[dreg:$0x2] =	wrdreg s2  }
0xaf: {  	[dreg:$0x3] =	wrdreg s24  }
0xb0: {  	[dreg:$0x4] =	wrdreg $0x92000  }
0xb1: {  	[dreg:$0x5] =	wrdreg $0xA  }
0xb2: {  	_ =	task.clear_ibuf [dreg:s7], $0x6FFFF;
	_ =	strace $0x90000046  }
0xb3: {  	s29 =	simm.s32 $0xA;
	_ =	strace $0x80000048  }
0xb4: {  	_ =	swait.ge [sflag:s29], $0x1  }
0xb5: {  	[sflag:s29] =	ssyncadd.s32 $0xFFFFFFFF  }
0xb6: {  	_ =	strace $0x90000048  }
0xb7: {  	_ =	sfence  }
0xb8: {  	s30 =	sld [smem:$0x0];
	_ =	sdelay $0x2  }
0xb9: {  	s31 =	sshll.u32 s1, $0xD;
	s1 =	sshrl.u32 s1, $0x2  }
0xba: {  	s3 =	sand.u32 $0x4000, s31;
	s1 =	sadd.s32 s1, s30  }
0xbb: {  	s0 =	sor.u32 s3, s0;
	s1 =	sshll.u32 s1, $0x11  }
0xbc: {  	s0 =	sor.u32 s1, s0  }
0xbd: {  	s0 =	sadd.s32 $0x8F2B, s0  }
0xbe: {  	[sflag:s0] =	ssyncadd.remote.s32 $0x1  }
0xbf: {  	_ =	sfence.sel $0xFFFF  }
0xc0: {  	[dreg:$0x0] =	wrdreg $0xFFFFFFFF;
	(pc) =	sbr.abs _section_cstart, $3  }
0xc1: {  	[dreg:$0x1] =	wrdreg $0xFFFFFFFF  }
0xc2: {  	_ =	task.clear_ibuf [dreg:s7], $0x2FFFF;
	_ =	strace $0x9FFFFFFF  }
0xc3: {  	(tm) =	ssettm $0x7FFFFFFF  }
tec
execute0_lowered:
.L_overlay_start_1:
0x0: {  	(tag) =	ssettag $0x1  }
0x1: {  	s11 =	rddreg [dreg:$0x0]  }
0x2: {  	s5 =	rddreg [dreg:$0x1]  }
0x3: {  	s1 =	rddreg [dreg:$0x2];
	s2 =	srdreg.scid  }
0x4: {  	s0 =	rddreg [dreg:$0x3];
	s3 =	simm.s32 $0x0;
	s6 =	sand.u32 $0x1, s2  }
0x5: {  	s16 =	simm.s32 $0x1200;
	s2 =	stileid.u32;
	s7 =	smul.u32 $0x140000, s6  }
0x6: {  	s17 =	simm.s32 $0x100;
	s18 =	simm.s32 $0xA00;
	s8 =	smul.u32 $0x14000, s2  }
0x7: {  	s19 =	simm.s32 $0x180;
	s20 =	simm.s32 $0x5200;
	s21 =	smul.u32 $0x50000, s2  }
0x8: {  	[smem:$0x7FF] =	sst s3;
	s10 =	sadd.s32 $0xB000, s5;
	s12 =	smul.u32 $0x280000, s6  }
0x9: {  	s4 =	sadd.s32 $0x1200, s5;
	_ =	strace $0x80000047;
	s13 =	smul.u32 $0x28000, s2  }
0xa: {  	s9 =	ssub.s32 $0x2, s6;
	s24 =	smul.u32 $0x50000, s6;
	s25 =	sshll.u32 s2, $0x6  }
0xb: {  	s15 =	smul.u32 $0x5000, s2;
	s22 =	sshrl.u32 s9, $0x1;
	s7 =	sadd.s32 s8, s7  }
0xc: {  	s9 =	ssub.s32 s9, s22;
	s23 =	sshrl.u32 s21, $0x2;
	s12 =	sadd.s32 s13, s12  }
0xd: {  	s28 =	sadd.s32 s15, s24;
	s15 =	simm.s32 $0x80;
	s21 =	simm.s32 $0x1  }
0xe: {  	s22 =	simm.s32 $0x2;
	s7 =	sshrl.u32 s7, $0x3;
	s14 =	sadd.s32 s23, s1  }
0xf: {  	s26 =	sshrl.u32 s12, $0x3;
	s29 =	sor.u32 $0x800, s12;
	s30 =	sor.u32 $0x100, s28  }
0x10: {  	s13 =	sshrl.u32 s28, $0x3;
	s23 =	simm.s32 $0x0;
	s7 =	sadd.s32 s7, s5  }
0x11: {  	s5 =	sor.u32 $0x1C03, s25;
	s8 =	sadd.s32 s26, s10;
	s31 =	sshrl.u32 s29, $0x3  }
0x12: {  	s12 =	sshrl.u32 s30, $0x3;
	s6 =	sadd.s32 $0xAB000, s7;
	s7 =	smax.u32 s9, $0x1  }
0x13: {  	s9 =	sadd.s32 s13, s11;
	s10 =	sadd.s32 s31, s10;
	s11 =	sadd.s32 s12, s11  }
0x14: {  	v0 =	vimm.f32 $0.0e+00;
	s12 =	sshrl.u32 s14, $0x3;
	s13 =	simm.s32 $0x3;
	s14 =	simm.s32 $0x200  }
.LBB2_1:
0x15: {  	[spmem:s12], [sflag:s5] =	dma.local [hbm:s4], $0x2800  }
0x16: {  	_ =	swait.ge [sflag:s13], $0x2800  }
0x17: {  	[sflag:s13] =	ssyncset.done $0x0  }
0x18: {  	s24 =	simm.s32 $0x40;
	s25 =	simm.s32 $0x0;
	[sflag:s13] =	ssyncadd.s32 $0xFFFFD800  }
.LBB2_2:
0x19: {  	p0 =	sne.s32 s24, $0xFFC0;
	[tilespmem:s25+$0x1200] =	vst v0;
	s26 =	smov.u32 s24;
	s24 =	sadd.s32 $0x40, s24  }
.Ltmp0:
0x1a: {  	[tilespmem:s25+$0x5200] =	vst v0;
	(pc) =	sbr.rel @p0 .LBB2_2-.Ltmp0, $2  }
0x1b: {  	_ =	sdelay $0x2  }
0x1c: {  	s25 =	sshra.s32 s26, $0x2  }
0x1d: {  	[tilespmem:s25+$0x1200] =	vst v0  }
0x1e: {  	[tilespmem:s25+$0x5200] =	vst v0;
	s24 =	simm.s32 $0x0  }
0x1f: {  	s25 =	smov.u32 s11;
	s26 =	smov.u32 s9;
	[bflag:$0x0] =	sbarrier.arrive $0xFFFF  }
.LBB2_4:
0x20: {  	p0 =	seq.s32 s24, $0x0  }
0x21: {  	s28 =	simm.s32 @!p0 $0x1  }
0x22: {  	_ =	swait.ge @!p0 [sflag:s28], $0x4000  }
0x23: {  	[sflag:s28] =	ssyncset.done @!p0 $0x0  }
0x24: {  	[sflag:s28] =	ssyncadd.s32 @!p0 $0xFFFFC000  }
0x25: {  	[tilespmem:s3], [sflag:$0x3] =	stream.linear.gather [hbm4b:s26+s3], $0x100, $0x38;
	[tilespmem:$0x1D200] =	vst v63  }
0x26: {  	_ =	swait.ge [sflag:s13], $0x100  }
0x27: {  	[sflag:s13] =	ssyncset.done $0x0  }
0x28: {  	s30 =	sadd.s32 s24, s8;
	[sflag:s13] =	ssyncadd.s32 $0xFFFFFF00  }
0x29: {  	[tilespmem:s14], [sflag:$0x3] =	stream.linear.gather [hbm4b:s30+s3], $0x800, $0x38;
	[tilespmem:$0x1D200] =	vst v63  }
0x2a: {  	_ =	swait.ge [sflag:s13], $0x800  }
0x2b: {  	[sflag:s13] =	ssyncset.done $0x0  }
0x2c: {  	[sflag:s13] =	ssyncadd.s32 $0xFFFFF800  }
0x2d: {  	v1 =	vld [tilespmem:$0x200]  }
0x2e: {  	v2 =	vld [tilespmem:$0x210]  }
0x2f: {  	v3 =	vld [tilespmem:$0x220]  }
0x30: {  	v4 =	vld [tilespmem:$0x230]  }
0x31: {  	v5 =	vld [tilespmem:$0x240]  }
0x32: {  	[tilespmem:$0x1200] =	vst v1;
	v1 =	vld [tilespmem:$0x250]  }
0x33: {  	v22 =	vld [tilespmem:$0x280];
	[tilespmem:$0x1280] =	vst v2  }
0x34: {  	v23 =	vld [tilespmem:$0x290];
	[tilespmem:$0x1300] =	vst v3  }
0x35: {  	v2 =	vld [tilespmem:$0x260];
	[tilespmem:$0x1380] =	vst v4  }
0x36: {  	v3 =	vld [tilespmem:$0x270];
	[tilespmem:$0x1400] =	vst v5  }
0x37: {  	[tilespmem:$0x1480] =	vst v1;
	v1 =	vld [tilespmem:$0x2A0]  }
0x38: {  	[tilespmem:$0x1600] =	vst v22  }
0x39: {  	[tilespmem:$0x1680] =	vst v23  }
0x3a: {  	[tilespmem:$0x1500] =	vst v2  }
0x3b: {  	[tilespmem:$0x1580] =	vst v3  }
0x3c: {  	[tilespmem:$0x1700] =	vst v1  }
0x3d: {  	v1 =	vld [tilespmem:$0x2B0]  }
0x3e: {  	v2 =	vld [tilespmem:$0x2C0]  }
0x3f: {  	v3 =	vld [tilespmem:$0x2D0]  }
0x40: {  	v24 =	vld [tilespmem:$0x2E0]  }
0x41: {  	v25 =	vld [tilespmem:$0x2F0]  }
0x42: {  	[tilespmem:$0x1780] =	vst v1;
	v1 =	vld [tilespmem:$0x300]  }
0x43: {  	[tilespmem:$0x1800] =	vst v2;
	v2 =	vld [tilespmem:$0x310]  }
0x44: {  	v26 =	vld [tilespmem:$0x330];
	[tilespmem:$0x1880] =	vst v3  }
0x45: {  	v27 =	vld [tilespmem:$0x340];
	[tilespmem:$0x1900] =	vst v24  }
0x46: {  	v3 =	vld [tilespmem:$0x320];
	[tilespmem:$0x1980] =	vst v25  }
0x47: {  	[tilespmem:$0x1A00] =	vst v1;
	v1 =	vld [tilespmem:$0x350]  }
0x48: {  	[tilespmem:$0x1A80] =	vst v2;
	v2 =	vld [tilespmem:$0x360]  }
0x49: {  	v28 =	vld [tilespmem:$0x380];
	[tilespmem:$0x1B80] =	vst v26  }
0x4a: {  	v29 =	vld [tilespmem:$0x390];
	[tilespmem:$0x1C00] =	vst v27  }
0x4b: {  	[tilespmem:$0x1B00] =	vst v3;
	v3 =	vld [tilespmem:$0x370]  }
0x4c: {  	[tilespmem:$0x1C80] =	vst v1;
	v1 =	vld [tilespmem:$0x3A0]  }
0x4d: {  	[tilespmem:$0x1D00] =	vst v2;
	v2 =	vld [tilespmem:$0x3B0]  }
0x4e: {  	v30 =	vld [tilespmem:$0x3D0];
	[tilespmem:$0x1E00] =	vst v28  }
0x4f: {  	v31 =	vld [tilespmem:$0x3E0];
	[tilespmem:$0x1E80] =	vst v29  }
0x50: {  	[tilespmem:$0x1D80] =	vst v3;
	v3 =	vld [tilespmem:$0x3C0]  }
0x51: {  	[tilespmem:$0x1F00] =	vst v1;
	v1 =	vld [tilespmem:$0x3F0]  }
0x52: {  	[tilespmem:$0x1F80] =	vst v2;
	v2 =	vld [tilespmem:$0x400]  }
0x53: {  	v32 =	vld [tilespmem:$0x420];
	[tilespmem:$0x2080] =	vst v30  }
0x54: {  	v33 =	vld [tilespmem:$0x430];
	[tilespmem:$0x2100] =	vst v31  }
0x55: {  	[tilespmem:$0x2000] =	vst v3;
	v3 =	vld [tilespmem:$0x410]  }
0x56: {  	[tilespmem:$0x2180] =	vst v1;
	v1 =	vld [tilespmem:$0x440]  }
0x57: {  	[tilespmem:$0x2200] =	vst v2;
	v2 =	vld [tilespmem:$0x450]  }
0x58: {  	v34 =	vld [tilespmem:$0x470];
	[tilespmem:$0x2300] =	vst v32  }
0x59: {  	v35 =	vld [tilespmem:$0x480];
	[tilespmem:$0x2380] =	vst v33  }
0x5a: {  	[tilespmem:$0x2280] =	vst v3;
	v3 =	vld [tilespmem:$0x460]  }
0x5b: {  	[tilespmem:$0x2400] =	vst v1;
	v1 =	vld [tilespmem:$0x490]  }
0x5c: {  	[tilespmem:$0x2480] =	vst v2;
	v2 =	vld [tilespmem:$0x4A0]  }
0x5d: {  	v36 =	vld [tilespmem:$0x4C0];
	[tilespmem:$0x2580] =	vst v34  }
0x5e: {  	v37 =	vld [tilespmem:$0x4D0];
	[tilespmem:$0x2600] =	vst v35  }
0x5f: {  	[tilespmem:$0x2500] =	vst v3;
	v3 =	vld [tilespmem:$0x4B0]  }
0x60: {  	[tilespmem:$0x2680] =	vst v1;
	v1 =	vld [tilespmem:$0x4E0]  }
0x61: {  	[tilespmem:$0x2700] =	vst v2;
	v2 =	vld [tilespmem:$0x4F0]  }
0x62: {  	v38 =	vld [tilespmem:$0x510];
	[tilespmem:$0x2800] =	vst v36  }
0x63: {  	v39 =	vld [tilespmem:$0x520];
	[tilespmem:$0x2880] =	vst v37  }
0x64: {  	[tilespmem:$0x2780] =	vst v3;
	v3 =	vld [tilespmem:$0x500]  }
0x65: {  	[tilespmem:$0x2900] =	vst v1;
	v1 =	vld [tilespmem:$0x530]  }
0x66: {  	[tilespmem:$0x2980] =	vst v2;
	v2 =	vld [tilespmem:$0x540]  }
0x67: {  	v40 =	vld [tilespmem:$0x560];
	[tilespmem:$0x2A80] =	vst v38  }
0x68: {  	v41 =	vld [tilespmem:$0x570];
	[tilespmem:$0x2B00] =	vst v39  }
0x69: {  	[tilespmem:$0x2A00] =	vst v3;
	v3 =	vld [tilespmem:$0x550]  }
0x6a: {  	[tilespmem:$0x2B80] =	vst v1;
	v1 =	vld [tilespmem:$0x580]  }
0x6b: {  	[tilespmem:$0x2C00] =	vst v2;
	v2 =	vld [tilespmem:$0x590]  }
0x6c: {  	v42 =	vld [tilespmem:$0x5B0];
	[tilespmem:$0x2D00] =	vst v40  }
0x6d: {  	v43 =	vld [tilespmem:$0x5C0];
	[tilespmem:$0x2D80] =	vst v41  }
0x6e: {  	[tilespmem:$0x2C80] =	vst v3;
	v3 =	vld [tilespmem:$0x5A0]  }
0x6f: {  	[tilespmem:$0x2E00] =	vst v1;
	v1 =	vld [tilespmem:$0x5D0]  }
0x70: {  	[tilespmem:$0x2E80] =	vst v2;
	v2 =	vld [tilespmem:$0x5E0]  }
0x71: {  	v44 =	vld [tilespmem:$0x600];
	[tilespmem:$0x2F80] =	vst v42  }
0x72: {  	v45 =	vld [tilespmem:$0x610];
	[tilespmem:$0x3000] =	vst v43  }
0x73: {  	[tilespmem:$0x2F00] =	vst v3;
	v3 =	vld [tilespmem:$0x5F0]  }
0x74: {  	[tilespmem:$0x3080] =	vst v1;
	v1 =	vld [tilespmem:$0x620]  }
0x75: {  	[tilespmem:$0x3100] =	vst v2;
	v2 =	vld [tilespmem:$0x630]  }
0x76: {  	v46 =	vld [tilespmem:$0x650];
	[tilespmem:$0x3200] =	vst v44  }
0x77: {  	v47 =	vld [tilespmem:$0x660];
	[tilespmem:$0x3280] =	vst v45  }
0x78: {  	[tilespmem:$0x3180] =	vst v3;
	v3 =	vld [tilespmem:$0x640]  }
0x79: {  	[tilespmem:$0x3300] =	vst v1;
	v1 =	vld [tilespmem:$0x670]  }
0x7a: {  	[tilespmem:$0x3380] =	vst v2;
	v2 =	vld [tilespmem:$0x680]  }
0x7b: {  	v48 =	vld [tilespmem:$0x6A0];
	[tilespmem:$0x3480] =	vst v46  }
0x7c: {  	v49 =	vld [tilespmem:$0x6B0];
	[tilespmem:$0x3500] =	vst v47  }
0x7d: {  	[tilespmem:$0x3400] =	vst v3;
	v3 =	vld [tilespmem:$0x690]  }
0x7e: {  	[tilespmem:$0x3580] =	vst v1;
	v1 =	vld [tilespmem:$0x6C0]  }
0x7f: {  	[tilespmem:$0x3600] =	vst v2;
	v2 =	vld [tilespmem:$0x6D0]  }
0x80: {  	v50 =	vld [tilespmem:$0x6F0];
	[tilespmem:$0x3700] =	vst v48  }
0x81: {  	v51 =	vld [tilespmem:$0x700];
	[tilespmem:$0x3780] =	vst v49  }
0x82: {  	[tilespmem:$0x3680] =	vst v3;
	v3 =	vld [tilespmem:$0x6E0]  }
0x83: {  	[tilespmem:$0x3800] =	vst v1;
	v1 =	vld [tilespmem:$0x710]  }
0x84: {  	[tilespmem:$0x3880] =	vst v2;
	v2 =	vld [tilespmem:$0x720]  }
0x85: {  	v52 =	vld [tilespmem:$0x740];
	[tilespmem:$0x3980] =	vst v50  }
0x86: {  	v53 =	vld [tilespmem:$0x750];
	[tilespmem:$0x3A00] =	vst v51  }
0x87: {  	[tilespmem:$0x3900] =	vst v3;
	v3 =	vld [tilespmem:$0x730]  }
0x88: {  	[tilespmem:$0x3A80] =	vst v1;
	v1 =	vld [tilespmem:$0x760]  }
0x89: {  	[tilespmem:$0x3B00] =	vst v2;
	v2 =	vld [tilespmem:$0x770]  }
0x8a: {  	v54 =	vld [tilespmem:$0x790];
	[tilespmem:$0x3C00] =	vst v52  }
0x8b: {  	v55 =	vld [tilespmem:$0x7A0];
	[tilespmem:$0x3C80] =	vst v53  }
0x8c: {  	[tilespmem:$0x3B80] =	vst v3;
	v3 =	vld [tilespmem:$0x780]  }
0x8d: {  	[tilespmem:$0x3D00] =	vst v1;
	v1 =	vld [tilespmem:$0x7B0]  }
0x8e: {  	[tilespmem:$0x3D80] =	vst v2;
	v2 =	vld [tilespmem:$0x7C0]  }
0x8f: {  	v56 =	vld [tilespmem:$0x7E0];
	[tilespmem:$0x3E80] =	vst v54  }
0x90: {  	v57 =	vld [tilespmem:$0x7F0];
	[tilespmem:$0x3F00] =	vst v55  }
0x91: {  	[tilespmem:$0x3E00] =	vst v3;
	v3 =	vld [tilespmem:$0x7D0]  }
0x92: {  	[tilespmem:$0x3F80] =	vst v1;
	v1 =	vld [tilespmem:$0x800]  }
0x93: {  	[tilespmem:$0x4000] =	vst v2;
	v2 =	vld [tilespmem:$0x810]  }
0x94: {  	v58 =	vld [tilespmem:$0x830];
	[tilespmem:$0x4100] =	vst v56  }
0x95: {  	v59 =	vld [tilespmem:$0x840];
	[tilespmem:$0x4180] =	vst v57  }
0x96: {  	[tilespmem:$0x4080] =	vst v3;
	v3 =	vld [tilespmem:$0x820]  }
0x97: {  	[tilespmem:$0x4200] =	vst v1;
	v1 =	vld [tilespmem:$0x850]  }
0x98: {  	[tilespmem:$0x4280] =	vst v2;
	v2 =	vld [tilespmem:$0x860]  }
0x99: {  	v60 =	vld [tilespmem:$0x880];
	[tilespmem:$0x4380] =	vst v58  }
0x9a: {  	v61 =	vld [tilespmem:$0x890];
	[tilespmem:$0x4400] =	vst v59  }
0x9b: {  	[tilespmem:$0x4300] =	vst v3;
	v3 =	vld [tilespmem:$0x870]  }
0x9c: {  	[tilespmem:$0x4480] =	vst v1;
	v1 =	vld [tilespmem:$0x8A0]  }
0x9d: {  	[tilespmem:$0x4500] =	vst v2;
	v2 =	vld [tilespmem:$0x8B0]  }
0x9e: {  	v62 =	vld [tilespmem:$0x8D0];
	[tilespmem:$0x4600] =	vst v60  }
0x9f: {  	v63 =	vld [tilespmem:$0x8E0];
	[tilespmem:$0x4680] =	vst v61  }
0xa0: {  	[tilespmem:$0x4580] =	vst v3;
	v3 =	vld [tilespmem:$0x8C0]  }
0xa1: {  	[tilespmem:$0x4700] =	vst v1;
	v1 =	vld [tilespmem:$0x8F0]  }
0xa2: {  	[tilespmem:$0x4780] =	vst v2;
	v2 =	vld [tilespmem:$0x900]  }
0xa3: {  	v8 =	vld [tilespmem:$0x920];
	[tilespmem:$0x4880] =	vst v62  }
0xa4: {  	v9 =	vld [tilespmem:$0x930];
	[tilespmem:$0x4900] =	vst v63  }
0xa5: {  	[tilespmem:$0x4800] =	vst v3;
	v3 =	vld [tilespmem:$0x910]  }
0xa6: {  	[tilespmem:$0x4980] =	vst v1;
	v1 =	vld [tilespmem:$0x940]  }
0xa7: {  	[tilespmem:$0x4A00] =	vst v2;
	v2 =	vld [tilespmem:$0x950]  }
0xa8: {  	v10 =	vld [tilespmem:$0x970];
	[tilespmem:$0x4B00] =	vst v8  }
0xa9: {  	v11 =	vld [tilespmem:$0x980];
	[tilespmem:$0x4B80] =	vst v9  }
0xaa: {  	[tilespmem:$0x4A80] =	vst v3;
	v3 =	vld [tilespmem:$0x960]  }
0xab: {  	[tilespmem:$0x4C00] =	vst v1;
	v1 =	vld [tilespmem:$0x990]  }
0xac: {  	[tilespmem:$0x4C80] =	vst v2;
	v2 =	vld [tilespmem:$0x9A0]  }
0xad: {  	v12 =	vld [tilespmem:$0x9C0];
	[tilespmem:$0x4D80] =	vst v10  }
0xae: {  	v13 =	vld [tilespmem:$0x9D0];
	[tilespmem:$0x4E00] =	vst v11  }
0xaf: {  	[tilespmem:$0x4D00] =	vst v3;
	v3 =	vld [tilespmem:$0x9B0]  }
0xb0: {  	[tilespmem:$0x4E80] =	vst v1;
	v1 =	vld [tilespmem:$0x9E0]  }
0xb1: {  	[tilespmem:$0x4F00] =	vst v2;
	v2 =	vld [tilespmem:$0x9F0]  }
0xb2: {  	[tilespmem:$0x5000] =	vst v12  }
0xb3: {  	[tilespmem:$0x5080] =	vst v13  }
0xb4: {  	[tilespmem:$0x4F80] =	vst v3  }
0xb5: {  	[tilespmem:$0x5100] =	vst v1  }
0xb6: {  	s28 =	simm.s32 @!p0 $0x2;
	[tilespmem:$0x5180] =	vst v2  }
0xb7: {  	[spmem:s1] =	stream.indirect.scatter.add.f32 [tilespmem:s16], [sflag:$0x1], $0x80, s15, s15, $0xb8;
	[tilespmem:$0x1D200] =	vst v63  }
0xb8: {  	_ =	swait.ge @!p0 [sflag:s28], $0x4000  }
0xb9: {  	[sflag:s28] =	ssyncset.done @!p0 $0x0  }
0xba: {  	[sflag:s28] =	ssyncadd.s32 @!p0 $0xFFFFC000  }
0xbb: {  	[tilespmem:s17], [sflag:$0x3] =	stream.linear.gather [hbm4b:s25+s3], $0x100, $0x38;
	[tilespmem:$0x1D200] =	vst v63  }
0xbc: {  	_ =	swait.ge [sflag:s13], $0x100  }
0xbd: {  	[sflag:s13] =	ssyncset.done $0x0  }
0xbe: {  	s31 =	sadd.s32 s24, s10;
	[sflag:s13] =	ssyncadd.s32 $0xFFFFFF00  }
0xbf: {  	[tilespmem:s18], [sflag:$0x3] =	stream.linear.gather [hbm4b:s31+s3], $0x800, $0x38;
	[tilespmem:$0x1D200] =	vst v63  }
0xc0: {  	_ =	swait.ge [sflag:s13], $0x800  }
0xc1: {  	[sflag:s13] =	ssyncset.done $0x0  }
0xc2: {  	[sflag:s13] =	ssyncadd.s32 $0xFFFFF800  }
0xc3: {  	v1 =	vld [tilespmem:$0xA00]  }
0xc4: {  	v2 =	vld [tilespmem:$0xA10]  }
0xc5: {  	v3 =	vld [tilespmem:$0xA20]  }
0xc6: {  	v14 =	vld [tilespmem:$0xA30]  }
0xc7: {  	v15 =	vld [tilespmem:$0xA40]  }
0xc8: {  	[tilespmem:$0x5200] =	vst v1;
	v1 =	vld [tilespmem:$0xA50]  }
0xc9: {  	[tilespmem:$0x5280] =	vst v2;
	v2 =	vld [tilespmem:$0xA60]  }
0xca: {  	[tilespmem:$0x5300] =	vst v3;
	v3 =	vld [tilespmem:$0xA70]  }
0xcb: {  	v16 =	vld [tilespmem:$0xA80];
	[tilespmem:$0x5380] =	vst v14  }
0xcc: {  	v17 =	vld [tilespmem:$0xA90];
	[tilespmem:$0x5400] =	vst v15  }
0xcd: {  	[tilespmem:$0x5480] =	vst v1;
	v1 =	vld [tilespmem:$0xAA0]  }
0xce: {  	[tilespmem:$0x5500] =	vst v2;
	v2 =	vld [tilespmem:$0xAB0]  }
0xcf: {  	[tilespmem:$0x5580] =	vst v3;
	v3 =	vld [tilespmem:$0xAC0]  }
0xd0: {  	v18 =	vld [tilespmem:$0xAD0];
	[tilespmem:$0x5600] =	vst v16  }
0xd1: {  	v19 =	vld [tilespmem:$0xAE0];
	[tilespmem:$0x5680] =	vst v17  }
0xd2: {  	[tilespmem:$0x5700] =	vst v1;
	v1 =	vld [tilespmem:$0xAF0]  }
0xd3: {  	[tilespmem:$0x5780] =	vst v2;
	v2 =	vld [tilespmem:$0xB00]  }
0xd4: {  	[tilespmem:$0x5800] =	vst v3;
	v3 =	vld [tilespmem:$0xB10]  }
0xd5: {  	v20 =	vld [tilespmem:$0xB20];
	[tilespmem:$0x5880] =	vst v18  }
0xd6: {  	v21 =	vld [tilespmem:$0xB30];
	[tilespmem:$0x5900] =	vst v19  }
0xd7: {  	[tilespmem:$0x5980] =	vst v1;
	v1 =	vld [tilespmem:$0xB40]  }
0xd8: {  	[tilespmem:$0x5A00] =	vst v2;
	v2 =	vld [tilespmem:$0xB50]  }
0xd9: {  	[tilespmem:$0x5A80] =	vst v3;
	v3 =	vld [tilespmem:$0xB60]  }
0xda: {  	v22 =	vld [tilespmem:$0xB70];
	[tilespmem:$0x5B00] =	vst v20  }
0xdb: {  	v23 =	vld [tilespmem:$0xB80];
	[tilespmem:$0x5B80] =	vst v21  }
0xdc: {  	[tilespmem:$0x5C00] =	vst v1;
	v1 =	vld [tilespmem:$0xB90]  }
0xdd: {  	[tilespmem:$0x5C80] =	vst v2;
	v2 =	vld [tilespmem:$0xBA0]  }
0xde: {  	[tilespmem:$0x5D00] =	vst v3;
	v3 =	vld [tilespmem:$0xBB0]  }
0xdf: {  	v24 =	vld [tilespmem:$0xBC0];
	[tilespmem:$0x5D80] =	vst v22  }
0xe0: {  	v25 =	vld [tilespmem:$0xBD0];
	[tilespmem:$0x5E00] =	vst v23  }
0xe1: {  	[tilespmem:$0x5E80] =	vst v1;
	v1 =	vld [tilespmem:$0xBE0]  }
0xe2: {  	[tilespmem:$0x5F00] =	vst v2;
	v2 =	vld [tilespmem:$0xBF0]  }
0xe3: {  	[tilespmem:$0x5F80] =	vst v3;
	v3 =	vld [tilespmem:$0xC00]  }
0xe4: {  	v26 =	vld [tilespmem:$0xC10];
	[tilespmem:$0x6000] =	vst v24  }
0xe5: {  	v27 =	vld [tilespmem:$0xC20];
	[tilespmem:$0x6080] =	vst v25  }
0xe6: {  	[tilespmem:$0x6100] =	vst v1;
	v1 =	vld [tilespmem:$0xC30]  }
0xe7: {  	[tilespmem:$0x6180] =	vst v2;
	v2 =	vld [tilespmem:$0xC40]  }
0xe8: {  	[tilespmem:$0x6200] =	vst v3;
	v3 =	vld [tilespmem:$0xC50]  }
0xe9: {  	v28 =	vld [tilespmem:$0xC60];
	[tilespmem:$0x6280] =	vst v26  }
0xea: {  	v29 =	vld [tilespmem:$0xC70];
	[tilespmem:$0x6300] =	vst v27  }
0xeb: {  	[tilespmem:$0x6380] =	vst v1;
	v1 =	vld [tilespmem:$0xC80]  }
0xec: {  	[tilespmem:$0x6400] =	vst v2;
	v2 =	vld [tilespmem:$0xC90]  }
0xed: {  	[tilespmem:$0x6480] =	vst v3;
	v3 =	vld [tilespmem:$0xCA0]  }
0xee: {  	v30 =	vld [tilespmem:$0xCB0];
	[tilespmem:$0x6500] =	vst v28  }
0xef: {  	v31 =	vld [tilespmem:$0xCC0];
	[tilespmem:$0x6580] =	vst v29  }
0xf0: {  	[tilespmem:$0x6600] =	vst v1;
	v1 =	vld [tilespmem:$0xCD0]  }
0xf1: {  	[tilespmem:$0x6680] =	vst v2;
	v2 =	vld [tilespmem:$0xCE0]  }
0xf2: {  	[tilespmem:$0x6700] =	vst v3;
	v3 =	vld [tilespmem:$0xCF0]  }
0xf3: {  	v32 =	vld [tilespmem:$0xD00];
	[tilespmem:$0x6780] =	vst v30  }
0xf4: {  	v33 =	vld [tilespmem:$0xD10];
	[tilespmem:$0x6800] =	vst v31  }
0xf5: {  	[tilespmem:$0x6880] =	vst v1;
	v1 =	vld [tilespmem:$0xD20]  }
0xf6: {  	[tilespmem:$0x6900] =	vst v2;
	v2 =	vld [tilespmem:$0xD30]  }
0xf7: {  	[tilespmem:$0x6980] =	vst v3;
	v3 =	vld [tilespmem:$0xD40]  }
0xf8: {  	v34 =	vld [tilespmem:$0xD50];
	[tilespmem:$0x6A00] =	vst v32  }
0xf9: {  	v35 =	vld [tilespmem:$0xD60];
	[tilespmem:$0x6A80] =	vst v33  }
0xfa: {  	[tilespmem:$0x6B00] =	vst v1;
	v1 =	vld [tilespmem:$0xD70]  }
0xfb: {  	[tilespmem:$0x6B80] =	vst v2;
	v2 =	vld [tilespmem:$0xD80]  }
0xfc: {  	[tilespmem:$0x6C00] =	vst v3;
	v3 =	vld [tilespmem:$0xD90]  }
0xfd: {  	v36 =	vld [tilespmem:$0xDA0];
	[tilespmem:$0x6C80] =	vst v34  }
0xfe: {  	v37 =	vld [tilespmem:$0xDB0];
	[tilespmem:$0x6D00] =	vst v35  }
0xff: {  	[tilespmem:$0x6D80] =	vst v1;
	v1 =	vld [tilespmem:$0xDC0]  }
0x100: {  	[tilespmem:$0x6E00] =	vst v2;
	v2 =	vld [tilespmem:$0xDD0]  }
0x101: {  	[tilespmem:$0x6E80] =	vst v3;
	v3 =	vld [tilespmem:$0xDE0]  }
0x102: {  	v38 =	vld [tilespmem:$0xDF0];
	[tilespmem:$0x6F00] =	vst v36  }
0x103: {  	v39 =	vld [tilespmem:$0xE00];
	[tilespmem:$0x6F80] =	vst v37  }
0x104: {  	[tilespmem:$0x7000] =	vst v1;
	v1 =	vld [tilespmem:$0xE10]  }
0x105: {  	[tilespmem:$0x7080] =	vst v2;
	v2 =	vld [tilespmem:$0xE20]  }
0x106: {  	[tilespmem:$0x7100] =	vst v3;
	v3 =	vld [tilespmem:$0xE30]  }
0x107: {  	v40 =	vld [tilespmem:$0xE40];
	[tilespmem:$0x7180] =	vst v38  }
0x108: {  	v41 =	vld [tilespmem:$0xE50];
	[tilespmem:$0x7200] =	vst v39  }
0x109: {  	[tilespmem:$0x7280] =	vst v1;
	v1 =	vld [tilespmem:$0xE60]  }
0x10a: {  	[tilespmem:$0x7300] =	vst v2;
	v2 =	vld [tilespmem:$0xE70]  }
0x10b: {  	[tilespmem:$0x7380] =	vst v3;
	v3 =	vld [tilespmem:$0xE80]  }
0x10c: {  	v42 =	vld [tilespmem:$0xE90];
	[tilespmem:$0x7400] =	vst v40  }
0x10d: {  	v43 =	vld [tilespmem:$0xEA0];
	[tilespmem:$0x7480] =	vst v41  }
0x10e: {  	[tilespmem:$0x7500] =	vst v1;
	v1 =	vld [tilespmem:$0xEB0]  }
0x10f: {  	[tilespmem:$0x7580] =	vst v2;
	v2 =	vld [tilespmem:$0xEC0]  }
0x110: {  	[tilespmem:$0x7600] =	vst v3;
	v3 =	vld [tilespmem:$0xED0]  }
0x111: {  	v44 =	vld [tilespmem:$0xEE0];
	[tilespmem:$0x7680] =	vst v42  }
0x112: {  	v45 =	vld [tilespmem:$0xEF0];
	[tilespmem:$0x7700] =	vst v43  }
0x113: {  	[tilespmem:$0x7780] =	vst v1;
	v1 =	vld [tilespmem:$0xF00]  }
0x114: {  	[tilespmem:$0x7800] =	vst v2;
	v2 =	vld [tilespmem:$0xF10]  }
0x115: {  	[tilespmem:$0x7880] =	vst v3;
	v3 =	vld [tilespmem:$0xF20]  }
0x116: {  	v46 =	vld [tilespmem:$0xF30];
	[tilespmem:$0x7900] =	vst v44  }
0x117: {  	v47 =	vld [tilespmem:$0xF40];
	[tilespmem:$0x7980] =	vst v45  }
0x118: {  	[tilespmem:$0x7A00] =	vst v1;
	v1 =	vld [tilespmem:$0xF50]  }
0x119: {  	[tilespmem:$0x7A80] =	vst v2;
	v2 =	vld [tilespmem:$0xF60]  }
0x11a: {  	[tilespmem:$0x7B00] =	vst v3;
	v3 =	vld [tilespmem:$0xF70]  }
0x11b: {  	v48 =	vld [tilespmem:$0xF80];
	[tilespmem:$0x7B80] =	vst v46  }
0x11c: {  	v49 =	vld [tilespmem:$0xF90];
	[tilespmem:$0x7C00] =	vst v47  }
0x11d: {  	[tilespmem:$0x7C80] =	vst v1;
	v1 =	vld [tilespmem:$0xFA0]  }
0x11e: {  	[tilespmem:$0x7D00] =	vst v2;
	v2 =	vld [tilespmem:$0xFB0]  }
0x11f: {  	[tilespmem:$0x7D80] =	vst v3;
	v3 =	vld [tilespmem:$0xFC0]  }
0x120: {  	v50 =	vld [tilespmem:$0xFD0];
	[tilespmem:$0x7E00] =	vst v48  }
0x121: {  	v51 =	vld [tilespmem:$0xFE0];
	[tilespmem:$0x7E80] =	vst v49  }
0x122: {  	[tilespmem:$0x7F00] =	vst v1;
	v1 =	vld [tilespmem:$0xFF0]  }
0x123: {  	[tilespmem:$0x7F80] =	vst v2;
	v2 =	vld [tilespmem:$0x1000]  }
0x124: {  	[tilespmem:$0x8000] =	vst v3;
	v3 =	vld [tilespmem:$0x1010]  }
0x125: {  	v52 =	vld [tilespmem:$0x1020];
	[tilespmem:$0x8080] =	vst v50  }
0x126: {  	v53 =	vld [tilespmem:$0x1030];
	[tilespmem:$0x8100] =	vst v51  }
0x127: {  	[tilespmem:$0x8180] =	vst v1;
	v1 =	vld [tilespmem:$0x1040]  }
0x128: {  	[tilespmem:$0x8200] =	vst v2;
	v2 =	vld [tilespmem:$0x1050]  }
0x129: {  	[tilespmem:$0x8280] =	vst v3;
	v3 =	vld [tilespmem:$0x1060]  }
0x12a: {  	v54 =	vld [tilespmem:$0x1070];
	[tilespmem:$0x8300] =	vst v52  }
0x12b: {  	v55 =	vld [tilespmem:$0x1080];
	[tilespmem:$0x8380] =	vst v53  }
0x12c: {  	[tilespmem:$0x8400] =	vst v1;
	v1 =	vld [tilespmem:$0x1090]  }
0x12d: {  	[tilespmem:$0x8480] =	vst v2;
	v2 =	vld [tilespmem:$0x10A0]  }
0x12e: {  	[tilespmem:$0x8500] =	vst v3;
	v3 =	vld [tilespmem:$0x10B0]  }
0x12f: {  	v56 =	vld [tilespmem:$0x10C0];
	[tilespmem:$0x8580] =	vst v54  }
0x130: {  	v57 =	vld [tilespmem:$0x10D0];
	[tilespmem:$0x8600] =	vst v55  }
0x131: {  	[tilespmem:$0x8680] =	vst v1;
	v1 =	vld [tilespmem:$0x10E0]  }
0x132: {  	[tilespmem:$0x8700] =	vst v2;
	v2 =	vld [tilespmem:$0x10F0]  }
0x133: {  	[tilespmem:$0x8780] =	vst v3;
	v3 =	vld [tilespmem:$0x1100]  }
0x134: {  	v58 =	vld [tilespmem:$0x1110];
	[tilespmem:$0x8800] =	vst v56  }
0x135: {  	v59 =	vld [tilespmem:$0x1120];
	[tilespmem:$0x8880] =	vst v57  }
0x136: {  	[tilespmem:$0x8900] =	vst v1;
	v1 =	vld [tilespmem:$0x1130]  }
0x137: {  	[tilespmem:$0x8980] =	vst v2;
	v2 =	vld [tilespmem:$0x1140]  }
0x138: {  	[tilespmem:$0x8A00] =	vst v3;
	v3 =	vld [tilespmem:$0x1150]  }
0x139: {  	v60 =	vld [tilespmem:$0x1160];
	[tilespmem:$0x8A80] =	vst v58  }
0x13a: {  	v61 =	vld [tilespmem:$0x1170];
	[tilespmem:$0x8B00] =	vst v59  }
0x13b: {  	[tilespmem:$0x8B80] =	vst v1;
	v1 =	vld [tilespmem:$0x1180]  }
0x13c: {  	[tilespmem:$0x8C00] =	vst v2;
	v2 =	vld [tilespmem:$0x1190]  }
0x13d: {  	[tilespmem:$0x8C80] =	vst v3;
	v3 =	vld [tilespmem:$0x11A0]  }
0x13e: {  	v62 =	vld [tilespmem:$0x11B0];
	[tilespmem:$0x8D00] =	vst v60  }
0x13f: {  	v63 =	vld [tilespmem:$0x11C0];
	[tilespmem:$0x8D80] =	vst v61  }
0x140: {  	[tilespmem:$0x8E00] =	vst v1;
	v1 =	vld [tilespmem:$0x11D0]  }
0x141: {  	[tilespmem:$0x8E80] =	vst v2;
	v2 =	vld [tilespmem:$0x11E0]  }
0x142: {  	s24 =	sadd.s32 $0x200, s24;
	[tilespmem:$0x8F00] =	vst v3;
	v3 =	vld [tilespmem:$0x11F0]  }
0x143: {  	p0 =	sne.s32 s24, $0x5000;
	[tilespmem:$0x8F80] =	vst v62  }
.Ltmp1:
0x144: {  	[tilespmem:$0x9000] =	vst v63;
	(pc) =	sbr.rel @p0 .LBB2_4-.Ltmp1, $4  }
0x145: {  	[tilespmem:$0x9080] =	vst v1  }
0x146: {  	[tilespmem:$0x9100] =	vst v2  }
0x147: {  	s26 =	sadd.s32 $0x40, s26;
	s25 =	sadd.s32 $0x40, s25;
	[tilespmem:$0x9180] =	vst v3  }
0x148: {  	[spmem:s1] =	stream.indirect.scatter.add.f32 [tilespmem:s20], [sflag:$0x2], $0x80, s19, s15, $0xb8;
	[tilespmem:$0x1D200] =	vst v63  }
0x149: {  	_ =	swait.ge [sflag:s21], $0x4000  }
0x14a: {  	[sflag:s21] =	ssyncset.done $0x0  }
0x14b: {  	[sflag:s21] =	ssyncadd.s32 $0xFFFFC000  }
0x14c: {  	_ =	swait.ge [sflag:s22], $0x4000  }
0x14d: {  	s23 =	sadd.s32 $0x1, s23;
	[sflag:s22] =	ssyncset.done $0x0  }
0x14e: {  	p0 =	sne.s32 s23, s7;
	[sflag:s22] =	ssyncadd.s32 $0xFFFFC000  }
.Ltmp2:
0x14f: {  	[bflag:$0x0] =	sbarrier.arrive $0xFFFF;
	(pc) =	sbr.rel @p0 .LBB2_1-.Ltmp2, $4  }
0x150: {  	[hbm:s6], [sflag:s5] =	dma.local [spmem:s12], $0x2800  }
0x151: {  	_ =	swait.ge [sflag:s13], $0x2800  }
0x152: {  	[sflag:s13] =	ssyncset.done $0x0  }
0x153: {  	[sflag:s13] =	ssyncadd.s32 $0xFFFFD800  }
0x154: {  	_ =	sfence.sel $0x180000  }
0x155: {  	[bflag:$0x0] =	sbarrier.arrive $0xFFFF  }
0x156: {  	p0 =	sne.s32 s2, $0x0;
	_ =	strace $0x90000047  }
0x157: {  	s0 =	sadd.s32 @!p0 $0x100000, s0;
	[bflag:$0x2] =	sbarrier.arrive $0xFFFF  }
0x158: {  	[sflag:s0] =	ssyncadd.tile.s32 @!p0 $0x1;
	_ =	shalt  }
.Lfunc_end2:
_tile_overlayer_lowered:
.L_overlay_start_2:
0x159: {  	(tag) =	ssettag $0x2  }
0x15a: {  	s0 =	rddreg [dreg:$0x0];
	s2 =	stileid.u32  }
0x15b: {  	s1 =	rddreg [dreg:$0x1];
	p0 =	sne.s32 s2, $0x0  }
0x15c: {  	s3 =	rddreg [dreg:$0x2];
	[bflag:$0x3] =	sbarrier.arrive $0xFFFF;
	s2 =	simm.s32 @!p0 $0x1C03  }
0x15d: {  	[timem:s3], [sflag:s2] =	dma.local @!p0 [hbm:s0], s1  }
0x15e: {  	s0 =	simm.s32 @!p0 $0x3  }
0x15f: {  	_ =	swait.ge @!p0 [sflag:s0], s1  }
0x160: {  	s1 =	ssub.s32 @!p0 $0x0, s1;
	[sflag:s0] =	ssyncset.done @!p0 $0x0  }
0x161: {  	[sflag:s0] =	ssyncadd.s32 @!p0 s1  }
0x162: {  	[bflag:$0x3] =	sbarrier.arrive $0xFFFF  }
0x163: {  	_ =	shalt  }

</sc_bundles>
